<compile_context>
chip_gen: v7x
topology: tpu7x:2x2x1
jax: 0.10.2.dev20260603
libtpu: 0.0.44.dev20260713+nightly
codegen_flags: <defaults>
</compile_context>

<pallas_src>
import functools

import jax
import jax.numpy as jnp
from jax import lax
from jax.experimental import pallas as pl
from jax.experimental.pallas import tpu as pltpu
from jax.experimental.pallas import tpu_sc as plsc

D = 768
H = 1536
E = 8
K = 2
T = 2048
TK = T * K
BT = 256
NPAD = TK + E * BT
NB = NPAD // BT

NW = 32
TOK_PER = T // NW
DCH = 32
LANES = 16


def _router_body(lg_ref, pos_ref, w_ref, meta_ref, aux_ref):
    lg = lg_ref[...]
    ii = lax.broadcasted_iota(jnp.int32, (E, T), 0)
    m1 = jnp.max(lg, axis=0, keepdims=True)
    i1 = jnp.min(jnp.where(lg == m1, ii, E), axis=0)
    masked = jnp.where(ii == i1[None, :], -jnp.inf, lg)
    m2 = jnp.max(masked, axis=0, keepdims=True)
    i2 = jnp.min(jnp.where(masked == m2, ii, E), axis=0)
    e21 = jnp.exp(m2 - m1)
    s1 = 1.0 / (1.0 + e21)
    s2 = e21 / (1.0 + e21)
    ex = jnp.exp(lg - m1)
    pr = ex / jnp.sum(ex, axis=0, keepdims=True)
    psum = jnp.sum(pr, axis=1, keepdims=True)
    oh1 = (ii == i1[None, :]).astype(jnp.int32)
    oh2 = (ii == i2[None, :]).astype(jnp.int32)

    CH = 512
    L = (lax.broadcasted_iota(jnp.int32, (CH, CH), 0)
         <= lax.broadcasted_iota(jnp.int32, (CH, CH), 1)).astype(jnp.float32)

    def _cumsum_lanes(oh):
        outs = []
        carry = jnp.zeros((E, 1), jnp.float32)
        for c in range(T // CH):
            blk = oh[:, c * CH:(c + 1) * CH].astype(jnp.float32)
            loc = jnp.dot(blk, L, preferred_element_type=jnp.float32)
            outs.append(loc + carry)
            carry = carry + loc[:, -1:]
        return jnp.concatenate(outs, axis=1).astype(jnp.int32)

    cum1 = _cumsum_lanes(oh1)
    cum2 = _cumsum_lanes(oh2)
    tot1 = cum1[:, -1:]
    tot2 = cum2[:, -1:]
    counts = tot1 + tot2
    aux = E * jnp.sum(counts.astype(jnp.float32) * psum) / (T * T)
    aux_ref[0, 0] = aux
    padded = ((counts + BT - 1) // BT) * BT
    tril = (lax.broadcasted_iota(jnp.int32, (E, E), 0)
            >= lax.broadcasted_iota(jnp.int32, (E, E), 1)).astype(jnp.float32)
    gend = jnp.dot(tril, padded.astype(jnp.float32),
                   preferred_element_type=jnp.float32).astype(jnp.int32)
    gstart = gend - padded
    rank0 = cum1 - oh1
    rank1 = tot1 + (cum2 - oh2)
    pos0 = jnp.sum(oh1 * (gstart + rank0), axis=0)
    pos1 = jnp.sum(oh2 * (gstart + rank1), axis=0)
    pos_ref[...] = jnp.concatenate([pos0[None, :], pos1[None, :]], axis=0)
    w_ref[...] = jnp.concatenate([s1, s2], axis=0)
    r0 = lax.broadcasted_iota(jnp.int32, (E, NB), 1) * BT
    ge = jnp.broadcast_to(gend, (E, NB))
    gs = jnp.broadcast_to(gstart, (E, NB))
    cn = jnp.broadcast_to(counts, (E, NB))
    act_e = jnp.logical_and(r0 >= gs, r0 < gs + cn).astype(jnp.int32)
    bact = jnp.max(act_e, axis=0)
    beid = jnp.clip(jnp.sum((r0 >= ge).astype(jnp.int32), axis=0), 0, E - 1)
    ib = lax.iota(jnp.int32, NB)
    xg_idx = ib * bact
    out_idx = jnp.where(bact == 1, ib, NB)
    nz = (counts > 0).astype(jnp.float32)
    tril_s = (lax.broadcasted_iota(jnp.int32, (E, E), 0)
              > lax.broadcasted_iota(jnp.int32, (E, E), 1)).astype(jnp.float32)
    krank = jnp.dot(tril_s, nz,
                    preferred_element_type=jnp.float32).astype(jnp.int32)
    ie_r = lax.broadcasted_iota(jnp.int32, (E, E), 0)
    ie_c = lax.broadcasted_iota(jnp.int32, (E, E), 1)
    nzc = jnp.broadcast_to((counts > 0).reshape(1, E), (E, E))
    cand = jnp.where(jnp.logical_and(ie_c > ie_r, nzc), ie_c, E)
    ne = jnp.min(cand, axis=1, keepdims=True)
    cand2 = jnp.where(cand == jnp.broadcast_to(ne, (E, E)), E, cand)
    ne2 = jnp.min(cand2, axis=1, keepdims=True)
    first = jnp.max(act_e * (r0 == gs).astype(jnp.int32), axis=0)
    ring = jnp.sum(act_e * (krank % 2), axis=0)
    nxt = jnp.sum(act_e * jnp.minimum(ne, E - 1), axis=0)
    hvn = jnp.sum(act_e * (ne < E).astype(jnp.int32), axis=0)
    nxt2 = jnp.sum(act_e * jnp.minimum(ne2, E - 1), axis=0)
    hvn2 = jnp.sum(act_e * (ne2 < E).astype(jnp.int32), axis=0)
    meta_ref[...] = jnp.concatenate(
        [beid[None, :], bact[None, :], xg_idx[None, :], out_idx[None, :],
         first[None, :], ring[None, :], nxt[None, :], hvn[None, :],
         nxt2[None, :], hvn2[None, :]], axis=0)


def _router(lT):
    return pl.pallas_call(
        _router_body,
        out_shape=[
            jax.ShapeDtypeStruct((K, T), jnp.int32),
            jax.ShapeDtypeStruct((K, T), jnp.float32),
            jax.ShapeDtypeStruct((10, NB), jnp.int32),
            jax.ShapeDtypeStruct((1, 1), jnp.float32),
        ],
        out_specs=[
            pl.BlockSpec(memory_space=pltpu.VMEM),
            pl.BlockSpec(memory_space=pltpu.VMEM),
            pl.BlockSpec(memory_space=pltpu.VMEM),
            pl.BlockSpec(memory_space=pltpu.SMEM),
        ],
    )(lT)


@functools.cache
def _sc_mesh():
    return plsc.VectorSubcoreMesh(core_axis_name="c", subcore_axis_name="s")


def _splat(vec, i):
    zi = jnp.zeros((LANES,), jnp.int32) + i
    return lax.gather(
        vec, zi[:, None],
        dimension_numbers=lax.GatherDimensionNumbers(
            offset_dims=(), collapsed_slice_dims=(0,), start_index_map=(0,)),
        slice_sizes=(1,),
        mode=lax.GatherScatterMode.PROMISE_IN_BOUNDS)


def _dispatch_body(x_hbm, pos_hbm, out_hbm, rows_v, idx0_v, idx1_v,
                   sem_i, sem_r, sem_s):
    wid = lax.axis_index("s") * 2 + lax.axis_index("c")
    t0 = wid * TOK_PER
    hi0 = pltpu.async_copy(pos_hbm.at[0, pl.ds(t0, TOK_PER)], idx0_v, sem_i)
    hi1 = pltpu.async_copy(pos_hbm.at[1, pl.ds(t0, TOK_PER)], idx1_v, sem_i)
    hr = pltpu.async_copy(x_hbm.at[pl.ds(t0, TOK_PER)], rows_v, sem_r)
    hi0.wait()
    hi1.wait()
    hr.wait()
    h0 = pltpu.async_copy(rows_v, out_hbm.at[idx0_v], sem_s)
    h1 = pltpu.async_copy(rows_v, out_hbm.at[idx1_v], sem_s)
    h0.wait()
    h1.wait()


def _dispatch(xf, pos2):
    f = pl.kernel(
        _dispatch_body,
        out_type=jax.ShapeDtypeStruct((NPAD, D), jnp.float32),
        mesh=_sc_mesh(),
        scratch_types=[
            pltpu.VMEM((TOK_PER, D), jnp.float32),
            pltpu.VMEM((TOK_PER,), jnp.int32),
            pltpu.VMEM((TOK_PER,), jnp.int32),
            pltpu.SemaphoreType.DMA,
            pltpu.SemaphoreType.DMA,
            pltpu.SemaphoreType.DMA,
        ],
    )
    return f(xf, pos2)


def _ffn_body(meta_ref, x_ref, w1_hbm, b1_ref, w2_hbm, b2_ref, y_ref,
              w1r, w2r, sem1, sem2):
    i = pl.program_id(0)
    active = meta_ref[1, i] == 1
    first = meta_ref[4, i] == 1
    cur = meta_ref[5, i]
    e = meta_ref[0, i]
    nxt = meta_ref[6, i]

    @pl.when(jnp.logical_and(active, first))
    def _():
        @pl.when(i == 0)
        def _():
            pltpu.make_async_copy(w1_hbm.at[e], w1r.at[cur], sem1.at[cur]).start()
            pltpu.make_async_copy(w2_hbm.at[e], w2r.at[cur], sem2.at[cur]).start()

        @pl.when(meta_ref[7, i] == 1)
        def _():
            pltpu.make_async_copy(w1_hbm.at[nxt], w1r.at[1 - cur],
                                  sem1.at[1 - cur]).start()
            pltpu.make_async_copy(w2_hbm.at[nxt], w2r.at[1 - cur],
                                  sem2.at[1 - cur]).start()

        pltpu.make_async_copy(w1_hbm.at[e], w1r.at[cur], sem1.at[cur]).wait()
        pltpu.make_async_copy(w2_hbm.at[e], w2r.at[cur], sem2.at[cur]).wait()

    @pl.when(active)
    def _():
        x = x_ref[...]
        h = jnp.dot(x, w1r[cur], preferred_element_type=jnp.float32) + b1_ref[0]
        a = h[:, :H]
        g = h[:, H:]
        act = a * jax.nn.sigmoid(a) * g
        y_ref[...] = jnp.dot(act, w2r[cur],
                             preferred_element_type=jnp.float32) + b2_ref[0]


def _ffn(meta, xg, W1, b1r, W2, b2r):
    grid_spec = pltpu.PrefetchScalarGridSpec(
        num_scalar_prefetch=1,
        grid=(NB,),
        in_specs=[
            pl.BlockSpec((BT, D), lambda i, m: (m[2, i], 0)),
            pl.BlockSpec(memory_space=pl.ANY),
            pl.BlockSpec((1, 1, 2 * H), lambda i, m: (m[0, i], 0, 0)),
            pl.BlockSpec(memory_space=pl.ANY),
            pl.BlockSpec((1, 1, D), lambda i, m: (m[0, i], 0, 0)),
        ],
        out_specs=pl.BlockSpec((BT, D), lambda i, m: (m[3, i], 0)),
        scratch_shapes=[
            pltpu.VMEM((2, D, 2 * H), jnp.float32),
            pltpu.VMEM((2, H, D), jnp.float32),
            pltpu.SemaphoreType.DMA((2,)),
            pltpu.SemaphoreType.DMA((2,)),
        ],
    )
    return pl.pallas_call(
        _ffn_body,
        grid_spec=grid_spec,
        out_shape=jax.ShapeDtypeStruct((NPAD + BT, D), jnp.float32),
    )(meta, xg, W1, b1r, W2, b2r)


def _combine_body(yg_hbm, pos_hbm, w_hbm, out_hbm,
                  idx0_v, idx1_v, w0_v, w1_v, rows0_v, rows1_v,
                  sem_i, sem_ga, sem_gb, sem_s):
    wid = lax.axis_index("s") * 2 + lax.axis_index("c")
    t0 = wid * TOK_PER
    HL = TOK_PER // 2
    hs = [
        pltpu.async_copy(pos_hbm.at[0, pl.ds(t0, TOK_PER)], idx0_v, sem_i),
        pltpu.async_copy(pos_hbm.at[1, pl.ds(t0, TOK_PER)], idx1_v, sem_i),
        pltpu.async_copy(w_hbm.at[0, pl.ds(t0, TOK_PER)], w0_v, sem_i),
        pltpu.async_copy(w_hbm.at[1, pl.ds(t0, TOK_PER)], w1_v, sem_i),
    ]
    for h in hs:
        h.wait()
    ga = [pltpu.async_copy(yg_hbm.at[idx0_v.at[pl.ds(0, HL)]],
                           rows0_v.at[pl.ds(0, HL)], sem_ga),
          pltpu.async_copy(yg_hbm.at[idx1_v.at[pl.ds(0, HL)]],
                           rows1_v.at[pl.ds(0, HL)], sem_ga)]
    gb = [pltpu.async_copy(yg_hbm.at[idx0_v.at[pl.ds(HL, HL)]],
                           rows0_v.at[pl.ds(HL, HL)], sem_gb),
          pltpu.async_copy(yg_hbm.at[idx1_v.at[pl.ds(HL, HL)]],
                           rows1_v.at[pl.ds(HL, HL)], sem_gb)]

    def fma_tokens(h):
        wa_all = w0_v[pl.ds(h * LANES, LANES)]
        wb_all = w1_v[pl.ds(h * LANES, LANES)]

        def tok(tt, cc):
            wa = _splat(wa_all, tt)
            wb = _splat(wb_all, tt)
            t = h * LANES + tt
            for l in range(D // LANES):
                a = rows0_v[t, pl.ds(l * LANES, LANES)]
                b = rows1_v[t, pl.ds(l * LANES, LANES)]
                rows0_v[t, pl.ds(l * LANES, LANES)] = a * wa + b * wb
            return cc

        lax.fori_loop(0, LANES, tok, 0)

    for h in ga:
        h.wait()
    for h in range(HL // LANES):
        fma_tokens(h)
    sa = pltpu.async_copy(rows0_v.at[pl.ds(0, HL)],
                          out_hbm.at[pl.ds(t0, HL)], sem_s)
    for h in gb:
        h.wait()
    for h in range(HL // LANES, TOK_PER // LANES):
        fma_tokens(h)
    sb = pltpu.async_copy(rows0_v.at[pl.ds(HL, HL)],
                          out_hbm.at[pl.ds(t0 + HL, HL)], sem_s)
    sa.wait()
    sb.wait()


def _combine(yg, pos2, w2):
    f = pl.kernel(
        _combine_body,
        out_type=jax.ShapeDtypeStruct((T, D), jnp.float32),
        mesh=_sc_mesh(),
        scratch_types=[
            pltpu.VMEM((TOK_PER,), jnp.int32),
            pltpu.VMEM((TOK_PER,), jnp.int32),
            pltpu.VMEM((TOK_PER,), jnp.float32),
            pltpu.VMEM((TOK_PER,), jnp.float32),
            pltpu.VMEM((TOK_PER, D), jnp.float32),
            pltpu.VMEM((TOK_PER, D), jnp.float32),
            pltpu.SemaphoreType.DMA,
            pltpu.SemaphoreType.DMA,
            pltpu.SemaphoreType.DMA,
            pltpu.SemaphoreType.DMA,
        ],
    )
    return f(yg, pos2, w2)


def kernel(x, W1, b1, W2, b2, Wr, br):
    Bx, Tx, Dx = x.shape
    xf = x.reshape(Tx, Dx)
    logits = xf @ Wr + br

    pos2, w2s, meta, aux2 = _router(logits.T)

    xg = _dispatch(xf, pos2)
    yg = _ffn(meta, xg, W1,
              b1.reshape(E, 1, 2 * H), W2, b2.reshape(E, 1, D))
    outf = _combine(yg, pos2, w2s)
    return outf.reshape(Bx, Tx, Dx), aux2[0, 0]

# --- scband reference (transcript-rebuilt; emitter-appended) ---
"""Pipeline reference for scband-mo-e-56470230008170 (READ-ONLY COPY).

The authoritative reference and input builder live on the scoring server;
editing this copy changes nothing except your own understanding.
"""

import jax, jax.numpy as jnp
import numpy as np

D = 768
H = 1536
E = 8
K = 2
B = 1
T = 2048

def setup_inputs(seed: int = 0):
    key = jax.random.key(seed)
    ks = jax.random.split(key, 8)
    x = jax.random.normal(ks[0], (B, T, D), dtype=jnp.float32)
    W1 = jax.random.normal(ks[1], (E, D, 2 * H), dtype=jnp.float32) * 0.02
    b1 = jnp.zeros((E, 2 * H), dtype=jnp.float32)
    W2 = jax.random.normal(ks[2], (E, H, D), dtype=jnp.float32) * 0.02
    b2 = jnp.zeros((E, D), dtype=jnp.float32)
    Wr = jax.random.normal(ks[3], (D, E), dtype=jnp.float32) * 0.02
    br = jnp.zeros((E,), dtype=jnp.float32)
    return {"x": x, "W1": W1, "b1": b1, "W2": W2, "b2": b2, "Wr": Wr, "br": br}

def reference(x, W1, b1, W2, b2, Wr, br):
    Bx, Tx, Dx = x.shape
    x_flat = x.reshape(-1, Dx)
    router_logits = x_flat @ Wr + br
    router_probs = jax.nn.softmax(router_logits, axis=-1)
    topk_val, topk_idx = jax.lax.top_k(router_logits, K)
    topk_scores = jax.nn.softmax(topk_val, axis=-1)
    one_hot = jax.nn.one_hot(topk_idx, E, dtype=jnp.float32)  # [T, K, E]
    f = one_hot.sum(axis=1).mean(axis=0)
    p = router_probs.mean(axis=0)
    aux_loss = E * (jax.lax.stop_gradient(f) * p).sum()
    # combine weight per (token, expert): sum over k-slots of mask * score
    # (equivalent to the torch double loop: each expert output is identical
    #  across k iterations, so masked scores simply accumulate)
    combine = (one_hot * topk_scores[..., None]).sum(axis=1)  # [T, E]
    # dense all-expert FFN with swiglu: expert[0] = Linear(D, 2H), split, silu gate, expert[2] = Linear(H, D)
    h = jnp.einsum('td,edh->teh', x_flat, W1) + b1  # [T, E, 2H]
    a, g = jnp.split(h, 2, axis=-1)
    act = jax.nn.silu(a) * g  # [T, E, H]
    expert_out = jnp.einsum('teh,ehd->ted', act, W2) + b2  # [T, E, D]
    output_flat = (expert_out * combine[:, :, None]).sum(axis=1)  # [T, D]
    return output_flat.reshape(Bx, Tx, Dx), aux_loss

if __name__ == "__main__":
    import jax
    _d = setup_inputs()
    print(jax.jit(kernel)(*tuple(_d.values())))

</pallas_src>

<mosaic_0001>
#map = affine_map<(d0, d1) -> (0, 0)>
module attributes {stable_mosaic.version = 14 : i64} {
  func.func @_combine_body(%arg0: i32, %arg1: i32, %arg2: memref<6400x768xf32, #tpu.memory_space<hbm>>, %arg3: memref<2x2048xi32, #tpu.memory_space<hbm>>, %arg4: memref<2x2048xf32, #tpu.memory_space<hbm>>, %arg5: memref<2048x768xf32, #tpu.memory_space<hbm>>, %arg6: memref<64xi32, #tpu.memory_space<vmem>>, %arg7: memref<64xi32, #tpu.memory_space<vmem>>, %arg8: memref<64xf32, #tpu.memory_space<vmem>>, %arg9: memref<64xf32, #tpu.memory_space<vmem>>, %arg10: memref<64x768xf32, #tpu.memory_space<vmem>>, %arg11: memref<64x768xf32, #tpu.memory_space<vmem>>, %arg12: memref<!tpu.dma_semaphore, #tpu.memory_space<semaphore_mem>>, %arg13: memref<!tpu.dma_semaphore, #tpu.memory_space<semaphore_mem>>, %arg14: memref<!tpu.dma_semaphore, #tpu.memory_space<semaphore_mem>>, %arg15: memref<!tpu.dma_semaphore, #tpu.memory_space<semaphore_mem>>) attributes {dimension_semantics = [#tpu.dimension_semantics<core_parallel>, #tpu.dimension_semantics<subcore_parallel>], iteration_bounds = array<i64: 2, 16>, scalar_prefetch = 0 : i64, scratch_operands = 10 : i64, tpu.core_type = #tpu.core_type<sc_vector_subcore>, window_params = [{transform_indices = #map}, {transform_indices = #map}, {transform_indices = #map}, {transform_indices = #map}]} {
    %mul3A = arith.constant 2 : i32
    %mul3A_0 = arith.muli %arg1, %mul3A : i32
    %add3A = arith.addi %mul3A_0, %arg0 : i32
    %mul3A_1 = arith.constant 64 : i32
    %mul3A_2 = arith.muli %add3A, %mul3A_1 : i32
    %dma_start3A = arith.constant 0 : i32
    %dma_start3A_3 = tpu.memref_slice %arg3[%dma_start3A, %mul3A_2] : memref<2x2048xi32, #tpu.memory_space<hbm>> -> memref<1x64xi32, #tpu.memory_space<hbm>>
    %dma_start3A_4 = tpu.memref_squeeze %dma_start3A_3 : memref<1x64xi32, #tpu.memory_space<hbm>> -> memref<64xi32, #tpu.memory_space<hbm>>
    %dma_start3A_5 = tpu.memref_slice %arg3[%dma_start3A, %mul3A_2] : memref<2x2048xi32, #tpu.memory_space<hbm>> -> memref<1x64xi32, #tpu.memory_space<hbm>>
    %dma_start3A_6 = tpu.memref_squeeze %dma_start3A_5 : memref<1x64xi32, #tpu.memory_space<hbm>> -> memref<64xi32, #tpu.memory_space<hbm>>
    tpu.enqueue_dma source(%dma_start3A_6 : memref<64xi32, #tpu.memory_space<hbm>>) target(%arg6 : memref<64xi32, #tpu.memory_space<vmem>>) target_semaphore(%arg12 : memref<!tpu.dma_semaphore, #tpu.memory_space<semaphore_mem>>)
    %dma_start3A_7 = arith.constant 1 : i32
    %dma_start3A_8 = tpu.memref_slice %arg3[%dma_start3A_7, %mul3A_2] : memref<2x2048xi32, #tpu.memory_space<hbm>> -> memref<1x64xi32, #tpu.memory_space<hbm>>
    %dma_start3A_9 = tpu.memref_squeeze %dma_start3A_8 : memref<1x64xi32, #tpu.memory_space<hbm>> -> memref<64xi32, #tpu.memory_space<hbm>>
    %dma_start3A_10 = tpu.memref_slice %arg3[%dma_start3A_7, %mul3A_2] : memref<2x2048xi32, #tpu.memory_space<hbm>> -> memref<1x64xi32, #tpu.memory_space<hbm>>
    %dma_start3A_11 = tpu.memref_squeeze %dma_start3A_10 : memref<1x64xi32, #tpu.memory_space<hbm>> -> memref<64xi32, #tpu.memory_space<hbm>>
    tpu.enqueue_dma source(%dma_start3A_11 : memref<64xi32, #tpu.memory_space<hbm>>) target(%arg7 : memref<64xi32, #tpu.memory_space<vmem>>) target_semaphore(%arg12 : memref<!tpu.dma_semaphore, #tpu.memory_space<semaphore_mem>>)
    %dma_start3A_12 = arith.constant 0 : i32
    %dma_start3A_13 = tpu.memref_slice %arg4[%dma_start3A_12, %mul3A_2] : memref<2x2048xf32, #tpu.memory_space<hbm>> -> memref<1x64xf32, #tpu.memory_space<hbm>>
    %dma_start3A_14 = tpu.memref_squeeze %dma_start3A_13 : memref<1x64xf32, #tpu.memory_space<hbm>> -> memref<64xf32, #tpu.memory_space<hbm>>
    %dma_start3A_15 = tpu.memref_slice %arg4[%dma_start3A_12, %mul3A_2] : memref<2x2048xf32, #tpu.memory_space<hbm>> -> memref<1x64xf32, #tpu.memory_space<hbm>>
    %dma_start3A_16 = tpu.memref_squeeze %dma_start3A_15 : memref<1x64xf32, #tpu.memory_space<hbm>> -> memref<64xf32, #tpu.memory_space<hbm>>
    tpu.enqueue_dma source(%dma_start3A_16 : memref<64xf32, #tpu.memory_space<hbm>>) target(%arg8 : memref<64xf32, #tpu.memory_space<vmem>>) target_semaphore(%arg12 : memref<!tpu.dma_semaphore, #tpu.memory_space<semaphore_mem>>)
    %dma_start3A_17 = arith.constant 1 : i32
    %dma_start3A_18 = tpu.memref_slice %arg4[%dma_start3A_17, %mul3A_2] : memref<2x2048xf32, #tpu.memory_space<hbm>> -> memref<1x64xf32, #tpu.memory_space<hbm>>
    %dma_start3A_19 = tpu.memref_squeeze %dma_start3A_18 : memref<1x64xf32, #tpu.memory_space<hbm>> -> memref<64xf32, #tpu.memory_space<hbm>>
    %dma_start3A_20 = tpu.memref_slice %arg4[%dma_start3A_17, %mul3A_2] : memref<2x2048xf32, #tpu.memory_space<hbm>> -> memref<1x64xf32, #tpu.memory_space<hbm>>
    %dma_start3A_21 = tpu.memref_squeeze %dma_start3A_20 : memref<1x64xf32, #tpu.memory_space<hbm>> -> memref<64xf32, #tpu.memory_space<hbm>>
    tpu.enqueue_dma source(%dma_start3A_21 : memref<64xf32, #tpu.memory_space<hbm>>) target(%arg9 : memref<64xf32, #tpu.memory_space<vmem>>) target_semaphore(%arg12 : memref<!tpu.dma_semaphore, #tpu.memory_space<semaphore_mem>>)
    %dma_wait3A = arith.constant 0 : i32
    %dma_wait3A_22 = tpu.memref_slice %arg3[%dma_wait3A, %mul3A_2] : memref<2x2048xi32, #tpu.memory_space<hbm>> -> memref<1x64xi32, #tpu.memory_space<hbm>>
    %dma_wait3A_23 = tpu.memref_squeeze %dma_wait3A_22 : memref<1x64xi32, #tpu.memory_space<hbm>> -> memref<64xi32, #tpu.memory_space<hbm>>
    %dma_wait3A_24 = tpu.memref_slice %arg3[%dma_wait3A, %mul3A_2] : memref<2x2048xi32, #tpu.memory_space<hbm>> -> memref<1x64xi32, #tpu.memory_space<hbm>>
    %dma_wait3A_25 = tpu.memref_squeeze %dma_wait3A_24 : memref<1x64xi32, #tpu.memory_space<hbm>> -> memref<64xi32, #tpu.memory_space<hbm>>
    tpu.wait_dma2 semaphore(%arg12 : memref<!tpu.dma_semaphore, #tpu.memory_space<semaphore_mem>>) src(%dma_wait3A_25 : memref<64xi32, #tpu.memory_space<hbm>>) dst(%arg6 : memref<64xi32, #tpu.memory_space<vmem>>)
    %dma_wait3A_26 = arith.constant 1 : i32
    %dma_wait3A_27 = tpu.memref_slice %arg3[%dma_wait3A_26, %mul3A_2] : memref<2x2048xi32, #tpu.memory_space<hbm>> -> memref<1x64xi32, #tpu.memory_space<hbm>>
    %dma_wait3A_28 = tpu.memref_squeeze %dma_wait3A_27 : memref<1x64xi32, #tpu.memory_space<hbm>> -> memref<64xi32, #tpu.memory_space<hbm>>
    %dma_wait3A_29 = tpu.memref_slice %arg3[%dma_wait3A_26, %mul3A_2] : memref<2x2048xi32, #tpu.memory_space<hbm>> -> memref<1x64xi32, #tpu.memory_space<hbm>>
    %dma_wait3A_30 = tpu.memref_squeeze %dma_wait3A_29 : memref<1x64xi32, #tpu.memory_space<hbm>> -> memref<64xi32, #tpu.memory_space<hbm>>
    tpu.wait_dma2 semaphore(%arg12 : memref<!tpu.dma_semaphore, #tpu.memory_space<semaphore_mem>>) src(%dma_wait3A_30 : memref<64xi32, #tpu.memory_space<hbm>>) dst(%arg7 : memref<64xi32, #tpu.memory_space<vmem>>)
    %dma_wait3A_31 = arith.constant 0 : i32
    %dma_wait3A_32 = tpu.memref_slice %arg4[%dma_wait3A_31, %mul3A_2] : memref<2x2048xf32, #tpu.memory_space<hbm>> -> memref<1x64xf32, #tpu.memory_space<hbm>>
    %dma_wait3A_33 = tpu.memref_squeeze %dma_wait3A_32 : memref<1x64xf32, #tpu.memory_space<hbm>> -> memref<64xf32, #tpu.memory_space<hbm>>
    %dma_wait3A_34 = tpu.memref_slice %arg4[%dma_wait3A_31, %mul3A_2] : memref<2x2048xf32, #tpu.memory_space<hbm>> -> memref<1x64xf32, #tpu.memory_space<hbm>>
    %dma_wait3A_35 = tpu.memref_squeeze %dma_wait3A_34 : memref<1x64xf32, #tpu.memory_space<hbm>> -> memref<64xf32, #tpu.memory_space<hbm>>
    tpu.wait_dma2 semaphore(%arg12 : memref<!tpu.dma_semaphore, #tpu.memory_space<semaphore_mem>>) src(%dma_wait3A_35 : memref<64xf32, #tpu.memory_space<hbm>>) dst(%arg8 : memref<64xf32, #tpu.memory_space<vmem>>)
    %dma_wait3A_36 = arith.constant 1 : i32
    %dma_wait3A_37 = tpu.memref_slice %arg4[%dma_wait3A_36, %mul3A_2] : memref<2x2048xf32, #tpu.memory_space<hbm>> -> memref<1x64xf32, #tpu.memory_space<hbm>>
    %dma_wait3A_38 = tpu.memref_squeeze %dma_wait3A_37 : memref<1x64xf32, #tpu.memory_space<hbm>> -> memref<64xf32, #tpu.memory_space<hbm>>
    %dma_wait3A_39 = tpu.memref_slice %arg4[%dma_wait3A_36, %mul3A_2] : memref<2x2048xf32, #tpu.memory_space<hbm>> -> memref<1x64xf32, #tpu.memory_space<hbm>>
    %dma_wait3A_40 = tpu.memref_squeeze %dma_wait3A_39 : memref<1x64xf32, #tpu.memory_space<hbm>> -> memref<64xf32, #tpu.memory_space<hbm>>
    tpu.wait_dma2 semaphore(%arg12 : memref<!tpu.dma_semaphore, #tpu.memory_space<semaphore_mem>>) src(%dma_wait3A_40 : memref<64xf32, #tpu.memory_space<hbm>>) dst(%arg9 : memref<64xf32, #tpu.memory_space<vmem>>)
    %dma_start3A_41 = arith.constant 0 : i32
    %dma_start3A_42 = arith.constant 0 : i32
    %dma_start3A_43 = tpu.memref_slice %arg10[%dma_start3A_41, %dma_start3A_42] : memref<64x768xf32, #tpu.memory_space<vmem>> -> memref<32x768xf32, #tpu.memory_space<vmem>>
    %dma_start3A_44 = arith.constant 0 : i32
    %dma_start3A_45 = tpu.memref_slice %arg6[%dma_start3A_44] : memref<64xi32, #tpu.memory_space<vmem>> -> memref<32xi32, #tpu.memory_space<vmem>>
    %dma_start3A_46 = arith.constant 0 : i32
    %dma_start3A_47 = arith.constant 0 : i32
    %dma_start3A_48 = tpu.memref_slice %arg2[%dma_start3A_46, %dma_start3A_47] : memref<6400x768xf32, #tpu.memory_space<hbm>> -> memref<6400x768xf32, #tpu.memory_space<hbm>>
    tpu.enqueue_indirect_dma source(%dma_start3A_48 : memref<6400x768xf32, #tpu.memory_space<hbm>>) target(%dma_start3A_43 : memref<32x768xf32, #tpu.memory_space<vmem>>) offsets(%dma_start3A_45 : memref<32xi32, #tpu.memory_space<vmem>>) semaphore(%arg13 : memref<!tpu.dma_semaphore, #tpu.memory_space<semaphore_mem>>)
    %dma_start3A_49 = arith.constant 0 : i32
    %dma_start3A_50 = arith.constant 0 : i32
    %dma_start3A_51 = tpu.memref_slice %arg11[%dma_start3A_49, %dma_start3A_50] : memref<64x768xf32, #tpu.memory_space<vmem>> -> memref<32x768xf32, #tpu.memory_space<vmem>>
    %dma_start3A_52 = arith.constant 0 : i32
    %dma_start3A_53 = tpu.memref_slice %arg7[%dma_start3A_52] : memref<64xi32, #tpu.memory_space<vmem>> -> memref<32xi32, #tpu.memory_space<vmem>>
    %dma_start3A_54 = arith.constant 0 : i32
    %dma_start3A_55 = arith.constant 0 : i32
    %dma_start3A_56 = tpu.memref_slice %arg2[%dma_start3A_54, %dma_start3A_55] : memref<6400x768xf32, #tpu.memory_space<hbm>> -> memref<6400x768xf32, #tpu.memory_space<hbm>>
    tpu.enqueue_indirect_dma source(%dma_start3A_56 : memref<6400x768xf32, #tpu.memory_space<hbm>>) target(%dma_start3A_51 : memref<32x768xf32, #tpu.memory_space<vmem>>) offsets(%dma_start3A_53 : memref<32xi32, #tpu.memory_space<vmem>>) semaphore(%arg13 : memref<!tpu.dma_semaphore, #tpu.memory_space<semaphore_mem>>)
    %dma_start3A_57 = arith.constant 32 : i32
    %dma_start3A_58 = arith.constant 0 : i32
    %dma_start3A_59 = tpu.memref_slice %arg10[%dma_start3A_57, %dma_start3A_58] : memref<64x768xf32, #tpu.memory_space<vmem>> -> memref<32x768xf32, #tpu.memory_space<vmem>>
    %dma_start3A_60 = arith.constant 32 : i32
    %dma_start3A_61 = tpu.memref_slice %arg6[%dma_start3A_60] : memref<64xi32, #tpu.memory_space<vmem>> -> memref<32xi32, #tpu.memory_space<vmem>>
    %dma_start3A_62 = arith.constant 0 : i32
    %dma_start3A_63 = arith.constant 0 : i32
    %dma_start3A_64 = tpu.memref_slice %arg2[%dma_start3A_62, %dma_start3A_63] : memref<6400x768xf32, #tpu.memory_space<hbm>> -> memref<6400x768xf32, #tpu.memory_space<hbm>>
    tpu.enqueue_indirect_dma source(%dma_start3A_64 : memref<6400x768xf32, #tpu.memory_space<hbm>>) target(%dma_start3A_59 : memref<32x768xf32, #tpu.memory_space<vmem>>) offsets(%dma_start3A_61 : memref<32xi32, #tpu.memory_space<vmem>>) semaphore(%arg14 : memref<!tpu.dma_semaphore, #tpu.memory_space<semaphore_mem>>)
    %dma_start3A_65 = arith.constant 32 : i32
    %dma_start3A_66 = arith.constant 0 : i32
    %dma_start3A_67 = tpu.memref_slice %arg11[%dma_start3A_65, %dma_start3A_66] : memref<64x768xf32, #tpu.memory_space<vmem>> -> memref<32x768xf32, #tpu.memory_space<vmem>>
    %dma_start3A_68 = arith.constant 32 : i32
    %dma_start3A_69 = tpu.memref_slice %arg7[%dma_start3A_68] : memref<64xi32, #tpu.memory_space<vmem>> -> memref<32xi32, #tpu.memory_space<vmem>>
    %dma_start3A_70 = arith.constant 0 : i32
    %dma_start3A_71 = arith.constant 0 : i32
    %dma_start3A_72 = tpu.memref_slice %arg2[%dma_start3A_70, %dma_start3A_71] : memref<6400x768xf32, #tpu.memory_space<hbm>> -> memref<6400x768xf32, #tpu.memory_space<hbm>>
    tpu.enqueue_indirect_dma source(%dma_start3A_72 : memref<6400x768xf32, #tpu.memory_space<hbm>>) target(%dma_start3A_67 : memref<32x768xf32, #tpu.memory_space<vmem>>) offsets(%dma_start3A_69 : memref<32xi32, #tpu.memory_space<vmem>>) semaphore(%arg14 : memref<!tpu.dma_semaphore, #tpu.memory_space<semaphore_mem>>)
    %dma_wait3A_73 = arith.constant 0 : i32
    %dma_wait3A_74 = arith.constant 0 : i32
    %dma_wait3A_75 = tpu.memref_slice %arg10[%dma_wait3A_73, %dma_wait3A_74] : memref<64x768xf32, #tpu.memory_space<vmem>> -> memref<32x768xf32, #tpu.memory_space<vmem>>
    %dma_wait3A_76 = arith.constant 0 : i32
    %dma_wait3A_77 = tpu.memref_slice %arg6[%dma_wait3A_76] : memref<64xi32, #tpu.memory_space<vmem>> -> memref<32xi32, #tpu.memory_space<vmem>>
    %dma_wait3A_78 = arith.constant 0 : i32
    %dma_wait3A_79 = arith.constant 0 : i32
    %dma_wait3A_80 = tpu.memref_slice %arg2[%dma_wait3A_78, %dma_wait3A_79] : memref<6400x768xf32, #tpu.memory_space<hbm>> -> memref<6400x768xf32, #tpu.memory_space<hbm>>
    tpu.wait_indirect_dma semaphore(%arg13 : memref<!tpu.dma_semaphore, #tpu.memory_space<semaphore_mem>>) src(%dma_wait3A_80 : memref<6400x768xf32, #tpu.memory_space<hbm>>) dst(%dma_wait3A_75 : memref<32x768xf32, #tpu.memory_space<vmem>>)
    %dma_wait3A_81 = arith.constant 0 : i32
    %dma_wait3A_82 = arith.constant 0 : i32
    %dma_wait3A_83 = tpu.memref_slice %arg11[%dma_wait3A_81, %dma_wait3A_82] : memref<64x768xf32, #tpu.memory_space<vmem>> -> memref<32x768xf32, #tpu.memory_space<vmem>>
    %dma_wait3A_84 = arith.constant 0 : i32
    %dma_wait3A_85 = tpu.memref_slice %arg7[%dma_wait3A_84] : memref<64xi32, #tpu.memory_space<vmem>> -> memref<32xi32, #tpu.memory_space<vmem>>
    %dma_wait3A_86 = arith.constant 0 : i32
    %dma_wait3A_87 = arith.constant 0 : i32
    %dma_wait3A_88 = tpu.memref_slice %arg2[%dma_wait3A_86, %dma_wait3A_87] : memref<6400x768xf32, #tpu.memory_space<hbm>> -> memref<6400x768xf32, #tpu.memory_space<hbm>>
    tpu.wait_indirect_dma semaphore(%arg13 : memref<!tpu.dma_semaphore, #tpu.memory_space<semaphore_mem>>) src(%dma_wait3A_88 : memref<6400x768xf32, #tpu.memory_space<hbm>>) dst(%dma_wait3A_83 : memref<32x768xf32, #tpu.memory_space<vmem>>)
    %get3A = arith.constant 0 : index
    %get3A_89 = tpu.vector_load %arg8[%get3A] {strides = array<i32>} : memref<64xf32, #tpu.memory_space<vmem>>, vector<16xf32>,
    %get3A_90 = vector.shape_cast %get3A_89 : vector<16xf32> to vector<16xf32>
    %get3A_91 = arith.constant 0 : index
    %get3A_92 = tpu.vector_load %arg9[%get3A_91] {strides = array<i32>} : memref<64xf32, #tpu.memory_space<vmem>>, vector<16xf32>,
    %get3A_93 = vector.shape_cast %get3A_92 : vector<16xf32> to vector<16xf32>
    %scan3A = arith.constant 0 : i32
    %scan3A_94 = arith.constant 0 : i32
    %scan3A_95 = arith.constant 16 : i32
    %scan3A_96 = arith.addi %scan3A_94, %scan3A_95 : i32
    %scan3A_97 = arith.constant 1 : i32
    scf.for %scan3A_193 = %scan3A_94 to %scan3A_96 step %scan3A_97  : i32 {
      %broadcast_in_dim3A = arith.constant 0 : i32
      %broadcast_in_dim3A_194 = vector.broadcast %broadcast_in_dim3A : i32 to vector<16xi32>
      %add3A_195 = vector.broadcast %scan3A_193 : i32 to vector<16xi32>
      %add3A_196 = arith.addi %broadcast_in_dim3A_194, %add3A_195 : vector<16xi32>
      %broadcast_in_dim3A_197 = vector.shape_cast %add3A_196 : vector<16xi32> to vector<16x1xi32>
      %gather3A = vector.shape_cast %broadcast_in_dim3A_197 : vector<16x1xi32> to vector<16xi32>
      %gather3A_198 = tpu.dynamic_gather %get3A_90[%gather3A] in [0] : vector<16xf32>, vector<16xi32> -> vector<16xf32>
      %broadcast_in_dim3A_199 = arith.constant 0 : i32
      %broadcast_in_dim3A_200 = vector.broadcast %broadcast_in_dim3A_199 : i32 to vector<16xi32>
      %add3A_201 = vector.broadcast %scan3A_193 : i32 to vector<16xi32>
      %add3A_202 = arith.addi %broadcast_in_dim3A_200, %add3A_201 : vector<16xi32>
      %broadcast_in_dim3A_203 = vector.shape_cast %add3A_202 : vector<16xi32> to vector<16x1xi32>
      %gather3A_204 = vector.shape_cast %broadcast_in_dim3A_203 : vector<16x1xi32> to vector<16xi32>
      %gather3A_205 = tpu.dynamic_gather %get3A_93[%gather3A_204] in [0] : vector<16xf32>, vector<16xi32> -> vector<16xf32>
      %add3A_206 = arith.constant 0 : i32
      %add3A_207 = arith.addi %add3A_206, %scan3A_193 : i32
      %get3A_208 = arith.index_cast %add3A_207 : i32 to index
      %get3A_209 = arith.constant 0 : index
      %get3A_210 = tpu.vector_load %arg10[%get3A_208, %get3A_209] {strides = array<i32>} : memref<64x768xf32, #tpu.memory_space<vmem>>, vector<1x16xf32>,
      %get3A_211 = vector.shape_cast %get3A_210 : vector<1x16xf32> to vector<16xf32>
      %get3A_212 = arith.index_cast %add3A_207 : i32 to index
      %get3A_213 = arith.constant 0 : index
      %get3A_214 = tpu.vector_load %arg11[%get3A_212, %get3A_213] {strides = array<i32>} : memref<64x768xf32, #tpu.memory_space<vmem>>, vector<1x16xf32>,
      %get3A_215 = vector.shape_cast %get3A_214 : vector<1x16xf32> to vector<16xf32>
      %mul3A_216 = arith.mulf %get3A_211, %gather3A_198 : vector<16xf32>
      %mul3A_217 = arith.mulf %get3A_215, %gather3A_205 : vector<16xf32>
      %add3A_218 = arith.addf %mul3A_216, %mul3A_217 : vector<16xf32>
      %swap3A = arith.index_cast %add3A_207 : i32 to index
      %swap3A_219 = arith.constant 0 : index
      %swap3A_220 = tpu.vector_load %arg10[%swap3A, %swap3A_219] {strides = array<i32>} : memref<64x768xf32, #tpu.memory_space<vmem>>, vector<1x16xf32>,
      %swap3A_221 = vector.shape_cast %swap3A_220 : vector<1x16xf32> to vector<16xf32>
      %swap3A_222 = vector.shape_cast %add3A_218 : vector<16xf32> to vector<1x16xf32>
      tpu.vector_store %arg10[%swap3A, %swap3A_219], %swap3A_222 {strides = array<i32>} : memref<64x768xf32, #tpu.memory_space<vmem>>, vector<1x16xf32>,
      %get3A_223 = arith.index_cast %add3A_207 : i32 to index
      %get3A_224 = arith.constant 16 : index
      %get3A_225 = tpu.vector_load %arg10[%get3A_223, %get3A_224] {strides = array<i32>} : memref<64x768xf32, #tpu.memory_space<vmem>>, vector<1x16xf32>,
      %get3A_226 = vector.shape_cast %get3A_225 : vector<1x16xf32> to vector<16xf32>
      %get3A_227 = arith.index_cast %add3A_207 : i32 to index
      %get3A_228 = arith.constant 16 : index
      %get3A_229 = tpu.vector_load %arg11[%get3A_227, %get3A_228] {strides = array<i32>} : memref<64x768xf32, #tpu.memory_space<vmem>>, vector<1x16xf32>,
      %get3A_230 = vector.shape_cast %get3A_229 : vector<1x16xf32> to vector<16xf32>
      %mul3A_231 = arith.mulf %get3A_226, %gather3A_198 : vector<16xf32>
      %mul3A_232 = arith.mulf %get3A_230, %gather3A_205 : vector<16xf32>
      %add3A_233 = arith.addf %mul3A_231, %mul3A_232 : vector<16xf32>
      %swap3A_234 = arith.index_cast %add3A_207 : i32 to index
      %swap3A_235 = arith.constant 16 : index
      %swap3A_236 = tpu.vector_load %arg10[%swap3A_234, %swap3A_235] {strides = array<i32>} : memref<64x768xf32, #tpu.memory_space<vmem>>, vector<1x16xf32>,
      %swap3A_237 = vector.shape_cast %swap3A_236 : vector<1x16xf32> to vector<16xf32>
      %swap3A_238 = vector.shape_cast %add3A_233 : vector<16xf32> to vector<1x16xf32>
      tpu.vector_store %arg10[%swap3A_234, %swap3A_235], %swap3A_238 {strides = array<i32>} : memref<64x768xf32, #tpu.memory_space<vmem>>, vector<1x16xf32>,
      %get3A_239 = arith.index_cast %add3A_207 : i32 to index
      %get3A_240 = arith.constant 32 : index
      %get3A_241 = tpu.vector_load %arg10[%get3A_239, %get3A_240] {strides = array<i32>} : memref<64x768xf32, #tpu.memory_space<vmem>>, vector<1x16xf32>,
      %get3A_242 = vector.shape_cast %get3A_241 : vector<1x16xf32> to vector<16xf32>
      %get3A_243 = arith.index_cast %add3A_207 : i32 to index
      %get3A_244 = arith.constant 32 : index
      %get3A_245 = tpu.vector_load %arg11[%get3A_243, %get3A_244] {strides = array<i32>} : memref<64x768xf32, #tpu.memory_space<vmem>>, vector<1x16xf32>,
      %get3A_246 = vector.shape_cast %get3A_245 : vector<1x16xf32> to vector<16xf32>
      %mul3A_247 = arith.mulf %get3A_242, %gather3A_198 : vector<16xf32>
      %mul3A_248 = arith.mulf %get3A_246, %gather3A_205 : vector<16xf32>
      %add3A_249 = arith.addf %mul3A_247, %mul3A_248 : vector<16xf32>
      %swap3A_250 = arith.index_cast %add3A_207 : i32 to index
      %swap3A_251 = arith.constant 32 : index
      %swap3A_252 = tpu.vector_load %arg10[%swap3A_250, %swap3A_251] {strides = array<i32>} : memref<64x768xf32, #tpu.memory_space<vmem>>, vector<1x16xf32>,
      %swap3A_253 = vector.shape_cast %swap3A_252 : vector<1x16xf32> to vector<16xf32>
      %swap3A_254 = vector.shape_cast %add3A_249 : vector<16xf32> to vector<1x16xf32>
      tpu.vector_store %arg10[%swap3A_250, %swap3A_251], %swap3A_254 {strides = array<i32>} : memref<64x768xf32, #tpu.memory_space<vmem>>, vector<1x16xf32>,
      %get3A_255 = arith.index_cast %add3A_207 : i32 to index
      %get3A_256 = arith.constant 48 : index
      %get3A_257 = tpu.vector_load %arg10[%get3A_255, %get3A_256] {strides = array<i32>} : memref<64x768xf32, #tpu.memory_space<vmem>>, vector<1x16xf32>,
      %get3A_258 = vector.shape_cast %get3A_257 : vector<1x16xf32> to vector<16xf32>
      %get3A_259 = arith.index_cast %add3A_207 : i32 to index
      %get3A_260 = arith.constant 48 : index
      %get3A_261 = tpu.vector_load %arg11[%get3A_259, %get3A_260] {strides = array<i32>} : memref<64x768xf32, #tpu.memory_space<vmem>>, vector<1x16xf32>,
      %get3A_262 = vector.shape_cast %get3A_261 : vector<1x16xf32> to vector<16xf32>
      %mul3A_263 = arith.mulf %get3A_258, %gather3A_198 : vector<16xf32>
      %mul3A_264 = arith.mulf %get3A_262, %gather3A_205 : vector<16xf32>
      %add3A_265 = arith.addf %mul3A_263, %mul3A_264 : vector<16xf32>
      %swap3A_266 = arith.index_cast %add3A_207 : i32 to index
      %swap3A_267 = arith.constant 48 : index
      %swap3A_268 = tpu.vector_load %arg10[%swap3A_266, %swap3A_267] {strides = array<i32>} : memref<64x768xf32, #tpu.memory_space<vmem>>, vector<1x16xf32>,
      %swap3A_269 = vector.shape_cast %swap3A_268 : vector<1x16xf32> to vector<16xf32>
      %swap3A_270 = vector.shape_cast %add3A_265 : vector<16xf32> to vector<1x16xf32>
      tpu.vector_store %arg10[%swap3A_266, %swap3A_267], %swap3A_270 {strides = array<i32>} : memref<64x768xf32, #tpu.memory_space<vmem>>, vector<1x16xf32>,
      %get3A_271 = arith.index_cast %add3A_207 : i32 to index
      %get3A_272 = arith.constant 64 : index
      %get3A_273 = tpu.vector_load %arg10[%get3A_271, %get3A_272] {strides = array<i32>} : memref<64x768xf32, #tpu.memory_space<vmem>>, vector<1x16xf32>,
      %get3A_274 = vector.shape_cast %get3A_273 : vector<1x16xf32> to vector<16xf32>
      %get3A_275 = arith.index_cast %add3A_207 : i32 to index
      %get3A_276 = arith.constant 64 : index
      %get3A_277 = tpu.vector_load %arg11[%get3A_275, %get3A_276] {strides = array<i32>} : memref<64x768xf32, #tpu.memory_space<vmem>>, vector<1x16xf32>,
      %get3A_278 = vector.shape_cast %get3A_277 : vector<1x16xf32> to vector<16xf32>
      %mul3A_279 = arith.mulf %get3A_274, %gather3A_198 : vector<16xf32>
      %mul3A_280 = arith.mulf %get3A_278, %gather3A_205 : vector<16xf32>
      %add3A_281 = arith.addf %mul3A_279, %mul3A_280 : vector<16xf32>
      %swap3A_282 = arith.index_cast %add3A_207 : i32 to index
      %swap3A_283 = arith.constant 64 : index
      %swap3A_284 = tpu.vector_load %arg10[%swap3A_282, %swap3A_283] {strides = array<i32>} : memref<64x768xf32, #tpu.memory_space<vmem>>, vector<1x16xf32>,
      %swap3A_285 = vector.shape_cast %swap3A_284 : vector<1x16xf32> to vector<16xf32>
      %swap3A_286 = vector.shape_cast %add3A_281 : vector<16xf32> to vector<1x16xf32>
      tpu.vector_store %arg10[%swap3A_282, %swap3A_283], %swap3A_286 {strides = array<i32>} : memref<64x768xf32, #tpu.memory_space<vmem>>, vector<1x16xf32>,
      %get3A_287 = arith.index_cast %add3A_207 : i32 to index
      %get3A_288 = arith.constant 80 : index
      %get3A_289 = tpu.vector_load %arg10[%get3A_287, %get3A_288] {strides = array<i32>} : memref<64x768xf32, #tpu.memory_space<vmem>>, vector<1x16xf32>,
      %get3A_290 = vector.shape_cast %get3A_289 : vector<1x16xf32> to vector<16xf32>
      %get3A_291 = arith.index_cast %add3A_207 : i32 to index
      %get3A_292 = arith.constant 80 : index
      %get3A_293 = tpu.vector_load %arg11[%get3A_291, %get3A_292] {strides = array<i32>} : memref<64x768xf32, #tpu.memory_space<vmem>>, vector<1x16xf32>,
      %get3A_294 = vector.shape_cast %get3A_293 : vector<1x16xf32> to vector<16xf32>
      %mul3A_295 = arith.mulf %get3A_290, %gather3A_198 : vector<16xf32>
      %mul3A_296 = arith.mulf %get3A_294, %gather3A_205 : vector<16xf32>
      %add3A_297 = arith.addf %mul3A_295, %mul3A_296 : vector<16xf32>
      %swap3A_298 = arith.index_cast %add3A_207 : i32 to index
      %swap3A_299 = arith.constant 80 : index
      %swap3A_300 = tpu.vector_load %arg10[%swap3A_298, %swap3A_299] {strides = array<i32>} : memref<64x768xf32, #tpu.memory_space<vmem>>, vector<1x16xf32>,
      %swap3A_301 = vector.shape_cast %swap3A_300 : vector<1x16xf32> to vector<16xf32>
      %swap3A_302 = vector.shape_cast %add3A_297 : vector<16xf32> to vector<1x16xf32>
      tpu.vector_store %arg10[%swap3A_298, %swap3A_299], %swap3A_302 {strides = array<i32>} : memref<64x768xf32, #tpu.memory_space<vmem>>, vector<1x16xf32>,
      %get3A_303 = arith.index_cast %add3A_207 : i32 to index
      %get3A_304 = arith.constant 96 : index
      %get3A_305 = tpu.vector_load %arg10[%get3A_303, %get3A_304] {strides = array<i32>} : memref<64x768xf32, #tpu.memory_space<vmem>>, vector<1x16xf32>,
      %get3A_306 = vector.shape_cast %get3A_305 : vector<1x16xf32> to vector<16xf32>
      %get3A_307 = arith.index_cast %add3A_207 : i32 to index
      %get3A_308 = arith.constant 96 : index
      %get3A_309 = tpu.vector_load %arg11[%get3A_307, %get3A_308] {strides = array<i32>} : memref<64x768xf32, #tpu.memory_space<vmem>>, vector<1x16xf32>,
      %get3A_310 = vector.shape_cast %get3A_309 : vector<1x16xf32> to vector<16xf32>
      %mul3A_311 = arith.mulf %get3A_306, %gather3A_198 : vector<16xf32>
      %mul3A_312 = arith.mulf %get3A_310, %gather3A_205 : vector<16xf32>
      %add3A_313 = arith.addf %mul3A_311, %mul3A_312 : vector<16xf32>
      %swap3A_314 = arith.index_cast %add3A_207 : i32 to index
      %swap3A_315 = arith.constant 96 : index
      %swap3A_316 = tpu.vector_load %arg10[%swap3A_314, %swap3A_315] {strides = array<i32>} : memref<64x768xf32, #tpu.memory_space<vmem>>, vector<1x16xf32>,
      %swap3A_317 = vector.shape_cast %swap3A_316 : vector<1x16xf32> to vector<16xf32>
      %swap3A_318 = vector.shape_cast %add3A_313 : vector<16xf32> to vector<1x16xf32>
      tpu.vector_store %arg10[%swap3A_314, %swap3A_315], %swap3A_318 {strides = array<i32>} : memref<64x768xf32, #tpu.memory_space<vmem>>, vector<1x16xf32>,
      %get3A_319 = arith.index_cast %add3A_207 : i32 to index
      %get3A_320 = arith.constant 112 : index
      %get3A_321 = tpu.vector_load %arg10[%get3A_319, %get3A_320] {strides = array<i32>} : memref<64x768xf32, #tpu.memory_space<vmem>>, vector<1x16xf32>,
      %get3A_322 = vector.shape_cast %get3A_321 : vector<1x16xf32> to vector<16xf32>
      %get3A_323 = arith.index_cast %add3A_207 : i32 to index
      %get3A_324 = arith.constant 112 : index
      %get3A_325 = tpu.vector_load %arg11[%get3A_323, %get3A_324] {strides = array<i32>} : memref<64x768xf32, #tpu.memory_space<vmem>>, vector<1x16xf32>,
      %get3A_326 = vector.shape_cast %get3A_325 : vector<1x16xf32> to vector<16xf32>
      %mul3A_327 = arith.mulf %get3A_322, %gather3A_198 : vector<16xf32>
      %mul3A_328 = arith.mulf %get3A_326, %gather3A_205 : vector<16xf32>
      %add3A_329 = arith.addf %mul3A_327, %mul3A_328 : vector<16xf32>
      %swap3A_330 = arith.index_cast %add3A_207 : i32 to index
      %swap3A_331 = arith.constant 112 : index
      %swap3A_332 = tpu.vector_load %arg10[%swap3A_330, %swap3A_331] {strides = array<i32>} : memref<64x768xf32, #tpu.memory_space<vmem>>, vector<1x16xf32>,
      %swap3A_333 = vector.shape_cast %swap3A_332 : vector<1x16xf32> to vector<16xf32>
      %swap3A_334 = vector.shape_cast %add3A_329 : vector<16xf32> to vector<1x16xf32>
      tpu.vector_store %arg10[%swap3A_330, %swap3A_331], %swap3A_334 {strides = array<i32>} : memref<64x768xf32, #tpu.memory_space<vmem>>, vector<1x16xf32>,
      %get3A_335 = arith.index_cast %add3A_207 : i32 to index
      %get3A_336 = arith.constant 128 : index
      %get3A_337 = tpu.vector_load %arg10[%get3A_335, %get3A_336] {strides = array<i32>} : memref<64x768xf32, #tpu.memory_space<vmem>>, vector<1x16xf32>,
      %get3A_338 = vector.shape_cast %get3A_337 : vector<1x16xf32> to vector<16xf32>
      %get3A_339 = arith.index_cast %add3A_207 : i32 to index
      %get3A_340 = arith.constant 128 : index
      %get3A_341 = tpu.vector_load %arg11[%get3A_339, %get3A_340] {strides = array<i32>} : memref<64x768xf32, #tpu.memory_space<vmem>>, vector<1x16xf32>,
      %get3A_342 = vector.shape_cast %get3A_341 : vector<1x16xf32> to vector<16xf32>
      %mul3A_343 = arith.mulf %get3A_338, %gather3A_198 : vector<16xf32>
      %mul3A_344 = arith.mulf %get3A_342, %gather3A_205 : vector<16xf32>
      %add3A_345 = arith.addf %mul3A_343, %mul3A_344 : vector<16xf32>
      %swap3A_346 = arith.index_cast %add3A_207 : i32 to index
      %swap3A_347 = arith.constant 128 : index
      %swap3A_348 = tpu.vector_load %arg10[%swap3A_346, %swap3A_347] {strides = array<i32>} : memref<64x768xf32, #tpu.memory_space<vmem>>, vector<1x16xf32>,
      %swap3A_349 = vector.shape_cast %swap3A_348 : vector<1x16xf32> to vector<16xf32>
      %swap3A_350 = vector.shape_cast %add3A_345 : vector<16xf32> to vector<1x16xf32>
      tpu.vector_store %arg10[%swap3A_346, %swap3A_347], %swap3A_350 {strides = array<i32>} : memref<64x768xf32, #tpu.memory_space<vmem>>, vector<1x16xf32>,
      %get3A_351 = arith.index_cast %add3A_207 : i32 to index
      %get3A_352 = arith.constant 144 : index
      %get3A_353 = tpu.vector_load %arg10[%get3A_351, %get3A_352] {strides = array<i32>} : memref<64x768xf32, #tpu.memory_space<vmem>>, vector<1x16xf32>,
      %get3A_354 = vector.shape_cast %get3A_353 : vector<1x16xf32> to vector<16xf32>
      %get3A_355 = arith.index_cast %add3A_207 : i32 to index
      %get3A_356 = arith.constant 144 : index
      %get3A_357 = tpu.vector_load %arg11[%get3A_355, %get3A_356] {strides = array<i32>} : memref<64x768xf32, #tpu.memory_space<vmem>>, vector<1x16xf32>,
      %get3A_358 = vector.shape_cast %get3A_357 : vector<1x16xf32> to vector<16xf32>
      %mul3A_359 = arith.mulf %get3A_354, %gather3A_198 : vector<16xf32>
      %mul3A_360 = arith.mulf %get3A_358, %gather3A_205 : vector<16xf32>
      %add3A_361 = arith.addf %mul3A_359, %mul3A_360 : vector<16xf32>
      %swap3A_362 = arith.index_cast %add3A_207 : i32 to index
      %swap3A_363 = arith.constant 144 : index
      %swap3A_364 = tpu.vector_load %arg10[%swap3A_362, %swap3A_363] {strides = array<i32>} : memref<64x768xf32, #tpu.memory_space<vmem>>, vector<1x16xf32>,
      %swap3A_365 = vector.shape_cast %swap3A_364 : vector<1x16xf32> to vector<16xf32>
      %swap3A_366 = vector.shape_cast %add3A_361 : vector<16xf32> to vector<1x16xf32>
      tpu.vector_store %arg10[%swap3A_362, %swap3A_363], %swap3A_366 {strides = array<i32>} : memref<64x768xf32, #tpu.memory_space<vmem>>, vector<1x16xf32>,
      %get3A_367 = arith.index_cast %add3A_207 : i32 to index
      %get3A_368 = arith.constant 160 : index
      %get3A_369 = tpu.vector_load %arg10[%get3A_367, %get3A_368] {strides = array<i32>} : memref<64x768xf32, #tpu.memory_space<vmem>>, vector<1x16xf32>,
      %get3A_370 = vector.shape_cast %get3A_369 : vector<1x16xf32> to vector<16xf32>
      %get3A_371 = arith.index_cast %add3A_207 : i32 to index
      %get3A_372 = arith.constant 160 : index
      %get3A_373 = tpu.vector_load %arg11[%get3A_371, %get3A_372] {strides = array<i32>} : memref<64x768xf32, #tpu.memory_space<vmem>>, vector<1x16xf32>,
      %get3A_374 = vector.shape_cast %get3A_373 : vector<1x16xf32> to vector<16xf32>
      %mul3A_375 = arith.mulf %get3A_370, %gather3A_198 : vector<16xf32>
      %mul3A_376 = arith.mulf %get3A_374, %gather3A_205 : vector<16xf32>
      %add3A_377 = arith.addf %mul3A_375, %mul3A_376 : vector<16xf32>
      %swap3A_378 = arith.index_cast %add3A_207 : i32 to index
      %swap3A_379 = arith.constant 160 : index
      %swap3A_380 = tpu.vector_load %arg10[%swap3A_378, %swap3A_379] {strides = array<i32>} : memref<64x768xf32, #tpu.memory_space<vmem>>, vector<1x16xf32>,
      %swap3A_381 = vector.shape_cast %swap3A_380 : vector<1x16xf32> to vector<16xf32>
      %swap3A_382 = vector.shape_cast %add3A_377 : vector<16xf32> to vector<1x16xf32>
      tpu.vector_store %arg10[%swap3A_378, %swap3A_379], %swap3A_382 {strides = array<i32>} : memref<64x768xf32, #tpu.memory_space<vmem>>, vector<1x16xf32>,
      %get3A_383 = arith.index_cast %add3A_207 : i32 to index
      %get3A_384 = arith.constant 176 : index
      %get3A_385 = tpu.vector_load %arg10[%get3A_383, %get3A_384] {strides = array<i32>} : memref<64x768xf32, #tpu.memory_space<vmem>>, vector<1x16xf32>,
      %get3A_386 = vector.shape_cast %get3A_385 : vector<1x16xf32> to vector<16xf32>
      %get3A_387 = arith.index_cast %add3A_207 : i32 to index
      %get3A_388 = arith.constant 176 : index
      %get3A_389 = tpu.vector_load %arg11[%get3A_387, %get3A_388] {strides = array<i32>} : memref<64x768xf32, #tpu.memory_space<vmem>>, vector<1x16xf32>,
      %get3A_390 = vector.shape_cast %get3A_389 : vector<1x16xf32> to vector<16xf32>
      %mul3A_391 = arith.mulf %get3A_386, %gather3A_198 : vector<16xf32>
      %mul3A_392 = arith.mulf %get3A_390, %gather3A_205 : vector<16xf32>
      %add3A_393 = arith.addf %mul3A_391, %mul3A_392 : vector<16xf32>
      %swap3A_394 = arith.index_cast %add3A_207 : i32 to index
      %swap3A_395 = arith.constant 176 : index
      %swap3A_396 = tpu.vector_load %arg10[%swap3A_394, %swap3A_395] {strides = array<i32>} : memref<64x768xf32, #tpu.memory_space<vmem>>, vector<1x16xf32>,
      %swap3A_397 = vector.shape_cast %swap3A_396 : vector<1x16xf32> to vector<16xf32>
      %swap3A_398 = vector.shape_cast %add3A_393 : vector<16xf32> to vector<1x16xf32>
      tpu.vector_store %arg10[%swap3A_394, %swap3A_395], %swap3A_398 {strides = array<i32>} : memref<64x768xf32, #tpu.memory_space<vmem>>, vector<1x16xf32>,
      %get3A_399 = arith.index_cast %add3A_207 : i32 to index
      %get3A_400 = arith.constant 192 : index
      %get3A_401 = tpu.vector_load %arg10[%get3A_399, %get3A_400] {strides = array<i32>} : memref<64x768xf32, #tpu.memory_space<vmem>>, vector<1x16xf32>,
      %get3A_402 = vector.shape_cast %get3A_401 : vector<1x16xf32> to vector<16xf32>
      %get3A_403 = arith.index_cast %add3A_207 : i32 to index
      %get3A_404 = arith.constant 192 : index
      %get3A_405 = tpu.vector_load %arg11[%get3A_403, %get3A_404] {strides = array<i32>} : memref<64x768xf32, #tpu.memory_space<vmem>>, vector<1x16xf32>,
      %get3A_406 = vector.shape_cast %get3A_405 : vector<1x16xf32> to vector<16xf32>
      %mul3A_407 = arith.mulf %get3A_402, %gather3A_198 : vector<16xf32>
      %mul3A_408 = arith.mulf %get3A_406, %gather3A_205 : vector<16xf32>
      %add3A_409 = arith.addf %mul3A_407, %mul3A_408 : vector<16xf32>
      %swap3A_410 = arith.index_cast %add3A_207 : i32 to index
      %swap3A_411 = arith.constant 192 : index
      %swap3A_412 = tpu.vector_load %arg10[%swap3A_410, %swap3A_411] {strides = array<i32>} : memref<64x768xf32, #tpu.memory_space<vmem>>, vector<1x16xf32>,
      %swap3A_413 = vector.shape_cast %swap3A_412 : vector<1x16xf32> to vector<16xf32>
      %swap3A_414 = vector.shape_cast %add3A_409 : vector<16xf32> to vector<1x16xf32>
      tpu.vector_store %arg10[%swap3A_410, %swap3A_411], %swap3A_414 {strides = array<i32>} : memref<64x768xf32, #tpu.memory_space<vmem>>, vector<1x16xf32>,
      %get3A_415 = arith.index_cast %add3A_207 : i32 to index
      %get3A_416 = arith.constant 208 : index
      %get3A_417 = tpu.vector_load %arg10[%get3A_415, %get3A_416] {strides = array<i32>} : memref<64x768xf32, #tpu.memory_space<vmem>>, vector<1x16xf32>,
      %get3A_418 = vector.shape_cast %get3A_417 : vector<1x16xf32> to vector<16xf32>
      %get3A_419 = arith.index_cast %add3A_207 : i32 to index
      %get3A_420 = arith.constant 208 : index
      %get3A_421 = tpu.vector_load %arg11[%get3A_419, %get3A_420] {strides = array<i32>} : memref<64x768xf32, #tpu.memory_space<vmem>>, vector<1x16xf32>,
      %get3A_422 = vector.shape_cast %get3A_421 : vector<1x16xf32> to vector<16xf32>
      %mul3A_423 = arith.mulf %get3A_418, %gather3A_198 : vector<16xf32>
      %mul3A_424 = arith.mulf %get3A_422, %gather3A_205 : vector<16xf32>
      %add3A_425 = arith.addf %mul3A_423, %mul3A_424 : vector<16xf32>
      %swap3A_426 = arith.index_cast %add3A_207 : i32 to index
      %swap3A_427 = arith.constant 208 : index
      %swap3A_428 = tpu.vector_load %arg10[%swap3A_426, %swap3A_427] {strides = array<i32>} : memref<64x768xf32, #tpu.memory_space<vmem>>, vector<1x16xf32>,
      %swap3A_429 = vector.shape_cast %swap3A_428 : vector<1x16xf32> to vector<16xf32>
      %swap3A_430 = vector.shape_cast %add3A_425 : vector<16xf32> to vector<1x16xf32>
      tpu.vector_store %arg10[%swap3A_426, %swap3A_427], %swap3A_430 {strides = array<i32>} : memref<64x768xf32, #tpu.memory_space<vmem>>, vector<1x16xf32>,
      %get3A_431 = arith.index_cast %add3A_207 : i32 to index
      %get3A_432 = arith.constant 224 : index
      %get3A_433 = tpu.vector_load %arg10[%get3A_431, %get3A_432] {strides = array<i32>} : memref<64x768xf32, #tpu.memory_space<vmem>>, vector<1x16xf32>,
      %get3A_434 = vector.shape_cast %get3A_433 : vector<1x16xf32> to vector<16xf32>
      %get3A_435 = arith.index_cast %add3A_207 : i32 to index
      %get3A_436 = arith.constant 224 : index
      %get3A_437 = tpu.vector_load %arg11[%get3A_435, %get3A_436] {strides = array<i32>} : memref<64x768xf32, #tpu.memory_space<vmem>>, vector<1x16xf32>,
      %get3A_438 = vector.shape_cast %get3A_437 : vector<1x16xf32> to vector<16xf32>
      %mul3A_439 = arith.mulf %get3A_434, %gather3A_198 : vector<16xf32>
      %mul3A_440 = arith.mulf %get3A_438, %gather3A_205 : vector<16xf32>
      %add3A_441 = arith.addf %mul3A_439, %mul3A_440 : vector<16xf32>
      %swap3A_442 = arith.index_cast %add3A_207 : i32 to index
      %swap3A_443 = arith.constant 224 : index
      %swap3A_444 = tpu.vector_load %arg10[%swap3A_442, %swap3A_443] {strides = array<i32>} : memref<64x768xf32, #tpu.memory_space<vmem>>, vector<1x16xf32>,
      %swap3A_445 = vector.shape_cast %swap3A_444 : vector<1x16xf32> to vector<16xf32>
      %swap3A_446 = vector.shape_cast %add3A_441 : vector<16xf32> to vector<1x16xf32>
      tpu.vector_store %arg10[%swap3A_442, %swap3A_443], %swap3A_446 {strides = array<i32>} : memref<64x768xf32, #tpu.memory_space<vmem>>, vector<1x16xf32>,
      %get3A_447 = arith.index_cast %add3A_207 : i32 to index
      %get3A_448 = arith.constant 240 : index
      %get3A_449 = tpu.vector_load %arg10[%get3A_447, %get3A_448] {strides = array<i32>} : memref<64x768xf32, #tpu.memory_space<vmem>>, vector<1x16xf32>,
      %get3A_450 = vector.shape_cast %get3A_449 : vector<1x16xf32> to vector<16xf32>
      %get3A_451 = arith.index_cast %add3A_207 : i32 to index
      %get3A_452 = arith.constant 240 : index
      %get3A_453 = tpu.vector_load %arg11[%get3A_451, %get3A_452] {strides = array<i32>} : memref<64x768xf32, #tpu.memory_space<vmem>>, vector<1x16xf32>,
      %get3A_454 = vector.shape_cast %get3A_453 : vector<1x16xf32> to vector<16xf32>
      %mul3A_455 = arith.mulf %get3A_450, %gather3A_198 : vector<16xf32>
      %mul3A_456 = arith.mulf %get3A_454, %gather3A_205 : vector<16xf32>
      %add3A_457 = arith.addf %mul3A_455, %mul3A_456 : vector<16xf32>
      %swap3A_458 = arith.index_cast %add3A_207 : i32 to index
      %swap3A_459 = arith.constant 240 : index
      %swap3A_460 = tpu.vector_load %arg10[%swap3A_458, %swap3A_459] {strides = array<i32>} : memref<64x768xf32, #tpu.memory_space<vmem>>, vector<1x16xf32>,
      %swap3A_461 = vector.shape_cast %swap3A_460 : vector<1x16xf32> to vector<16xf32>
      %swap3A_462 = vector.shape_cast %add3A_457 : vector<16xf32> to vector<1x16xf32>
      tpu.vector_store %arg10[%swap3A_458, %swap3A_459], %swap3A_462 {strides = array<i32>} : memref<64x768xf32, #tpu.memory_space<vmem>>, vector<1x16xf32>,
      %get3A_463 = arith.index_cast %add3A_207 : i32 to index
      %get3A_464 = arith.constant 256 : index
      %get3A_465 = tpu.vector_load %arg10[%get3A_463, %get3A_464] {strides = array<i32>} : memref<64x768xf32, #tpu.memory_space<vmem>>, vector<1x16xf32>,
      %get3A_466 = vector.shape_cast %get3A_465 : vector<1x16xf32> to vector<16xf32>
      %get3A_467 = arith.index_cast %add3A_207 : i32 to index
      %get3A_468 = arith.constant 256 : index
      %get3A_469 = tpu.vector_load %arg11[%get3A_467, %get3A_468] {strides = array<i32>} : memref<64x768xf32, #tpu.memory_space<vmem>>, vector<1x16xf32>,
      %get3A_470 = vector.shape_cast %get3A_469 : vector<1x16xf32> to vector<16xf32>
      %mul3A_471 = arith.mulf %get3A_466, %gather3A_198 : vector<16xf32>
      %mul3A_472 = arith.mulf %get3A_470, %gather3A_205 : vector<16xf32>
      %add3A_473 = arith.addf %mul3A_471, %mul3A_472 : vector<16xf32>
      %swap3A_474 = arith.index_cast %add3A_207 : i32 to index
      %swap3A_475 = arith.constant 256 : index
      %swap3A_476 = tpu.vector_load %arg10[%swap3A_474, %swap3A_475] {strides = array<i32>} : memref<64x768xf32, #tpu.memory_space<vmem>>, vector<1x16xf32>,
      %swap3A_477 = vector.shape_cast %swap3A_476 : vector<1x16xf32> to vector<16xf32>
      %swap3A_478 = vector.shape_cast %add3A_473 : vector<16xf32> to vector<1x16xf32>
      tpu.vector_store %arg10[%swap3A_474, %swap3A_475], %swap3A_478 {strides = array<i32>} : memref<64x768xf32, #tpu.memory_space<vmem>>, vector<1x16xf32>,
      %get3A_479 = arith.index_cast %add3A_207 : i32 to index
      %get3A_480 = arith.constant 272 : index
      %get3A_481 = tpu.vector_load %arg10[%get3A_479, %get3A_480] {strides = array<i32>} : memref<64x768xf32, #tpu.memory_space<vmem>>, vector<1x16xf32>,
      %get3A_482 = vector.shape_cast %get3A_481 : vector<1x16xf32> to vector<16xf32>
      %get3A_483 = arith.index_cast %add3A_207 : i32 to index
      %get3A_484 = arith.constant 272 : index
      %get3A_485 = tpu.vector_load %arg11[%get3A_483, %get3A_484] {strides = array<i32>} : memref<64x768xf32, #tpu.memory_space<vmem>>, vector<1x16xf32>,
      %get3A_486 = vector.shape_cast %get3A_485 : vector<1x16xf32> to vector<16xf32>
      %mul3A_487 = arith.mulf %get3A_482, %gather3A_198 : vector<16xf32>
      %mul3A_488 = arith.mulf %get3A_486, %gather3A_205 : vector<16xf32>
      %add3A_489 = arith.addf %mul3A_487, %mul3A_488 : vector<16xf32>
      %swap3A_490 = arith.index_cast %add3A_207 : i32 to index
      %swap3A_491 = arith.constant 272 : index
      %swap3A_492 = tpu.vector_load %arg10[%swap3A_490, %swap3A_491] {strides = array<i32>} : memref<64x768xf32, #tpu.memory_space<vmem>>, vector<1x16xf32>,
      %swap3A_493 = vector.shape_cast %swap3A_492 : vector<1x16xf32> to vector<16xf32>
      %swap3A_494 = vector.shape_cast %add3A_489 : vector<16xf32> to vector<1x16xf32>
      tpu.vector_store %arg10[%swap3A_490, %swap3A_491], %swap3A_494 {strides = array<i32>} : memref<64x768xf32, #tpu.memory_space<vmem>>, vector<1x16xf32>,
      %get3A_495 = arith.index_cast %add3A_207 : i32 to index
      %get3A_496 = arith.constant 288 : index
      %get3A_497 = tpu.vector_load %arg10[%get3A_495, %get3A_496] {strides = array<i32>} : memref<64x768xf32, #tpu.memory_space<vmem>>, vector<1x16xf32>,
      %get3A_498 = vector.shape_cast %get3A_497 : vector<1x16xf32> to vector<16xf32>
      %get3A_499 = arith.index_cast %add3A_207 : i32 to index
      %get3A_500 = arith.constant 288 : index
      %get3A_501 = tpu.vector_load %arg11[%get3A_499, %get3A_500] {strides = array<i32>} : memref<64x768xf32, #tpu.memory_space<vmem>>, vector<1x16xf32>,
      %get3A_502 = vector.shape_cast %get3A_501 : vector<1x16xf32> to vector<16xf32>
      %mul3A_503 = arith.mulf %get3A_498, %gather3A_198 : vector<16xf32>
      %mul3A_504 = arith.mulf %get3A_502, %gather3A_205 : vector<16xf32>
      %add3A_505 = arith.addf %mul3A_503, %mul3A_504 : vector<16xf32>
      %swap3A_506 = arith.index_cast %add3A_207 : i32 to index
      %swap3A_507 = arith.constant 288 : index
      %swap3A_508 = tpu.vector_load %arg10[%swap3A_506, %swap3A_507] {strides = array<i32>} : memref<64x768xf32, #tpu.memory_space<vmem>>, vector<1x16xf32>,
      %swap3A_509 = vector.shape_cast %swap3A_508 : vector<1x16xf32> to vector<16xf32>
      %swap3A_510 = vector.shape_cast %add3A_505 : vector<16xf32> to vector<1x16xf32>
      tpu.vector_store %arg10[%swap3A_506, %swap3A_507], %swap3A_510 {strides = array<i32>} : memref<64x768xf32, #tpu.memory_space<vmem>>, vector<1x16xf32>,
      %get3A_511 = arith.index_cast %add3A_207 : i32 to index
      %get3A_512 = arith.constant 304 : index
      %get3A_513 = tpu.vector_load %arg10[%get3A_511, %get3A_512] {strides = array<i32>} : memref<64x768xf32, #tpu.memory_space<vmem>>, vector<1x16xf32>,
      %get3A_514 = vector.shape_cast %get3A_513 : vector<1x16xf32> to vector<16xf32>
      %get3A_515 = arith.index_cast %add3A_207 : i32 to index
      %get3A_516 = arith.constant 304 : index
      %get3A_517 = tpu.vector_load %arg11[%get3A_515, %get3A_516] {strides = array<i32>} : memref<64x768xf32, #tpu.memory_space<vmem>>, vector<1x16xf32>,
      %get3A_518 = vector.shape_cast %get3A_517 : vector<1x16xf32> to vector<16xf32>
      %mul3A_519 = arith.mulf %get3A_514, %gather3A_198 : vector<16xf32>
      %mul3A_520 = arith.mulf %get3A_518, %gather3A_205 : vector<16xf32>
      %add3A_521 = arith.addf %mul3A_519, %mul3A_520 : vector<16xf32>
      %swap3A_522 = arith.index_cast %add3A_207 : i32 to index
      %swap3A_523 = arith.constant 304 : index
      %swap3A_524 = tpu.vector_load %arg10[%swap3A_522, %swap3A_523] {strides = array<i32>} : memref<64x768xf32, #tpu.memory_space<vmem>>, vector<1x16xf32>,
      %swap3A_525 = vector.shape_cast %swap3A_524 : vector<1x16xf32> to vector<16xf32>
      %swap3A_526 = vector.shape_cast %add3A_521 : vector<16xf32> to vector<1x16xf32>
      tpu.vector_store %arg10[%swap3A_522, %swap3A_523], %swap3A_526 {strides = array<i32>} : memref<64x768xf32, #tpu.memory_space<vmem>>, vector<1x16xf32>,
      %get3A_527 = arith.index_cast %add3A_207 : i32 to index
      %get3A_528 = arith.constant 320 : index
      %get3A_529 = tpu.vector_load %arg10[%get3A_527, %get3A_528] {strides = array<i32>} : memref<64x768xf32, #tpu.memory_space<vmem>>, vector<1x16xf32>,
      %get3A_530 = vector.shape_cast %get3A_529 : vector<1x16xf32> to vector<16xf32>
      %get3A_531 = arith.index_cast %add3A_207 : i32 to index
      %get3A_532 = arith.constant 320 : index
      %get3A_533 = tpu.vector_load %arg11[%get3A_531, %get3A_532] {strides = array<i32>} : memref<64x768xf32, #tpu.memory_space<vmem>>, vector<1x16xf32>,
      %get3A_534 = vector.shape_cast %get3A_533 : vector<1x16xf32> to vector<16xf32>
      %mul3A_535 = arith.mulf %get3A_530, %gather3A_198 : vector<16xf32>
      %mul3A_536 = arith.mulf %get3A_534, %gather3A_205 : vector<16xf32>
      %add3A_537 = arith.addf %mul3A_535, %mul3A_536 : vector<16xf32>
      %swap3A_538 = arith.index_cast %add3A_207 : i32 to index
      %swap3A_539 = arith.constant 320 : index
      %swap3A_540 = tpu.vector_load %arg10[%swap3A_538, %swap3A_539] {strides = array<i32>} : memref<64x768xf32, #tpu.memory_space<vmem>>, vector<1x16xf32>,
      %swap3A_541 = vector.shape_cast %swap3A_540 : vector<1x16xf32> to vector<16xf32>
      %swap3A_542 = vector.shape_cast %add3A_537 : vector<16xf32> to vector<1x16xf32>
      tpu.vector_store %arg10[%swap3A_538, %swap3A_539], %swap3A_542 {strides = array<i32>} : memref<64x768xf32, #tpu.memory_space<vmem>>, vector<1x16xf32>,
      %get3A_543 = arith.index_cast %add3A_207 : i32 to index
      %get3A_544 = arith.constant 336 : index
      %get3A_545 = tpu.vector_load %arg10[%get3A_543, %get3A_544] {strides = array<i32>} : memref<64x768xf32, #tpu.memory_space<vmem>>, vector<1x16xf32>,
      %get3A_546 = vector.shape_cast %get3A_545 : vector<1x16xf32> to vector<16xf32>
      %get3A_547 = arith.index_cast %add3A_207 : i32 to index
      %get3A_548 = arith.constant 336 : index
      %get3A_549 = tpu.vector_load %arg11[%get3A_547, %get3A_548] {strides = array<i32>} : memref<64x768xf32, #tpu.memory_space<vmem>>, vector<1x16xf32>,
      %get3A_550 = vector.shape_cast %get3A_549 : vector<1x16xf32> to vector<16xf32>
      %mul3A_551 = arith.mulf %get3A_546, %gather3A_198 : vector<16xf32>
      %mul3A_552 = arith.mulf %get3A_550, %gather3A_205 : vector<16xf32>
      %add3A_553 = arith.addf %mul3A_551, %mul3A_552 : vector<16xf32>
      %swap3A_554 = arith.index_cast %add3A_207 : i32 to index
      %swap3A_555 = arith.constant 336 : index
      %swap3A_556 = tpu.vector_load %arg10[%swap3A_554, %swap3A_555] {strides = array<i32>} : memref<64x768xf32, #tpu.memory_space<vmem>>, vector<1x16xf32>,
      %swap3A_557 = vector.shape_cast %swap3A_556 : vector<1x16xf32> to vector<16xf32>
      %swap3A_558 = vector.shape_cast %add3A_553 : vector<16xf32> to vector<1x16xf32>
      tpu.vector_store %arg10[%swap3A_554, %swap3A_555], %swap3A_558 {strides = array<i32>} : memref<64x768xf32, #tpu.memory_space<vmem>>, vector<1x16xf32>,
      %get3A_559 = arith.index_cast %add3A_207 : i32 to index
      %get3A_560 = arith.constant 352 : index
      %get3A_561 = tpu.vector_load %arg10[%get3A_559, %get3A_560] {strides = array<i32>} : memref<64x768xf32, #tpu.memory_space<vmem>>, vector<1x16xf32>,
      %get3A_562 = vector.shape_cast %get3A_561 : vector<1x16xf32> to vector<16xf32>
      %get3A_563 = arith.index_cast %add3A_207 : i32 to index
      %get3A_564 = arith.constant 352 : index
      %get3A_565 = tpu.vector_load %arg11[%get3A_563, %get3A_564] {strides = array<i32>} : memref<64x768xf32, #tpu.memory_space<vmem>>, vector<1x16xf32>,
      %get3A_566 = vector.shape_cast %get3A_565 : vector<1x16xf32> to vector<16xf32>
      %mul3A_567 = arith.mulf %get3A_562, %gather3A_198 : vector<16xf32>
      %mul3A_568 = arith.mulf %get3A_566, %gather3A_205 : vector<16xf32>
      %add3A_569 = arith.addf %mul3A_567, %mul3A_568 : vector<16xf32>
      %swap3A_570 = arith.index_cast %add3A_207 : i32 to index
      %swap3A_571 = arith.constant 352 : index
      %swap3A_572 = tpu.vector_load %arg10[%swap3A_570, %swap3A_571] {strides = array<i32>} : memref<64x768xf32, #tpu.memory_space<vmem>>, vector<1x16xf32>,
      %swap3A_573 = vector.shape_cast %swap3A_572 : vector<1x16xf32> to vector<16xf32>
      %swap3A_574 = vector.shape_cast %add3A_569 : vector<16xf32> to vector<1x16xf32>
      tpu.vector_store %arg10[%swap3A_570, %swap3A_571], %swap3A_574 {strides = array<i32>} : memref<64x768xf32, #tpu.memory_space<vmem>>, vector<1x16xf32>,
      %get3A_575 = arith.index_cast %add3A_207 : i32 to index
      %get3A_576 = arith.constant 368 : index
      %get3A_577 = tpu.vector_load %arg10[%get3A_575, %get3A_576] {strides = array<i32>} : memref<64x768xf32, #tpu.memory_space<vmem>>, vector<1x16xf32>,
      %get3A_578 = vector.shape_cast %get3A_577 : vector<1x16xf32> to vector<16xf32>
      %get3A_579 = arith.index_cast %add3A_207 : i32 to index
      %get3A_580 = arith.constant 368 : index
      %get3A_581 = tpu.vector_load %arg11[%get3A_579, %get3A_580] {strides = array<i32>} : memref<64x768xf32, #tpu.memory_space<vmem>>, vector<1x16xf32>,
      %get3A_582 = vector.shape_cast %get3A_581 : vector<1x16xf32> to vector<16xf32>
      %mul3A_583 = arith.mulf %get3A_578, %gather3A_198 : vector<16xf32>
      %mul3A_584 = arith.mulf %get3A_582, %gather3A_205 : vector<16xf32>
      %add3A_585 = arith.addf %mul3A_583, %mul3A_584 : vector<16xf32>
      %swap3A_586 = arith.index_cast %add3A_207 : i32 to index
      %swap3A_587 = arith.constant 368 : index
      %swap3A_588 = tpu.vector_load %arg10[%swap3A_586, %swap3A_587] {strides = array<i32>} : memref<64x768xf32, #tpu.memory_space<vmem>>, vector<1x16xf32>,
      %swap3A_589 = vector.shape_cast %swap3A_588 : vector<1x16xf32> to vector<16xf32>
      %swap3A_590 = vector.shape_cast %add3A_585 : vector<16xf32> to vector<1x16xf32>
      tpu.vector_store %arg10[%swap3A_586, %swap3A_587], %swap3A_590 {strides = array<i32>} : memref<64x768xf32, #tpu.memory_space<vmem>>, vector<1x16xf32>,
      %get3A_591 = arith.index_cast %add3A_207 : i32 to index
      %get3A_592 = arith.constant 384 : index
      %get3A_593 = tpu.vector_load %arg10[%get3A_591, %get3A_592] {strides = array<i32>} : memref<64x768xf32, #tpu.memory_space<vmem>>, vector<1x16xf32>,
      %get3A_594 = vector.shape_cast %get3A_593 : vector<1x16xf32> to vector<16xf32>
      %get3A_595 = arith.index_cast %add3A_207 : i32 to index
      %get3A_596 = arith.constant 384 : index
      %get3A_597 = tpu.vector_load %arg11[%get3A_595, %get3A_596] {strides = array<i32>} : memref<64x768xf32, #tpu.memory_space<vmem>>, vector<1x16xf32>,
      %get3A_598 = vector.shape_cast %get3A_597 : vector<1x16xf32> to vector<16xf32>
      %mul3A_599 = arith.mulf %get3A_594, %gather3A_198 : vector<16xf32>
      %mul3A_600 = arith.mulf %get3A_598, %gather3A_205 : vector<16xf32>
      %add3A_601 = arith.addf %mul3A_599, %mul3A_600 : vector<16xf32>
      %swap3A_602 = arith.index_cast %add3A_207 : i32 to index
      %swap3A_603 = arith.constant 384 : index
      %swap3A_604 = tpu.vector_load %arg10[%swap3A_602, %swap3A_603] {strides = array<i32>} : memref<64x768xf32, #tpu.memory_space<vmem>>, vector<1x16xf32>,
      %swap3A_605 = vector.shape_cast %swap3A_604 : vector<1x16xf32> to vector<16xf32>
      %swap3A_606 = vector.shape_cast %add3A_601 : vector<16xf32> to vector<1x16xf32>
      tpu.vector_store %arg10[%swap3A_602, %swap3A_603], %swap3A_606 {strides = array<i32>} : memref<64x768xf32, #tpu.memory_space<vmem>>, vector<1x16xf32>,
      %get3A_607 = arith.index_cast %add3A_207 : i32 to index
      %get3A_608 = arith.constant 400 : index
      %get3A_609 = tpu.vector_load %arg10[%get3A_607, %get3A_608] {strides = array<i32>} : memref<64x768xf32, #tpu.memory_space<vmem>>, vector<1x16xf32>,
      %get3A_610 = vector.shape_cast %get3A_609 : vector<1x16xf32> to vector<16xf32>
      %get3A_611 = arith.index_cast %add3A_207 : i32 to index
      %get3A_612 = arith.constant 400 : index
      %get3A_613 = tpu.vector_load %arg11[%get3A_611, %get3A_612] {strides = array<i32>} : memref<64x768xf32, #tpu.memory_space<vmem>>, vector<1x16xf32>,
      %get3A_614 = vector.shape_cast %get3A_613 : vector<1x16xf32> to vector<16xf32>
      %mul3A_615 = arith.mulf %get3A_610, %gather3A_198 : vector<16xf32>
      %mul3A_616 = arith.mulf %get3A_614, %gather3A_205 : vector<16xf32>
      %add3A_617 = arith.addf %mul3A_615, %mul3A_616 : vector<16xf32>
      %swap3A_618 = arith.index_cast %add3A_207 : i32 to index
      %swap3A_619 = arith.constant 400 : index
      %swap3A_620 = tpu.vector_load %arg10[%swap3A_618, %swap3A_619] {strides = array<i32>} : memref<64x768xf32, #tpu.memory_space<vmem>>, vector<1x16xf32>,
      %swap3A_621 = vector.shape_cast %swap3A_620 : vector<1x16xf32> to vector<16xf32>
      %swap3A_622 = vector.shape_cast %add3A_617 : vector<16xf32> to vector<1x16xf32>
      tpu.vector_store %arg10[%swap3A_618, %swap3A_619], %swap3A_622 {strides = array<i32>} : memref<64x768xf32, #tpu.memory_space<vmem>>, vector<1x16xf32>,
      %get3A_623 = arith.index_cast %add3A_207 : i32 to index
      %get3A_624 = arith.constant 416 : index
      %get3A_625 = tpu.vector_load %arg10[%get3A_623, %get3A_624] {strides = array<i32>} : memref<64x768xf32, #tpu.memory_space<vmem>>, vector<1x16xf32>,
      %get3A_626 = vector.shape_cast %get3A_625 : vector<1x16xf32> to vector<16xf32>
      %get3A_627 = arith.index_cast %add3A_207 : i32 to index
      %get3A_628 = arith.constant 416 : index
      %get3A_629 = tpu.vector_load %arg11[%get3A_627, %get3A_628] {strides = array<i32>} : memref<64x768xf32, #tpu.memory_space<vmem>>, vector<1x16xf32>,
      %get3A_630 = vector.shape_cast %get3A_629 : vector<1x16xf32> to vector<16xf32>
      %mul3A_631 = arith.mulf %get3A_626, %gather3A_198 : vector<16xf32>
      %mul3A_632 = arith.mulf %get3A_630, %gather3A_205 : vector<16xf32>
      %add3A_633 = arith.addf %mul3A_631, %mul3A_632 : vector<16xf32>
      %swap3A_634 = arith.index_cast %add3A_207 : i32 to index
      %swap3A_635 = arith.constant 416 : index
      %swap3A_636 = tpu.vector_load %arg10[%swap3A_634, %swap3A_635] {strides = array<i32>} : memref<64x768xf32, #tpu.memory_space<vmem>>, vector<1x16xf32>,
      %swap3A_637 = vector.shape_cast %swap3A_636 : vector<1x16xf32> to vector<16xf32>
      %swap3A_638 = vector.shape_cast %add3A_633 : vector<16xf32> to vector<1x16xf32>
      tpu.vector_store %arg10[%swap3A_634, %swap3A_635], %swap3A_638 {strides = array<i32>} : memref<64x768xf32, #tpu.memory_space<vmem>>, vector<1x16xf32>,
      %get3A_639 = arith.index_cast %add3A_207 : i32 to index
      %get3A_640 = arith.constant 432 : index
      %get3A_641 = tpu.vector_load %arg10[%get3A_639, %get3A_640] {strides = array<i32>} : memref<64x768xf32, #tpu.memory_space<vmem>>, vector<1x16xf32>,
      %get3A_642 = vector.shape_cast %get3A_641 : vector<1x16xf32> to vector<16xf32>
      %get3A_643 = arith.index_cast %add3A_207 : i32 to index
      %get3A_644 = arith.constant 432 : index
      %get3A_645 = tpu.vector_load %arg11[%get3A_643, %get3A_644] {strides = array<i32>} : memref<64x768xf32, #tpu.memory_space<vmem>>, vector<1x16xf32>,
      %get3A_646 = vector.shape_cast %get3A_645 : vector<1x16xf32> to vector<16xf32>
      %mul3A_647 = arith.mulf %get3A_642, %gather3A_198 : vector<16xf32>
      %mul3A_648 = arith.mulf %get3A_646, %gather3A_205 : vector<16xf32>
      %add3A_649 = arith.addf %mul3A_647, %mul3A_648 : vector<16xf32>
      %swap3A_650 = arith.index_cast %add3A_207 : i32 to index
      %swap3A_651 = arith.constant 432 : index
      %swap3A_652 = tpu.vector_load %arg10[%swap3A_650, %swap3A_651] {strides = array<i32>} : memref<64x768xf32, #tpu.memory_space<vmem>>, vector<1x16xf32>,
      %swap3A_653 = vector.shape_cast %swap3A_652 : vector<1x16xf32> to vector<16xf32>
      %swap3A_654 = vector.shape_cast %add3A_649 : vector<16xf32> to vector<1x16xf32>
      tpu.vector_store %arg10[%swap3A_650, %swap3A_651], %swap3A_654 {strides = array<i32>} : memref<64x768xf32, #tpu.memory_space<vmem>>, vector<1x16xf32>,
      %get3A_655 = arith.index_cast %add3A_207 : i32 to index
      %get3A_656 = arith.constant 448 : index
      %get3A_657 = tpu.vector_load %arg10[%get3A_655, %get3A_656] {strides = array<i32>} : memref<64x768xf32, #tpu.memory_space<vmem>>, vector<1x16xf32>,
      %get3A_658 = vector.shape_cast %get3A_657 : vector<1x16xf32> to vector<16xf32>
      %get3A_659 = arith.index_cast %add3A_207 : i32 to index
      %get3A_660 = arith.constant 448 : index
      %get3A_661 = tpu.vector_load %arg11[%get3A_659, %get3A_660] {strides = array<i32>} : memref<64x768xf32, #tpu.memory_space<vmem>>, vector<1x16xf32>,
      %get3A_662 = vector.shape_cast %get3A_661 : vector<1x16xf32> to vector<16xf32>
      %mul3A_663 = arith.mulf %get3A_658, %gather3A_198 : vector<16xf32>
      %mul3A_664 = arith.mulf %get3A_662, %gather3A_205 : vector<16xf32>
      %add3A_665 = arith.addf %mul3A_663, %mul3A_664 : vector<16xf32>
      %swap3A_666 = arith.index_cast %add3A_207 : i32 to index
      %swap3A_667 = arith.constant 448 : index
      %swap3A_668 = tpu.vector_load %arg10[%swap3A_666, %swap3A_667] {strides = array<i32>} : memref<64x768xf32, #tpu.memory_space<vmem>>, vector<1x16xf32>,
      %swap3A_669 = vector.shape_cast %swap3A_668 : vector<1x16xf32> to vector<16xf32>
      %swap3A_670 = vector.shape_cast %add3A_665 : vector<16xf32> to vector<1x16xf32>
      tpu.vector_store %arg10[%swap3A_666, %swap3A_667], %swap3A_670 {strides = array<i32>} : memref<64x768xf32, #tpu.memory_space<vmem>>, vector<1x16xf32>,
      %get3A_671 = arith.index_cast %add3A_207 : i32 to index
      %get3A_672 = arith.constant 464 : index
      %get3A_673 = tpu.vector_load %arg10[%get3A_671, %get3A_672] {strides = array<i32>} : memref<64x768xf32, #tpu.memory_space<vmem>>, vector<1x16xf32>,
      %get3A_674 = vector.shape_cast %get3A_673 : vector<1x16xf32> to vector<16xf32>
      %get3A_675 = arith.index_cast %add3A_207 : i32 to index
      %get3A_676 = arith.constant 464 : index
      %get3A_677 = tpu.vector_load %arg11[%get3A_675, %get3A_676] {strides = array<i32>} : memref<64x768xf32, #tpu.memory_space<vmem>>, vector<1x16xf32>,
      %get3A_678 = vector.shape_cast %get3A_677 : vector<1x16xf32> to vector<16xf32>
      %mul3A_679 = arith.mulf %get3A_674, %gather3A_198 : vector<16xf32>
      %mul3A_680 = arith.mulf %get3A_678, %gather3A_205 : vector<16xf32>
      %add3A_681 = arith.addf %mul3A_679, %mul3A_680 : vector<16xf32>
      %swap3A_682 = arith.index_cast %add3A_207 : i32 to index
      %swap3A_683 = arith.constant 464 : index
      %swap3A_684 = tpu.vector_load %arg10[%swap3A_682, %swap3A_683] {strides = array<i32>} : memref<64x768xf32, #tpu.memory_space<vmem>>, vector<1x16xf32>,
      %swap3A_685 = vector.shape_cast %swap3A_684 : vector<1x16xf32> to vector<16xf32>
      %swap3A_686 = vector.shape_cast %add3A_681 : vector<16xf32> to vector<1x16xf32>
      tpu.vector_store %arg10[%swap3A_682, %swap3A_683], %swap3A_686 {strides = array<i32>} : memref<64x768xf32, #tpu.memory_space<vmem>>, vector<1x16xf32>,
      %get3A_687 = arith.index_cast %add3A_207 : i32 to index
      %get3A_688 = arith.constant 480 : index
      %get3A_689 = tpu.vector_load %arg10[%get3A_687, %get3A_688] {strides = array<i32>} : memref<64x768xf32, #tpu.memory_space<vmem>>, vector<1x16xf32>,
      %get3A_690 = vector.shape_cast %get3A_689 : vector<1x16xf32> to vector<16xf32>
      %get3A_691 = arith.index_cast %add3A_207 : i32 to index
      %get3A_692 = arith.constant 480 : index
      %get3A_693 = tpu.vector_load %arg11[%get3A_691, %get3A_692] {strides = array<i32>} : memref<64x768xf32, #tpu.memory_space<vmem>>, vector<1x16xf32>,
      %get3A_694 = vector.shape_cast %get3A_693 : vector<1x16xf32> to vector<16xf32>
      %mul3A_695 = arith.mulf %get3A_690, %gather3A_198 : vector<16xf32>
      %mul3A_696 = arith.mulf %get3A_694, %gather3A_205 : vector<16xf32>
      %add3A_697 = arith.addf %mul3A_695, %mul3A_696 : vector<16xf32>
      %swap3A_698 = arith.index_cast %add3A_207 : i32 to index
      %swap3A_699 = arith.constant 480 : index
      %swap3A_700 = tpu.vector_load %arg10[%swap3A_698, %swap3A_699] {strides = array<i32>} : memref<64x768xf32, #tpu.memory_space<vmem>>, vector<1x16xf32>,
      %swap3A_701 = vector.shape_cast %swap3A_700 : vector<1x16xf32> to vector<16xf32>
      %swap3A_702 = vector.shape_cast %add3A_697 : vector<16xf32> to vector<1x16xf32>
      tpu.vector_store %arg10[%swap3A_698, %swap3A_699], %swap3A_702 {strides = array<i32>} : memref<64x768xf32, #tpu.memory_space<vmem>>, vector<1x16xf32>,
      %get3A_703 = arith.index_cast %add3A_207 : i32 to index
      %get3A_704 = arith.constant 496 : index
      %get3A_705 = tpu.vector_load %arg10[%get3A_703, %get3A_704] {strides = array<i32>} : memref<64x768xf32, #tpu.memory_space<vmem>>, vector<1x16xf32>,
      %get3A_706 = vector.shape_cast %get3A_705 : vector<1x16xf32> to vector<16xf32>
      %get3A_707 = arith.index_cast %add3A_207 : i32 to index
      %get3A_708 = arith.constant 496 : index
      %get3A_709 = tpu.vector_load %arg11[%get3A_707, %get3A_708] {strides = array<i32>} : memref<64x768xf32, #tpu.memory_space<vmem>>, vector<1x16xf32>,
      %get3A_710 = vector.shape_cast %get3A_709 : vector<1x16xf32> to vector<16xf32>
      %mul3A_711 = arith.mulf %get3A_706, %gather3A_198 : vector<16xf32>
      %mul3A_712 = arith.mulf %get3A_710, %gather3A_205 : vector<16xf32>
      %add3A_713 = arith.addf %mul3A_711, %mul3A_712 : vector<16xf32>
      %swap3A_714 = arith.index_cast %add3A_207 : i32 to index
      %swap3A_715 = arith.constant 496 : index
      %swap3A_716 = tpu.vector_load %arg10[%swap3A_714, %swap3A_715] {strides = array<i32>} : memref<64x768xf32, #tpu.memory_space<vmem>>, vector<1x16xf32>,
      %swap3A_717 = vector.shape_cast %swap3A_716 : vector<1x16xf32> to vector<16xf32>
      %swap3A_718 = vector.shape_cast %add3A_713 : vector<16xf32> to vector<1x16xf32>
      tpu.vector_store %arg10[%swap3A_714, %swap3A_715], %swap3A_718 {strides = array<i32>} : memref<64x768xf32, #tpu.memory_space<vmem>>, vector<1x16xf32>,
      %get3A_719 = arith.index_cast %add3A_207 : i32 to index
      %get3A_720 = arith.constant 512 : index
      %get3A_721 = tpu.vector_load %arg10[%get3A_719, %get3A_720] {strides = array<i32>} : memref<64x768xf32, #tpu.memory_space<vmem>>, vector<1x16xf32>,
      %get3A_722 = vector.shape_cast %get3A_721 : vector<1x16xf32> to vector<16xf32>
      %get3A_723 = arith.index_cast %add3A_207 : i32 to index
      %get3A_724 = arith.constant 512 : index
      %get3A_725 = tpu.vector_load %arg11[%get3A_723, %get3A_724] {strides = array<i32>} : memref<64x768xf32, #tpu.memory_space<vmem>>, vector<1x16xf32>,
      %get3A_726 = vector.shape_cast %get3A_725 : vector<1x16xf32> to vector<16xf32>
      %mul3A_727 = arith.mulf %get3A_722, %gather3A_198 : vector<16xf32>
      %mul3A_728 = arith.mulf %get3A_726, %gather3A_205 : vector<16xf32>
      %add3A_729 = arith.addf %mul3A_727, %mul3A_728 : vector<16xf32>
      %swap3A_730 = arith.index_cast %add3A_207 : i32 to index
      %swap3A_731 = arith.constant 512 : index
      %swap3A_732 = tpu.vector_load %arg10[%swap3A_730, %swap3A_731] {strides = array<i32>} : memref<64x768xf32, #tpu.memory_space<vmem>>, vector<1x16xf32>,
      %swap3A_733 = vector.shape_cast %swap3A_732 : vector<1x16xf32> to vector<16xf32>
      %swap3A_734 = vector.shape_cast %add3A_729 : vector<16xf32> to vector<1x16xf32>
      tpu.vector_store %arg10[%swap3A_730, %swap3A_731], %swap3A_734 {strides = array<i32>} : memref<64x768xf32, #tpu.memory_space<vmem>>, vector<1x16xf32>,
      %get3A_735 = arith.index_cast %add3A_207 : i32 to index
      %get3A_736 = arith.constant 528 : index
      %get3A_737 = tpu.vector_load %arg10[%get3A_735, %get3A_736] {strides = array<i32>} : memref<64x768xf32, #tpu.memory_space<vmem>>, vector<1x16xf32>,
      %get3A_738 = vector.shape_cast %get3A_737 : vector<1x16xf32> to vector<16xf32>
      %get3A_739 = arith.index_cast %add3A_207 : i32 to index
      %get3A_740 = arith.constant 528 : index
      %get3A_741 = tpu.vector_load %arg11[%get3A_739, %get3A_740] {strides = array<i32>} : memref<64x768xf32, #tpu.memory_space<vmem>>, vector<1x16xf32>,
      %get3A_742 = vector.shape_cast %get3A_741 : vector<1x16xf32> to vector<16xf32>
      %mul3A_743 = arith.mulf %get3A_738, %gather3A_198 : vector<16xf32>
      %mul3A_744 = arith.mulf %get3A_742, %gather3A_205 : vector<16xf32>
      %add3A_745 = arith.addf %mul3A_743, %mul3A_744 : vector<16xf32>
      %swap3A_746 = arith.index_cast %add3A_207 : i32 to index
      %swap3A_747 = arith.constant 528 : index
      %swap3A_748 = tpu.vector_load %arg10[%swap3A_746, %swap3A_747] {strides = array<i32>} : memref<64x768xf32, #tpu.memory_space<vmem>>, vector<1x16xf32>,
      %swap3A_749 = vector.shape_cast %swap3A_748 : vector<1x16xf32> to vector<16xf32>
      %swap3A_750 = vector.shape_cast %add3A_745 : vector<16xf32> to vector<1x16xf32>
      tpu.vector_store %arg10[%swap3A_746, %swap3A_747], %swap3A_750 {strides = array<i32>} : memref<64x768xf32, #tpu.memory_space<vmem>>, vector<1x16xf32>,
      %get3A_751 = arith.index_cast %add3A_207 : i32 to index
      %get3A_752 = arith.constant 544 : index
      %get3A_753 = tpu.vector_load %arg10[%get3A_751, %get3A_752] {strides = array<i32>} : memref<64x768xf32, #tpu.memory_space<vmem>>, vector<1x16xf32>,
      %get3A_754 = vector.shape_cast %get3A_753 : vector<1x16xf32> to vector<16xf32>
      %get3A_755 = arith.index_cast %add3A_207 : i32 to index
      %get3A_756 = arith.constant 544 : index
      %get3A_757 = tpu.vector_load %arg11[%get3A_755, %get3A_756] {strides = array<i32>} : memref<64x768xf32, #tpu.memory_space<vmem>>, vector<1x16xf32>,
      %get3A_758 = vector.shape_cast %get3A_757 : vector<1x16xf32> to vector<16xf32>
      %mul3A_759 = arith.mulf %get3A_754, %gather3A_198 : vector<16xf32>
      %mul3A_760 = arith.mulf %get3A_758, %gather3A_205 : vector<16xf32>
      %add3A_761 = arith.addf %mul3A_759, %mul3A_760 : vector<16xf32>
      %swap3A_762 = arith.index_cast %add3A_207 : i32 to index
      %swap3A_763 = arith.constant 544 : index
      %swap3A_764 = tpu.vector_load %arg10[%swap3A_762, %swap3A_763] {strides = array<i32>} : memref<64x768xf32, #tpu.memory_space<vmem>>, vector<1x16xf32>,
      %swap3A_765 = vector.shape_cast %swap3A_764 : vector<1x16xf32> to vector<16xf32>
      %swap3A_766 = vector.shape_cast %add3A_761 : vector<16xf32> to vector<1x16xf32>
      tpu.vector_store %arg10[%swap3A_762, %swap3A_763], %swap3A_766 {strides = array<i32>} : memref<64x768xf32, #tpu.memory_space<vmem>>, vector<1x16xf32>,
      %get3A_767 = arith.index_cast %add3A_207 : i32 to index
      %get3A_768 = arith.constant 560 : index
      %get3A_769 = tpu.vector_load %arg10[%get3A_767, %get3A_768] {strides = array<i32>} : memref<64x768xf32, #tpu.memory_space<vmem>>, vector<1x16xf32>,
      %get3A_770 = vector.shape_cast %get3A_769 : vector<1x16xf32> to vector<16xf32>
      %get3A_771 = arith.index_cast %add3A_207 : i32 to index
      %get3A_772 = arith.constant 560 : index
      %get3A_773 = tpu.vector_load %arg11[%get3A_771, %get3A_772] {strides = array<i32>} : memref<64x768xf32, #tpu.memory_space<vmem>>, vector<1x16xf32>,
      %get3A_774 = vector.shape_cast %get3A_773 : vector<1x16xf32> to vector<16xf32>
      %mul3A_775 = arith.mulf %get3A_770, %gather3A_198 : vector<16xf32>
      %mul3A_776 = arith.mulf %get3A_774, %gather3A_205 : vector<16xf32>
      %add3A_777 = arith.addf %mul3A_775, %mul3A_776 : vector<16xf32>
      %swap3A_778 = arith.index_cast %add3A_207 : i32 to index
      %swap3A_779 = arith.constant 560 : index
      %swap3A_780 = tpu.vector_load %arg10[%swap3A_778, %swap3A_779] {strides = array<i32>} : memref<64x768xf32, #tpu.memory_space<vmem>>, vector<1x16xf32>,
      %swap3A_781 = vector.shape_cast %swap3A_780 : vector<1x16xf32> to vector<16xf32>
      %swap3A_782 = vector.shape_cast %add3A_777 : vector<16xf32> to vector<1x16xf32>
      tpu.vector_store %arg10[%swap3A_778, %swap3A_779], %swap3A_782 {strides = array<i32>} : memref<64x768xf32, #tpu.memory_space<vmem>>, vector<1x16xf32>,
      %get3A_783 = arith.index_cast %add3A_207 : i32 to index
      %get3A_784 = arith.constant 576 : index
      %get3A_785 = tpu.vector_load %arg10[%get3A_783, %get3A_784] {strides = array<i32>} : memref<64x768xf32, #tpu.memory_space<vmem>>, vector<1x16xf32>,
      %get3A_786 = vector.shape_cast %get3A_785 : vector<1x16xf32> to vector<16xf32>
      %get3A_787 = arith.index_cast %add3A_207 : i32 to index
      %get3A_788 = arith.constant 576 : index
      %get3A_789 = tpu.vector_load %arg11[%get3A_787, %get3A_788] {strides = array<i32>} : memref<64x768xf32, #tpu.memory_space<vmem>>, vector<1x16xf32>,
      %get3A_790 = vector.shape_cast %get3A_789 : vector<1x16xf32> to vector<16xf32>
      %mul3A_791 = arith.mulf %get3A_786, %gather3A_198 : vector<16xf32>
      %mul3A_792 = arith.mulf %get3A_790, %gather3A_205 : vector<16xf32>
      %add3A_793 = arith.addf %mul3A_791, %mul3A_792 : vector<16xf32>
      %swap3A_794 = arith.index_cast %add3A_207 : i32 to index
      %swap3A_795 = arith.constant 576 : index
      %swap3A_796 = tpu.vector_load %arg10[%swap3A_794, %swap3A_795] {strides = array<i32>} : memref<64x768xf32, #tpu.memory_space<vmem>>, vector<1x16xf32>,
      %swap3A_797 = vector.shape_cast %swap3A_796 : vector<1x16xf32> to vector<16xf32>
      %swap3A_798 = vector.shape_cast %add3A_793 : vector<16xf32> to vector<1x16xf32>
      tpu.vector_store %arg10[%swap3A_794, %swap3A_795], %swap3A_798 {strides = array<i32>} : memref<64x768xf32, #tpu.memory_space<vmem>>, vector<1x16xf32>,
      %get3A_799 = arith.index_cast %add3A_207 : i32 to index
      %get3A_800 = arith.constant 592 : index
      %get3A_801 = tpu.vector_load %arg10[%get3A_799, %get3A_800] {strides = array<i32>} : memref<64x768xf32, #tpu.memory_space<vmem>>, vector<1x16xf32>,
      %get3A_802 = vector.shape_cast %get3A_801 : vector<1x16xf32> to vector<16xf32>
      %get3A_803 = arith.index_cast %add3A_207 : i32 to index
      %get3A_804 = arith.constant 592 : index
      %get3A_805 = tpu.vector_load %arg11[%get3A_803, %get3A_804] {strides = array<i32>} : memref<64x768xf32, #tpu.memory_space<vmem>>, vector<1x16xf32>,
      %get3A_806 = vector.shape_cast %get3A_805 : vector<1x16xf32> to vector<16xf32>
      %mul3A_807 = arith.mulf %get3A_802, %gather3A_198 : vector<16xf32>
      %mul3A_808 = arith.mulf %get3A_806, %gather3A_205 : vector<16xf32>
      %add3A_809 = arith.addf %mul3A_807, %mul3A_808 : vector<16xf32>
      %swap3A_810 = arith.index_cast %add3A_207 : i32 to index
      %swap3A_811 = arith.constant 592 : index
      %swap3A_812 = tpu.vector_load %arg10[%swap3A_810, %swap3A_811] {strides = array<i32>} : memref<64x768xf32, #tpu.memory_space<vmem>>, vector<1x16xf32>,
      %swap3A_813 = vector.shape_cast %swap3A_812 : vector<1x16xf32> to vector<16xf32>
      %swap3A_814 = vector.shape_cast %add3A_809 : vector<16xf32> to vector<1x16xf32>
      tpu.vector_store %arg10[%swap3A_810, %swap3A_811], %swap3A_814 {strides = array<i32>} : memref<64x768xf32, #tpu.memory_space<vmem>>, vector<1x16xf32>,
      %get3A_815 = arith.index_cast %add3A_207 : i32 to index
      %get3A_816 = arith.constant 608 : index
      %get3A_817 = tpu.vector_load %arg10[%get3A_815, %get3A_816] {strides = array<i32>} : memref<64x768xf32, #tpu.memory_space<vmem>>, vector<1x16xf32>,
      %get3A_818 = vector.shape_cast %get3A_817 : vector<1x16xf32> to vector<16xf32>
      %get3A_819 = arith.index_cast %add3A_207 : i32 to index
      %get3A_820 = arith.constant 608 : index
      %get3A_821 = tpu.vector_load %arg11[%get3A_819, %get3A_820] {strides = array<i32>} : memref<64x768xf32, #tpu.memory_space<vmem>>, vector<1x16xf32>,
      %get3A_822 = vector.shape_cast %get3A_821 : vector<1x16xf32> to vector<16xf32>
      %mul3A_823 = arith.mulf %get3A_818, %gather3A_198 : vector<16xf32>
      %mul3A_824 = arith.mulf %get3A_822, %gather3A_205 : vector<16xf32>
      %add3A_825 = arith.addf %mul3A_823, %mul3A_824 : vector<16xf32>
      %swap3A_826 = arith.index_cast %add3A_207 : i32 to index
      %swap3A_827 = arith.constant 608 : index
      %swap3A_828 = tpu.vector_load %arg10[%swap3A_826, %swap3A_827] {strides = array<i32>} : memref<64x768xf32, #tpu.memory_space<vmem>>, vector<1x16xf32>,
      %swap3A_829 = vector.shape_cast %swap3A_828 : vector<1x16xf32> to vector<16xf32>
      %swap3A_830 = vector.shape_cast %add3A_825 : vector<16xf32> to vector<1x16xf32>
      tpu.vector_store %arg10[%swap3A_826, %swap3A_827], %swap3A_830 {strides = array<i32>} : memref<64x768xf32, #tpu.memory_space<vmem>>, vector<1x16xf32>,
      %get3A_831 = arith.index_cast %add3A_207 : i32 to index
      %get3A_832 = arith.constant 624 : index
      %get3A_833 = tpu.vector_load %arg10[%get3A_831, %get3A_832] {strides = array<i32>} : memref<64x768xf32, #tpu.memory_space<vmem>>, vector<1x16xf32>,
      %get3A_834 = vector.shape_cast %get3A_833 : vector<1x16xf32> to vector<16xf32>
      %get3A_835 = arith.index_cast %add3A_207 : i32 to index
      %get3A_836 = arith.constant 624 : index
      %get3A_837 = tpu.vector_load %arg11[%get3A_835, %get3A_836] {strides = array<i32>} : memref<64x768xf32, #tpu.memory_space<vmem>>, vector<1x16xf32>,
      %get3A_838 = vector.shape_cast %get3A_837 : vector<1x16xf32> to vector<16xf32>
      %mul3A_839 = arith.mulf %get3A_834, %gather3A_198 : vector<16xf32>
      %mul3A_840 = arith.mulf %get3A_838, %gather3A_205 : vector<16xf32>
      %add3A_841 = arith.addf %mul3A_839, %mul3A_840 : vector<16xf32>
      %swap3A_842 = arith.index_cast %add3A_207 : i32 to index
      %swap3A_843 = arith.constant 624 : index
      %swap3A_844 = tpu.vector_load %arg10[%swap3A_842, %swap3A_843] {strides = array<i32>} : memref<64x768xf32, #tpu.memory_space<vmem>>, vector<1x16xf32>,
      %swap3A_845 = vector.shape_cast %swap3A_844 : vector<1x16xf32> to vector<16xf32>
      %swap3A_846 = vector.shape_cast %add3A_841 : vector<16xf32> to vector<1x16xf32>
      tpu.vector_store %arg10[%swap3A_842, %swap3A_843], %swap3A_846 {strides = array<i32>} : memref<64x768xf32, #tpu.memory_space<vmem>>, vector<1x16xf32>,
      %get3A_847 = arith.index_cast %add3A_207 : i32 to index
      %get3A_848 = arith.constant 640 : index
      %get3A_849 = tpu.vector_load %arg10[%get3A_847, %get3A_848] {strides = array<i32>} : memref<64x768xf32, #tpu.memory_space<vmem>>, vector<1x16xf32>,
      %get3A_850 = vector.shape_cast %get3A_849 : vector<1x16xf32> to vector<16xf32>
      %get3A_851 = arith.index_cast %add3A_207 : i32 to index
      %get3A_852 = arith.constant 640 : index
      %get3A_853 = tpu.vector_load %arg11[%get3A_851, %get3A_852] {strides = array<i32>} : memref<64x768xf32, #tpu.memory_space<vmem>>, vector<1x16xf32>,
      %get3A_854 = vector.shape_cast %get3A_853 : vector<1x16xf32> to vector<16xf32>
      %mul3A_855 = arith.mulf %get3A_850, %gather3A_198 : vector<16xf32>
      %mul3A_856 = arith.mulf %get3A_854, %gather3A_205 : vector<16xf32>
      %add3A_857 = arith.addf %mul3A_855, %mul3A_856 : vector<16xf32>
      %swap3A_858 = arith.index_cast %add3A_207 : i32 to index
      %swap3A_859 = arith.constant 640 : index
      %swap3A_860 = tpu.vector_load %arg10[%swap3A_858, %swap3A_859] {strides = array<i32>} : memref<64x768xf32, #tpu.memory_space<vmem>>, vector<1x16xf32>,
      %swap3A_861 = vector.shape_cast %swap3A_860 : vector<1x16xf32> to vector<16xf32>
      %swap3A_862 = vector.shape_cast %add3A_857 : vector<16xf32> to vector<1x16xf32>
      tpu.vector_store %arg10[%swap3A_858, %swap3A_859], %swap3A_862 {strides = array<i32>} : memref<64x768xf32, #tpu.memory_space<vmem>>, vector<1x16xf32>,
      %get3A_863 = arith.index_cast %add3A_207 : i32 to index
      %get3A_864 = arith.constant 656 : index
      %get3A_865 = tpu.vector_load %arg10[%get3A_863, %get3A_864] {strides = array<i32>} : memref<64x768xf32, #tpu.memory_space<vmem>>, vector<1x16xf32>,
      %get3A_866 = vector.shape_cast %get3A_865 : vector<1x16xf32> to vector<16xf32>
      %get3A_867 = arith.index_cast %add3A_207 : i32 to index
      %get3A_868 = arith.constant 656 : index
      %get3A_869 = tpu.vector_load %arg11[%get3A_867, %get3A_868] {strides = array<i32>} : memref<64x768xf32, #tpu.memory_space<vmem>>, vector<1x16xf32>,
      %get3A_870 = vector.shape_cast %get3A_869 : vector<1x16xf32> to vector<16xf32>
      %mul3A_871 = arith.mulf %get3A_866, %gather3A_198 : vector<16xf32>
      %mul3A_872 = arith.mulf %get3A_870, %gather3A_205 : vector<16xf32>
      %add3A_873 = arith.addf %mul3A_871, %mul3A_872 : vector<16xf32>
      %swap3A_874 = arith.index_cast %add3A_207 : i32 to index
      %swap3A_875 = arith.constant 656 : index
      %swap3A_876 = tpu.vector_load %arg10[%swap3A_874, %swap3A_875] {strides = array<i32>} : memref<64x768xf32, #tpu.memory_space<vmem>>, vector<1x16xf32>,
      %swap3A_877 = vector.shape_cast %swap3A_876 : vector<1x16xf32> to vector<16xf32>
      %swap3A_878 = vector.shape_cast %add3A_873 : vector<16xf32> to vector<1x16xf32>
      tpu.vector_store %arg10[%swap3A_874, %swap3A_875], %swap3A_878 {strides = array<i32>} : memref<64x768xf32, #tpu.memory_space<vmem>>, vector<1x16xf32>,
      %get3A_879 = arith.index_cast %add3A_207 : i32 to index
      %get3A_880 = arith.constant 672 : index
      %get3A_881 = tpu.vector_load %arg10[%get3A_879, %get3A_880] {strides = array<i32>} : memref<64x768xf32, #tpu.memory_space<vmem>>, vector<1x16xf32>,
      %get3A_882 = vector.shape_cast %get3A_881 : vector<1x16xf32> to vector<16xf32>
      %get3A_883 = arith.index_cast %add3A_207 : i32 to index
      %get3A_884 = arith.constant 672 : index
      %get3A_885 = tpu.vector_load %arg11[%get3A_883, %get3A_884] {strides = array<i32>} : memref<64x768xf32, #tpu.memory_space<vmem>>, vector<1x16xf32>,
      %get3A_886 = vector.shape_cast %get3A_885 : vector<1x16xf32> to vector<16xf32>
      %mul3A_887 = arith.mulf %get3A_882, %gather3A_198 : vector<16xf32>
      %mul3A_888 = arith.mulf %get3A_886, %gather3A_205 : vector<16xf32>
      %add3A_889 = arith.addf %mul3A_887, %mul3A_888 : vector<16xf32>
      %swap3A_890 = arith.index_cast %add3A_207 : i32 to index
      %swap3A_891 = arith.constant 672 : index
      %swap3A_892 = tpu.vector_load %arg10[%swap3A_890, %swap3A_891] {strides = array<i32>} : memref<64x768xf32, #tpu.memory_space<vmem>>, vector<1x16xf32>,
      %swap3A_893 = vector.shape_cast %swap3A_892 : vector<1x16xf32> to vector<16xf32>
      %swap3A_894 = vector.shape_cast %add3A_889 : vector<16xf32> to vector<1x16xf32>
      tpu.vector_store %arg10[%swap3A_890, %swap3A_891], %swap3A_894 {strides = array<i32>} : memref<64x768xf32, #tpu.memory_space<vmem>>, vector<1x16xf32>,
      %get3A_895 = arith.index_cast %add3A_207 : i32 to index
      %get3A_896 = arith.constant 688 : index
      %get3A_897 = tpu.vector_load %arg10[%get3A_895, %get3A_896] {strides = array<i32>} : memref<64x768xf32, #tpu.memory_space<vmem>>, vector<1x16xf32>,
      %get3A_898 = vector.shape_cast %get3A_897 : vector<1x16xf32> to vector<16xf32>
      %get3A_899 = arith.index_cast %add3A_207 : i32 to index
      %get3A_900 = arith.constant 688 : index
      %get3A_901 = tpu.vector_load %arg11[%get3A_899, %get3A_900] {strides = array<i32>} : memref<64x768xf32, #tpu.memory_space<vmem>>, vector<1x16xf32>,
      %get3A_902 = vector.shape_cast %get3A_901 : vector<1x16xf32> to vector<16xf32>
      %mul3A_903 = arith.mulf %get3A_898, %gather3A_198 : vector<16xf32>
      %mul3A_904 = arith.mulf %get3A_902, %gather3A_205 : vector<16xf32>
      %add3A_905 = arith.addf %mul3A_903, %mul3A_904 : vector<16xf32>
      %swap3A_906 = arith.index_cast %add3A_207 : i32 to index
      %swap3A_907 = arith.constant 688 : index
      %swap3A_908 = tpu.vector_load %arg10[%swap3A_906, %swap3A_907] {strides = array<i32>} : memref<64x768xf32, #tpu.memory_space<vmem>>, vector<1x16xf32>,
      %swap3A_909 = vector.shape_cast %swap3A_908 : vector<1x16xf32> to vector<16xf32>
      %swap3A_910 = vector.shape_cast %add3A_905 : vector<16xf32> to vector<1x16xf32>
      tpu.vector_store %arg10[%swap3A_906, %swap3A_907], %swap3A_910 {strides = array<i32>} : memref<64x768xf32, #tpu.memory_space<vmem>>, vector<1x16xf32>,
      %get3A_911 = arith.index_cast %add3A_207 : i32 to index
      %get3A_912 = arith.constant 704 : index
      %get3A_913 = tpu.vector_load %arg10[%get3A_911, %get3A_912] {strides = array<i32>} : memref<64x768xf32, #tpu.memory_space<vmem>>, vector<1x16xf32>,
      %get3A_914 = vector.shape_cast %get3A_913 : vector<1x16xf32> to vector<16xf32>
      %get3A_915 = arith.index_cast %add3A_207 : i32 to index
      %get3A_916 = arith.constant 704 : index
      %get3A_917 = tpu.vector_load %arg11[%get3A_915, %get3A_916] {strides = array<i32>} : memref<64x768xf32, #tpu.memory_space<vmem>>, vector<1x16xf32>,
      %get3A_918 = vector.shape_cast %get3A_917 : vector<1x16xf32> to vector<16xf32>
      %mul3A_919 = arith.mulf %get3A_914, %gather3A_198 : vector<16xf32>
      %mul3A_920 = arith.mulf %get3A_918, %gather3A_205 : vector<16xf32>
      %add3A_921 = arith.addf %mul3A_919, %mul3A_920 : vector<16xf32>
      %swap3A_922 = arith.index_cast %add3A_207 : i32 to index
      %swap3A_923 = arith.constant 704 : index
      %swap3A_924 = tpu.vector_load %arg10[%swap3A_922, %swap3A_923] {strides = array<i32>} : memref<64x768xf32, #tpu.memory_space<vmem>>, vector<1x16xf32>,
      %swap3A_925 = vector.shape_cast %swap3A_924 : vector<1x16xf32> to vector<16xf32>
      %swap3A_926 = vector.shape_cast %add3A_921 : vector<16xf32> to vector<1x16xf32>
      tpu.vector_store %arg10[%swap3A_922, %swap3A_923], %swap3A_926 {strides = array<i32>} : memref<64x768xf32, #tpu.memory_space<vmem>>, vector<1x16xf32>,
      %get3A_927 = arith.index_cast %add3A_207 : i32 to index
      %get3A_928 = arith.constant 720 : index
      %get3A_929 = tpu.vector_load %arg10[%get3A_927, %get3A_928] {strides = array<i32>} : memref<64x768xf32, #tpu.memory_space<vmem>>, vector<1x16xf32>,
      %get3A_930 = vector.shape_cast %get3A_929 : vector<1x16xf32> to vector<16xf32>
      %get3A_931 = arith.index_cast %add3A_207 : i32 to index
      %get3A_932 = arith.constant 720 : index
      %get3A_933 = tpu.vector_load %arg11[%get3A_931, %get3A_932] {strides = array<i32>} : memref<64x768xf32, #tpu.memory_space<vmem>>, vector<1x16xf32>,
      %get3A_934 = vector.shape_cast %get3A_933 : vector<1x16xf32> to vector<16xf32>
      %mul3A_935 = arith.mulf %get3A_930, %gather3A_198 : vector<16xf32>
      %mul3A_936 = arith.mulf %get3A_934, %gather3A_205 : vector<16xf32>
      %add3A_937 = arith.addf %mul3A_935, %mul3A_936 : vector<16xf32>
      %swap3A_938 = arith.index_cast %add3A_207 : i32 to index
      %swap3A_939 = arith.constant 720 : index
      %swap3A_940 = tpu.vector_load %arg10[%swap3A_938, %swap3A_939] {strides = array<i32>} : memref<64x768xf32, #tpu.memory_space<vmem>>, vector<1x16xf32>,
      %swap3A_941 = vector.shape_cast %swap3A_940 : vector<1x16xf32> to vector<16xf32>
      %swap3A_942 = vector.shape_cast %add3A_937 : vector<16xf32> to vector<1x16xf32>
      tpu.vector_store %arg10[%swap3A_938, %swap3A_939], %swap3A_942 {strides = array<i32>} : memref<64x768xf32, #tpu.memory_space<vmem>>, vector<1x16xf32>,
      %get3A_943 = arith.index_cast %add3A_207 : i32 to index
      %get3A_944 = arith.constant 736 : index
      %get3A_945 = tpu.vector_load %arg10[%get3A_943, %get3A_944] {strides = array<i32>} : memref<64x768xf32, #tpu.memory_space<vmem>>, vector<1x16xf32>,
      %get3A_946 = vector.shape_cast %get3A_945 : vector<1x16xf32> to vector<16xf32>
      %get3A_947 = arith.index_cast %add3A_207 : i32 to index
      %get3A_948 = arith.constant 736 : index
      %get3A_949 = tpu.vector_load %arg11[%get3A_947, %get3A_948] {strides = array<i32>} : memref<64x768xf32, #tpu.memory_space<vmem>>, vector<1x16xf32>,
      %get3A_950 = vector.shape_cast %get3A_949 : vector<1x16xf32> to vector<16xf32>
      %mul3A_951 = arith.mulf %get3A_946, %gather3A_198 : vector<16xf32>
      %mul3A_952 = arith.mulf %get3A_950, %gather3A_205 : vector<16xf32>
      %add3A_953 = arith.addf %mul3A_951, %mul3A_952 : vector<16xf32>
      %swap3A_954 = arith.index_cast %add3A_207 : i32 to index
      %swap3A_955 = arith.constant 736 : index
      %swap3A_956 = tpu.vector_load %arg10[%swap3A_954, %swap3A_955] {strides = array<i32>} : memref<64x768xf32, #tpu.memory_space<vmem>>, vector<1x16xf32>,
      %swap3A_957 = vector.shape_cast %swap3A_956 : vector<1x16xf32> to vector<16xf32>
      %swap3A_958 = vector.shape_cast %add3A_953 : vector<16xf32> to vector<1x16xf32>
      tpu.vector_store %arg10[%swap3A_954, %swap3A_955], %swap3A_958 {strides = array<i32>} : memref<64x768xf32, #tpu.memory_space<vmem>>, vector<1x16xf32>,
      %get3A_959 = arith.index_cast %add3A_207 : i32 to index
      %get3A_960 = arith.constant 752 : index
      %get3A_961 = tpu.vector_load %arg10[%get3A_959, %get3A_960] {strides = array<i32>} : memref<64x768xf32, #tpu.memory_space<vmem>>, vector<1x16xf32>,
      %get3A_962 = vector.shape_cast %get3A_961 : vector<1x16xf32> to vector<16xf32>
      %get3A_963 = arith.index_cast %add3A_207 : i32 to index
      %get3A_964 = arith.constant 752 : index
      %get3A_965 = tpu.vector_load %arg11[%get3A_963, %get3A_964] {strides = array<i32>} : memref<64x768xf32, #tpu.memory_space<vmem>>, vector<1x16xf32>,
      %get3A_966 = vector.shape_cast %get3A_965 : vector<1x16xf32> to vector<16xf32>
      %mul3A_967 = arith.mulf %get3A_962, %gather3A_198 : vector<16xf32>
      %mul3A_968 = arith.mulf %get3A_966, %gather3A_205 : vector<16xf32>
      %add3A_969 = arith.addf %mul3A_967, %mul3A_968 : vector<16xf32>
      %swap3A_970 = arith.index_cast %add3A_207 : i32 to index
      %swap3A_971 = arith.constant 752 : index
      %swap3A_972 = tpu.vector_load %arg10[%swap3A_970, %swap3A_971] {strides = array<i32>} : memref<64x768xf32, #tpu.memory_space<vmem>>, vector<1x16xf32>,
      %swap3A_973 = vector.shape_cast %swap3A_972 : vector<1x16xf32> to vector<16xf32>
      %swap3A_974 = vector.shape_cast %add3A_969 : vector<16xf32> to vector<1x16xf32>
      tpu.vector_store %arg10[%swap3A_970, %swap3A_971], %swap3A_974 {strides = array<i32>} : memref<64x768xf32, #tpu.memory_space<vmem>>, vector<1x16xf32>,
    }
    %scan3A_98 = arith.constant 16 : i32
    %get3A_99 = arith.constant 16 : index
    %get3A_100 = tpu.vector_load %arg8[%get3A_99] {strides = array<i32>} : memref<64xf32, #tpu.memory_space<vmem>>, vector<16xf32>,
    %get3A_101 = vector.shape_cast %get3A_100 : vector<16xf32> to vector<16xf32>
    %get3A_102 = arith.constant 16 : index
    %get3A_103 = tpu.vector_load %arg9[%get3A_102] {strides = array<i32>} : memref<64xf32, #tpu.memory_space<vmem>>, vector<16xf32>,
    %get3A_104 = vector.shape_cast %get3A_103 : vector<16xf32> to vector<16xf32>
    %scan3A_105 = arith.constant 0 : i32
    %scan3A_106 = arith.constant 0 : i32
    %scan3A_107 = arith.constant 16 : i32
    %scan3A_108 = arith.addi %scan3A_106, %scan3A_107 : i32
    %scan3A_109 = arith.constant 1 : i32
    scf.for %scan3A_193 = %scan3A_106 to %scan3A_108 step %scan3A_109  : i32 {
      %broadcast_in_dim3A = arith.constant 0 : i32
      %broadcast_in_dim3A_194 = vector.broadcast %broadcast_in_dim3A : i32 to vector<16xi32>
      %add3A_195 = vector.broadcast %scan3A_193 : i32 to vector<16xi32>
      %add3A_196 = arith.addi %broadcast_in_dim3A_194, %add3A_195 : vector<16xi32>
      %broadcast_in_dim3A_197 = vector.shape_cast %add3A_196 : vector<16xi32> to vector<16x1xi32>
      %gather3A = vector.shape_cast %broadcast_in_dim3A_197 : vector<16x1xi32> to vector<16xi32>
      %gather3A_198 = tpu.dynamic_gather %get3A_101[%gather3A] in [0] : vector<16xf32>, vector<16xi32> -> vector<16xf32>
      %broadcast_in_dim3A_199 = arith.constant 0 : i32
      %broadcast_in_dim3A_200 = vector.broadcast %broadcast_in_dim3A_199 : i32 to vector<16xi32>
      %add3A_201 = vector.broadcast %scan3A_193 : i32 to vector<16xi32>
      %add3A_202 = arith.addi %broadcast_in_dim3A_200, %add3A_201 : vector<16xi32>
      %broadcast_in_dim3A_203 = vector.shape_cast %add3A_202 : vector<16xi32> to vector<16x1xi32>
      %gather3A_204 = vector.shape_cast %broadcast_in_dim3A_203 : vector<16x1xi32> to vector<16xi32>
      %gather3A_205 = tpu.dynamic_gather %get3A_104[%gather3A_204] in [0] : vector<16xf32>, vector<16xi32> -> vector<16xf32>
      %add3A_206 = arith.constant 16 : i32
      %add3A_207 = arith.addi %add3A_206, %scan3A_193 : i32
      %get3A_208 = arith.index_cast %add3A_207 : i32 to index
      %get3A_209 = arith.constant 0 : index
      %get3A_210 = tpu.vector_load %arg10[%get3A_208, %get3A_209] {strides = array<i32>} : memref<64x768xf32, #tpu.memory_space<vmem>>, vector<1x16xf32>,
      %get3A_211 = vector.shape_cast %get3A_210 : vector<1x16xf32> to vector<16xf32>
      %get3A_212 = arith.index_cast %add3A_207 : i32 to index
      %get3A_213 = arith.constant 0 : index
      %get3A_214 = tpu.vector_load %arg11[%get3A_212, %get3A_213] {strides = array<i32>} : memref<64x768xf32, #tpu.memory_space<vmem>>, vector<1x16xf32>,
      %get3A_215 = vector.shape_cast %get3A_214 : vector<1x16xf32> to vector<16xf32>
      %mul3A_216 = arith.mulf %get3A_211, %gather3A_198 : vector<16xf32>
      %mul3A_217 = arith.mulf %get3A_215, %gather3A_205 : vector<16xf32>
      %add3A_218 = arith.addf %mul3A_216, %mul3A_217 : vector<16xf32>
      %swap3A = arith.index_cast %add3A_207 : i32 to index
      %swap3A_219 = arith.constant 0 : index
      %swap3A_220 = tpu.vector_load %arg10[%swap3A, %swap3A_219] {strides = array<i32>} : memref<64x768xf32, #tpu.memory_space<vmem>>, vector<1x16xf32>,
      %swap3A_221 = vector.shape_cast %swap3A_220 : vector<1x16xf32> to vector<16xf32>
      %swap3A_222 = vector.shape_cast %add3A_218 : vector<16xf32> to vector<1x16xf32>
      tpu.vector_store %arg10[%swap3A, %swap3A_219], %swap3A_222 {strides = array<i32>} : memref<64x768xf32, #tpu.memory_space<vmem>>, vector<1x16xf32>,
      %get3A_223 = arith.index_cast %add3A_207 : i32 to index
      %get3A_224 = arith.constant 16 : index
      %get3A_225 = tpu.vector_load %arg10[%get3A_223, %get3A_224] {strides = array<i32>} : memref<64x768xf32, #tpu.memory_space<vmem>>, vector<1x16xf32>,
      %get3A_226 = vector.shape_cast %get3A_225 : vector<1x16xf32> to vector<16xf32>
      %get3A_227 = arith.index_cast %add3A_207 : i32 to index
      %get3A_228 = arith.constant 16 : index
      %get3A_229 = tpu.vector_load %arg11[%get3A_227, %get3A_228] {strides = array<i32>} : memref<64x768xf32, #tpu.memory_space<vmem>>, vector<1x16xf32>,
      %get3A_230 = vector.shape_cast %get3A_229 : vector<1x16xf32> to vector<16xf32>
      %mul3A_231 = arith.mulf %get3A_226, %gather3A_198 : vector<16xf32>
      %mul3A_232 = arith.mulf %get3A_230, %gather3A_205 : vector<16xf32>
      %add3A_233 = arith.addf %mul3A_231, %mul3A_232 : vector<16xf32>
      %swap3A_234 = arith.index_cast %add3A_207 : i32 to index
      %swap3A_235 = arith.constant 16 : index
      %swap3A_236 = tpu.vector_load %arg10[%swap3A_234, %swap3A_235] {strides = array<i32>} : memref<64x768xf32, #tpu.memory_space<vmem>>, vector<1x16xf32>,
      %swap3A_237 = vector.shape_cast %swap3A_236 : vector<1x16xf32> to vector<16xf32>
      %swap3A_238 = vector.shape_cast %add3A_233 : vector<16xf32> to vector<1x16xf32>
      tpu.vector_store %arg10[%swap3A_234, %swap3A_235], %swap3A_238 {strides = array<i32>} : memref<64x768xf32, #tpu.memory_space<vmem>>, vector<1x16xf32>,
      %get3A_239 = arith.index_cast %add3A_207 : i32 to index
      %get3A_240 = arith.constant 32 : index
      %get3A_241 = tpu.vector_load %arg10[%get3A_239, %get3A_240] {strides = array<i32>} : memref<64x768xf32, #tpu.memory_space<vmem>>, vector<1x16xf32>,
      %get3A_242 = vector.shape_cast %get3A_241 : vector<1x16xf32> to vector<16xf32>
      %get3A_243 = arith.index_cast %add3A_207 : i32 to index
      %get3A_244 = arith.constant 32 : index
      %get3A_245 = tpu.vector_load %arg11[%get3A_243, %get3A_244] {strides = array<i32>} : memref<64x768xf32, #tpu.memory_space<vmem>>, vector<1x16xf32>,
      %get3A_246 = vector.shape_cast %get3A_245 : vector<1x16xf32> to vector<16xf32>
      %mul3A_247 = arith.mulf %get3A_242, %gather3A_198 : vector<16xf32>
      %mul3A_248 = arith.mulf %get3A_246, %gather3A_205 : vector<16xf32>
      %add3A_249 = arith.addf %mul3A_247, %mul3A_248 : vector<16xf32>
      %swap3A_250 = arith.index_cast %add3A_207 : i32 to index
      %swap3A_251 = arith.constant 32 : index
      %swap3A_252 = tpu.vector_load %arg10[%swap3A_250, %swap3A_251] {strides = array<i32>} : memref<64x768xf32, #tpu.memory_space<vmem>>, vector<1x16xf32>,
      %swap3A_253 = vector.shape_cast %swap3A_252 : vector<1x16xf32> to vector<16xf32>
      %swap3A_254 = vector.shape_cast %add3A_249 : vector<16xf32> to vector<1x16xf32>
      tpu.vector_store %arg10[%swap3A_250, %swap3A_251], %swap3A_254 {strides = array<i32>} : memref<64x768xf32, #tpu.memory_space<vmem>>, vector<1x16xf32>,
      %get3A_255 = arith.index_cast %add3A_207 : i32 to index
      %get3A_256 = arith.constant 48 : index
      %get3A_257 = tpu.vector_load %arg10[%get3A_255, %get3A_256] {strides = array<i32>} : memref<64x768xf32, #tpu.memory_space<vmem>>, vector<1x16xf32>,
      %get3A_258 = vector.shape_cast %get3A_257 : vector<1x16xf32> to vector<16xf32>
      %get3A_259 = arith.index_cast %add3A_207 : i32 to index
      %get3A_260 = arith.constant 48 : index
      %get3A_261 = tpu.vector_load %arg11[%get3A_259, %get3A_260] {strides = array<i32>} : memref<64x768xf32, #tpu.memory_space<vmem>>, vector<1x16xf32>,
      %get3A_262 = vector.shape_cast %get3A_261 : vector<1x16xf32> to vector<16xf32>
      %mul3A_263 = arith.mulf %get3A_258, %gather3A_198 : vector<16xf32>
      %mul3A_264 = arith.mulf %get3A_262, %gather3A_205 : vector<16xf32>
      %add3A_265 = arith.addf %mul3A_263, %mul3A_264 : vector<16xf32>
      %swap3A_266 = arith.index_cast %add3A_207 : i32 to index
      %swap3A_267 = arith.constant 48 : index
      %swap3A_268 = tpu.vector_load %arg10[%swap3A_266, %swap3A_267] {strides = array<i32>} : memref<64x768xf32, #tpu.memory_space<vmem>>, vector<1x16xf32>,
      %swap3A_269 = vector.shape_cast %swap3A_268 : vector<1x16xf32> to vector<16xf32>
      %swap3A_270 = vector.shape_cast %add3A_265 : vector<16xf32> to vector<1x16xf32>
      tpu.vector_store %arg10[%swap3A_266, %swap3A_267], %swap3A_270 {strides = array<i32>} : memref<64x768xf32, #tpu.memory_space<vmem>>, vector<1x16xf32>,
      %get3A_271 = arith.index_cast %add3A_207 : i32 to index
      %get3A_272 = arith.constant 64 : index
      %get3A_273 = tpu.vector_load %arg10[%get3A_271, %get3A_272] {strides = array<i32>} : memref<64x768xf32, #tpu.memory_space<vmem>>, vector<1x16xf32>,
      %get3A_274 = vector.shape_cast %get3A_273 : vector<1x16xf32> to vector<16xf32>
      %get3A_275 = arith.index_cast %add3A_207 : i32 to index
      %get3A_276 = arith.constant 64 : index
      %get3A_277 = tpu.vector_load %arg11[%get3A_275, %get3A_276] {strides = array<i32>} : memref<64x768xf32, #tpu.memory_space<vmem>>, vector<1x16xf32>,
      %get3A_278 = vector.shape_cast %get3A_277 : vector<1x16xf32> to vector<16xf32>
      %mul3A_279 = arith.mulf %get3A_274, %gather3A_198 : vector<16xf32>
      %mul3A_280 = arith.mulf %get3A_278, %gather3A_205 : vector<16xf32>
      %add3A_281 = arith.addf %mul3A_279, %mul3A_280 : vector<16xf32>
      %swap3A_282 = arith.index_cast %add3A_207 : i32 to index
      %swap3A_283 = arith.constant 64 : index
      %swap3A_284 = tpu.vector_load %arg10[%swap3A_282, %swap3A_283] {strides = array<i32>} : memref<64x768xf32, #tpu.memory_space<vmem>>, vector<1x16xf32>,
      %swap3A_285 = vector.shape_cast %swap3A_284 : vector<1x16xf32> to vector<16xf32>
      %swap3A_286 = vector.shape_cast %add3A_281 : vector<16xf32> to vector<1x16xf32>
      tpu.vector_store %arg10[%swap3A_282, %swap3A_283], %swap3A_286 {strides = array<i32>} : memref<64x768xf32, #tpu.memory_space<vmem>>, vector<1x16xf32>,
      %get3A_287 = arith.index_cast %add3A_207 : i32 to index
      %get3A_288 = arith.constant 80 : index
      %get3A_289 = tpu.vector_load %arg10[%get3A_287, %get3A_288] {strides = array<i32>} : memref<64x768xf32, #tpu.memory_space<vmem>>, vector<1x16xf32>,
      %get3A_290 = vector.shape_cast %get3A_289 : vector<1x16xf32> to vector<16xf32>
      %get3A_291 = arith.index_cast %add3A_207 : i32 to index
      %get3A_292 = arith.constant 80 : index
      %get3A_293 = tpu.vector_load %arg11[%get3A_291, %get3A_292] {strides = array<i32>} : memref<64x768xf32, #tpu.memory_space<vmem>>, vector<1x16xf32>,
      %get3A_294 = vector.shape_cast %get3A_293 : vector<1x16xf32> to vector<16xf32>
      %mul3A_295 = arith.mulf %get3A_290, %gather3A_198 : vector<16xf32>
      %mul3A_296 = arith.mulf %get3A_294, %gather3A_205 : vector<16xf32>
      %add3A_297 = arith.addf %mul3A_295, %mul3A_296 : vector<16xf32>
      %swap3A_298 = arith.index_cast %add3A_207 : i32 to index
      %swap3A_299 = arith.constant 80 : index
      %swap3A_300 = tpu.vector_load %arg10[%swap3A_298, %swap3A_299] {strides = array<i32>} : memref<64x768xf32, #tpu.memory_space<vmem>>, vector<1x16xf32>,
      %swap3A_301 = vector.shape_cast %swap3A_300 : vector<1x16xf32> to vector<16xf32>
      %swap3A_302 = vector.shape_cast %add3A_297 : vector<16xf32> to vector<1x16xf32>
      tpu.vector_store %arg10[%swap3A_298, %swap3A_299], %swap3A_302 {strides = array<i32>} : memref<64x768xf32, #tpu.memory_space<vmem>>, vector<1x16xf32>,
      %get3A_303 = arith.index_cast %add3A_207 : i32 to index
      %get3A_304 = arith.constant 96 : index
      %get3A_305 = tpu.vector_load %arg10[%get3A_303, %get3A_304] {strides = array<i32>} : memref<64x768xf32, #tpu.memory_space<vmem>>, vector<1x16xf32>,
      %get3A_306 = vector.shape_cast %get3A_305 : vector<1x16xf32> to vector<16xf32>
      %get3A_307 = arith.index_cast %add3A_207 : i32 to index
      %get3A_308 = arith.constant 96 : index
      %get3A_309 = tpu.vector_load %arg11[%get3A_307, %get3A_308] {strides = array<i32>} : memref<64x768xf32, #tpu.memory_space<vmem>>, vector<1x16xf32>,
      %get3A_310 = vector.shape_cast %get3A_309 : vector<1x16xf32> to vector<16xf32>
      %mul3A_311 = arith.mulf %get3A_306, %gather3A_198 : vector<16xf32>
      %mul3A_312 = arith.mulf %get3A_310, %gather3A_205 : vector<16xf32>
      %add3A_313 = arith.addf %mul3A_311, %mul3A_312 : vector<16xf32>
      %swap3A_314 = arith.index_cast %add3A_207 : i32 to index
      %swap3A_315 = arith.constant 96 : index
      %swap3A_316 = tpu.vector_load %arg10[%swap3A_314, %swap3A_315] {strides = array<i32>} : memref<64x768xf32, #tpu.memory_space<vmem>>, vector<1x16xf32>,
      %swap3A_317 = vector.shape_cast %swap3A_316 : vector<1x16xf32> to vector<16xf32>
      %swap3A_318 = vector.shape_cast %add3A_313 : vector<16xf32> to vector<1x16xf32>
      tpu.vector_store %arg10[%swap3A_314, %swap3A_315], %swap3A_318 {strides = array<i32>} : memref<64x768xf32, #tpu.memory_space<vmem>>, vector<1x16xf32>,
      %get3A_319 = arith.index_cast %add3A_207 : i32 to index
      %get3A_320 = arith.constant 112 : index
      %get3A_321 = tpu.vector_load %arg10[%get3A_319, %get3A_320] {strides = array<i32>} : memref<64x768xf32, #tpu.memory_space<vmem>>, vector<1x16xf32>,
      %get3A_322 = vector.shape_cast %get3A_321 : vector<1x16xf32> to vector<16xf32>
      %get3A_323 = arith.index_cast %add3A_207 : i32 to index
      %get3A_324 = arith.constant 112 : index
      %get3A_325 = tpu.vector_load %arg11[%get3A_323, %get3A_324] {strides = array<i32>} : memref<64x768xf32, #tpu.memory_space<vmem>>, vector<1x16xf32>,
      %get3A_326 = vector.shape_cast %get3A_325 : vector<1x16xf32> to vector<16xf32>
      %mul3A_327 = arith.mulf %get3A_322, %gather3A_198 : vector<16xf32>
      %mul3A_328 = arith.mulf %get3A_326, %gather3A_205 : vector<16xf32>
      %add3A_329 = arith.addf %mul3A_327, %mul3A_328 : vector<16xf32>
      %swap3A_330 = arith.index_cast %add3A_207 : i32 to index
      %swap3A_331 = arith.constant 112 : index
      %swap3A_332 = tpu.vector_load %arg10[%swap3A_330, %swap3A_331] {strides = array<i32>} : memref<64x768xf32, #tpu.memory_space<vmem>>, vector<1x16xf32>,
      %swap3A_333 = vector.shape_cast %swap3A_332 : vector<1x16xf32> to vector<16xf32>
      %swap3A_334 = vector.shape_cast %add3A_329 : vector<16xf32> to vector<1x16xf32>
      tpu.vector_store %arg10[%swap3A_330, %swap3A_331], %swap3A_334 {strides = array<i32>} : memref<64x768xf32, #tpu.memory_space<vmem>>, vector<1x16xf32>,
      %get3A_335 = arith.index_cast %add3A_207 : i32 to index
      %get3A_336 = arith.constant 128 : index
      %get3A_337 = tpu.vector_load %arg10[%get3A_335, %get3A_336] {strides = array<i32>} : memref<64x768xf32, #tpu.memory_space<vmem>>, vector<1x16xf32>,
      %get3A_338 = vector.shape_cast %get3A_337 : vector<1x16xf32> to vector<16xf32>
      %get3A_339 = arith.index_cast %add3A_207 : i32 to index
      %get3A_340 = arith.constant 128 : index
      %get3A_341 = tpu.vector_load %arg11[%get3A_339, %get3A_340] {strides = array<i32>} : memref<64x768xf32, #tpu.memory_space<vmem>>, vector<1x16xf32>,
      %get3A_342 = vector.shape_cast %get3A_341 : vector<1x16xf32> to vector<16xf32>
      %mul3A_343 = arith.mulf %get3A_338, %gather3A_198 : vector<16xf32>
      %mul3A_344 = arith.mulf %get3A_342, %gather3A_205 : vector<16xf32>
      %add3A_345 = arith.addf %mul3A_343, %mul3A_344 : vector<16xf32>
      %swap3A_346 = arith.index_cast %add3A_207 : i32 to index
      %swap3A_347 = arith.constant 128 : index
      %swap3A_348 = tpu.vector_load %arg10[%swap3A_346, %swap3A_347] {strides = array<i32>} : memref<64x768xf32, #tpu.memory_space<vmem>>, vector<1x16xf32>,
      %swap3A_349 = vector.shape_cast %swap3A_348 : vector<1x16xf32> to vector<16xf32>
      %swap3A_350 = vector.shape_cast %add3A_345 : vector<16xf32> to vector<1x16xf32>
      tpu.vector_store %arg10[%swap3A_346, %swap3A_347], %swap3A_350 {strides = array<i32>} : memref<64x768xf32, #tpu.memory_space<vmem>>, vector<1x16xf32>,
      %get3A_351 = arith.index_cast %add3A_207 : i32 to index
      %get3A_352 = arith.constant 144 : index
      %get3A_353 = tpu.vector_load %arg10[%get3A_351, %get3A_352] {strides = array<i32>} : memref<64x768xf32, #tpu.memory_space<vmem>>, vector<1x16xf32>,
      %get3A_354 = vector.shape_cast %get3A_353 : vector<1x16xf32> to vector<16xf32>
      %get3A_355 = arith.index_cast %add3A_207 : i32 to index
      %get3A_356 = arith.constant 144 : index
      %get3A_357 = tpu.vector_load %arg11[%get3A_355, %get3A_356] {strides = array<i32>} : memref<64x768xf32, #tpu.memory_space<vmem>>, vector<1x16xf32>,
      %get3A_358 = vector.shape_cast %get3A_357 : vector<1x16xf32> to vector<16xf32>
      %mul3A_359 = arith.mulf %get3A_354, %gather3A_198 : vector<16xf32>
      %mul3A_360 = arith.mulf %get3A_358, %gather3A_205 : vector<16xf32>
      %add3A_361 = arith.addf %mul3A_359, %mul3A_360 : vector<16xf32>
      %swap3A_362 = arith.index_cast %add3A_207 : i32 to index
      %swap3A_363 = arith.constant 144 : index
      %swap3A_364 = tpu.vector_load %arg10[%swap3A_362, %swap3A_363] {strides = array<i32>} : memref<64x768xf32, #tpu.memory_space<vmem>>, vector<1x16xf32>,
      %swap3A_365 = vector.shape_cast %swap3A_364 : vector<1x16xf32> to vector<16xf32>
      %swap3A_366 = vector.shape_cast %add3A_361 : vector<16xf32> to vector<1x16xf32>
      tpu.vector_store %arg10[%swap3A_362, %swap3A_363], %swap3A_366 {strides = array<i32>} : memref<64x768xf32, #tpu.memory_space<vmem>>, vector<1x16xf32>,
      %get3A_367 = arith.index_cast %add3A_207 : i32 to index
      %get3A_368 = arith.constant 160 : index
      %get3A_369 = tpu.vector_load %arg10[%get3A_367, %get3A_368] {strides = array<i32>} : memref<64x768xf32, #tpu.memory_space<vmem>>, vector<1x16xf32>,
      %get3A_370 = vector.shape_cast %get3A_369 : vector<1x16xf32> to vector<16xf32>
      %get3A_371 = arith.index_cast %add3A_207 : i32 to index
      %get3A_372 = arith.constant 160 : index
      %get3A_373 = tpu.vector_load %arg11[%get3A_371, %get3A_372] {strides = array<i32>} : memref<64x768xf32, #tpu.memory_space<vmem>>, vector<1x16xf32>,
      %get3A_374 = vector.shape_cast %get3A_373 : vector<1x16xf32> to vector<16xf32>
      %mul3A_375 = arith.mulf %get3A_370, %gather3A_198 : vector<16xf32>
      %mul3A_376 = arith.mulf %get3A_374, %gather3A_205 : vector<16xf32>
      %add3A_377 = arith.addf %mul3A_375, %mul3A_376 : vector<16xf32>
      %swap3A_378 = arith.index_cast %add3A_207 : i32 to index
      %swap3A_379 = arith.constant 160 : index
      %swap3A_380 = tpu.vector_load %arg10[%swap3A_378, %swap3A_379] {strides = array<i32>} : memref<64x768xf32, #tpu.memory_space<vmem>>, vector<1x16xf32>,
      %swap3A_381 = vector.shape_cast %swap3A_380 : vector<1x16xf32> to vector<16xf32>
      %swap3A_382 = vector.shape_cast %add3A_377 : vector<16xf32> to vector<1x16xf32>
      tpu.vector_store %arg10[%swap3A_378, %swap3A_379], %swap3A_382 {strides = array<i32>} : memref<64x768xf32, #tpu.memory_space<vmem>>, vector<1x16xf32>,
      %get3A_383 = arith.index_cast %add3A_207 : i32 to index
      %get3A_384 = arith.constant 176 : index
      %get3A_385 = tpu.vector_load %arg10[%get3A_383, %get3A_384] {strides = array<i32>} : memref<64x768xf32, #tpu.memory_space<vmem>>, vector<1x16xf32>,
      %get3A_386 = vector.shape_cast %get3A_385 : vector<1x16xf32> to vector<16xf32>
      %get3A_387 = arith.index_cast %add3A_207 : i32 to index
      %get3A_388 = arith.constant 176 : index
      %get3A_389 = tpu.vector_load %arg11[%get3A_387, %get3A_388] {strides = array<i32>} : memref<64x768xf32, #tpu.memory_space<vmem>>, vector<1x16xf32>,
      %get3A_390 = vector.shape_cast %get3A_389 : vector<1x16xf32> to vector<16xf32>
      %mul3A_391 = arith.mulf %get3A_386, %gather3A_198 : vector<16xf32>
      %mul3A_392 = arith.mulf %get3A_390, %gather3A_205 : vector<16xf32>
      %add3A_393 = arith.addf %mul3A_391, %mul3A_392 : vector<16xf32>
      %swap3A_394 = arith.index_cast %add3A_207 : i32 to index
      %swap3A_395 = arith.constant 176 : index
      %swap3A_396 = tpu.vector_load %arg10[%swap3A_394, %swap3A_395] {strides = array<i32>} : memref<64x768xf32, #tpu.memory_space<vmem>>, vector<1x16xf32>,
      %swap3A_397 = vector.shape_cast %swap3A_396 : vector<1x16xf32> to vector<16xf32>
      %swap3A_398 = vector.shape_cast %add3A_393 : vector<16xf32> to vector<1x16xf32>
      tpu.vector_store %arg10[%swap3A_394, %swap3A_395], %swap3A_398 {strides = array<i32>} : memref<64x768xf32, #tpu.memory_space<vmem>>, vector<1x16xf32>,
      %get3A_399 = arith.index_cast %add3A_207 : i32 to index
      %get3A_400 = arith.constant 192 : index
      %get3A_401 = tpu.vector_load %arg10[%get3A_399, %get3A_400] {strides = array<i32>} : memref<64x768xf32, #tpu.memory_space<vmem>>, vector<1x16xf32>,
      %get3A_402 = vector.shape_cast %get3A_401 : vector<1x16xf32> to vector<16xf32>
      %get3A_403 = arith.index_cast %add3A_207 : i32 to index
      %get3A_404 = arith.constant 192 : index
      %get3A_405 = tpu.vector_load %arg11[%get3A_403, %get3A_404] {strides = array<i32>} : memref<64x768xf32, #tpu.memory_space<vmem>>, vector<1x16xf32>,
      %get3A_406 = vector.shape_cast %get3A_405 : vector<1x16xf32> to vector<16xf32>
      %mul3A_407 = arith.mulf %get3A_402, %gather3A_198 : vector<16xf32>
      %mul3A_408 = arith.mulf %get3A_406, %gather3A_205 : vector<16xf32>
      %add3A_409 = arith.addf %mul3A_407, %mul3A_408 : vector<16xf32>
      %swap3A_410 = arith.index_cast %add3A_207 : i32 to index
      %swap3A_411 = arith.constant 192 : index
      %swap3A_412 = tpu.vector_load %arg10[%swap3A_410, %swap3A_411] {strides = array<i32>} : memref<64x768xf32, #tpu.memory_space<vmem>>, vector<1x16xf32>,
      %swap3A_413 = vector.shape_cast %swap3A_412 : vector<1x16xf32> to vector<16xf32>
      %swap3A_414 = vector.shape_cast %add3A_409 : vector<16xf32> to vector<1x16xf32>
      tpu.vector_store %arg10[%swap3A_410, %swap3A_411], %swap3A_414 {strides = array<i32>} : memref<64x768xf32, #tpu.memory_space<vmem>>, vector<1x16xf32>,
      %get3A_415 = arith.index_cast %add3A_207 : i32 to index
      %get3A_416 = arith.constant 208 : index
      %get3A_417 = tpu.vector_load %arg10[%get3A_415, %get3A_416] {strides = array<i32>} : memref<64x768xf32, #tpu.memory_space<vmem>>, vector<1x16xf32>,
      %get3A_418 = vector.shape_cast %get3A_417 : vector<1x16xf32> to vector<16xf32>
      %get3A_419 = arith.index_cast %add3A_207 : i32 to index
      %get3A_420 = arith.constant 208 : index
      %get3A_421 = tpu.vector_load %arg11[%get3A_419, %get3A_420] {strides = array<i32>} : memref<64x768xf32, #tpu.memory_space<vmem>>, vector<1x16xf32>,
      %get3A_422 = vector.shape_cast %get3A_421 : vector<1x16xf32> to vector<16xf32>
      %mul3A_423 = arith.mulf %get3A_418, %gather3A_198 : vector<16xf32>
      %mul3A_424 = arith.mulf %get3A_422, %gather3A_205 : vector<16xf32>
      %add3A_425 = arith.addf %mul3A_423, %mul3A_424 : vector<16xf32>
      %swap3A_426 = arith.index_cast %add3A_207 : i32 to index
      %swap3A_427 = arith.constant 208 : index
      %swap3A_428 = tpu.vector_load %arg10[%swap3A_426, %swap3A_427] {strides = array<i32>} : memref<64x768xf32, #tpu.memory_space<vmem>>, vector<1x16xf32>,
      %swap3A_429 = vector.shape_cast %swap3A_428 : vector<1x16xf32> to vector<16xf32>
      %swap3A_430 = vector.shape_cast %add3A_425 : vector<16xf32> to vector<1x16xf32>
      tpu.vector_store %arg10[%swap3A_426, %swap3A_427], %swap3A_430 {strides = array<i32>} : memref<64x768xf32, #tpu.memory_space<vmem>>, vector<1x16xf32>,
      %get3A_431 = arith.index_cast %add3A_207 : i32 to index
      %get3A_432 = arith.constant 224 : index
      %get3A_433 = tpu.vector_load %arg10[%get3A_431, %get3A_432] {strides = array<i32>} : memref<64x768xf32, #tpu.memory_space<vmem>>, vector<1x16xf32>,
      %get3A_434 = vector.shape_cast %get3A_433 : vector<1x16xf32> to vector<16xf32>
      %get3A_435 = arith.index_cast %add3A_207 : i32 to index
      %get3A_436 = arith.constant 224 : index
      %get3A_437 = tpu.vector_load %arg11[%get3A_435, %get3A_436] {strides = array<i32>} : memref<64x768xf32, #tpu.memory_space<vmem>>, vector<1x16xf32>,
      %get3A_438 = vector.shape_cast %get3A_437 : vector<1x16xf32> to vector<16xf32>
      %mul3A_439 = arith.mulf %get3A_434, %gather3A_198 : vector<16xf32>
      %mul3A_440 = arith.mulf %get3A_438, %gather3A_205 : vector<16xf32>
      %add3A_441 = arith.addf %mul3A_439, %mul3A_440 : vector<16xf32>
      %swap3A_442 = arith.index_cast %add3A_207 : i32 to index
      %swap3A_443 = arith.constant 224 : index
      %swap3A_444 = tpu.vector_load %arg10[%swap3A_442, %swap3A_443] {strides = array<i32>} : memref<64x768xf32, #tpu.memory_space<vmem>>, vector<1x16xf32>,
      %swap3A_445 = vector.shape_cast %swap3A_444 : vector<1x16xf32> to vector<16xf32>
      %swap3A_446 = vector.shape_cast %add3A_441 : vector<16xf32> to vector<1x16xf32>
      tpu.vector_store %arg10[%swap3A_442, %swap3A_443], %swap3A_446 {strides = array<i32>} : memref<64x768xf32, #tpu.memory_space<vmem>>, vector<1x16xf32>,
      %get3A_447 = arith.index_cast %add3A_207 : i32 to index
      %get3A_448 = arith.constant 240 : index
      %get3A_449 = tpu.vector_load %arg10[%get3A_447, %get3A_448] {strides = array<i32>} : memref<64x768xf32, #tpu.memory_space<vmem>>, vector<1x16xf32>,
      %get3A_450 = vector.shape_cast %get3A_449 : vector<1x16xf32> to vector<16xf32>
      %get3A_451 = arith.index_cast %add3A_207 : i32 to index
      %get3A_452 = arith.constant 240 : index
      %get3A_453 = tpu.vector_load %arg11[%get3A_451, %get3A_452] {strides = array<i32>} : memref<64x768xf32, #tpu.memory_space<vmem>>, vector<1x16xf32>,
      %get3A_454 = vector.shape_cast %get3A_453 : vector<1x16xf32> to vector<16xf32>
      %mul3A_455 = arith.mulf %get3A_450, %gather3A_198 : vector<16xf32>
      %mul3A_456 = arith.mulf %get3A_454, %gather3A_205 : vector<16xf32>
      %add3A_457 = arith.addf %mul3A_455, %mul3A_456 : vector<16xf32>
      %swap3A_458 = arith.index_cast %add3A_207 : i32 to index
      %swap3A_459 = arith.constant 240 : index
      %swap3A_460 = tpu.vector_load %arg10[%swap3A_458, %swap3A_459] {strides = array<i32>} : memref<64x768xf32, #tpu.memory_space<vmem>>, vector<1x16xf32>,
      %swap3A_461 = vector.shape_cast %swap3A_460 : vector<1x16xf32> to vector<16xf32>
      %swap3A_462 = vector.shape_cast %add3A_457 : vector<16xf32> to vector<1x16xf32>
      tpu.vector_store %arg10[%swap3A_458, %swap3A_459], %swap3A_462 {strides = array<i32>} : memref<64x768xf32, #tpu.memory_space<vmem>>, vector<1x16xf32>,
      %get3A_463 = arith.index_cast %add3A_207 : i32 to index
      %get3A_464 = arith.constant 256 : index
      %get3A_465 = tpu.vector_load %arg10[%get3A_463, %get3A_464] {strides = array<i32>} : memref<64x768xf32, #tpu.memory_space<vmem>>, vector<1x16xf32>,
      %get3A_466 = vector.shape_cast %get3A_465 : vector<1x16xf32> to vector<16xf32>
      %get3A_467 = arith.index_cast %add3A_207 : i32 to index
      %get3A_468 = arith.constant 256 : index
      %get3A_469 = tpu.vector_load %arg11[%get3A_467, %get3A_468] {strides = array<i32>} : memref<64x768xf32, #tpu.memory_space<vmem>>, vector<1x16xf32>,
      %get3A_470 = vector.shape_cast %get3A_469 : vector<1x16xf32> to vector<16xf32>
      %mul3A_471 = arith.mulf %get3A_466, %gather3A_198 : vector<16xf32>
      %mul3A_472 = arith.mulf %get3A_470, %gather3A_205 : vector<16xf32>
      %add3A_473 = arith.addf %mul3A_471, %mul3A_472 : vector<16xf32>
      %swap3A_474 = arith.index_cast %add3A_207 : i32 to index
      %swap3A_475 = arith.constant 256 : index
      %swap3A_476 = tpu.vector_load %arg10[%swap3A_474, %swap3A_475] {strides = array<i32>} : memref<64x768xf32, #tpu.memory_space<vmem>>, vector<1x16xf32>,
      %swap3A_477 = vector.shape_cast %swap3A_476 : vector<1x16xf32> to vector<16xf32>
      %swap3A_478 = vector.shape_cast %add3A_473 : vector<16xf32> to vector<1x16xf32>
      tpu.vector_store %arg10[%swap3A_474, %swap3A_475], %swap3A_478 {strides = array<i32>} : memref<64x768xf32, #tpu.memory_space<vmem>>, vector<1x16xf32>,
      %get3A_479 = arith.index_cast %add3A_207 : i32 to index
      %get3A_480 = arith.constant 272 : index
      %get3A_481 = tpu.vector_load %arg10[%get3A_479, %get3A_480] {strides = array<i32>} : memref<64x768xf32, #tpu.memory_space<vmem>>, vector<1x16xf32>,
      %get3A_482 = vector.shape_cast %get3A_481 : vector<1x16xf32> to vector<16xf32>
      %get3A_483 = arith.index_cast %add3A_207 : i32 to index
      %get3A_484 = arith.constant 272 : index
      %get3A_485 = tpu.vector_load %arg11[%get3A_483, %get3A_484] {strides = array<i32>} : memref<64x768xf32, #tpu.memory_space<vmem>>, vector<1x16xf32>,
      %get3A_486 = vector.shape_cast %get3A_485 : vector<1x16xf32> to vector<16xf32>
      %mul3A_487 = arith.mulf %get3A_482, %gather3A_198 : vector<16xf32>
      %mul3A_488 = arith.mulf %get3A_486, %gather3A_205 : vector<16xf32>
      %add3A_489 = arith.addf %mul3A_487, %mul3A_488 : vector<16xf32>
      %swap3A_490 = arith.index_cast %add3A_207 : i32 to index
      %swap3A_491 = arith.constant 272 : index
      %swap3A_492 = tpu.vector_load %arg10[%swap3A_490, %swap3A_491] {strides = array<i32>} : memref<64x768xf32, #tpu.memory_space<vmem>>, vector<1x16xf32>,
      %swap3A_493 = vector.shape_cast %swap3A_492 : vector<1x16xf32> to vector<16xf32>
      %swap3A_494 = vector.shape_cast %add3A_489 : vector<16xf32> to vector<1x16xf32>
      tpu.vector_store %arg10[%swap3A_490, %swap3A_491], %swap3A_494 {strides = array<i32>} : memref<64x768xf32, #tpu.memory_space<vmem>>, vector<1x16xf32>,
      %get3A_495 = arith.index_cast %add3A_207 : i32 to index
      %get3A_496 = arith.constant 288 : index
      %get3A_497 = tpu.vector_load %arg10[%get3A_495, %get3A_496] {strides = array<i32>} : memref<64x768xf32, #tpu.memory_space<vmem>>, vector<1x16xf32>,
      %get3A_498 = vector.shape_cast %get3A_497 : vector<1x16xf32> to vector<16xf32>
      %get3A_499 = arith.index_cast %add3A_207 : i32 to index
      %get3A_500 = arith.constant 288 : index
      %get3A_501 = tpu.vector_load %arg11[%get3A_499, %get3A_500] {strides = array<i32>} : memref<64x768xf32, #tpu.memory_space<vmem>>, vector<1x16xf32>,
      %get3A_502 = vector.shape_cast %get3A_501 : vector<1x16xf32> to vector<16xf32>
      %mul3A_503 = arith.mulf %get3A_498, %gather3A_198 : vector<16xf32>
      %mul3A_504 = arith.mulf %get3A_502, %gather3A_205 : vector<16xf32>
      %add3A_505 = arith.addf %mul3A_503, %mul3A_504 : vector<16xf32>
      %swap3A_506 = arith.index_cast %add3A_207 : i32 to index
      %swap3A_507 = arith.constant 288 : index
      %swap3A_508 = tpu.vector_load %arg10[%swap3A_506, %swap3A_507] {strides = array<i32>} : memref<64x768xf32, #tpu.memory_space<vmem>>, vector<1x16xf32>,
      %swap3A_509 = vector.shape_cast %swap3A_508 : vector<1x16xf32> to vector<16xf32>
      %swap3A_510 = vector.shape_cast %add3A_505 : vector<16xf32> to vector<1x16xf32>
      tpu.vector_store %arg10[%swap3A_506, %swap3A_507], %swap3A_510 {strides = array<i32>} : memref<64x768xf32, #tpu.memory_space<vmem>>, vector<1x16xf32>,
      %get3A_511 = arith.index_cast %add3A_207 : i32 to index
      %get3A_512 = arith.constant 304 : index
      %get3A_513 = tpu.vector_load %arg10[%get3A_511, %get3A_512] {strides = array<i32>} : memref<64x768xf32, #tpu.memory_space<vmem>>, vector<1x16xf32>,
      %get3A_514 = vector.shape_cast %get3A_513 : vector<1x16xf32> to vector<16xf32>
      %get3A_515 = arith.index_cast %add3A_207 : i32 to index
      %get3A_516 = arith.constant 304 : index
      %get3A_517 = tpu.vector_load %arg11[%get3A_515, %get3A_516] {strides = array<i32>} : memref<64x768xf32, #tpu.memory_space<vmem>>, vector<1x16xf32>,
      %get3A_518 = vector.shape_cast %get3A_517 : vector<1x16xf32> to vector<16xf32>
      %mul3A_519 = arith.mulf %get3A_514, %gather3A_198 : vector<16xf32>
      %mul3A_520 = arith.mulf %get3A_518, %gather3A_205 : vector<16xf32>
      %add3A_521 = arith.addf %mul3A_519, %mul3A_520 : vector<16xf32>
      %swap3A_522 = arith.index_cast %add3A_207 : i32 to index
      %swap3A_523 = arith.constant 304 : index
      %swap3A_524 = tpu.vector_load %arg10[%swap3A_522, %swap3A_523] {strides = array<i32>} : memref<64x768xf32, #tpu.memory_space<vmem>>, vector<1x16xf32>,
      %swap3A_525 = vector.shape_cast %swap3A_524 : vector<1x16xf32> to vector<16xf32>
      %swap3A_526 = vector.shape_cast %add3A_521 : vector<16xf32> to vector<1x16xf32>
      tpu.vector_store %arg10[%swap3A_522, %swap3A_523], %swap3A_526 {strides = array<i32>} : memref<64x768xf32, #tpu.memory_space<vmem>>, vector<1x16xf32>,
      %get3A_527 = arith.index_cast %add3A_207 : i32 to index
      %get3A_528 = arith.constant 320 : index
      %get3A_529 = tpu.vector_load %arg10[%get3A_527, %get3A_528] {strides = array<i32>} : memref<64x768xf32, #tpu.memory_space<vmem>>, vector<1x16xf32>,
      %get3A_530 = vector.shape_cast %get3A_529 : vector<1x16xf32> to vector<16xf32>
      %get3A_531 = arith.index_cast %add3A_207 : i32 to index
      %get3A_532 = arith.constant 320 : index
      %get3A_533 = tpu.vector_load %arg11[%get3A_531, %get3A_532] {strides = array<i32>} : memref<64x768xf32, #tpu.memory_space<vmem>>, vector<1x16xf32>,
      %get3A_534 = vector.shape_cast %get3A_533 : vector<1x16xf32> to vector<16xf32>
      %mul3A_535 = arith.mulf %get3A_530, %gather3A_198 : vector<16xf32>
      %mul3A_536 = arith.mulf %get3A_534, %gather3A_205 : vector<16xf32>
      %add3A_537 = arith.addf %mul3A_535, %mul3A_536 : vector<16xf32>
      %swap3A_538 = arith.index_cast %add3A_207 : i32 to index
      %swap3A_539 = arith.constant 320 : index
      %swap3A_540 = tpu.vector_load %arg10[%swap3A_538, %swap3A_539] {strides = array<i32>} : memref<64x768xf32, #tpu.memory_space<vmem>>, vector<1x16xf32>,
      %swap3A_541 = vector.shape_cast %swap3A_540 : vector<1x16xf32> to vector<16xf32>
      %swap3A_542 = vector.shape_cast %add3A_537 : vector<16xf32> to vector<1x16xf32>
      tpu.vector_store %arg10[%swap3A_538, %swap3A_539], %swap3A_542 {strides = array<i32>} : memref<64x768xf32, #tpu.memory_space<vmem>>, vector<1x16xf32>,
      %get3A_543 = arith.index_cast %add3A_207 : i32 to index
      %get3A_544 = arith.constant 336 : index
      %get3A_545 = tpu.vector_load %arg10[%get3A_543, %get3A_544] {strides = array<i32>} : memref<64x768xf32, #tpu.memory_space<vmem>>, vector<1x16xf32>,
      %get3A_546 = vector.shape_cast %get3A_545 : vector<1x16xf32> to vector<16xf32>
      %get3A_547 = arith.index_cast %add3A_207 : i32 to index
      %get3A_548 = arith.constant 336 : index
      %get3A_549 = tpu.vector_load %arg11[%get3A_547, %get3A_548] {strides = array<i32>} : memref<64x768xf32, #tpu.memory_space<vmem>>, vector<1x16xf32>,
      %get3A_550 = vector.shape_cast %get3A_549 : vector<1x16xf32> to vector<16xf32>
      %mul3A_551 = arith.mulf %get3A_546, %gather3A_198 : vector<16xf32>
      %mul3A_552 = arith.mulf %get3A_550, %gather3A_205 : vector<16xf32>
      %add3A_553 = arith.addf %mul3A_551, %mul3A_552 : vector<16xf32>
      %swap3A_554 = arith.index_cast %add3A_207 : i32 to index
      %swap3A_555 = arith.constant 336 : index
      %swap3A_556 = tpu.vector_load %arg10[%swap3A_554, %swap3A_555] {strides = array<i32>} : memref<64x768xf32, #tpu.memory_space<vmem>>, vector<1x16xf32>,
      %swap3A_557 = vector.shape_cast %swap3A_556 : vector<1x16xf32> to vector<16xf32>
      %swap3A_558 = vector.shape_cast %add3A_553 : vector<16xf32> to vector<1x16xf32>
      tpu.vector_store %arg10[%swap3A_554, %swap3A_555], %swap3A_558 {strides = array<i32>} : memref<64x768xf32, #tpu.memory_space<vmem>>, vector<1x16xf32>,
      %get3A_559 = arith.index_cast %add3A_207 : i32 to index
      %get3A_560 = arith.constant 352 : index
      %get3A_561 = tpu.vector_load %arg10[%get3A_559, %get3A_560] {strides = array<i32>} : memref<64x768xf32, #tpu.memory_space<vmem>>, vector<1x16xf32>,
      %get3A_562 = vector.shape_cast %get3A_561 : vector<1x16xf32> to vector<16xf32>
      %get3A_563 = arith.index_cast %add3A_207 : i32 to index
      %get3A_564 = arith.constant 352 : index
      %get3A_565 = tpu.vector_load %arg11[%get3A_563, %get3A_564] {strides = array<i32>} : memref<64x768xf32, #tpu.memory_space<vmem>>, vector<1x16xf32>,
      %get3A_566 = vector.shape_cast %get3A_565 : vector<1x16xf32> to vector<16xf32>
      %mul3A_567 = arith.mulf %get3A_562, %gather3A_198 : vector<16xf32>
      %mul3A_568 = arith.mulf %get3A_566, %gather3A_205 : vector<16xf32>
      %add3A_569 = arith.addf %mul3A_567, %mul3A_568 : vector<16xf32>
      %swap3A_570 = arith.index_cast %add3A_207 : i32 to index
      %swap3A_571 = arith.constant 352 : index
      %swap3A_572 = tpu.vector_load %arg10[%swap3A_570, %swap3A_571] {strides = array<i32>} : memref<64x768xf32, #tpu.memory_space<vmem>>, vector<1x16xf32>,
      %swap3A_573 = vector.shape_cast %swap3A_572 : vector<1x16xf32> to vector<16xf32>
      %swap3A_574 = vector.shape_cast %add3A_569 : vector<16xf32> to vector<1x16xf32>
      tpu.vector_store %arg10[%swap3A_570, %swap3A_571], %swap3A_574 {strides = array<i32>} : memref<64x768xf32, #tpu.memory_space<vmem>>, vector<1x16xf32>,
      %get3A_575 = arith.index_cast %add3A_207 : i32 to index
      %get3A_576 = arith.constant 368 : index
      %get3A_577 = tpu.vector_load %arg10[%get3A_575, %get3A_576] {strides = array<i32>} : memref<64x768xf32, #tpu.memory_space<vmem>>, vector<1x16xf32>,
      %get3A_578 = vector.shape_cast %get3A_577 : vector<1x16xf32> to vector<16xf32>
      %get3A_579 = arith.index_cast %add3A_207 : i32 to index
      %get3A_580 = arith.constant 368 : index
      %get3A_581 = tpu.vector_load %arg11[%get3A_579, %get3A_580] {strides = array<i32>} : memref<64x768xf32, #tpu.memory_space<vmem>>, vector<1x16xf32>,
      %get3A_582 = vector.shape_cast %get3A_581 : vector<1x16xf32> to vector<16xf32>
      %mul3A_583 = arith.mulf %get3A_578, %gather3A_198 : vector<16xf32>
      %mul3A_584 = arith.mulf %get3A_582, %gather3A_205 : vector<16xf32>
      %add3A_585 = arith.addf %mul3A_583, %mul3A_584 : vector<16xf32>
      %swap3A_586 = arith.index_cast %add3A_207 : i32 to index
      %swap3A_587 = arith.constant 368 : index
      %swap3A_588 = tpu.vector_load %arg10[%swap3A_586, %swap3A_587] {strides = array<i32>} : memref<64x768xf32, #tpu.memory_space<vmem>>, vector<1x16xf32>,
      %swap3A_589 = vector.shape_cast %swap3A_588 : vector<1x16xf32> to vector<16xf32>
      %swap3A_590 = vector.shape_cast %add3A_585 : vector<16xf32> to vector<1x16xf32>
      tpu.vector_store %arg10[%swap3A_586, %swap3A_587], %swap3A_590 {strides = array<i32>} : memref<64x768xf32, #tpu.memory_space<vmem>>, vector<1x16xf32>,
      %get3A_591 = arith.index_cast %add3A_207 : i32 to index
      %get3A_592 = arith.constant 384 : index
      %get3A_593 = tpu.vector_load %arg10[%get3A_591, %get3A_592] {strides = array<i32>} : memref<64x768xf32, #tpu.memory_space<vmem>>, vector<1x16xf32>,
      %get3A_594 = vector.shape_cast %get3A_593 : vector<1x16xf32> to vector<16xf32>
      %get3A_595 = arith.index_cast %add3A_207 : i32 to index
      %get3A_596 = arith.constant 384 : index
      %get3A_597 = tpu.vector_load %arg11[%get3A_595, %get3A_596] {strides = array<i32>} : memref<64x768xf32, #tpu.memory_space<vmem>>, vector<1x16xf32>,
      %get3A_598 = vector.shape_cast %get3A_597 : vector<1x16xf32> to vector<16xf32>
      %mul3A_599 = arith.mulf %get3A_594, %gather3A_198 : vector<16xf32>
      %mul3A_600 = arith.mulf %get3A_598, %gather3A_205 : vector<16xf32>
      %add3A_601 = arith.addf %mul3A_599, %mul3A_600 : vector<16xf32>
      %swap3A_602 = arith.index_cast %add3A_207 : i32 to index
      %swap3A_603 = arith.constant 384 : index
      %swap3A_604 = tpu.vector_load %arg10[%swap3A_602, %swap3A_603] {strides = array<i32>} : memref<64x768xf32, #tpu.memory_space<vmem>>, vector<1x16xf32>,
      %swap3A_605 = vector.shape_cast %swap3A_604 : vector<1x16xf32> to vector<16xf32>
      %swap3A_606 = vector.shape_cast %add3A_601 : vector<16xf32> to vector<1x16xf32>
      tpu.vector_store %arg10[%swap3A_602, %swap3A_603], %swap3A_606 {strides = array<i32>} : memref<64x768xf32, #tpu.memory_space<vmem>>, vector<1x16xf32>,
      %get3A_607 = arith.index_cast %add3A_207 : i32 to index
      %get3A_608 = arith.constant 400 : index
      %get3A_609 = tpu.vector_load %arg10[%get3A_607, %get3A_608] {strides = array<i32>} : memref<64x768xf32, #tpu.memory_space<vmem>>, vector<1x16xf32>,
      %get3A_610 = vector.shape_cast %get3A_609 : vector<1x16xf32> to vector<16xf32>
      %get3A_611 = arith.index_cast %add3A_207 : i32 to index
      %get3A_612 = arith.constant 400 : index
      %get3A_613 = tpu.vector_load %arg11[%get3A_611, %get3A_612] {strides = array<i32>} : memref<64x768xf32, #tpu.memory_space<vmem>>, vector<1x16xf32>,
      %get3A_614 = vector.shape_cast %get3A_613 : vector<1x16xf32> to vector<16xf32>
      %mul3A_615 = arith.mulf %get3A_610, %gather3A_198 : vector<16xf32>
      %mul3A_616 = arith.mulf %get3A_614, %gather3A_205 : vector<16xf32>
      %add3A_617 = arith.addf %mul3A_615, %mul3A_616 : vector<16xf32>
      %swap3A_618 = arith.index_cast %add3A_207 : i32 to index
      %swap3A_619 = arith.constant 400 : index
      %swap3A_620 = tpu.vector_load %arg10[%swap3A_618, %swap3A_619] {strides = array<i32>} : memref<64x768xf32, #tpu.memory_space<vmem>>, vector<1x16xf32>,
      %swap3A_621 = vector.shape_cast %swap3A_620 : vector<1x16xf32> to vector<16xf32>
      %swap3A_622 = vector.shape_cast %add3A_617 : vector<16xf32> to vector<1x16xf32>
      tpu.vector_store %arg10[%swap3A_618, %swap3A_619], %swap3A_622 {strides = array<i32>} : memref<64x768xf32, #tpu.memory_space<vmem>>, vector<1x16xf32>,
      %get3A_623 = arith.index_cast %add3A_207 : i32 to index
      %get3A_624 = arith.constant 416 : index
      %get3A_625 = tpu.vector_load %arg10[%get3A_623, %get3A_624] {strides = array<i32>} : memref<64x768xf32, #tpu.memory_space<vmem>>, vector<1x16xf32>,
      %get3A_626 = vector.shape_cast %get3A_625 : vector<1x16xf32> to vector<16xf32>
      %get3A_627 = arith.index_cast %add3A_207 : i32 to index
      %get3A_628 = arith.constant 416 : index
      %get3A_629 = tpu.vector_load %arg11[%get3A_627, %get3A_628] {strides = array<i32>} : memref<64x768xf32, #tpu.memory_space<vmem>>, vector<1x16xf32>,
      %get3A_630 = vector.shape_cast %get3A_629 : vector<1x16xf32> to vector<16xf32>
      %mul3A_631 = arith.mulf %get3A_626, %gather3A_198 : vector<16xf32>
      %mul3A_632 = arith.mulf %get3A_630, %gather3A_205 : vector<16xf32>
      %add3A_633 = arith.addf %mul3A_631, %mul3A_632 : vector<16xf32>
      %swap3A_634 = arith.index_cast %add3A_207 : i32 to index
      %swap3A_635 = arith.constant 416 : index
      %swap3A_636 = tpu.vector_load %arg10[%swap3A_634, %swap3A_635] {strides = array<i32>} : memref<64x768xf32, #tpu.memory_space<vmem>>, vector<1x16xf32>,
      %swap3A_637 = vector.shape_cast %swap3A_636 : vector<1x16xf32> to vector<16xf32>
      %swap3A_638 = vector.shape_cast %add3A_633 : vector<16xf32> to vector<1x16xf32>
      tpu.vector_store %arg10[%swap3A_634, %swap3A_635], %swap3A_638 {strides = array<i32>} : memref<64x768xf32, #tpu.memory_space<vmem>>, vector<1x16xf32>,
      %get3A_639 = arith.index_cast %add3A_207 : i32 to index
      %get3A_640 = arith.constant 432 : index
      %get3A_641 = tpu.vector_load %arg10[%get3A_639, %get3A_640] {strides = array<i32>} : memref<64x768xf32, #tpu.memory_space<vmem>>, vector<1x16xf32>,
      %get3A_642 = vector.shape_cast %get3A_641 : vector<1x16xf32> to vector<16xf32>
      %get3A_643 = arith.index_cast %add3A_207 : i32 to index
      %get3A_644 = arith.constant 432 : index
      %get3A_645 = tpu.vector_load %arg11[%get3A_643, %get3A_644] {strides = array<i32>} : memref<64x768xf32, #tpu.memory_space<vmem>>, vector<1x16xf32>,
      %get3A_646 = vector.shape_cast %get3A_645 : vector<1x16xf32> to vector<16xf32>
      %mul3A_647 = arith.mulf %get3A_642, %gather3A_198 : vector<16xf32>
      %mul3A_648 = arith.mulf %get3A_646, %gather3A_205 : vector<16xf32>
      %add3A_649 = arith.addf %mul3A_647, %mul3A_648 : vector<16xf32>
      %swap3A_650 = arith.index_cast %add3A_207 : i32 to index
      %swap3A_651 = arith.constant 432 : index
      %swap3A_652 = tpu.vector_load %arg10[%swap3A_650, %swap3A_651] {strides = array<i32>} : memref<64x768xf32, #tpu.memory_space<vmem>>, vector<1x16xf32>,
      %swap3A_653 = vector.shape_cast %swap3A_652 : vector<1x16xf32> to vector<16xf32>
      %swap3A_654 = vector.shape_cast %add3A_649 : vector<16xf32> to vector<1x16xf32>
      tpu.vector_store %arg10[%swap3A_650, %swap3A_651], %swap3A_654 {strides = array<i32>} : memref<64x768xf32, #tpu.memory_space<vmem>>, vector<1x16xf32>,
      %get3A_655 = arith.index_cast %add3A_207 : i32 to index
      %get3A_656 = arith.constant 448 : index
      %get3A_657 = tpu.vector_load %arg10[%get3A_655, %get3A_656] {strides = array<i32>} : memref<64x768xf32, #tpu.memory_space<vmem>>, vector<1x16xf32>,
      %get3A_658 = vector.shape_cast %get3A_657 : vector<1x16xf32> to vector<16xf32>
      %get3A_659 = arith.index_cast %add3A_207 : i32 to index
      %get3A_660 = arith.constant 448 : index
      %get3A_661 = tpu.vector_load %arg11[%get3A_659, %get3A_660] {strides = array<i32>} : memref<64x768xf32, #tpu.memory_space<vmem>>, vector<1x16xf32>,
      %get3A_662 = vector.shape_cast %get3A_661 : vector<1x16xf32> to vector<16xf32>
      %mul3A_663 = arith.mulf %get3A_658, %gather3A_198 : vector<16xf32>
      %mul3A_664 = arith.mulf %get3A_662, %gather3A_205 : vector<16xf32>
      %add3A_665 = arith.addf %mul3A_663, %mul3A_664 : vector<16xf32>
      %swap3A_666 = arith.index_cast %add3A_207 : i32 to index
      %swap3A_667 = arith.constant 448 : index
      %swap3A_668 = tpu.vector_load %arg10[%swap3A_666, %swap3A_667] {strides = array<i32>} : memref<64x768xf32, #tpu.memory_space<vmem>>, vector<1x16xf32>,
      %swap3A_669 = vector.shape_cast %swap3A_668 : vector<1x16xf32> to vector<16xf32>
      %swap3A_670 = vector.shape_cast %add3A_665 : vector<16xf32> to vector<1x16xf32>
      tpu.vector_store %arg10[%swap3A_666, %swap3A_667], %swap3A_670 {strides = array<i32>} : memref<64x768xf32, #tpu.memory_space<vmem>>, vector<1x16xf32>,
      %get3A_671 = arith.index_cast %add3A_207 : i32 to index
      %get3A_672 = arith.constant 464 : index
      %get3A_673 = tpu.vector_load %arg10[%get3A_671, %get3A_672] {strides = array<i32>} : memref<64x768xf32, #tpu.memory_space<vmem>>, vector<1x16xf32>,
      %get3A_674 = vector.shape_cast %get3A_673 : vector<1x16xf32> to vector<16xf32>
      %get3A_675 = arith.index_cast %add3A_207 : i32 to index
      %get3A_676 = arith.constant 464 : index
      %get3A_677 = tpu.vector_load %arg11[%get3A_675, %get3A_676] {strides = array<i32>} : memref<64x768xf32, #tpu.memory_space<vmem>>, vector<1x16xf32>,
      %get3A_678 = vector.shape_cast %get3A_677 : vector<1x16xf32> to vector<16xf32>
      %mul3A_679 = arith.mulf %get3A_674, %gather3A_198 : vector<16xf32>
      %mul3A_680 = arith.mulf %get3A_678, %gather3A_205 : vector<16xf32>
      %add3A_681 = arith.addf %mul3A_679, %mul3A_680 : vector<16xf32>
      %swap3A_682 = arith.index_cast %add3A_207 : i32 to index
      %swap3A_683 = arith.constant 464 : index
      %swap3A_684 = tpu.vector_load %arg10[%swap3A_682, %swap3A_683] {strides = array<i32>} : memref<64x768xf32, #tpu.memory_space<vmem>>, vector<1x16xf32>,
      %swap3A_685 = vector.shape_cast %swap3A_684 : vector<1x16xf32> to vector<16xf32>
      %swap3A_686 = vector.shape_cast %add3A_681 : vector<16xf32> to vector<1x16xf32>
      tpu.vector_store %arg10[%swap3A_682, %swap3A_683], %swap3A_686 {strides = array<i32>} : memref<64x768xf32, #tpu.memory_space<vmem>>, vector<1x16xf32>,
      %get3A_687 = arith.index_cast %add3A_207 : i32 to index
      %get3A_688 = arith.constant 480 : index
      %get3A_689 = tpu.vector_load %arg10[%get3A_687, %get3A_688] {strides = array<i32>} : memref<64x768xf32, #tpu.memory_space<vmem>>, vector<1x16xf32>,
      %get3A_690 = vector.shape_cast %get3A_689 : vector<1x16xf32> to vector<16xf32>
      %get3A_691 = arith.index_cast %add3A_207 : i32 to index
      %get3A_692 = arith.constant 480 : index
      %get3A_693 = tpu.vector_load %arg11[%get3A_691, %get3A_692] {strides = array<i32>} : memref<64x768xf32, #tpu.memory_space<vmem>>, vector<1x16xf32>,
      %get3A_694 = vector.shape_cast %get3A_693 : vector<1x16xf32> to vector<16xf32>
      %mul3A_695 = arith.mulf %get3A_690, %gather3A_198 : vector<16xf32>
      %mul3A_696 = arith.mulf %get3A_694, %gather3A_205 : vector<16xf32>
      %add3A_697 = arith.addf %mul3A_695, %mul3A_696 : vector<16xf32>
      %swap3A_698 = arith.index_cast %add3A_207 : i32 to index
      %swap3A_699 = arith.constant 480 : index
      %swap3A_700 = tpu.vector_load %arg10[%swap3A_698, %swap3A_699] {strides = array<i32>} : memref<64x768xf32, #tpu.memory_space<vmem>>, vector<1x16xf32>,
      %swap3A_701 = vector.shape_cast %swap3A_700 : vector<1x16xf32> to vector<16xf32>
      %swap3A_702 = vector.shape_cast %add3A_697 : vector<16xf32> to vector<1x16xf32>
      tpu.vector_store %arg10[%swap3A_698, %swap3A_699], %swap3A_702 {strides = array<i32>} : memref<64x768xf32, #tpu.memory_space<vmem>>, vector<1x16xf32>,
      %get3A_703 = arith.index_cast %add3A_207 : i32 to index
      %get3A_704 = arith.constant 496 : index
      %get3A_705 = tpu.vector_load %arg10[%get3A_703, %get3A_704] {strides = array<i32>} : memref<64x768xf32, #tpu.memory_space<vmem>>, vector<1x16xf32>,
      %get3A_706 = vector.shape_cast %get3A_705 : vector<1x16xf32> to vector<16xf32>
      %get3A_707 = arith.index_cast %add3A_207 : i32 to index
      %get3A_708 = arith.constant 496 : index
      %get3A_709 = tpu.vector_load %arg11[%get3A_707, %get3A_708] {strides = array<i32>} : memref<64x768xf32, #tpu.memory_space<vmem>>, vector<1x16xf32>,
      %get3A_710 = vector.shape_cast %get3A_709 : vector<1x16xf32> to vector<16xf32>
      %mul3A_711 = arith.mulf %get3A_706, %gather3A_198 : vector<16xf32>
      %mul3A_712 = arith.mulf %get3A_710, %gather3A_205 : vector<16xf32>
      %add3A_713 = arith.addf %mul3A_711, %mul3A_712 : vector<16xf32>
      %swap3A_714 = arith.index_cast %add3A_207 : i32 to index
      %swap3A_715 = arith.constant 496 : index
      %swap3A_716 = tpu.vector_load %arg10[%swap3A_714, %swap3A_715] {strides = array<i32>} : memref<64x768xf32, #tpu.memory_space<vmem>>, vector<1x16xf32>,
      %swap3A_717 = vector.shape_cast %swap3A_716 : vector<1x16xf32> to vector<16xf32>
      %swap3A_718 = vector.shape_cast %add3A_713 : vector<16xf32> to vector<1x16xf32>
      tpu.vector_store %arg10[%swap3A_714, %swap3A_715], %swap3A_718 {strides = array<i32>} : memref<64x768xf32, #tpu.memory_space<vmem>>, vector<1x16xf32>,
      %get3A_719 = arith.index_cast %add3A_207 : i32 to index
      %get3A_720 = arith.constant 512 : index
      %get3A_721 = tpu.vector_load %arg10[%get3A_719, %get3A_720] {strides = array<i32>} : memref<64x768xf32, #tpu.memory_space<vmem>>, vector<1x16xf32>,
      %get3A_722 = vector.shape_cast %get3A_721 : vector<1x16xf32> to vector<16xf32>
      %get3A_723 = arith.index_cast %add3A_207 : i32 to index
      %get3A_724 = arith.constant 512 : index
      %get3A_725 = tpu.vector_load %arg11[%get3A_723, %get3A_724] {strides = array<i32>} : memref<64x768xf32, #tpu.memory_space<vmem>>, vector<1x16xf32>,
      %get3A_726 = vector.shape_cast %get3A_725 : vector<1x16xf32> to vector<16xf32>
      %mul3A_727 = arith.mulf %get3A_722, %gather3A_198 : vector<16xf32>
      %mul3A_728 = arith.mulf %get3A_726, %gather3A_205 : vector<16xf32>
      %add3A_729 = arith.addf %mul3A_727, %mul3A_728 : vector<16xf32>
      %swap3A_730 = arith.index_cast %add3A_207 : i32 to index
      %swap3A_731 = arith.constant 512 : index
      %swap3A_732 = tpu.vector_load %arg10[%swap3A_730, %swap3A_731] {strides = array<i32>} : memref<64x768xf32, #tpu.memory_space<vmem>>, vector<1x16xf32>,
      %swap3A_733 = vector.shape_cast %swap3A_732 : vector<1x16xf32> to vector<16xf32>
      %swap3A_734 = vector.shape_cast %add3A_729 : vector<16xf32> to vector<1x16xf32>
      tpu.vector_store %arg10[%swap3A_730, %swap3A_731], %swap3A_734 {strides = array<i32>} : memref<64x768xf32, #tpu.memory_space<vmem>>, vector<1x16xf32>,
      %get3A_735 = arith.index_cast %add3A_207 : i32 to index
      %get3A_736 = arith.constant 528 : index
      %get3A_737 = tpu.vector_load %arg10[%get3A_735, %get3A_736] {strides = array<i32>} : memref<64x768xf32, #tpu.memory_space<vmem>>, vector<1x16xf32>,
      %get3A_738 = vector.shape_cast %get3A_737 : vector<1x16xf32> to vector<16xf32>
      %get3A_739 = arith.index_cast %add3A_207 : i32 to index
      %get3A_740 = arith.constant 528 : index
      %get3A_741 = tpu.vector_load %arg11[%get3A_739, %get3A_740] {strides = array<i32>} : memref<64x768xf32, #tpu.memory_space<vmem>>, vector<1x16xf32>,
      %get3A_742 = vector.shape_cast %get3A_741 : vector<1x16xf32> to vector<16xf32>
      %mul3A_743 = arith.mulf %get3A_738, %gather3A_198 : vector<16xf32>
      %mul3A_744 = arith.mulf %get3A_742, %gather3A_205 : vector<16xf32>
      %add3A_745 = arith.addf %mul3A_743, %mul3A_744 : vector<16xf32>
      %swap3A_746 = arith.index_cast %add3A_207 : i32 to index
      %swap3A_747 = arith.constant 528 : index
      %swap3A_748 = tpu.vector_load %arg10[%swap3A_746, %swap3A_747] {strides = array<i32>} : memref<64x768xf32, #tpu.memory_space<vmem>>, vector<1x16xf32>,
      %swap3A_749 = vector.shape_cast %swap3A_748 : vector<1x16xf32> to vector<16xf32>
      %swap3A_750 = vector.shape_cast %add3A_745 : vector<16xf32> to vector<1x16xf32>
      tpu.vector_store %arg10[%swap3A_746, %swap3A_747], %swap3A_750 {strides = array<i32>} : memref<64x768xf32, #tpu.memory_space<vmem>>, vector<1x16xf32>,
      %get3A_751 = arith.index_cast %add3A_207 : i32 to index
      %get3A_752 = arith.constant 544 : index
      %get3A_753 = tpu.vector_load %arg10[%get3A_751, %get3A_752] {strides = array<i32>} : memref<64x768xf32, #tpu.memory_space<vmem>>, vector<1x16xf32>,
      %get3A_754 = vector.shape_cast %get3A_753 : vector<1x16xf32> to vector<16xf32>
      %get3A_755 = arith.index_cast %add3A_207 : i32 to index
      %get3A_756 = arith.constant 544 : index
      %get3A_757 = tpu.vector_load %arg11[%get3A_755, %get3A_756] {strides = array<i32>} : memref<64x768xf32, #tpu.memory_space<vmem>>, vector<1x16xf32>,
      %get3A_758 = vector.shape_cast %get3A_757 : vector<1x16xf32> to vector<16xf32>
      %mul3A_759 = arith.mulf %get3A_754, %gather3A_198 : vector<16xf32>
      %mul3A_760 = arith.mulf %get3A_758, %gather3A_205 : vector<16xf32>
      %add3A_761 = arith.addf %mul3A_759, %mul3A_760 : vector<16xf32>
      %swap3A_762 = arith.index_cast %add3A_207 : i32 to index
      %swap3A_763 = arith.constant 544 : index
      %swap3A_764 = tpu.vector_load %arg10[%swap3A_762, %swap3A_763] {strides = array<i32>} : memref<64x768xf32, #tpu.memory_space<vmem>>, vector<1x16xf32>,
      %swap3A_765 = vector.shape_cast %swap3A_764 : vector<1x16xf32> to vector<16xf32>
      %swap3A_766 = vector.shape_cast %add3A_761 : vector<16xf32> to vector<1x16xf32>
      tpu.vector_store %arg10[%swap3A_762, %swap3A_763], %swap3A_766 {strides = array<i32>} : memref<64x768xf32, #tpu.memory_space<vmem>>, vector<1x16xf32>,
      %get3A_767 = arith.index_cast %add3A_207 : i32 to index
      %get3A_768 = arith.constant 560 : index
      %get3A_769 = tpu.vector_load %arg10[%get3A_767, %get3A_768] {strides = array<i32>} : memref<64x768xf32, #tpu.memory_space<vmem>>, vector<1x16xf32>,
      %get3A_770 = vector.shape_cast %get3A_769 : vector<1x16xf32> to vector<16xf32>
      %get3A_771 = arith.index_cast %add3A_207 : i32 to index
      %get3A_772 = arith.constant 560 : index
      %get3A_773 = tpu.vector_load %arg11[%get3A_771, %get3A_772] {strides = array<i32>} : memref<64x768xf32, #tpu.memory_space<vmem>>, vector<1x16xf32>,
      %get3A_774 = vector.shape_cast %get3A_773 : vector<1x16xf32> to vector<16xf32>
      %mul3A_775 = arith.mulf %get3A_770, %gather3A_198 : vector<16xf32>
      %mul3A_776 = arith.mulf %get3A_774, %gather3A_205 : vector<16xf32>
      %add3A_777 = arith.addf %mul3A_775, %mul3A_776 : vector<16xf32>
      %swap3A_778 = arith.index_cast %add3A_207 : i32 to index
      %swap3A_779 = arith.constant 560 : index
      %swap3A_780 = tpu.vector_load %arg10[%swap3A_778, %swap3A_779] {strides = array<i32>} : memref<64x768xf32, #tpu.memory_space<vmem>>, vector<1x16xf32>,
      %swap3A_781 = vector.shape_cast %swap3A_780 : vector<1x16xf32> to vector<16xf32>
      %swap3A_782 = vector.shape_cast %add3A_777 : vector<16xf32> to vector<1x16xf32>
      tpu.vector_store %arg10[%swap3A_778, %swap3A_779], %swap3A_782 {strides = array<i32>} : memref<64x768xf32, #tpu.memory_space<vmem>>, vector<1x16xf32>,
      %get3A_783 = arith.index_cast %add3A_207 : i32 to index
      %get3A_784 = arith.constant 576 : index
      %get3A_785 = tpu.vector_load %arg10[%get3A_783, %get3A_784] {strides = array<i32>} : memref<64x768xf32, #tpu.memory_space<vmem>>, vector<1x16xf32>,
      %get3A_786 = vector.shape_cast %get3A_785 : vector<1x16xf32> to vector<16xf32>
      %get3A_787 = arith.index_cast %add3A_207 : i32 to index
      %get3A_788 = arith.constant 576 : index
      %get3A_789 = tpu.vector_load %arg11[%get3A_787, %get3A_788] {strides = array<i32>} : memref<64x768xf32, #tpu.memory_space<vmem>>, vector<1x16xf32>,
      %get3A_790 = vector.shape_cast %get3A_789 : vector<1x16xf32> to vector<16xf32>
      %mul3A_791 = arith.mulf %get3A_786, %gather3A_198 : vector<16xf32>
      %mul3A_792 = arith.mulf %get3A_790, %gather3A_205 : vector<16xf32>
      %add3A_793 = arith.addf %mul3A_791, %mul3A_792 : vector<16xf32>
      %swap3A_794 = arith.index_cast %add3A_207 : i32 to index
      %swap3A_795 = arith.constant 576 : index
      %swap3A_796 = tpu.vector_load %arg10[%swap3A_794, %swap3A_795] {strides = array<i32>} : memref<64x768xf32, #tpu.memory_space<vmem>>, vector<1x16xf32>,
      %swap3A_797 = vector.shape_cast %swap3A_796 : vector<1x16xf32> to vector<16xf32>
      %swap3A_798 = vector.shape_cast %add3A_793 : vector<16xf32> to vector<1x16xf32>
      tpu.vector_store %arg10[%swap3A_794, %swap3A_795], %swap3A_798 {strides = array<i32>} : memref<64x768xf32, #tpu.memory_space<vmem>>, vector<1x16xf32>,
      %get3A_799 = arith.index_cast %add3A_207 : i32 to index
      %get3A_800 = arith.constant 592 : index
      %get3A_801 = tpu.vector_load %arg10[%get3A_799, %get3A_800] {strides = array<i32>} : memref<64x768xf32, #tpu.memory_space<vmem>>, vector<1x16xf32>,
      %get3A_802 = vector.shape_cast %get3A_801 : vector<1x16xf32> to vector<16xf32>
      %get3A_803 = arith.index_cast %add3A_207 : i32 to index
      %get3A_804 = arith.constant 592 : index
      %get3A_805 = tpu.vector_load %arg11[%get3A_803, %get3A_804] {strides = array<i32>} : memref<64x768xf32, #tpu.memory_space<vmem>>, vector<1x16xf32>,
      %get3A_806 = vector.shape_cast %get3A_805 : vector<1x16xf32> to vector<16xf32>
      %mul3A_807 = arith.mulf %get3A_802, %gather3A_198 : vector<16xf32>
      %mul3A_808 = arith.mulf %get3A_806, %gather3A_205 : vector<16xf32>
      %add3A_809 = arith.addf %mul3A_807, %mul3A_808 : vector<16xf32>
      %swap3A_810 = arith.index_cast %add3A_207 : i32 to index
      %swap3A_811 = arith.constant 592 : index
      %swap3A_812 = tpu.vector_load %arg10[%swap3A_810, %swap3A_811] {strides = array<i32>} : memref<64x768xf32, #tpu.memory_space<vmem>>, vector<1x16xf32>,
      %swap3A_813 = vector.shape_cast %swap3A_812 : vector<1x16xf32> to vector<16xf32>
      %swap3A_814 = vector.shape_cast %add3A_809 : vector<16xf32> to vector<1x16xf32>
      tpu.vector_store %arg10[%swap3A_810, %swap3A_811], %swap3A_814 {strides = array<i32>} : memref<64x768xf32, #tpu.memory_space<vmem>>, vector<1x16xf32>,
      %get3A_815 = arith.index_cast %add3A_207 : i32 to index
      %get3A_816 = arith.constant 608 : index
      %get3A_817 = tpu.vector_load %arg10[%get3A_815, %get3A_816] {strides = array<i32>} : memref<64x768xf32, #tpu.memory_space<vmem>>, vector<1x16xf32>,
      %get3A_818 = vector.shape_cast %get3A_817 : vector<1x16xf32> to vector<16xf32>
      %get3A_819 = arith.index_cast %add3A_207 : i32 to index
      %get3A_820 = arith.constant 608 : index
      %get3A_821 = tpu.vector_load %arg11[%get3A_819, %get3A_820] {strides = array<i32>} : memref<64x768xf32, #tpu.memory_space<vmem>>, vector<1x16xf32>,
      %get3A_822 = vector.shape_cast %get3A_821 : vector<1x16xf32> to vector<16xf32>
      %mul3A_823 = arith.mulf %get3A_818, %gather3A_198 : vector<16xf32>
      %mul3A_824 = arith.mulf %get3A_822, %gather3A_205 : vector<16xf32>
      %add3A_825 = arith.addf %mul3A_823, %mul3A_824 : vector<16xf32>
      %swap3A_826 = arith.index_cast %add3A_207 : i32 to index
      %swap3A_827 = arith.constant 608 : index
      %swap3A_828 = tpu.vector_load %arg10[%swap3A_826, %swap3A_827] {strides = array<i32>} : memref<64x768xf32, #tpu.memory_space<vmem>>, vector<1x16xf32>,
      %swap3A_829 = vector.shape_cast %swap3A_828 : vector<1x16xf32> to vector<16xf32>
      %swap3A_830 = vector.shape_cast %add3A_825 : vector<16xf32> to vector<1x16xf32>
      tpu.vector_store %arg10[%swap3A_826, %swap3A_827], %swap3A_830 {strides = array<i32>} : memref<64x768xf32, #tpu.memory_space<vmem>>, vector<1x16xf32>,
      %get3A_831 = arith.index_cast %add3A_207 : i32 to index
      %get3A_832 = arith.constant 624 : index
      %get3A_833 = tpu.vector_load %arg10[%get3A_831, %get3A_832] {strides = array<i32>} : memref<64x768xf32, #tpu.memory_space<vmem>>, vector<1x16xf32>,
      %get3A_834 = vector.shape_cast %get3A_833 : vector<1x16xf32> to vector<16xf32>
      %get3A_835 = arith.index_cast %add3A_207 : i32 to index
      %get3A_836 = arith.constant 624 : index
      %get3A_837 = tpu.vector_load %arg11[%get3A_835, %get3A_836] {strides = array<i32>} : memref<64x768xf32, #tpu.memory_space<vmem>>, vector<1x16xf32>,
      %get3A_838 = vector.shape_cast %get3A_837 : vector<1x16xf32> to vector<16xf32>
      %mul3A_839 = arith.mulf %get3A_834, %gather3A_198 : vector<16xf32>
      %mul3A_840 = arith.mulf %get3A_838, %gather3A_205 : vector<16xf32>
      %add3A_841 = arith.addf %mul3A_839, %mul3A_840 : vector<16xf32>
      %swap3A_842 = arith.index_cast %add3A_207 : i32 to index
      %swap3A_843 = arith.constant 624 : index
      %swap3A_844 = tpu.vector_load %arg10[%swap3A_842, %swap3A_843] {strides = array<i32>} : memref<64x768xf32, #tpu.memory_space<vmem>>, vector<1x16xf32>,
      %swap3A_845 = vector.shape_cast %swap3A_844 : vector<1x16xf32> to vector<16xf32>
      %swap3A_846 = vector.shape_cast %add3A_841 : vector<16xf32> to vector<1x16xf32>
      tpu.vector_store %arg10[%swap3A_842, %swap3A_843], %swap3A_846 {strides = array<i32>} : memref<64x768xf32, #tpu.memory_space<vmem>>, vector<1x16xf32>,
      %get3A_847 = arith.index_cast %add3A_207 : i32 to index
      %get3A_848 = arith.constant 640 : index
      %get3A_849 = tpu.vector_load %arg10[%get3A_847, %get3A_848] {strides = array<i32>} : memref<64x768xf32, #tpu.memory_space<vmem>>, vector<1x16xf32>,
      %get3A_850 = vector.shape_cast %get3A_849 : vector<1x16xf32> to vector<16xf32>
      %get3A_851 = arith.index_cast %add3A_207 : i32 to index
      %get3A_852 = arith.constant 640 : index
      %get3A_853 = tpu.vector_load %arg11[%get3A_851, %get3A_852] {strides = array<i32>} : memref<64x768xf32, #tpu.memory_space<vmem>>, vector<1x16xf32>,
      %get3A_854 = vector.shape_cast %get3A_853 : vector<1x16xf32> to vector<16xf32>
      %mul3A_855 = arith.mulf %get3A_850, %gather3A_198 : vector<16xf32>
      %mul3A_856 = arith.mulf %get3A_854, %gather3A_205 : vector<16xf32>
      %add3A_857 = arith.addf %mul3A_855, %mul3A_856 : vector<16xf32>
      %swap3A_858 = arith.index_cast %add3A_207 : i32 to index
      %swap3A_859 = arith.constant 640 : index
      %swap3A_860 = tpu.vector_load %arg10[%swap3A_858, %swap3A_859] {strides = array<i32>} : memref<64x768xf32, #tpu.memory_space<vmem>>, vector<1x16xf32>,
      %swap3A_861 = vector.shape_cast %swap3A_860 : vector<1x16xf32> to vector<16xf32>
      %swap3A_862 = vector.shape_cast %add3A_857 : vector<16xf32> to vector<1x16xf32>
      tpu.vector_store %arg10[%swap3A_858, %swap3A_859], %swap3A_862 {strides = array<i32>} : memref<64x768xf32, #tpu.memory_space<vmem>>, vector<1x16xf32>,
      %get3A_863 = arith.index_cast %add3A_207 : i32 to index
      %get3A_864 = arith.constant 656 : index
      %get3A_865 = tpu.vector_load %arg10[%get3A_863, %get3A_864] {strides = array<i32>} : memref<64x768xf32, #tpu.memory_space<vmem>>, vector<1x16xf32>,
      %get3A_866 = vector.shape_cast %get3A_865 : vector<1x16xf32> to vector<16xf32>
      %get3A_867 = arith.index_cast %add3A_207 : i32 to index
      %get3A_868 = arith.constant 656 : index
      %get3A_869 = tpu.vector_load %arg11[%get3A_867, %get3A_868] {strides = array<i32>} : memref<64x768xf32, #tpu.memory_space<vmem>>, vector<1x16xf32>,
      %get3A_870 = vector.shape_cast %get3A_869 : vector<1x16xf32> to vector<16xf32>
      %mul3A_871 = arith.mulf %get3A_866, %gather3A_198 : vector<16xf32>
      %mul3A_872 = arith.mulf %get3A_870, %gather3A_205 : vector<16xf32>
      %add3A_873 = arith.addf %mul3A_871, %mul3A_872 : vector<16xf32>
      %swap3A_874 = arith.index_cast %add3A_207 : i32 to index
      %swap3A_875 = arith.constant 656 : index
      %swap3A_876 = tpu.vector_load %arg10[%swap3A_874, %swap3A_875] {strides = array<i32>} : memref<64x768xf32, #tpu.memory_space<vmem>>, vector<1x16xf32>,
      %swap3A_877 = vector.shape_cast %swap3A_876 : vector<1x16xf32> to vector<16xf32>
      %swap3A_878 = vector.shape_cast %add3A_873 : vector<16xf32> to vector<1x16xf32>
      tpu.vector_store %arg10[%swap3A_874, %swap3A_875], %swap3A_878 {strides = array<i32>} : memref<64x768xf32, #tpu.memory_space<vmem>>, vector<1x16xf32>,
      %get3A_879 = arith.index_cast %add3A_207 : i32 to index
      %get3A_880 = arith.constant 672 : index
      %get3A_881 = tpu.vector_load %arg10[%get3A_879, %get3A_880] {strides = array<i32>} : memref<64x768xf32, #tpu.memory_space<vmem>>, vector<1x16xf32>,
      %get3A_882 = vector.shape_cast %get3A_881 : vector<1x16xf32> to vector<16xf32>
      %get3A_883 = arith.index_cast %add3A_207 : i32 to index
      %get3A_884 = arith.constant 672 : index
      %get3A_885 = tpu.vector_load %arg11[%get3A_883, %get3A_884] {strides = array<i32>} : memref<64x768xf32, #tpu.memory_space<vmem>>, vector<1x16xf32>,
      %get3A_886 = vector.shape_cast %get3A_885 : vector<1x16xf32> to vector<16xf32>
      %mul3A_887 = arith.mulf %get3A_882, %gather3A_198 : vector<16xf32>
      %mul3A_888 = arith.mulf %get3A_886, %gather3A_205 : vector<16xf32>
      %add3A_889 = arith.addf %mul3A_887, %mul3A_888 : vector<16xf32>
      %swap3A_890 = arith.index_cast %add3A_207 : i32 to index
      %swap3A_891 = arith.constant 672 : index
      %swap3A_892 = tpu.vector_load %arg10[%swap3A_890, %swap3A_891] {strides = array<i32>} : memref<64x768xf32, #tpu.memory_space<vmem>>, vector<1x16xf32>,
      %swap3A_893 = vector.shape_cast %swap3A_892 : vector<1x16xf32> to vector<16xf32>
      %swap3A_894 = vector.shape_cast %add3A_889 : vector<16xf32> to vector<1x16xf32>
      tpu.vector_store %arg10[%swap3A_890, %swap3A_891], %swap3A_894 {strides = array<i32>} : memref<64x768xf32, #tpu.memory_space<vmem>>, vector<1x16xf32>,
      %get3A_895 = arith.index_cast %add3A_207 : i32 to index
      %get3A_896 = arith.constant 688 : index
      %get3A_897 = tpu.vector_load %arg10[%get3A_895, %get3A_896] {strides = array<i32>} : memref<64x768xf32, #tpu.memory_space<vmem>>, vector<1x16xf32>,
      %get3A_898 = vector.shape_cast %get3A_897 : vector<1x16xf32> to vector<16xf32>
      %get3A_899 = arith.index_cast %add3A_207 : i32 to index
      %get3A_900 = arith.constant 688 : index
      %get3A_901 = tpu.vector_load %arg11[%get3A_899, %get3A_900] {strides = array<i32>} : memref<64x768xf32, #tpu.memory_space<vmem>>, vector<1x16xf32>,
      %get3A_902 = vector.shape_cast %get3A_901 : vector<1x16xf32> to vector<16xf32>
      %mul3A_903 = arith.mulf %get3A_898, %gather3A_198 : vector<16xf32>
      %mul3A_904 = arith.mulf %get3A_902, %gather3A_205 : vector<16xf32>
      %add3A_905 = arith.addf %mul3A_903, %mul3A_904 : vector<16xf32>
      %swap3A_906 = arith.index_cast %add3A_207 : i32 to index
      %swap3A_907 = arith.constant 688 : index
      %swap3A_908 = tpu.vector_load %arg10[%swap3A_906, %swap3A_907] {strides = array<i32>} : memref<64x768xf32, #tpu.memory_space<vmem>>, vector<1x16xf32>,
      %swap3A_909 = vector.shape_cast %swap3A_908 : vector<1x16xf32> to vector<16xf32>
      %swap3A_910 = vector.shape_cast %add3A_905 : vector<16xf32> to vector<1x16xf32>
      tpu.vector_store %arg10[%swap3A_906, %swap3A_907], %swap3A_910 {strides = array<i32>} : memref<64x768xf32, #tpu.memory_space<vmem>>, vector<1x16xf32>,
      %get3A_911 = arith.index_cast %add3A_207 : i32 to index
      %get3A_912 = arith.constant 704 : index
      %get3A_913 = tpu.vector_load %arg10[%get3A_911, %get3A_912] {strides = array<i32>} : memref<64x768xf32, #tpu.memory_space<vmem>>, vector<1x16xf32>,
      %get3A_914 = vector.shape_cast %get3A_913 : vector<1x16xf32> to vector<16xf32>
      %get3A_915 = arith.index_cast %add3A_207 : i32 to index
      %get3A_916 = arith.constant 704 : index
      %get3A_917 = tpu.vector_load %arg11[%get3A_915, %get3A_916] {strides = array<i32>} : memref<64x768xf32, #tpu.memory_space<vmem>>, vector<1x16xf32>,
      %get3A_918 = vector.shape_cast %get3A_917 : vector<1x16xf32> to vector<16xf32>
      %mul3A_919 = arith.mulf %get3A_914, %gather3A_198 : vector<16xf32>
      %mul3A_920 = arith.mulf %get3A_918, %gather3A_205 : vector<16xf32>
      %add3A_921 = arith.addf %mul3A_919, %mul3A_920 : vector<16xf32>
      %swap3A_922 = arith.index_cast %add3A_207 : i32 to index
      %swap3A_923 = arith.constant 704 : index
      %swap3A_924 = tpu.vector_load %arg10[%swap3A_922, %swap3A_923] {strides = array<i32>} : memref<64x768xf32, #tpu.memory_space<vmem>>, vector<1x16xf32>,
      %swap3A_925 = vector.shape_cast %swap3A_924 : vector<1x16xf32> to vector<16xf32>
      %swap3A_926 = vector.shape_cast %add3A_921 : vector<16xf32> to vector<1x16xf32>
      tpu.vector_store %arg10[%swap3A_922, %swap3A_923], %swap3A_926 {strides = array<i32>} : memref<64x768xf32, #tpu.memory_space<vmem>>, vector<1x16xf32>,
      %get3A_927 = arith.index_cast %add3A_207 : i32 to index
      %get3A_928 = arith.constant 720 : index
      %get3A_929 = tpu.vector_load %arg10[%get3A_927, %get3A_928] {strides = array<i32>} : memref<64x768xf32, #tpu.memory_space<vmem>>, vector<1x16xf32>,
      %get3A_930 = vector.shape_cast %get3A_929 : vector<1x16xf32> to vector<16xf32>
      %get3A_931 = arith.index_cast %add3A_207 : i32 to index
      %get3A_932 = arith.constant 720 : index
      %get3A_933 = tpu.vector_load %arg11[%get3A_931, %get3A_932] {strides = array<i32>} : memref<64x768xf32, #tpu.memory_space<vmem>>, vector<1x16xf32>,
      %get3A_934 = vector.shape_cast %get3A_933 : vector<1x16xf32> to vector<16xf32>
      %mul3A_935 = arith.mulf %get3A_930, %gather3A_198 : vector<16xf32>
      %mul3A_936 = arith.mulf %get3A_934, %gather3A_205 : vector<16xf32>
      %add3A_937 = arith.addf %mul3A_935, %mul3A_936 : vector<16xf32>
      %swap3A_938 = arith.index_cast %add3A_207 : i32 to index
      %swap3A_939 = arith.constant 720 : index
      %swap3A_940 = tpu.vector_load %arg10[%swap3A_938, %swap3A_939] {strides = array<i32>} : memref<64x768xf32, #tpu.memory_space<vmem>>, vector<1x16xf32>,
      %swap3A_941 = vector.shape_cast %swap3A_940 : vector<1x16xf32> to vector<16xf32>
      %swap3A_942 = vector.shape_cast %add3A_937 : vector<16xf32> to vector<1x16xf32>
      tpu.vector_store %arg10[%swap3A_938, %swap3A_939], %swap3A_942 {strides = array<i32>} : memref<64x768xf32, #tpu.memory_space<vmem>>, vector<1x16xf32>,
      %get3A_943 = arith.index_cast %add3A_207 : i32 to index
      %get3A_944 = arith.constant 736 : index
      %get3A_945 = tpu.vector_load %arg10[%get3A_943, %get3A_944] {strides = array<i32>} : memref<64x768xf32, #tpu.memory_space<vmem>>, vector<1x16xf32>,
      %get3A_946 = vector.shape_cast %get3A_945 : vector<1x16xf32> to vector<16xf32>
      %get3A_947 = arith.index_cast %add3A_207 : i32 to index
      %get3A_948 = arith.constant 736 : index
      %get3A_949 = tpu.vector_load %arg11[%get3A_947, %get3A_948] {strides = array<i32>} : memref<64x768xf32, #tpu.memory_space<vmem>>, vector<1x16xf32>,
      %get3A_950 = vector.shape_cast %get3A_949 : vector<1x16xf32> to vector<16xf32>
      %mul3A_951 = arith.mulf %get3A_946, %gather3A_198 : vector<16xf32>
      %mul3A_952 = arith.mulf %get3A_950, %gather3A_205 : vector<16xf32>
      %add3A_953 = arith.addf %mul3A_951, %mul3A_952 : vector<16xf32>
      %swap3A_954 = arith.index_cast %add3A_207 : i32 to index
      %swap3A_955 = arith.constant 736 : index
      %swap3A_956 = tpu.vector_load %arg10[%swap3A_954, %swap3A_955] {strides = array<i32>} : memref<64x768xf32, #tpu.memory_space<vmem>>, vector<1x16xf32>,
      %swap3A_957 = vector.shape_cast %swap3A_956 : vector<1x16xf32> to vector<16xf32>
      %swap3A_958 = vector.shape_cast %add3A_953 : vector<16xf32> to vector<1x16xf32>
      tpu.vector_store %arg10[%swap3A_954, %swap3A_955], %swap3A_958 {strides = array<i32>} : memref<64x768xf32, #tpu.memory_space<vmem>>, vector<1x16xf32>,
      %get3A_959 = arith.index_cast %add3A_207 : i32 to index
      %get3A_960 = arith.constant 752 : index
      %get3A_961 = tpu.vector_load %arg10[%get3A_959, %get3A_960] {strides = array<i32>} : memref<64x768xf32, #tpu.memory_space<vmem>>, vector<1x16xf32>,
      %get3A_962 = vector.shape_cast %get3A_961 : vector<1x16xf32> to vector<16xf32>
      %get3A_963 = arith.index_cast %add3A_207 : i32 to index
      %get3A_964 = arith.constant 752 : index
      %get3A_965 = tpu.vector_load %arg11[%get3A_963, %get3A_964] {strides = array<i32>} : memref<64x768xf32, #tpu.memory_space<vmem>>, vector<1x16xf32>,
      %get3A_966 = vector.shape_cast %get3A_965 : vector<1x16xf32> to vector<16xf32>
      %mul3A_967 = arith.mulf %get3A_962, %gather3A_198 : vector<16xf32>
      %mul3A_968 = arith.mulf %get3A_966, %gather3A_205 : vector<16xf32>
      %add3A_969 = arith.addf %mul3A_967, %mul3A_968 : vector<16xf32>
      %swap3A_970 = arith.index_cast %add3A_207 : i32 to index
      %swap3A_971 = arith.constant 752 : index
      %swap3A_972 = tpu.vector_load %arg10[%swap3A_970, %swap3A_971] {strides = array<i32>} : memref<64x768xf32, #tpu.memory_space<vmem>>, vector<1x16xf32>,
      %swap3A_973 = vector.shape_cast %swap3A_972 : vector<1x16xf32> to vector<16xf32>
      %swap3A_974 = vector.shape_cast %add3A_969 : vector<16xf32> to vector<1x16xf32>
      tpu.vector_store %arg10[%swap3A_970, %swap3A_971], %swap3A_974 {strides = array<i32>} : memref<64x768xf32, #tpu.memory_space<vmem>>, vector<1x16xf32>,
    }
    %scan3A_110 = arith.constant 16 : i32
    %dma_start3A_111 = arith.constant 0 : i32
    %dma_start3A_112 = arith.constant 0 : i32
    %dma_start3A_113 = tpu.memref_slice %arg10[%dma_start3A_111, %dma_start3A_112] : memref<64x768xf32, #tpu.memory_space<vmem>> -> memref<32x768xf32, #tpu.memory_space<vmem>>
    %dma_start3A_114 = arith.constant 0 : i32
    %dma_start3A_115 = tpu.memref_slice %arg5[%mul3A_2, %dma_start3A_114] : memref<2048x768xf32, #tpu.memory_space<hbm>> -> memref<32x768xf32, #tpu.memory_space<hbm>>
    %dma_start3A_116 = arith.constant 0 : i32
    %dma_start3A_117 = tpu.memref_slice %arg5[%mul3A_2, %dma_start3A_116] : memref<2048x768xf32, #tpu.memory_space<hbm>> -> memref<32x768xf32, #tpu.memory_space<hbm>>
    %dma_start3A_118 = arith.constant 0 : i32
    %dma_start3A_119 = arith.constant 0 : i32
    %dma_start3A_120 = tpu.memref_slice %arg10[%dma_start3A_118, %dma_start3A_119] : memref<64x768xf32, #tpu.memory_space<vmem>> -> memref<32x768xf32, #tpu.memory_space<vmem>>
    tpu.enqueue_dma source(%dma_start3A_120 : memref<32x768xf32, #tpu.memory_space<vmem>>) target(%dma_start3A_117 : memref<32x768xf32, #tpu.memory_space<hbm>>) target_semaphore(%arg15 : memref<!tpu.dma_semaphore, #tpu.memory_space<semaphore_mem>>)
    %dma_wait3A_121 = arith.constant 32 : i32
    %dma_wait3A_122 = arith.constant 0 : i32
    %dma_wait3A_123 = tpu.memref_slice %arg10[%dma_wait3A_121, %dma_wait3A_122] : memref<64x768xf32, #tpu.memory_space<vmem>> -> memref<32x768xf32, #tpu.memory_space<vmem>>
    %dma_wait3A_124 = arith.constant 32 : i32
    %dma_wait3A_125 = tpu.memref_slice %arg6[%dma_wait3A_124] : memref<64xi32, #tpu.memory_space<vmem>> -> memref<32xi32, #tpu.memory_space<vmem>>
    %dma_wait3A_126 = arith.constant 0 : i32
    %dma_wait3A_127 = arith.constant 0 : i32
    %dma_wait3A_128 = tpu.memref_slice %arg2[%dma_wait3A_126, %dma_wait3A_127] : memref<6400x768xf32, #tpu.memory_space<hbm>> -> memref<6400x768xf32, #tpu.memory_space<hbm>>
    tpu.wait_indirect_dma semaphore(%arg14 : memref<!tpu.dma_semaphore, #tpu.memory_space<semaphore_mem>>) src(%dma_wait3A_128 : memref<6400x768xf32, #tpu.memory_space<hbm>>) dst(%dma_wait3A_123 : memref<32x768xf32, #tpu.memory_space<vmem>>)
    %dma_wait3A_129 = arith.constant 32 : i32
    %dma_wait3A_130 = arith.constant 0 : i32
    %dma_wait3A_131 = tpu.memref_slice %arg11[%dma_wait3A_129, %dma_wait3A_130] : memref<64x768xf32, #tpu.memory_space<vmem>> -> memref<32x768xf32, #tpu.memory_space<vmem>>
    %dma_wait3A_132 = arith.constant 32 : i32
    %dma_wait3A_133 = tpu.memref_slice %arg7[%dma_wait3A_132] : memref<64xi32, #tpu.memory_space<vmem>> -> memref<32xi32, #tpu.memory_space<vmem>>
    %dma_wait3A_134 = arith.constant 0 : i32
    %dma_wait3A_135 = arith.constant 0 : i32
    %dma_wait3A_136 = tpu.memref_slice %arg2[%dma_wait3A_134, %dma_wait3A_135] : memref<6400x768xf32, #tpu.memory_space<hbm>> -> memref<6400x768xf32, #tpu.memory_space<hbm>>
    tpu.wait_indirect_dma semaphore(%arg14 : memref<!tpu.dma_semaphore, #tpu.memory_space<semaphore_mem>>) src(%dma_wait3A_136 : memref<6400x768xf32, #tpu.memory_space<hbm>>) dst(%dma_wait3A_131 : memref<32x768xf32, #tpu.memory_space<vmem>>)
    %get3A_137 = arith.constant 32 : index
    %get3A_138 = tpu.vector_load %arg8[%get3A_137] {strides = array<i32>} : memref<64xf32, #tpu.memory_space<vmem>>, vector<16xf32>,
    %get3A_139 = vector.shape_cast %get3A_138 : vector<16xf32> to vector<16xf32>
    %get3A_140 = arith.constant 32 : index
    %get3A_141 = tpu.vector_load %arg9[%get3A_140] {strides = array<i32>} : memref<64xf32, #tpu.memory_space<vmem>>, vector<16xf32>,
    %get3A_142 = vector.shape_cast %get3A_141 : vector<16xf32> to vector<16xf32>
    %scan3A_143 = arith.constant 0 : i32
    %scan3A_144 = arith.constant 0 : i32
    %scan3A_145 = arith.constant 16 : i32
    %scan3A_146 = arith.addi %scan3A_144, %scan3A_145 : i32
    %scan3A_147 = arith.constant 1 : i32
    scf.for %scan3A_193 = %scan3A_144 to %scan3A_146 step %scan3A_147  : i32 {
      %broadcast_in_dim3A = arith.constant 0 : i32
      %broadcast_in_dim3A_194 = vector.broadcast %broadcast_in_dim3A : i32 to vector<16xi32>
      %add3A_195 = vector.broadcast %scan3A_193 : i32 to vector<16xi32>
      %add3A_196 = arith.addi %broadcast_in_dim3A_194, %add3A_195 : vector<16xi32>
      %broadcast_in_dim3A_197 = vector.shape_cast %add3A_196 : vector<16xi32> to vector<16x1xi32>
      %gather3A = vector.shape_cast %broadcast_in_dim3A_197 : vector<16x1xi32> to vector<16xi32>
      %gather3A_198 = tpu.dynamic_gather %get3A_139[%gather3A] in [0] : vector<16xf32>, vector<16xi32> -> vector<16xf32>
      %broadcast_in_dim3A_199 = arith.constant 0 : i32
      %broadcast_in_dim3A_200 = vector.broadcast %broadcast_in_dim3A_199 : i32 to vector<16xi32>
      %add3A_201 = vector.broadcast %scan3A_193 : i32 to vector<16xi32>
      %add3A_202 = arith.addi %broadcast_in_dim3A_200, %add3A_201 : vector<16xi32>
      %broadcast_in_dim3A_203 = vector.shape_cast %add3A_202 : vector<16xi32> to vector<16x1xi32>
      %gather3A_204 = vector.shape_cast %broadcast_in_dim3A_203 : vector<16x1xi32> to vector<16xi32>
      %gather3A_205 = tpu.dynamic_gather %get3A_142[%gather3A_204] in [0] : vector<16xf32>, vector<16xi32> -> vector<16xf32>
      %add3A_206 = arith.constant 32 : i32
      %add3A_207 = arith.addi %add3A_206, %scan3A_193 : i32
      %get3A_208 = arith.index_cast %add3A_207 : i32 to index
      %get3A_209 = arith.constant 0 : index
      %get3A_210 = tpu.vector_load %arg10[%get3A_208, %get3A_209] {strides = array<i32>} : memref<64x768xf32, #tpu.memory_space<vmem>>, vector<1x16xf32>,
      %get3A_211 = vector.shape_cast %get3A_210 : vector<1x16xf32> to vector<16xf32>
      %get3A_212 = arith.index_cast %add3A_207 : i32 to index
      %get3A_213 = arith.constant 0 : index
      %get3A_214 = tpu.vector_load %arg11[%get3A_212, %get3A_213] {strides = array<i32>} : memref<64x768xf32, #tpu.memory_space<vmem>>, vector<1x16xf32>,
      %get3A_215 = vector.shape_cast %get3A_214 : vector<1x16xf32> to vector<16xf32>
      %mul3A_216 = arith.mulf %get3A_211, %gather3A_198 : vector<16xf32>
      %mul3A_217 = arith.mulf %get3A_215, %gather3A_205 : vector<16xf32>
      %add3A_218 = arith.addf %mul3A_216, %mul3A_217 : vector<16xf32>
      %swap3A = arith.index_cast %add3A_207 : i32 to index
      %swap3A_219 = arith.constant 0 : index
      %swap3A_220 = tpu.vector_load %arg10[%swap3A, %swap3A_219] {strides = array<i32>} : memref<64x768xf32, #tpu.memory_space<vmem>>, vector<1x16xf32>,
      %swap3A_221 = vector.shape_cast %swap3A_220 : vector<1x16xf32> to vector<16xf32>
      %swap3A_222 = vector.shape_cast %add3A_218 : vector<16xf32> to vector<1x16xf32>
      tpu.vector_store %arg10[%swap3A, %swap3A_219], %swap3A_222 {strides = array<i32>} : memref<64x768xf32, #tpu.memory_space<vmem>>, vector<1x16xf32>,
      %get3A_223 = arith.index_cast %add3A_207 : i32 to index
      %get3A_224 = arith.constant 16 : index
      %get3A_225 = tpu.vector_load %arg10[%get3A_223, %get3A_224] {strides = array<i32>} : memref<64x768xf32, #tpu.memory_space<vmem>>, vector<1x16xf32>,
      %get3A_226 = vector.shape_cast %get3A_225 : vector<1x16xf32> to vector<16xf32>
      %get3A_227 = arith.index_cast %add3A_207 : i32 to index
      %get3A_228 = arith.constant 16 : index
      %get3A_229 = tpu.vector_load %arg11[%get3A_227, %get3A_228] {strides = array<i32>} : memref<64x768xf32, #tpu.memory_space<vmem>>, vector<1x16xf32>,
      %get3A_230 = vector.shape_cast %get3A_229 : vector<1x16xf32> to vector<16xf32>
      %mul3A_231 = arith.mulf %get3A_226, %gather3A_198 : vector<16xf32>
      %mul3A_232 = arith.mulf %get3A_230, %gather3A_205 : vector<16xf32>
      %add3A_233 = arith.addf %mul3A_231, %mul3A_232 : vector<16xf32>
      %swap3A_234 = arith.index_cast %add3A_207 : i32 to index
      %swap3A_235 = arith.constant 16 : index
      %swap3A_236 = tpu.vector_load %arg10[%swap3A_234, %swap3A_235] {strides = array<i32>} : memref<64x768xf32, #tpu.memory_space<vmem>>, vector<1x16xf32>,
      %swap3A_237 = vector.shape_cast %swap3A_236 : vector<1x16xf32> to vector<16xf32>
      %swap3A_238 = vector.shape_cast %add3A_233 : vector<16xf32> to vector<1x16xf32>
      tpu.vector_store %arg10[%swap3A_234, %swap3A_235], %swap3A_238 {strides = array<i32>} : memref<64x768xf32, #tpu.memory_space<vmem>>, vector<1x16xf32>,
      %get3A_239 = arith.index_cast %add3A_207 : i32 to index
      %get3A_240 = arith.constant 32 : index
      %get3A_241 = tpu.vector_load %arg10[%get3A_239, %get3A_240] {strides = array<i32>} : memref<64x768xf32, #tpu.memory_space<vmem>>, vector<1x16xf32>,
      %get3A_242 = vector.shape_cast %get3A_241 : vector<1x16xf32> to vector<16xf32>
      %get3A_243 = arith.index_cast %add3A_207 : i32 to index
      %get3A_244 = arith.constant 32 : index
      %get3A_245 = tpu.vector_load %arg11[%get3A_243, %get3A_244] {strides = array<i32>} : memref<64x768xf32, #tpu.memory_space<vmem>>, vector<1x16xf32>,
      %get3A_246 = vector.shape_cast %get3A_245 : vector<1x16xf32> to vector<16xf32>
      %mul3A_247 = arith.mulf %get3A_242, %gather3A_198 : vector<16xf32>
      %mul3A_248 = arith.mulf %get3A_246, %gather3A_205 : vector<16xf32>
      %add3A_249 = arith.addf %mul3A_247, %mul3A_248 : vector<16xf32>
      %swap3A_250 = arith.index_cast %add3A_207 : i32 to index
      %swap3A_251 = arith.constant 32 : index
      %swap3A_252 = tpu.vector_load %arg10[%swap3A_250, %swap3A_251] {strides = array<i32>} : memref<64x768xf32, #tpu.memory_space<vmem>>, vector<1x16xf32>,
      %swap3A_253 = vector.shape_cast %swap3A_252 : vector<1x16xf32> to vector<16xf32>
      %swap3A_254 = vector.shape_cast %add3A_249 : vector<16xf32> to vector<1x16xf32>
      tpu.vector_store %arg10[%swap3A_250, %swap3A_251], %swap3A_254 {strides = array<i32>} : memref<64x768xf32, #tpu.memory_space<vmem>>, vector<1x16xf32>,
      %get3A_255 = arith.index_cast %add3A_207 : i32 to index
      %get3A_256 = arith.constant 48 : index
      %get3A_257 = tpu.vector_load %arg10[%get3A_255, %get3A_256] {strides = array<i32>} : memref<64x768xf32, #tpu.memory_space<vmem>>, vector<1x16xf32>,
      %get3A_258 = vector.shape_cast %get3A_257 : vector<1x16xf32> to vector<16xf32>
      %get3A_259 = arith.index_cast %add3A_207 : i32 to index
      %get3A_260 = arith.constant 48 : index
      %get3A_261 = tpu.vector_load %arg11[%get3A_259, %get3A_260] {strides = array<i32>} : memref<64x768xf32, #tpu.memory_space<vmem>>, vector<1x16xf32>,
      %get3A_262 = vector.shape_cast %get3A_261 : vector<1x16xf32> to vector<16xf32>
      %mul3A_263 = arith.mulf %get3A_258, %gather3A_198 : vector<16xf32>
      %mul3A_264 = arith.mulf %get3A_262, %gather3A_205 : vector<16xf32>
      %add3A_265 = arith.addf %mul3A_263, %mul3A_264 : vector<16xf32>
      %swap3A_266 = arith.index_cast %add3A_207 : i32 to index
      %swap3A_267 = arith.constant 48 : index
      %swap3A_268 = tpu.vector_load %arg10[%swap3A_266, %swap3A_267] {strides = array<i32>} : memref<64x768xf32, #tpu.memory_space<vmem>>, vector<1x16xf32>,
      %swap3A_269 = vector.shape_cast %swap3A_268 : vector<1x16xf32> to vector<16xf32>
      %swap3A_270 = vector.shape_cast %add3A_265 : vector<16xf32> to vector<1x16xf32>
      tpu.vector_store %arg10[%swap3A_266, %swap3A_267], %swap3A_270 {strides = array<i32>} : memref<64x768xf32, #tpu.memory_space<vmem>>, vector<1x16xf32>,
      %get3A_271 = arith.index_cast %add3A_207 : i32 to index
      %get3A_272 = arith.constant 64 : index
      %get3A_273 = tpu.vector_load %arg10[%get3A_271, %get3A_272] {strides = array<i32>} : memref<64x768xf32, #tpu.memory_space<vmem>>, vector<1x16xf32>,
      %get3A_274 = vector.shape_cast %get3A_273 : vector<1x16xf32> to vector<16xf32>
      %get3A_275 = arith.index_cast %add3A_207 : i32 to index
      %get3A_276 = arith.constant 64 : index
      %get3A_277 = tpu.vector_load %arg11[%get3A_275, %get3A_276] {strides = array<i32>} : memref<64x768xf32, #tpu.memory_space<vmem>>, vector<1x16xf32>,
      %get3A_278 = vector.shape_cast %get3A_277 : vector<1x16xf32> to vector<16xf32>
      %mul3A_279 = arith.mulf %get3A_274, %gather3A_198 : vector<16xf32>
      %mul3A_280 = arith.mulf %get3A_278, %gather3A_205 : vector<16xf32>
      %add3A_281 = arith.addf %mul3A_279, %mul3A_280 : vector<16xf32>
      %swap3A_282 = arith.index_cast %add3A_207 : i32 to index
      %swap3A_283 = arith.constant 64 : index
      %swap3A_284 = tpu.vector_load %arg10[%swap3A_282, %swap3A_283] {strides = array<i32>} : memref<64x768xf32, #tpu.memory_space<vmem>>, vector<1x16xf32>,
      %swap3A_285 = vector.shape_cast %swap3A_284 : vector<1x16xf32> to vector<16xf32>
      %swap3A_286 = vector.shape_cast %add3A_281 : vector<16xf32> to vector<1x16xf32>
      tpu.vector_store %arg10[%swap3A_282, %swap3A_283], %swap3A_286 {strides = array<i32>} : memref<64x768xf32, #tpu.memory_space<vmem>>, vector<1x16xf32>,
      %get3A_287 = arith.index_cast %add3A_207 : i32 to index
      %get3A_288 = arith.constant 80 : index
      %get3A_289 = tpu.vector_load %arg10[%get3A_287, %get3A_288] {strides = array<i32>} : memref<64x768xf32, #tpu.memory_space<vmem>>, vector<1x16xf32>,
      %get3A_290 = vector.shape_cast %get3A_289 : vector<1x16xf32> to vector<16xf32>
      %get3A_291 = arith.index_cast %add3A_207 : i32 to index
      %get3A_292 = arith.constant 80 : index
      %get3A_293 = tpu.vector_load %arg11[%get3A_291, %get3A_292] {strides = array<i32>} : memref<64x768xf32, #tpu.memory_space<vmem>>, vector<1x16xf32>,
      %get3A_294 = vector.shape_cast %get3A_293 : vector<1x16xf32> to vector<16xf32>
      %mul3A_295 = arith.mulf %get3A_290, %gather3A_198 : vector<16xf32>
      %mul3A_296 = arith.mulf %get3A_294, %gather3A_205 : vector<16xf32>
      %add3A_297 = arith.addf %mul3A_295, %mul3A_296 : vector<16xf32>
      %swap3A_298 = arith.index_cast %add3A_207 : i32 to index
      %swap3A_299 = arith.constant 80 : index
      %swap3A_300 = tpu.vector_load %arg10[%swap3A_298, %swap3A_299] {strides = array<i32>} : memref<64x768xf32, #tpu.memory_space<vmem>>, vector<1x16xf32>,
      %swap3A_301 = vector.shape_cast %swap3A_300 : vector<1x16xf32> to vector<16xf32>
      %swap3A_302 = vector.shape_cast %add3A_297 : vector<16xf32> to vector<1x16xf32>
      tpu.vector_store %arg10[%swap3A_298, %swap3A_299], %swap3A_302 {strides = array<i32>} : memref<64x768xf32, #tpu.memory_space<vmem>>, vector<1x16xf32>,
      %get3A_303 = arith.index_cast %add3A_207 : i32 to index
      %get3A_304 = arith.constant 96 : index
      %get3A_305 = tpu.vector_load %arg10[%get3A_303, %get3A_304] {strides = array<i32>} : memref<64x768xf32, #tpu.memory_space<vmem>>, vector<1x16xf32>,
      %get3A_306 = vector.shape_cast %get3A_305 : vector<1x16xf32> to vector<16xf32>
      %get3A_307 = arith.index_cast %add3A_207 : i32 to index
      %get3A_308 = arith.constant 96 : index
      %get3A_309 = tpu.vector_load %arg11[%get3A_307, %get3A_308] {strides = array<i32>} : memref<64x768xf32, #tpu.memory_space<vmem>>, vector<1x16xf32>,
      %get3A_310 = vector.shape_cast %get3A_309 : vector<1x16xf32> to vector<16xf32>
      %mul3A_311 = arith.mulf %get3A_306, %gather3A_198 : vector<16xf32>
      %mul3A_312 = arith.mulf %get3A_310, %gather3A_205 : vector<16xf32>
      %add3A_313 = arith.addf %mul3A_311, %mul3A_312 : vector<16xf32>
      %swap3A_314 = arith.index_cast %add3A_207 : i32 to index
      %swap3A_315 = arith.constant 96 : index
      %swap3A_316 = tpu.vector_load %arg10[%swap3A_314, %swap3A_315] {strides = array<i32>} : memref<64x768xf32, #tpu.memory_space<vmem>>, vector<1x16xf32>,
      %swap3A_317 = vector.shape_cast %swap3A_316 : vector<1x16xf32> to vector<16xf32>
      %swap3A_318 = vector.shape_cast %add3A_313 : vector<16xf32> to vector<1x16xf32>
      tpu.vector_store %arg10[%swap3A_314, %swap3A_315], %swap3A_318 {strides = array<i32>} : memref<64x768xf32, #tpu.memory_space<vmem>>, vector<1x16xf32>,
      %get3A_319 = arith.index_cast %add3A_207 : i32 to index
      %get3A_320 = arith.constant 112 : index
      %get3A_321 = tpu.vector_load %arg10[%get3A_319, %get3A_320] {strides = array<i32>} : memref<64x768xf32, #tpu.memory_space<vmem>>, vector<1x16xf32>,
      %get3A_322 = vector.shape_cast %get3A_321 : vector<1x16xf32> to vector<16xf32>
      %get3A_323 = arith.index_cast %add3A_207 : i32 to index
      %get3A_324 = arith.constant 112 : index
      %get3A_325 = tpu.vector_load %arg11[%get3A_323, %get3A_324] {strides = array<i32>} : memref<64x768xf32, #tpu.memory_space<vmem>>, vector<1x16xf32>,
      %get3A_326 = vector.shape_cast %get3A_325 : vector<1x16xf32> to vector<16xf32>
      %mul3A_327 = arith.mulf %get3A_322, %gather3A_198 : vector<16xf32>
      %mul3A_328 = arith.mulf %get3A_326, %gather3A_205 : vector<16xf32>
      %add3A_329 = arith.addf %mul3A_327, %mul3A_328 : vector<16xf32>
      %swap3A_330 = arith.index_cast %add3A_207 : i32 to index
      %swap3A_331 = arith.constant 112 : index
      %swap3A_332 = tpu.vector_load %arg10[%swap3A_330, %swap3A_331] {strides = array<i32>} : memref<64x768xf32, #tpu.memory_space<vmem>>, vector<1x16xf32>,
      %swap3A_333 = vector.shape_cast %swap3A_332 : vector<1x16xf32> to vector<16xf32>
      %swap3A_334 = vector.shape_cast %add3A_329 : vector<16xf32> to vector<1x16xf32>
      tpu.vector_store %arg10[%swap3A_330, %swap3A_331], %swap3A_334 {strides = array<i32>} : memref<64x768xf32, #tpu.memory_space<vmem>>, vector<1x16xf32>,
      %get3A_335 = arith.index_cast %add3A_207 : i32 to index
      %get3A_336 = arith.constant 128 : index
      %get3A_337 = tpu.vector_load %arg10[%get3A_335, %get3A_336] {strides = array<i32>} : memref<64x768xf32, #tpu.memory_space<vmem>>, vector<1x16xf32>,
      %get3A_338 = vector.shape_cast %get3A_337 : vector<1x16xf32> to vector<16xf32>
      %get3A_339 = arith.index_cast %add3A_207 : i32 to index
      %get3A_340 = arith.constant 128 : index
      %get3A_341 = tpu.vector_load %arg11[%get3A_339, %get3A_340] {strides = array<i32>} : memref<64x768xf32, #tpu.memory_space<vmem>>, vector<1x16xf32>,
      %get3A_342 = vector.shape_cast %get3A_341 : vector<1x16xf32> to vector<16xf32>
      %mul3A_343 = arith.mulf %get3A_338, %gather3A_198 : vector<16xf32>
      %mul3A_344 = arith.mulf %get3A_342, %gather3A_205 : vector<16xf32>
      %add3A_345 = arith.addf %mul3A_343, %mul3A_344 : vector<16xf32>
      %swap3A_346 = arith.index_cast %add3A_207 : i32 to index
      %swap3A_347 = arith.constant 128 : index
      %swap3A_348 = tpu.vector_load %arg10[%swap3A_346, %swap3A_347] {strides = array<i32>} : memref<64x768xf32, #tpu.memory_space<vmem>>, vector<1x16xf32>,
      %swap3A_349 = vector.shape_cast %swap3A_348 : vector<1x16xf32> to vector<16xf32>
      %swap3A_350 = vector.shape_cast %add3A_345 : vector<16xf32> to vector<1x16xf32>
      tpu.vector_store %arg10[%swap3A_346, %swap3A_347], %swap3A_350 {strides = array<i32>} : memref<64x768xf32, #tpu.memory_space<vmem>>, vector<1x16xf32>,
      %get3A_351 = arith.index_cast %add3A_207 : i32 to index
      %get3A_352 = arith.constant 144 : index
      %get3A_353 = tpu.vector_load %arg10[%get3A_351, %get3A_352] {strides = array<i32>} : memref<64x768xf32, #tpu.memory_space<vmem>>, vector<1x16xf32>,
      %get3A_354 = vector.shape_cast %get3A_353 : vector<1x16xf32> to vector<16xf32>
      %get3A_355 = arith.index_cast %add3A_207 : i32 to index
      %get3A_356 = arith.constant 144 : index
      %get3A_357 = tpu.vector_load %arg11[%get3A_355, %get3A_356] {strides = array<i32>} : memref<64x768xf32, #tpu.memory_space<vmem>>, vector<1x16xf32>,
      %get3A_358 = vector.shape_cast %get3A_357 : vector<1x16xf32> to vector<16xf32>
      %mul3A_359 = arith.mulf %get3A_354, %gather3A_198 : vector<16xf32>
      %mul3A_360 = arith.mulf %get3A_358, %gather3A_205 : vector<16xf32>
      %add3A_361 = arith.addf %mul3A_359, %mul3A_360 : vector<16xf32>
      %swap3A_362 = arith.index_cast %add3A_207 : i32 to index
      %swap3A_363 = arith.constant 144 : index
      %swap3A_364 = tpu.vector_load %arg10[%swap3A_362, %swap3A_363] {strides = array<i32>} : memref<64x768xf32, #tpu.memory_space<vmem>>, vector<1x16xf32>,
      %swap3A_365 = vector.shape_cast %swap3A_364 : vector<1x16xf32> to vector<16xf32>
      %swap3A_366 = vector.shape_cast %add3A_361 : vector<16xf32> to vector<1x16xf32>
      tpu.vector_store %arg10[%swap3A_362, %swap3A_363], %swap3A_366 {strides = array<i32>} : memref<64x768xf32, #tpu.memory_space<vmem>>, vector<1x16xf32>,
      %get3A_367 = arith.index_cast %add3A_207 : i32 to index
      %get3A_368 = arith.constant 160 : index
      %get3A_369 = tpu.vector_load %arg10[%get3A_367, %get3A_368] {strides = array<i32>} : memref<64x768xf32, #tpu.memory_space<vmem>>, vector<1x16xf32>,
      %get3A_370 = vector.shape_cast %get3A_369 : vector<1x16xf32> to vector<16xf32>
      %get3A_371 = arith.index_cast %add3A_207 : i32 to index
      %get3A_372 = arith.constant 160 : index
      %get3A_373 = tpu.vector_load %arg11[%get3A_371, %get3A_372] {strides = array<i32>} : memref<64x768xf32, #tpu.memory_space<vmem>>, vector<1x16xf32>,
      %get3A_374 = vector.shape_cast %get3A_373 : vector<1x16xf32> to vector<16xf32>
      %mul3A_375 = arith.mulf %get3A_370, %gather3A_198 : vector<16xf32>
      %mul3A_376 = arith.mulf %get3A_374, %gather3A_205 : vector<16xf32>
      %add3A_377 = arith.addf %mul3A_375, %mul3A_376 : vector<16xf32>
      %swap3A_378 = arith.index_cast %add3A_207 : i32 to index
      %swap3A_379 = arith.constant 160 : index
      %swap3A_380 = tpu.vector_load %arg10[%swap3A_378, %swap3A_379] {strides = array<i32>} : memref<64x768xf32, #tpu.memory_space<vmem>>, vector<1x16xf32>,
      %swap3A_381 = vector.shape_cast %swap3A_380 : vector<1x16xf32> to vector<16xf32>
      %swap3A_382 = vector.shape_cast %add3A_377 : vector<16xf32> to vector<1x16xf32>
      tpu.vector_store %arg10[%swap3A_378, %swap3A_379], %swap3A_382 {strides = array<i32>} : memref<64x768xf32, #tpu.memory_space<vmem>>, vector<1x16xf32>,
      %get3A_383 = arith.index_cast %add3A_207 : i32 to index
      %get3A_384 = arith.constant 176 : index
      %get3A_385 = tpu.vector_load %arg10[%get3A_383, %get3A_384] {strides = array<i32>} : memref<64x768xf32, #tpu.memory_space<vmem>>, vector<1x16xf32>,
      %get3A_386 = vector.shape_cast %get3A_385 : vector<1x16xf32> to vector<16xf32>
      %get3A_387 = arith.index_cast %add3A_207 : i32 to index
      %get3A_388 = arith.constant 176 : index
      %get3A_389 = tpu.vector_load %arg11[%get3A_387, %get3A_388] {strides = array<i32>} : memref<64x768xf32, #tpu.memory_space<vmem>>, vector<1x16xf32>,
      %get3A_390 = vector.shape_cast %get3A_389 : vector<1x16xf32> to vector<16xf32>
      %mul3A_391 = arith.mulf %get3A_386, %gather3A_198 : vector<16xf32>
      %mul3A_392 = arith.mulf %get3A_390, %gather3A_205 : vector<16xf32>
      %add3A_393 = arith.addf %mul3A_391, %mul3A_392 : vector<16xf32>
      %swap3A_394 = arith.index_cast %add3A_207 : i32 to index
      %swap3A_395 = arith.constant 176 : index
      %swap3A_396 = tpu.vector_load %arg10[%swap3A_394, %swap3A_395] {strides = array<i32>} : memref<64x768xf32, #tpu.memory_space<vmem>>, vector<1x16xf32>,
      %swap3A_397 = vector.shape_cast %swap3A_396 : vector<1x16xf32> to vector<16xf32>
      %swap3A_398 = vector.shape_cast %add3A_393 : vector<16xf32> to vector<1x16xf32>
      tpu.vector_store %arg10[%swap3A_394, %swap3A_395], %swap3A_398 {strides = array<i32>} : memref<64x768xf32, #tpu.memory_space<vmem>>, vector<1x16xf32>,
      %get3A_399 = arith.index_cast %add3A_207 : i32 to index
      %get3A_400 = arith.constant 192 : index
      %get3A_401 = tpu.vector_load %arg10[%get3A_399, %get3A_400] {strides = array<i32>} : memref<64x768xf32, #tpu.memory_space<vmem>>, vector<1x16xf32>,
      %get3A_402 = vector.shape_cast %get3A_401 : vector<1x16xf32> to vector<16xf32>
      %get3A_403 = arith.index_cast %add3A_207 : i32 to index
      %get3A_404 = arith.constant 192 : index
      %get3A_405 = tpu.vector_load %arg11[%get3A_403, %get3A_404] {strides = array<i32>} : memref<64x768xf32, #tpu.memory_space<vmem>>, vector<1x16xf32>,
      %get3A_406 = vector.shape_cast %get3A_405 : vector<1x16xf32> to vector<16xf32>
      %mul3A_407 = arith.mulf %get3A_402, %gather3A_198 : vector<16xf32>
      %mul3A_408 = arith.mulf %get3A_406, %gather3A_205 : vector<16xf32>
      %add3A_409 = arith.addf %mul3A_407, %mul3A_408 : vector<16xf32>
      %swap3A_410 = arith.index_cast %add3A_207 : i32 to index
      %swap3A_411 = arith.constant 192 : index
      %swap3A_412 = tpu.vector_load %arg10[%swap3A_410, %swap3A_411] {strides = array<i32>} : memref<64x768xf32, #tpu.memory_space<vmem>>, vector<1x16xf32>,
      %swap3A_413 = vector.shape_cast %swap3A_412 : vector<1x16xf32> to vector<16xf32>
      %swap3A_414 = vector.shape_cast %add3A_409 : vector<16xf32> to vector<1x16xf32>
      tpu.vector_store %arg10[%swap3A_410, %swap3A_411], %swap3A_414 {strides = array<i32>} : memref<64x768xf32, #tpu.memory_space<vmem>>, vector<1x16xf32>,
      %get3A_415 = arith.index_cast %add3A_207 : i32 to index
      %get3A_416 = arith.constant 208 : index
      %get3A_417 = tpu.vector_load %arg10[%get3A_415, %get3A_416] {strides = array<i32>} : memref<64x768xf32, #tpu.memory_space<vmem>>, vector<1x16xf32>,
      %get3A_418 = vector.shape_cast %get3A_417 : vector<1x16xf32> to vector<16xf32>
      %get3A_419 = arith.index_cast %add3A_207 : i32 to index
      %get3A_420 = arith.constant 208 : index
      %get3A_421 = tpu.vector_load %arg11[%get3A_419, %get3A_420] {strides = array<i32>} : memref<64x768xf32, #tpu.memory_space<vmem>>, vector<1x16xf32>,
      %get3A_422 = vector.shape_cast %get3A_421 : vector<1x16xf32> to vector<16xf32>
      %mul3A_423 = arith.mulf %get3A_418, %gather3A_198 : vector<16xf32>
      %mul3A_424 = arith.mulf %get3A_422, %gather3A_205 : vector<16xf32>
      %add3A_425 = arith.addf %mul3A_423, %mul3A_424 : vector<16xf32>
      %swap3A_426 = arith.index_cast %add3A_207 : i32 to index
      %swap3A_427 = arith.constant 208 : index
      %swap3A_428 = tpu.vector_load %arg10[%swap3A_426, %swap3A_427] {strides = array<i32>} : memref<64x768xf32, #tpu.memory_space<vmem>>, vector<1x16xf32>,
      %swap3A_429 = vector.shape_cast %swap3A_428 : vector<1x16xf32> to vector<16xf32>
      %swap3A_430 = vector.shape_cast %add3A_425 : vector<16xf32> to vector<1x16xf32>
      tpu.vector_store %arg10[%swap3A_426, %swap3A_427], %swap3A_430 {strides = array<i32>} : memref<64x768xf32, #tpu.memory_space<vmem>>, vector<1x16xf32>,
      %get3A_431 = arith.index_cast %add3A_207 : i32 to index
      %get3A_432 = arith.constant 224 : index
      %get3A_433 = tpu.vector_load %arg10[%get3A_431, %get3A_432] {strides = array<i32>} : memref<64x768xf32, #tpu.memory_space<vmem>>, vector<1x16xf32>,
      %get3A_434 = vector.shape_cast %get3A_433 : vector<1x16xf32> to vector<16xf32>
      %get3A_435 = arith.index_cast %add3A_207 : i32 to index
      %get3A_436 = arith.constant 224 : index
      %get3A_437 = tpu.vector_load %arg11[%get3A_435, %get3A_436] {strides = array<i32>} : memref<64x768xf32, #tpu.memory_space<vmem>>, vector<1x16xf32>,
      %get3A_438 = vector.shape_cast %get3A_437 : vector<1x16xf32> to vector<16xf32>
      %mul3A_439 = arith.mulf %get3A_434, %gather3A_198 : vector<16xf32>
      %mul3A_440 = arith.mulf %get3A_438, %gather3A_205 : vector<16xf32>
      %add3A_441 = arith.addf %mul3A_439, %mul3A_440 : vector<16xf32>
      %swap3A_442 = arith.index_cast %add3A_207 : i32 to index
      %swap3A_443 = arith.constant 224 : index
      %swap3A_444 = tpu.vector_load %arg10[%swap3A_442, %swap3A_443] {strides = array<i32>} : memref<64x768xf32, #tpu.memory_space<vmem>>, vector<1x16xf32>,
      %swap3A_445 = vector.shape_cast %swap3A_444 : vector<1x16xf32> to vector<16xf32>
      %swap3A_446 = vector.shape_cast %add3A_441 : vector<16xf32> to vector<1x16xf32>
      tpu.vector_store %arg10[%swap3A_442, %swap3A_443], %swap3A_446 {strides = array<i32>} : memref<64x768xf32, #tpu.memory_space<vmem>>, vector<1x16xf32>,
      %get3A_447 = arith.index_cast %add3A_207 : i32 to index
      %get3A_448 = arith.constant 240 : index
      %get3A_449 = tpu.vector_load %arg10[%get3A_447, %get3A_448] {strides = array<i32>} : memref<64x768xf32, #tpu.memory_space<vmem>>, vector<1x16xf32>,
      %get3A_450 = vector.shape_cast %get3A_449 : vector<1x16xf32> to vector<16xf32>
      %get3A_451 = arith.index_cast %add3A_207 : i32 to index
      %get3A_452 = arith.constant 240 : index
      %get3A_453 = tpu.vector_load %arg11[%get3A_451, %get3A_452] {strides = array<i32>} : memref<64x768xf32, #tpu.memory_space<vmem>>, vector<1x16xf32>,
      %get3A_454 = vector.shape_cast %get3A_453 : vector<1x16xf32> to vector<16xf32>
      %mul3A_455 = arith.mulf %get3A_450, %gather3A_198 : vector<16xf32>
      %mul3A_456 = arith.mulf %get3A_454, %gather3A_205 : vector<16xf32>
      %add3A_457 = arith.addf %mul3A_455, %mul3A_456 : vector<16xf32>
      %swap3A_458 = arith.index_cast %add3A_207 : i32 to index
      %swap3A_459 = arith.constant 240 : index
      %swap3A_460 = tpu.vector_load %arg10[%swap3A_458, %swap3A_459] {strides = array<i32>} : memref<64x768xf32, #tpu.memory_space<vmem>>, vector<1x16xf32>,
      %swap3A_461 = vector.shape_cast %swap3A_460 : vector<1x16xf32> to vector<16xf32>
      %swap3A_462 = vector.shape_cast %add3A_457 : vector<16xf32> to vector<1x16xf32>
      tpu.vector_store %arg10[%swap3A_458, %swap3A_459], %swap3A_462 {strides = array<i32>} : memref<64x768xf32, #tpu.memory_space<vmem>>, vector<1x16xf32>,
      %get3A_463 = arith.index_cast %add3A_207 : i32 to index
      %get3A_464 = arith.constant 256 : index
      %get3A_465 = tpu.vector_load %arg10[%get3A_463, %get3A_464] {strides = array<i32>} : memref<64x768xf32, #tpu.memory_space<vmem>>, vector<1x16xf32>,
      %get3A_466 = vector.shape_cast %get3A_465 : vector<1x16xf32> to vector<16xf32>
      %get3A_467 = arith.index_cast %add3A_207 : i32 to index
      %get3A_468 = arith.constant 256 : index
      %get3A_469 = tpu.vector_load %arg11[%get3A_467, %get3A_468] {strides = array<i32>} : memref<64x768xf32, #tpu.memory_space<vmem>>, vector<1x16xf32>,
      %get3A_470 = vector.shape_cast %get3A_469 : vector<1x16xf32> to vector<16xf32>
      %mul3A_471 = arith.mulf %get3A_466, %gather3A_198 : vector<16xf32>
      %mul3A_472 = arith.mulf %get3A_470, %gather3A_205 : vector<16xf32>
      %add3A_473 = arith.addf %mul3A_471, %mul3A_472 : vector<16xf32>
      %swap3A_474 = arith.index_cast %add3A_207 : i32 to index
      %swap3A_475 = arith.constant 256 : index
      %swap3A_476 = tpu.vector_load %arg10[%swap3A_474, %swap3A_475] {strides = array<i32>} : memref<64x768xf32, #tpu.memory_space<vmem>>, vector<1x16xf32>,
      %swap3A_477 = vector.shape_cast %swap3A_476 : vector<1x16xf32> to vector<16xf32>
      %swap3A_478 = vector.shape_cast %add3A_473 : vector<16xf32> to vector<1x16xf32>
      tpu.vector_store %arg10[%swap3A_474, %swap3A_475], %swap3A_478 {strides = array<i32>} : memref<64x768xf32, #tpu.memory_space<vmem>>, vector<1x16xf32>,
      %get3A_479 = arith.index_cast %add3A_207 : i32 to index
      %get3A_480 = arith.constant 272 : index
      %get3A_481 = tpu.vector_load %arg10[%get3A_479, %get3A_480] {strides = array<i32>} : memref<64x768xf32, #tpu.memory_space<vmem>>, vector<1x16xf32>,
      %get3A_482 = vector.shape_cast %get3A_481 : vector<1x16xf32> to vector<16xf32>
      %get3A_483 = arith.index_cast %add3A_207 : i32 to index
      %get3A_484 = arith.constant 272 : index
      %get3A_485 = tpu.vector_load %arg11[%get3A_483, %get3A_484] {strides = array<i32>} : memref<64x768xf32, #tpu.memory_space<vmem>>, vector<1x16xf32>,
      %get3A_486 = vector.shape_cast %get3A_485 : vector<1x16xf32> to vector<16xf32>
      %mul3A_487 = arith.mulf %get3A_482, %gather3A_198 : vector<16xf32>
      %mul3A_488 = arith.mulf %get3A_486, %gather3A_205 : vector<16xf32>
      %add3A_489 = arith.addf %mul3A_487, %mul3A_488 : vector<16xf32>
      %swap3A_490 = arith.index_cast %add3A_207 : i32 to index
      %swap3A_491 = arith.constant 272 : index
      %swap3A_492 = tpu.vector_load %arg10[%swap3A_490, %swap3A_491] {strides = array<i32>} : memref<64x768xf32, #tpu.memory_space<vmem>>, vector<1x16xf32>,
      %swap3A_493 = vector.shape_cast %swap3A_492 : vector<1x16xf32> to vector<16xf32>
      %swap3A_494 = vector.shape_cast %add3A_489 : vector<16xf32> to vector<1x16xf32>
      tpu.vector_store %arg10[%swap3A_490, %swap3A_491], %swap3A_494 {strides = array<i32>} : memref<64x768xf32, #tpu.memory_space<vmem>>, vector<1x16xf32>,
      %get3A_495 = arith.index_cast %add3A_207 : i32 to index
      %get3A_496 = arith.constant 288 : index
      %get3A_497 = tpu.vector_load %arg10[%get3A_495, %get3A_496] {strides = array<i32>} : memref<64x768xf32, #tpu.memory_space<vmem>>, vector<1x16xf32>,
      %get3A_498 = vector.shape_cast %get3A_497 : vector<1x16xf32> to vector<16xf32>
      %get3A_499 = arith.index_cast %add3A_207 : i32 to index
      %get3A_500 = arith.constant 288 : index
      %get3A_501 = tpu.vector_load %arg11[%get3A_499, %get3A_500] {strides = array<i32>} : memref<64x768xf32, #tpu.memory_space<vmem>>, vector<1x16xf32>,
      %get3A_502 = vector.shape_cast %get3A_501 : vector<1x16xf32> to vector<16xf32>
      %mul3A_503 = arith.mulf %get3A_498, %gather3A_198 : vector<16xf32>
      %mul3A_504 = arith.mulf %get3A_502, %gather3A_205 : vector<16xf32>
      %add3A_505 = arith.addf %mul3A_503, %mul3A_504 : vector<16xf32>
      %swap3A_506 = arith.index_cast %add3A_207 : i32 to index
      %swap3A_507 = arith.constant 288 : index
      %swap3A_508 = tpu.vector_load %arg10[%swap3A_506, %swap3A_507] {strides = array<i32>} : memref<64x768xf32, #tpu.memory_space<vmem>>, vector<1x16xf32>,
      %swap3A_509 = vector.shape_cast %swap3A_508 : vector<1x16xf32> to vector<16xf32>
      %swap3A_510 = vector.shape_cast %add3A_505 : vector<16xf32> to vector<1x16xf32>
      tpu.vector_store %arg10[%swap3A_506, %swap3A_507], %swap3A_510 {strides = array<i32>} : memref<64x768xf32, #tpu.memory_space<vmem>>, vector<1x16xf32>,
      %get3A_511 = arith.index_cast %add3A_207 : i32 to index
      %get3A_512 = arith.constant 304 : index
      %get3A_513 = tpu.vector_load %arg10[%get3A_511, %get3A_512] {strides = array<i32>} : memref<64x768xf32, #tpu.memory_space<vmem>>, vector<1x16xf32>,
      %get3A_514 = vector.shape_cast %get3A_513 : vector<1x16xf32> to vector<16xf32>
      %get3A_515 = arith.index_cast %add3A_207 : i32 to index
      %get3A_516 = arith.constant 304 : index
      %get3A_517 = tpu.vector_load %arg11[%get3A_515, %get3A_516] {strides = array<i32>} : memref<64x768xf32, #tpu.memory_space<vmem>>, vector<1x16xf32>,
      %get3A_518 = vector.shape_cast %get3A_517 : vector<1x16xf32> to vector<16xf32>
      %mul3A_519 = arith.mulf %get3A_514, %gather3A_198 : vector<16xf32>
      %mul3A_520 = arith.mulf %get3A_518, %gather3A_205 : vector<16xf32>
      %add3A_521 = arith.addf %mul3A_519, %mul3A_520 : vector<16xf32>
      %swap3A_522 = arith.index_cast %add3A_207 : i32 to index
      %swap3A_523 = arith.constant 304 : index
      %swap3A_524 = tpu.vector_load %arg10[%swap3A_522, %swap3A_523] {strides = array<i32>} : memref<64x768xf32, #tpu.memory_space<vmem>>, vector<1x16xf32>,
      %swap3A_525 = vector.shape_cast %swap3A_524 : vector<1x16xf32> to vector<16xf32>
      %swap3A_526 = vector.shape_cast %add3A_521 : vector<16xf32> to vector<1x16xf32>
      tpu.vector_store %arg10[%swap3A_522, %swap3A_523], %swap3A_526 {strides = array<i32>} : memref<64x768xf32, #tpu.memory_space<vmem>>, vector<1x16xf32>,
      %get3A_527 = arith.index_cast %add3A_207 : i32 to index
      %get3A_528 = arith.constant 320 : index
      %get3A_529 = tpu.vector_load %arg10[%get3A_527, %get3A_528] {strides = array<i32>} : memref<64x768xf32, #tpu.memory_space<vmem>>, vector<1x16xf32>,
      %get3A_530 = vector.shape_cast %get3A_529 : vector<1x16xf32> to vector<16xf32>
      %get3A_531 = arith.index_cast %add3A_207 : i32 to index
      %get3A_532 = arith.constant 320 : index
      %get3A_533 = tpu.vector_load %arg11[%get3A_531, %get3A_532] {strides = array<i32>} : memref<64x768xf32, #tpu.memory_space<vmem>>, vector<1x16xf32>,
      %get3A_534 = vector.shape_cast %get3A_533 : vector<1x16xf32> to vector<16xf32>
      %mul3A_535 = arith.mulf %get3A_530, %gather3A_198 : vector<16xf32>
      %mul3A_536 = arith.mulf %get3A_534, %gather3A_205 : vector<16xf32>
      %add3A_537 = arith.addf %mul3A_535, %mul3A_536 : vector<16xf32>
      %swap3A_538 = arith.index_cast %add3A_207 : i32 to index
      %swap3A_539 = arith.constant 320 : index
      %swap3A_540 = tpu.vector_load %arg10[%swap3A_538, %swap3A_539] {strides = array<i32>} : memref<64x768xf32, #tpu.memory_space<vmem>>, vector<1x16xf32>,
      %swap3A_541 = vector.shape_cast %swap3A_540 : vector<1x16xf32> to vector<16xf32>
      %swap3A_542 = vector.shape_cast %add3A_537 : vector<16xf32> to vector<1x16xf32>
      tpu.vector_store %arg10[%swap3A_538, %swap3A_539], %swap3A_542 {strides = array<i32>} : memref<64x768xf32, #tpu.memory_space<vmem>>, vector<1x16xf32>,
      %get3A_543 = arith.index_cast %add3A_207 : i32 to index
      %get3A_544 = arith.constant 336 : index
      %get3A_545 = tpu.vector_load %arg10[%get3A_543, %get3A_544] {strides = array<i32>} : memref<64x768xf32, #tpu.memory_space<vmem>>, vector<1x16xf32>,
      %get3A_546 = vector.shape_cast %get3A_545 : vector<1x16xf32> to vector<16xf32>
      %get3A_547 = arith.index_cast %add3A_207 : i32 to index
      %get3A_548 = arith.constant 336 : index
      %get3A_549 = tpu.vector_load %arg11[%get3A_547, %get3A_548] {strides = array<i32>} : memref<64x768xf32, #tpu.memory_space<vmem>>, vector<1x16xf32>,
      %get3A_550 = vector.shape_cast %get3A_549 : vector<1x16xf32> to vector<16xf32>
      %mul3A_551 = arith.mulf %get3A_546, %gather3A_198 : vector<16xf32>
      %mul3A_552 = arith.mulf %get3A_550, %gather3A_205 : vector<16xf32>
      %add3A_553 = arith.addf %mul3A_551, %mul3A_552 : vector<16xf32>
      %swap3A_554 = arith.index_cast %add3A_207 : i32 to index
      %swap3A_555 = arith.constant 336 : index
      %swap3A_556 = tpu.vector_load %arg10[%swap3A_554, %swap3A_555] {strides = array<i32>} : memref<64x768xf32, #tpu.memory_space<vmem>>, vector<1x16xf32>,
      %swap3A_557 = vector.shape_cast %swap3A_556 : vector<1x16xf32> to vector<16xf32>
      %swap3A_558 = vector.shape_cast %add3A_553 : vector<16xf32> to vector<1x16xf32>
      tpu.vector_store %arg10[%swap3A_554, %swap3A_555], %swap3A_558 {strides = array<i32>} : memref<64x768xf32, #tpu.memory_space<vmem>>, vector<1x16xf32>,
      %get3A_559 = arith.index_cast %add3A_207 : i32 to index
      %get3A_560 = arith.constant 352 : index
      %get3A_561 = tpu.vector_load %arg10[%get3A_559, %get3A_560] {strides = array<i32>} : memref<64x768xf32, #tpu.memory_space<vmem>>, vector<1x16xf32>,
      %get3A_562 = vector.shape_cast %get3A_561 : vector<1x16xf32> to vector<16xf32>
      %get3A_563 = arith.index_cast %add3A_207 : i32 to index
      %get3A_564 = arith.constant 352 : index
      %get3A_565 = tpu.vector_load %arg11[%get3A_563, %get3A_564] {strides = array<i32>} : memref<64x768xf32, #tpu.memory_space<vmem>>, vector<1x16xf32>,
      %get3A_566 = vector.shape_cast %get3A_565 : vector<1x16xf32> to vector<16xf32>
      %mul3A_567 = arith.mulf %get3A_562, %gather3A_198 : vector<16xf32>
      %mul3A_568 = arith.mulf %get3A_566, %gather3A_205 : vector<16xf32>
      %add3A_569 = arith.addf %mul3A_567, %mul3A_568 : vector<16xf32>
      %swap3A_570 = arith.index_cast %add3A_207 : i32 to index
      %swap3A_571 = arith.constant 352 : index
      %swap3A_572 = tpu.vector_load %arg10[%swap3A_570, %swap3A_571] {strides = array<i32>} : memref<64x768xf32, #tpu.memory_space<vmem>>, vector<1x16xf32>,
      %swap3A_573 = vector.shape_cast %swap3A_572 : vector<1x16xf32> to vector<16xf32>
      %swap3A_574 = vector.shape_cast %add3A_569 : vector<16xf32> to vector<1x16xf32>
      tpu.vector_store %arg10[%swap3A_570, %swap3A_571], %swap3A_574 {strides = array<i32>} : memref<64x768xf32, #tpu.memory_space<vmem>>, vector<1x16xf32>,
      %get3A_575 = arith.index_cast %add3A_207 : i32 to index
      %get3A_576 = arith.constant 368 : index
      %get3A_577 = tpu.vector_load %arg10[%get3A_575, %get3A_576] {strides = array<i32>} : memref<64x768xf32, #tpu.memory_space<vmem>>, vector<1x16xf32>,
      %get3A_578 = vector.shape_cast %get3A_577 : vector<1x16xf32> to vector<16xf32>
      %get3A_579 = arith.index_cast %add3A_207 : i32 to index
      %get3A_580 = arith.constant 368 : index
      %get3A_581 = tpu.vector_load %arg11[%get3A_579, %get3A_580] {strides = array<i32>} : memref<64x768xf32, #tpu.memory_space<vmem>>, vector<1x16xf32>,
      %get3A_582 = vector.shape_cast %get3A_581 : vector<1x16xf32> to vector<16xf32>
      %mul3A_583 = arith.mulf %get3A_578, %gather3A_198 : vector<16xf32>
      %mul3A_584 = arith.mulf %get3A_582, %gather3A_205 : vector<16xf32>
      %add3A_585 = arith.addf %mul3A_583, %mul3A_584 : vector<16xf32>
      %swap3A_586 = arith.index_cast %add3A_207 : i32 to index
      %swap3A_587 = arith.constant 368 : index
      %swap3A_588 = tpu.vector_load %arg10[%swap3A_586, %swap3A_587] {strides = array<i32>} : memref<64x768xf32, #tpu.memory_space<vmem>>, vector<1x16xf32>,
      %swap3A_589 = vector.shape_cast %swap3A_588 : vector<1x16xf32> to vector<16xf32>
      %swap3A_590 = vector.shape_cast %add3A_585 : vector<16xf32> to vector<1x16xf32>
      tpu.vector_store %arg10[%swap3A_586, %swap3A_587], %swap3A_590 {strides = array<i32>} : memref<64x768xf32, #tpu.memory_space<vmem>>, vector<1x16xf32>,
      %get3A_591 = arith.index_cast %add3A_207 : i32 to index
      %get3A_592 = arith.constant 384 : index
      %get3A_593 = tpu.vector_load %arg10[%get3A_591, %get3A_592] {strides = array<i32>} : memref<64x768xf32, #tpu.memory_space<vmem>>, vector<1x16xf32>,
      %get3A_594 = vector.shape_cast %get3A_593 : vector<1x16xf32> to vector<16xf32>
      %get3A_595 = arith.index_cast %add3A_207 : i32 to index
      %get3A_596 = arith.constant 384 : index
      %get3A_597 = tpu.vector_load %arg11[%get3A_595, %get3A_596] {strides = array<i32>} : memref<64x768xf32, #tpu.memory_space<vmem>>, vector<1x16xf32>,
      %get3A_598 = vector.shape_cast %get3A_597 : vector<1x16xf32> to vector<16xf32>
      %mul3A_599 = arith.mulf %get3A_594, %gather3A_198 : vector<16xf32>
      %mul3A_600 = arith.mulf %get3A_598, %gather3A_205 : vector<16xf32>
      %add3A_601 = arith.addf %mul3A_599, %mul3A_600 : vector<16xf32>
      %swap3A_602 = arith.index_cast %add3A_207 : i32 to index
      %swap3A_603 = arith.constant 384 : index
      %swap3A_604 = tpu.vector_load %arg10[%swap3A_602, %swap3A_603] {strides = array<i32>} : memref<64x768xf32, #tpu.memory_space<vmem>>, vector<1x16xf32>,
      %swap3A_605 = vector.shape_cast %swap3A_604 : vector<1x16xf32> to vector<16xf32>
      %swap3A_606 = vector.shape_cast %add3A_601 : vector<16xf32> to vector<1x16xf32>
      tpu.vector_store %arg10[%swap3A_602, %swap3A_603], %swap3A_606 {strides = array<i32>} : memref<64x768xf32, #tpu.memory_space<vmem>>, vector<1x16xf32>,
      %get3A_607 = arith.index_cast %add3A_207 : i32 to index
      %get3A_608 = arith.constant 400 : index
      %get3A_609 = tpu.vector_load %arg10[%get3A_607, %get3A_608] {strides = array<i32>} : memref<64x768xf32, #tpu.memory_space<vmem>>, vector<1x16xf32>,
      %get3A_610 = vector.shape_cast %get3A_609 : vector<1x16xf32> to vector<16xf32>
      %get3A_611 = arith.index_cast %add3A_207 : i32 to index
      %get3A_612 = arith.constant 400 : index
      %get3A_613 = tpu.vector_load %arg11[%get3A_611, %get3A_612] {strides = array<i32>} : memref<64x768xf32, #tpu.memory_space<vmem>>, vector<1x16xf32>,
      %get3A_614 = vector.shape_cast %get3A_613 : vector<1x16xf32> to vector<16xf32>
      %mul3A_615 = arith.mulf %get3A_610, %gather3A_198 : vector<16xf32>
      %mul3A_616 = arith.mulf %get3A_614, %gather3A_205 : vector<16xf32>
      %add3A_617 = arith.addf %mul3A_615, %mul3A_616 : vector<16xf32>
      %swap3A_618 = arith.index_cast %add3A_207 : i32 to index
      %swap3A_619 = arith.constant 400 : index
      %swap3A_620 = tpu.vector_load %arg10[%swap3A_618, %swap3A_619] {strides = array<i32>} : memref<64x768xf32, #tpu.memory_space<vmem>>, vector<1x16xf32>,
      %swap3A_621 = vector.shape_cast %swap3A_620 : vector<1x16xf32> to vector<16xf32>
      %swap3A_622 = vector.shape_cast %add3A_617 : vector<16xf32> to vector<1x16xf32>
      tpu.vector_store %arg10[%swap3A_618, %swap3A_619], %swap3A_622 {strides = array<i32>} : memref<64x768xf32, #tpu.memory_space<vmem>>, vector<1x16xf32>,
      %get3A_623 = arith.index_cast %add3A_207 : i32 to index
      %get3A_624 = arith.constant 416 : index
      %get3A_625 = tpu.vector_load %arg10[%get3A_623, %get3A_624] {strides = array<i32>} : memref<64x768xf32, #tpu.memory_space<vmem>>, vector<1x16xf32>,
      %get3A_626 = vector.shape_cast %get3A_625 : vector<1x16xf32> to vector<16xf32>
      %get3A_627 = arith.index_cast %add3A_207 : i32 to index
      %get3A_628 = arith.constant 416 : index
      %get3A_629 = tpu.vector_load %arg11[%get3A_627, %get3A_628] {strides = array<i32>} : memref<64x768xf32, #tpu.memory_space<vmem>>, vector<1x16xf32>,
      %get3A_630 = vector.shape_cast %get3A_629 : vector<1x16xf32> to vector<16xf32>
      %mul3A_631 = arith.mulf %get3A_626, %gather3A_198 : vector<16xf32>
      %mul3A_632 = arith.mulf %get3A_630, %gather3A_205 : vector<16xf32>
      %add3A_633 = arith.addf %mul3A_631, %mul3A_632 : vector<16xf32>
      %swap3A_634 = arith.index_cast %add3A_207 : i32 to index
      %swap3A_635 = arith.constant 416 : index
      %swap3A_636 = tpu.vector_load %arg10[%swap3A_634, %swap3A_635] {strides = array<i32>} : memref<64x768xf32, #tpu.memory_space<vmem>>, vector<1x16xf32>,
      %swap3A_637 = vector.shape_cast %swap3A_636 : vector<1x16xf32> to vector<16xf32>
      %swap3A_638 = vector.shape_cast %add3A_633 : vector<16xf32> to vector<1x16xf32>
      tpu.vector_store %arg10[%swap3A_634, %swap3A_635], %swap3A_638 {strides = array<i32>} : memref<64x768xf32, #tpu.memory_space<vmem>>, vector<1x16xf32>,
      %get3A_639 = arith.index_cast %add3A_207 : i32 to index
      %get3A_640 = arith.constant 432 : index
      %get3A_641 = tpu.vector_load %arg10[%get3A_639, %get3A_640] {strides = array<i32>} : memref<64x768xf32, #tpu.memory_space<vmem>>, vector<1x16xf32>,
      %get3A_642 = vector.shape_cast %get3A_641 : vector<1x16xf32> to vector<16xf32>
      %get3A_643 = arith.index_cast %add3A_207 : i32 to index
      %get3A_644 = arith.constant 432 : index
      %get3A_645 = tpu.vector_load %arg11[%get3A_643, %get3A_644] {strides = array<i32>} : memref<64x768xf32, #tpu.memory_space<vmem>>, vector<1x16xf32>,
      %get3A_646 = vector.shape_cast %get3A_645 : vector<1x16xf32> to vector<16xf32>
      %mul3A_647 = arith.mulf %get3A_642, %gather3A_198 : vector<16xf32>
      %mul3A_648 = arith.mulf %get3A_646, %gather3A_205 : vector<16xf32>
      %add3A_649 = arith.addf %mul3A_647, %mul3A_648 : vector<16xf32>
      %swap3A_650 = arith.index_cast %add3A_207 : i32 to index
      %swap3A_651 = arith.constant 432 : index
      %swap3A_652 = tpu.vector_load %arg10[%swap3A_650, %swap3A_651] {strides = array<i32>} : memref<64x768xf32, #tpu.memory_space<vmem>>, vector<1x16xf32>,
      %swap3A_653 = vector.shape_cast %swap3A_652 : vector<1x16xf32> to vector<16xf32>
      %swap3A_654 = vector.shape_cast %add3A_649 : vector<16xf32> to vector<1x16xf32>
      tpu.vector_store %arg10[%swap3A_650, %swap3A_651], %swap3A_654 {strides = array<i32>} : memref<64x768xf32, #tpu.memory_space<vmem>>, vector<1x16xf32>,
      %get3A_655 = arith.index_cast %add3A_207 : i32 to index
      %get3A_656 = arith.constant 448 : index
      %get3A_657 = tpu.vector_load %arg10[%get3A_655, %get3A_656] {strides = array<i32>} : memref<64x768xf32, #tpu.memory_space<vmem>>, vector<1x16xf32>,
      %get3A_658 = vector.shape_cast %get3A_657 : vector<1x16xf32> to vector<16xf32>
      %get3A_659 = arith.index_cast %add3A_207 : i32 to index
      %get3A_660 = arith.constant 448 : index
      %get3A_661 = tpu.vector_load %arg11[%get3A_659, %get3A_660] {strides = array<i32>} : memref<64x768xf32, #tpu.memory_space<vmem>>, vector<1x16xf32>,
      %get3A_662 = vector.shape_cast %get3A_661 : vector<1x16xf32> to vector<16xf32>
      %mul3A_663 = arith.mulf %get3A_658, %gather3A_198 : vector<16xf32>
      %mul3A_664 = arith.mulf %get3A_662, %gather3A_205 : vector<16xf32>
      %add3A_665 = arith.addf %mul3A_663, %mul3A_664 : vector<16xf32>
      %swap3A_666 = arith.index_cast %add3A_207 : i32 to index
      %swap3A_667 = arith.constant 448 : index
      %swap3A_668 = tpu.vector_load %arg10[%swap3A_666, %swap3A_667] {strides = array<i32>} : memref<64x768xf32, #tpu.memory_space<vmem>>, vector<1x16xf32>,
      %swap3A_669 = vector.shape_cast %swap3A_668 : vector<1x16xf32> to vector<16xf32>
      %swap3A_670 = vector.shape_cast %add3A_665 : vector<16xf32> to vector<1x16xf32>
      tpu.vector_store %arg10[%swap3A_666, %swap3A_667], %swap3A_670 {strides = array<i32>} : memref<64x768xf32, #tpu.memory_space<vmem>>, vector<1x16xf32>,
      %get3A_671 = arith.index_cast %add3A_207 : i32 to index
      %get3A_672 = arith.constant 464 : index
      %get3A_673 = tpu.vector_load %arg10[%get3A_671, %get3A_672] {strides = array<i32>} : memref<64x768xf32, #tpu.memory_space<vmem>>, vector<1x16xf32>,
      %get3A_674 = vector.shape_cast %get3A_673 : vector<1x16xf32> to vector<16xf32>
      %get3A_675 = arith.index_cast %add3A_207 : i32 to index
      %get3A_676 = arith.constant 464 : index
      %get3A_677 = tpu.vector_load %arg11[%get3A_675, %get3A_676] {strides = array<i32>} : memref<64x768xf32, #tpu.memory_space<vmem>>, vector<1x16xf32>,
      %get3A_678 = vector.shape_cast %get3A_677 : vector<1x16xf32> to vector<16xf32>
      %mul3A_679 = arith.mulf %get3A_674, %gather3A_198 : vector<16xf32>
      %mul3A_680 = arith.mulf %get3A_678, %gather3A_205 : vector<16xf32>
      %add3A_681 = arith.addf %mul3A_679, %mul3A_680 : vector<16xf32>
      %swap3A_682 = arith.index_cast %add3A_207 : i32 to index
      %swap3A_683 = arith.constant 464 : index
      %swap3A_684 = tpu.vector_load %arg10[%swap3A_682, %swap3A_683] {strides = array<i32>} : memref<64x768xf32, #tpu.memory_space<vmem>>, vector<1x16xf32>,
      %swap3A_685 = vector.shape_cast %swap3A_684 : vector<1x16xf32> to vector<16xf32>
      %swap3A_686 = vector.shape_cast %add3A_681 : vector<16xf32> to vector<1x16xf32>
      tpu.vector_store %arg10[%swap3A_682, %swap3A_683], %swap3A_686 {strides = array<i32>} : memref<64x768xf32, #tpu.memory_space<vmem>>, vector<1x16xf32>,
      %get3A_687 = arith.index_cast %add3A_207 : i32 to index
      %get3A_688 = arith.constant 480 : index
      %get3A_689 = tpu.vector_load %arg10[%get3A_687, %get3A_688] {strides = array<i32>} : memref<64x768xf32, #tpu.memory_space<vmem>>, vector<1x16xf32>,
      %get3A_690 = vector.shape_cast %get3A_689 : vector<1x16xf32> to vector<16xf32>
      %get3A_691 = arith.index_cast %add3A_207 : i32 to index
      %get3A_692 = arith.constant 480 : index
      %get3A_693 = tpu.vector_load %arg11[%get3A_691, %get3A_692] {strides = array<i32>} : memref<64x768xf32, #tpu.memory_space<vmem>>, vector<1x16xf32>,
      %get3A_694 = vector.shape_cast %get3A_693 : vector<1x16xf32> to vector<16xf32>
      %mul3A_695 = arith.mulf %get3A_690, %gather3A_198 : vector<16xf32>
      %mul3A_696 = arith.mulf %get3A_694, %gather3A_205 : vector<16xf32>
      %add3A_697 = arith.addf %mul3A_695, %mul3A_696 : vector<16xf32>
      %swap3A_698 = arith.index_cast %add3A_207 : i32 to index
      %swap3A_699 = arith.constant 480 : index
      %swap3A_700 = tpu.vector_load %arg10[%swap3A_698, %swap3A_699] {strides = array<i32>} : memref<64x768xf32, #tpu.memory_space<vmem>>, vector<1x16xf32>,
      %swap3A_701 = vector.shape_cast %swap3A_700 : vector<1x16xf32> to vector<16xf32>
      %swap3A_702 = vector.shape_cast %add3A_697 : vector<16xf32> to vector<1x16xf32>
      tpu.vector_store %arg10[%swap3A_698, %swap3A_699], %swap3A_702 {strides = array<i32>} : memref<64x768xf32, #tpu.memory_space<vmem>>, vector<1x16xf32>,
      %get3A_703 = arith.index_cast %add3A_207 : i32 to index
      %get3A_704 = arith.constant 496 : index
      %get3A_705 = tpu.vector_load %arg10[%get3A_703, %get3A_704] {strides = array<i32>} : memref<64x768xf32, #tpu.memory_space<vmem>>, vector<1x16xf32>,
      %get3A_706 = vector.shape_cast %get3A_705 : vector<1x16xf32> to vector<16xf32>
      %get3A_707 = arith.index_cast %add3A_207 : i32 to index
      %get3A_708 = arith.constant 496 : index
      %get3A_709 = tpu.vector_load %arg11[%get3A_707, %get3A_708] {strides = array<i32>} : memref<64x768xf32, #tpu.memory_space<vmem>>, vector<1x16xf32>,
      %get3A_710 = vector.shape_cast %get3A_709 : vector<1x16xf32> to vector<16xf32>
      %mul3A_711 = arith.mulf %get3A_706, %gather3A_198 : vector<16xf32>
      %mul3A_712 = arith.mulf %get3A_710, %gather3A_205 : vector<16xf32>
      %add3A_713 = arith.addf %mul3A_711, %mul3A_712 : vector<16xf32>
      %swap3A_714 = arith.index_cast %add3A_207 : i32 to index
      %swap3A_715 = arith.constant 496 : index
      %swap3A_716 = tpu.vector_load %arg10[%swap3A_714, %swap3A_715] {strides = array<i32>} : memref<64x768xf32, #tpu.memory_space<vmem>>, vector<1x16xf32>,
      %swap3A_717 = vector.shape_cast %swap3A_716 : vector<1x16xf32> to vector<16xf32>
      %swap3A_718 = vector.shape_cast %add3A_713 : vector<16xf32> to vector<1x16xf32>
      tpu.vector_store %arg10[%swap3A_714, %swap3A_715], %swap3A_718 {strides = array<i32>} : memref<64x768xf32, #tpu.memory_space<vmem>>, vector<1x16xf32>,
      %get3A_719 = arith.index_cast %add3A_207 : i32 to index
      %get3A_720 = arith.constant 512 : index
      %get3A_721 = tpu.vector_load %arg10[%get3A_719, %get3A_720] {strides = array<i32>} : memref<64x768xf32, #tpu.memory_space<vmem>>, vector<1x16xf32>,
      %get3A_722 = vector.shape_cast %get3A_721 : vector<1x16xf32> to vector<16xf32>
      %get3A_723 = arith.index_cast %add3A_207 : i32 to index
      %get3A_724 = arith.constant 512 : index
      %get3A_725 = tpu.vector_load %arg11[%get3A_723, %get3A_724] {strides = array<i32>} : memref<64x768xf32, #tpu.memory_space<vmem>>, vector<1x16xf32>,
      %get3A_726 = vector.shape_cast %get3A_725 : vector<1x16xf32> to vector<16xf32>
      %mul3A_727 = arith.mulf %get3A_722, %gather3A_198 : vector<16xf32>
      %mul3A_728 = arith.mulf %get3A_726, %gather3A_205 : vector<16xf32>
      %add3A_729 = arith.addf %mul3A_727, %mul3A_728 : vector<16xf32>
      %swap3A_730 = arith.index_cast %add3A_207 : i32 to index
      %swap3A_731 = arith.constant 512 : index
      %swap3A_732 = tpu.vector_load %arg10[%swap3A_730, %swap3A_731] {strides = array<i32>} : memref<64x768xf32, #tpu.memory_space<vmem>>, vector<1x16xf32>,
      %swap3A_733 = vector.shape_cast %swap3A_732 : vector<1x16xf32> to vector<16xf32>
      %swap3A_734 = vector.shape_cast %add3A_729 : vector<16xf32> to vector<1x16xf32>
      tpu.vector_store %arg10[%swap3A_730, %swap3A_731], %swap3A_734 {strides = array<i32>} : memref<64x768xf32, #tpu.memory_space<vmem>>, vector<1x16xf32>,
      %get3A_735 = arith.index_cast %add3A_207 : i32 to index
      %get3A_736 = arith.constant 528 : index
      %get3A_737 = tpu.vector_load %arg10[%get3A_735, %get3A_736] {strides = array<i32>} : memref<64x768xf32, #tpu.memory_space<vmem>>, vector<1x16xf32>,
      %get3A_738 = vector.shape_cast %get3A_737 : vector<1x16xf32> to vector<16xf32>
      %get3A_739 = arith.index_cast %add3A_207 : i32 to index
      %get3A_740 = arith.constant 528 : index
      %get3A_741 = tpu.vector_load %arg11[%get3A_739, %get3A_740] {strides = array<i32>} : memref<64x768xf32, #tpu.memory_space<vmem>>, vector<1x16xf32>,
      %get3A_742 = vector.shape_cast %get3A_741 : vector<1x16xf32> to vector<16xf32>
      %mul3A_743 = arith.mulf %get3A_738, %gather3A_198 : vector<16xf32>
      %mul3A_744 = arith.mulf %get3A_742, %gather3A_205 : vector<16xf32>
      %add3A_745 = arith.addf %mul3A_743, %mul3A_744 : vector<16xf32>
      %swap3A_746 = arith.index_cast %add3A_207 : i32 to index
      %swap3A_747 = arith.constant 528 : index
      %swap3A_748 = tpu.vector_load %arg10[%swap3A_746, %swap3A_747] {strides = array<i32>} : memref<64x768xf32, #tpu.memory_space<vmem>>, vector<1x16xf32>,
      %swap3A_749 = vector.shape_cast %swap3A_748 : vector<1x16xf32> to vector<16xf32>
      %swap3A_750 = vector.shape_cast %add3A_745 : vector<16xf32> to vector<1x16xf32>
      tpu.vector_store %arg10[%swap3A_746, %swap3A_747], %swap3A_750 {strides = array<i32>} : memref<64x768xf32, #tpu.memory_space<vmem>>, vector<1x16xf32>,
      %get3A_751 = arith.index_cast %add3A_207 : i32 to index
      %get3A_752 = arith.constant 544 : index
      %get3A_753 = tpu.vector_load %arg10[%get3A_751, %get3A_752] {strides = array<i32>} : memref<64x768xf32, #tpu.memory_space<vmem>>, vector<1x16xf32>,
      %get3A_754 = vector.shape_cast %get3A_753 : vector<1x16xf32> to vector<16xf32>
      %get3A_755 = arith.index_cast %add3A_207 : i32 to index
      %get3A_756 = arith.constant 544 : index
      %get3A_757 = tpu.vector_load %arg11[%get3A_755, %get3A_756] {strides = array<i32>} : memref<64x768xf32, #tpu.memory_space<vmem>>, vector<1x16xf32>,
      %get3A_758 = vector.shape_cast %get3A_757 : vector<1x16xf32> to vector<16xf32>
      %mul3A_759 = arith.mulf %get3A_754, %gather3A_198 : vector<16xf32>
      %mul3A_760 = arith.mulf %get3A_758, %gather3A_205 : vector<16xf32>
      %add3A_761 = arith.addf %mul3A_759, %mul3A_760 : vector<16xf32>
      %swap3A_762 = arith.index_cast %add3A_207 : i32 to index
      %swap3A_763 = arith.constant 544 : index
      %swap3A_764 = tpu.vector_load %arg10[%swap3A_762, %swap3A_763] {strides = array<i32>} : memref<64x768xf32, #tpu.memory_space<vmem>>, vector<1x16xf32>,
      %swap3A_765 = vector.shape_cast %swap3A_764 : vector<1x16xf32> to vector<16xf32>
      %swap3A_766 = vector.shape_cast %add3A_761 : vector<16xf32> to vector<1x16xf32>
      tpu.vector_store %arg10[%swap3A_762, %swap3A_763], %swap3A_766 {strides = array<i32>} : memref<64x768xf32, #tpu.memory_space<vmem>>, vector<1x16xf32>,
      %get3A_767 = arith.index_cast %add3A_207 : i32 to index
      %get3A_768 = arith.constant 560 : index
      %get3A_769 = tpu.vector_load %arg10[%get3A_767, %get3A_768] {strides = array<i32>} : memref<64x768xf32, #tpu.memory_space<vmem>>, vector<1x16xf32>,
      %get3A_770 = vector.shape_cast %get3A_769 : vector<1x16xf32> to vector<16xf32>
      %get3A_771 = arith.index_cast %add3A_207 : i32 to index
      %get3A_772 = arith.constant 560 : index
      %get3A_773 = tpu.vector_load %arg11[%get3A_771, %get3A_772] {strides = array<i32>} : memref<64x768xf32, #tpu.memory_space<vmem>>, vector<1x16xf32>,
      %get3A_774 = vector.shape_cast %get3A_773 : vector<1x16xf32> to vector<16xf32>
      %mul3A_775 = arith.mulf %get3A_770, %gather3A_198 : vector<16xf32>
      %mul3A_776 = arith.mulf %get3A_774, %gather3A_205 : vector<16xf32>
      %add3A_777 = arith.addf %mul3A_775, %mul3A_776 : vector<16xf32>
      %swap3A_778 = arith.index_cast %add3A_207 : i32 to index
      %swap3A_779 = arith.constant 560 : index
      %swap3A_780 = tpu.vector_load %arg10[%swap3A_778, %swap3A_779] {strides = array<i32>} : memref<64x768xf32, #tpu.memory_space<vmem>>, vector<1x16xf32>,
      %swap3A_781 = vector.shape_cast %swap3A_780 : vector<1x16xf32> to vector<16xf32>
      %swap3A_782 = vector.shape_cast %add3A_777 : vector<16xf32> to vector<1x16xf32>
      tpu.vector_store %arg10[%swap3A_778, %swap3A_779], %swap3A_782 {strides = array<i32>} : memref<64x768xf32, #tpu.memory_space<vmem>>, vector<1x16xf32>,
      %get3A_783 = arith.index_cast %add3A_207 : i32 to index
      %get3A_784 = arith.constant 576 : index
      %get3A_785 = tpu.vector_load %arg10[%get3A_783, %get3A_784] {strides = array<i32>} : memref<64x768xf32, #tpu.memory_space<vmem>>, vector<1x16xf32>,
      %get3A_786 = vector.shape_cast %get3A_785 : vector<1x16xf32> to vector<16xf32>
      %get3A_787 = arith.index_cast %add3A_207 : i32 to index
      %get3A_788 = arith.constant 576 : index
      %get3A_789 = tpu.vector_load %arg11[%get3A_787, %get3A_788] {strides = array<i32>} : memref<64x768xf32, #tpu.memory_space<vmem>>, vector<1x16xf32>,
      %get3A_790 = vector.shape_cast %get3A_789 : vector<1x16xf32> to vector<16xf32>
      %mul3A_791 = arith.mulf %get3A_786, %gather3A_198 : vector<16xf32>
      %mul3A_792 = arith.mulf %get3A_790, %gather3A_205 : vector<16xf32>
      %add3A_793 = arith.addf %mul3A_791, %mul3A_792 : vector<16xf32>
      %swap3A_794 = arith.index_cast %add3A_207 : i32 to index
      %swap3A_795 = arith.constant 576 : index
      %swap3A_796 = tpu.vector_load %arg10[%swap3A_794, %swap3A_795] {strides = array<i32>} : memref<64x768xf32, #tpu.memory_space<vmem>>, vector<1x16xf32>,
      %swap3A_797 = vector.shape_cast %swap3A_796 : vector<1x16xf32> to vector<16xf32>
      %swap3A_798 = vector.shape_cast %add3A_793 : vector<16xf32> to vector<1x16xf32>
      tpu.vector_store %arg10[%swap3A_794, %swap3A_795], %swap3A_798 {strides = array<i32>} : memref<64x768xf32, #tpu.memory_space<vmem>>, vector<1x16xf32>,
      %get3A_799 = arith.index_cast %add3A_207 : i32 to index
      %get3A_800 = arith.constant 592 : index
      %get3A_801 = tpu.vector_load %arg10[%get3A_799, %get3A_800] {strides = array<i32>} : memref<64x768xf32, #tpu.memory_space<vmem>>, vector<1x16xf32>,
      %get3A_802 = vector.shape_cast %get3A_801 : vector<1x16xf32> to vector<16xf32>
      %get3A_803 = arith.index_cast %add3A_207 : i32 to index
      %get3A_804 = arith.constant 592 : index
      %get3A_805 = tpu.vector_load %arg11[%get3A_803, %get3A_804] {strides = array<i32>} : memref<64x768xf32, #tpu.memory_space<vmem>>, vector<1x16xf32>,
      %get3A_806 = vector.shape_cast %get3A_805 : vector<1x16xf32> to vector<16xf32>
      %mul3A_807 = arith.mulf %get3A_802, %gather3A_198 : vector<16xf32>
      %mul3A_808 = arith.mulf %get3A_806, %gather3A_205 : vector<16xf32>
      %add3A_809 = arith.addf %mul3A_807, %mul3A_808 : vector<16xf32>
      %swap3A_810 = arith.index_cast %add3A_207 : i32 to index
      %swap3A_811 = arith.constant 592 : index
      %swap3A_812 = tpu.vector_load %arg10[%swap3A_810, %swap3A_811] {strides = array<i32>} : memref<64x768xf32, #tpu.memory_space<vmem>>, vector<1x16xf32>,
      %swap3A_813 = vector.shape_cast %swap3A_812 : vector<1x16xf32> to vector<16xf32>
      %swap3A_814 = vector.shape_cast %add3A_809 : vector<16xf32> to vector<1x16xf32>
      tpu.vector_store %arg10[%swap3A_810, %swap3A_811], %swap3A_814 {strides = array<i32>} : memref<64x768xf32, #tpu.memory_space<vmem>>, vector<1x16xf32>,
      %get3A_815 = arith.index_cast %add3A_207 : i32 to index
      %get3A_816 = arith.constant 608 : index
      %get3A_817 = tpu.vector_load %arg10[%get3A_815, %get3A_816] {strides = array<i32>} : memref<64x768xf32, #tpu.memory_space<vmem>>, vector<1x16xf32>,
      %get3A_818 = vector.shape_cast %get3A_817 : vector<1x16xf32> to vector<16xf32>
      %get3A_819 = arith.index_cast %add3A_207 : i32 to index
      %get3A_820 = arith.constant 608 : index
      %get3A_821 = tpu.vector_load %arg11[%get3A_819, %get3A_820] {strides = array<i32>} : memref<64x768xf32, #tpu.memory_space<vmem>>, vector<1x16xf32>,
      %get3A_822 = vector.shape_cast %get3A_821 : vector<1x16xf32> to vector<16xf32>
      %mul3A_823 = arith.mulf %get3A_818, %gather3A_198 : vector<16xf32>
      %mul3A_824 = arith.mulf %get3A_822, %gather3A_205 : vector<16xf32>
      %add3A_825 = arith.addf %mul3A_823, %mul3A_824 : vector<16xf32>
      %swap3A_826 = arith.index_cast %add3A_207 : i32 to index
      %swap3A_827 = arith.constant 608 : index
      %swap3A_828 = tpu.vector_load %arg10[%swap3A_826, %swap3A_827] {strides = array<i32>} : memref<64x768xf32, #tpu.memory_space<vmem>>, vector<1x16xf32>,
      %swap3A_829 = vector.shape_cast %swap3A_828 : vector<1x16xf32> to vector<16xf32>
      %swap3A_830 = vector.shape_cast %add3A_825 : vector<16xf32> to vector<1x16xf32>
      tpu.vector_store %arg10[%swap3A_826, %swap3A_827], %swap3A_830 {strides = array<i32>} : memref<64x768xf32, #tpu.memory_space<vmem>>, vector<1x16xf32>,
      %get3A_831 = arith.index_cast %add3A_207 : i32 to index
      %get3A_832 = arith.constant 624 : index
      %get3A_833 = tpu.vector_load %arg10[%get3A_831, %get3A_832] {strides = array<i32>} : memref<64x768xf32, #tpu.memory_space<vmem>>, vector<1x16xf32>,
      %get3A_834 = vector.shape_cast %get3A_833 : vector<1x16xf32> to vector<16xf32>
      %get3A_835 = arith.index_cast %add3A_207 : i32 to index
      %get3A_836 = arith.constant 624 : index
      %get3A_837 = tpu.vector_load %arg11[%get3A_835, %get3A_836] {strides = array<i32>} : memref<64x768xf32, #tpu.memory_space<vmem>>, vector<1x16xf32>,
      %get3A_838 = vector.shape_cast %get3A_837 : vector<1x16xf32> to vector<16xf32>
      %mul3A_839 = arith.mulf %get3A_834, %gather3A_198 : vector<16xf32>
      %mul3A_840 = arith.mulf %get3A_838, %gather3A_205 : vector<16xf32>
      %add3A_841 = arith.addf %mul3A_839, %mul3A_840 : vector<16xf32>
      %swap3A_842 = arith.index_cast %add3A_207 : i32 to index
      %swap3A_843 = arith.constant 624 : index
      %swap3A_844 = tpu.vector_load %arg10[%swap3A_842, %swap3A_843] {strides = array<i32>} : memref<64x768xf32, #tpu.memory_space<vmem>>, vector<1x16xf32>,
      %swap3A_845 = vector.shape_cast %swap3A_844 : vector<1x16xf32> to vector<16xf32>
      %swap3A_846 = vector.shape_cast %add3A_841 : vector<16xf32> to vector<1x16xf32>
      tpu.vector_store %arg10[%swap3A_842, %swap3A_843], %swap3A_846 {strides = array<i32>} : memref<64x768xf32, #tpu.memory_space<vmem>>, vector<1x16xf32>,
      %get3A_847 = arith.index_cast %add3A_207 : i32 to index
      %get3A_848 = arith.constant 640 : index
      %get3A_849 = tpu.vector_load %arg10[%get3A_847, %get3A_848] {strides = array<i32>} : memref<64x768xf32, #tpu.memory_space<vmem>>, vector<1x16xf32>,
      %get3A_850 = vector.shape_cast %get3A_849 : vector<1x16xf32> to vector<16xf32>
      %get3A_851 = arith.index_cast %add3A_207 : i32 to index
      %get3A_852 = arith.constant 640 : index
      %get3A_853 = tpu.vector_load %arg11[%get3A_851, %get3A_852] {strides = array<i32>} : memref<64x768xf32, #tpu.memory_space<vmem>>, vector<1x16xf32>,
      %get3A_854 = vector.shape_cast %get3A_853 : vector<1x16xf32> to vector<16xf32>
      %mul3A_855 = arith.mulf %get3A_850, %gather3A_198 : vector<16xf32>
      %mul3A_856 = arith.mulf %get3A_854, %gather3A_205 : vector<16xf32>
      %add3A_857 = arith.addf %mul3A_855, %mul3A_856 : vector<16xf32>
      %swap3A_858 = arith.index_cast %add3A_207 : i32 to index
      %swap3A_859 = arith.constant 640 : index
      %swap3A_860 = tpu.vector_load %arg10[%swap3A_858, %swap3A_859] {strides = array<i32>} : memref<64x768xf32, #tpu.memory_space<vmem>>, vector<1x16xf32>,
      %swap3A_861 = vector.shape_cast %swap3A_860 : vector<1x16xf32> to vector<16xf32>
      %swap3A_862 = vector.shape_cast %add3A_857 : vector<16xf32> to vector<1x16xf32>
      tpu.vector_store %arg10[%swap3A_858, %swap3A_859], %swap3A_862 {strides = array<i32>} : memref<64x768xf32, #tpu.memory_space<vmem>>, vector<1x16xf32>,
      %get3A_863 = arith.index_cast %add3A_207 : i32 to index
      %get3A_864 = arith.constant 656 : index
      %get3A_865 = tpu.vector_load %arg10[%get3A_863, %get3A_864] {strides = array<i32>} : memref<64x768xf32, #tpu.memory_space<vmem>>, vector<1x16xf32>,
      %get3A_866 = vector.shape_cast %get3A_865 : vector<1x16xf32> to vector<16xf32>
      %get3A_867 = arith.index_cast %add3A_207 : i32 to index
      %get3A_868 = arith.constant 656 : index
      %get3A_869 = tpu.vector_load %arg11[%get3A_867, %get3A_868] {strides = array<i32>} : memref<64x768xf32, #tpu.memory_space<vmem>>, vector<1x16xf32>,
      %get3A_870 = vector.shape_cast %get3A_869 : vector<1x16xf32> to vector<16xf32>
      %mul3A_871 = arith.mulf %get3A_866, %gather3A_198 : vector<16xf32>
      %mul3A_872 = arith.mulf %get3A_870, %gather3A_205 : vector<16xf32>
      %add3A_873 = arith.addf %mul3A_871, %mul3A_872 : vector<16xf32>
      %swap3A_874 = arith.index_cast %add3A_207 : i32 to index
      %swap3A_875 = arith.constant 656 : index
      %swap3A_876 = tpu.vector_load %arg10[%swap3A_874, %swap3A_875] {strides = array<i32>} : memref<64x768xf32, #tpu.memory_space<vmem>>, vector<1x16xf32>,
      %swap3A_877 = vector.shape_cast %swap3A_876 : vector<1x16xf32> to vector<16xf32>
      %swap3A_878 = vector.shape_cast %add3A_873 : vector<16xf32> to vector<1x16xf32>
      tpu.vector_store %arg10[%swap3A_874, %swap3A_875], %swap3A_878 {strides = array<i32>} : memref<64x768xf32, #tpu.memory_space<vmem>>, vector<1x16xf32>,
      %get3A_879 = arith.index_cast %add3A_207 : i32 to index
      %get3A_880 = arith.constant 672 : index
      %get3A_881 = tpu.vector_load %arg10[%get3A_879, %get3A_880] {strides = array<i32>} : memref<64x768xf32, #tpu.memory_space<vmem>>, vector<1x16xf32>,
      %get3A_882 = vector.shape_cast %get3A_881 : vector<1x16xf32> to vector<16xf32>
      %get3A_883 = arith.index_cast %add3A_207 : i32 to index
      %get3A_884 = arith.constant 672 : index
      %get3A_885 = tpu.vector_load %arg11[%get3A_883, %get3A_884] {strides = array<i32>} : memref<64x768xf32, #tpu.memory_space<vmem>>, vector<1x16xf32>,
      %get3A_886 = vector.shape_cast %get3A_885 : vector<1x16xf32> to vector<16xf32>
      %mul3A_887 = arith.mulf %get3A_882, %gather3A_198 : vector<16xf32>
      %mul3A_888 = arith.mulf %get3A_886, %gather3A_205 : vector<16xf32>
      %add3A_889 = arith.addf %mul3A_887, %mul3A_888 : vector<16xf32>
      %swap3A_890 = arith.index_cast %add3A_207 : i32 to index
      %swap3A_891 = arith.constant 672 : index
      %swap3A_892 = tpu.vector_load %arg10[%swap3A_890, %swap3A_891] {strides = array<i32>} : memref<64x768xf32, #tpu.memory_space<vmem>>, vector<1x16xf32>,
      %swap3A_893 = vector.shape_cast %swap3A_892 : vector<1x16xf32> to vector<16xf32>
      %swap3A_894 = vector.shape_cast %add3A_889 : vector<16xf32> to vector<1x16xf32>
      tpu.vector_store %arg10[%swap3A_890, %swap3A_891], %swap3A_894 {strides = array<i32>} : memref<64x768xf32, #tpu.memory_space<vmem>>, vector<1x16xf32>,
      %get3A_895 = arith.index_cast %add3A_207 : i32 to index
      %get3A_896 = arith.constant 688 : index
      %get3A_897 = tpu.vector_load %arg10[%get3A_895, %get3A_896] {strides = array<i32>} : memref<64x768xf32, #tpu.memory_space<vmem>>, vector<1x16xf32>,
      %get3A_898 = vector.shape_cast %get3A_897 : vector<1x16xf32> to vector<16xf32>
      %get3A_899 = arith.index_cast %add3A_207 : i32 to index
      %get3A_900 = arith.constant 688 : index
      %get3A_901 = tpu.vector_load %arg11[%get3A_899, %get3A_900] {strides = array<i32>} : memref<64x768xf32, #tpu.memory_space<vmem>>, vector<1x16xf32>,
      %get3A_902 = vector.shape_cast %get3A_901 : vector<1x16xf32> to vector<16xf32>
      %mul3A_903 = arith.mulf %get3A_898, %gather3A_198 : vector<16xf32>
      %mul3A_904 = arith.mulf %get3A_902, %gather3A_205 : vector<16xf32>
      %add3A_905 = arith.addf %mul3A_903, %mul3A_904 : vector<16xf32>
      %swap3A_906 = arith.index_cast %add3A_207 : i32 to index
      %swap3A_907 = arith.constant 688 : index
      %swap3A_908 = tpu.vector_load %arg10[%swap3A_906, %swap3A_907] {strides = array<i32>} : memref<64x768xf32, #tpu.memory_space<vmem>>, vector<1x16xf32>,
      %swap3A_909 = vector.shape_cast %swap3A_908 : vector<1x16xf32> to vector<16xf32>
      %swap3A_910 = vector.shape_cast %add3A_905 : vector<16xf32> to vector<1x16xf32>
      tpu.vector_store %arg10[%swap3A_906, %swap3A_907], %swap3A_910 {strides = array<i32>} : memref<64x768xf32, #tpu.memory_space<vmem>>, vector<1x16xf32>,
      %get3A_911 = arith.index_cast %add3A_207 : i32 to index
      %get3A_912 = arith.constant 704 : index
      %get3A_913 = tpu.vector_load %arg10[%get3A_911, %get3A_912] {strides = array<i32>} : memref<64x768xf32, #tpu.memory_space<vmem>>, vector<1x16xf32>,
      %get3A_914 = vector.shape_cast %get3A_913 : vector<1x16xf32> to vector<16xf32>
      %get3A_915 = arith.index_cast %add3A_207 : i32 to index
      %get3A_916 = arith.constant 704 : index
      %get3A_917 = tpu.vector_load %arg11[%get3A_915, %get3A_916] {strides = array<i32>} : memref<64x768xf32, #tpu.memory_space<vmem>>, vector<1x16xf32>,
      %get3A_918 = vector.shape_cast %get3A_917 : vector<1x16xf32> to vector<16xf32>
      %mul3A_919 = arith.mulf %get3A_914, %gather3A_198 : vector<16xf32>
      %mul3A_920 = arith.mulf %get3A_918, %gather3A_205 : vector<16xf32>
      %add3A_921 = arith.addf %mul3A_919, %mul3A_920 : vector<16xf32>
      %swap3A_922 = arith.index_cast %add3A_207 : i32 to index
      %swap3A_923 = arith.constant 704 : index
      %swap3A_924 = tpu.vector_load %arg10[%swap3A_922, %swap3A_923] {strides = array<i32>} : memref<64x768xf32, #tpu.memory_space<vmem>>, vector<1x16xf32>,
      %swap3A_925 = vector.shape_cast %swap3A_924 : vector<1x16xf32> to vector<16xf32>
      %swap3A_926 = vector.shape_cast %add3A_921 : vector<16xf32> to vector<1x16xf32>
      tpu.vector_store %arg10[%swap3A_922, %swap3A_923], %swap3A_926 {strides = array<i32>} : memref<64x768xf32, #tpu.memory_space<vmem>>, vector<1x16xf32>,
      %get3A_927 = arith.index_cast %add3A_207 : i32 to index
      %get3A_928 = arith.constant 720 : index
      %get3A_929 = tpu.vector_load %arg10[%get3A_927, %get3A_928] {strides = array<i32>} : memref<64x768xf32, #tpu.memory_space<vmem>>, vector<1x16xf32>,
      %get3A_930 = vector.shape_cast %get3A_929 : vector<1x16xf32> to vector<16xf32>
      %get3A_931 = arith.index_cast %add3A_207 : i32 to index
      %get3A_932 = arith.constant 720 : index
      %get3A_933 = tpu.vector_load %arg11[%get3A_931, %get3A_932] {strides = array<i32>} : memref<64x768xf32, #tpu.memory_space<vmem>>, vector<1x16xf32>,
      %get3A_934 = vector.shape_cast %get3A_933 : vector<1x16xf32> to vector<16xf32>
      %mul3A_935 = arith.mulf %get3A_930, %gather3A_198 : vector<16xf32>
      %mul3A_936 = arith.mulf %get3A_934, %gather3A_205 : vector<16xf32>
      %add3A_937 = arith.addf %mul3A_935, %mul3A_936 : vector<16xf32>
      %swap3A_938 = arith.index_cast %add3A_207 : i32 to index
      %swap3A_939 = arith.constant 720 : index
      %swap3A_940 = tpu.vector_load %arg10[%swap3A_938, %swap3A_939] {strides = array<i32>} : memref<64x768xf32, #tpu.memory_space<vmem>>, vector<1x16xf32>,
      %swap3A_941 = vector.shape_cast %swap3A_940 : vector<1x16xf32> to vector<16xf32>
      %swap3A_942 = vector.shape_cast %add3A_937 : vector<16xf32> to vector<1x16xf32>
      tpu.vector_store %arg10[%swap3A_938, %swap3A_939], %swap3A_942 {strides = array<i32>} : memref<64x768xf32, #tpu.memory_space<vmem>>, vector<1x16xf32>,
      %get3A_943 = arith.index_cast %add3A_207 : i32 to index
      %get3A_944 = arith.constant 736 : index
      %get3A_945 = tpu.vector_load %arg10[%get3A_943, %get3A_944] {strides = array<i32>} : memref<64x768xf32, #tpu.memory_space<vmem>>, vector<1x16xf32>,
      %get3A_946 = vector.shape_cast %get3A_945 : vector<1x16xf32> to vector<16xf32>
      %get3A_947 = arith.index_cast %add3A_207 : i32 to index
      %get3A_948 = arith.constant 736 : index
      %get3A_949 = tpu.vector_load %arg11[%get3A_947, %get3A_948] {strides = array<i32>} : memref<64x768xf32, #tpu.memory_space<vmem>>, vector<1x16xf32>,
      %get3A_950 = vector.shape_cast %get3A_949 : vector<1x16xf32> to vector<16xf32>
      %mul3A_951 = arith.mulf %get3A_946, %gather3A_198 : vector<16xf32>
      %mul3A_952 = arith.mulf %get3A_950, %gather3A_205 : vector<16xf32>
      %add3A_953 = arith.addf %mul3A_951, %mul3A_952 : vector<16xf32>
      %swap3A_954 = arith.index_cast %add3A_207 : i32 to index
      %swap3A_955 = arith.constant 736 : index
      %swap3A_956 = tpu.vector_load %arg10[%swap3A_954, %swap3A_955] {strides = array<i32>} : memref<64x768xf32, #tpu.memory_space<vmem>>, vector<1x16xf32>,
      %swap3A_957 = vector.shape_cast %swap3A_956 : vector<1x16xf32> to vector<16xf32>
      %swap3A_958 = vector.shape_cast %add3A_953 : vector<16xf32> to vector<1x16xf32>
      tpu.vector_store %arg10[%swap3A_954, %swap3A_955], %swap3A_958 {strides = array<i32>} : memref<64x768xf32, #tpu.memory_space<vmem>>, vector<1x16xf32>,
      %get3A_959 = arith.index_cast %add3A_207 : i32 to index
      %get3A_960 = arith.constant 752 : index
      %get3A_961 = tpu.vector_load %arg10[%get3A_959, %get3A_960] {strides = array<i32>} : memref<64x768xf32, #tpu.memory_space<vmem>>, vector<1x16xf32>,
      %get3A_962 = vector.shape_cast %get3A_961 : vector<1x16xf32> to vector<16xf32>
      %get3A_963 = arith.index_cast %add3A_207 : i32 to index
      %get3A_964 = arith.constant 752 : index
      %get3A_965 = tpu.vector_load %arg11[%get3A_963, %get3A_964] {strides = array<i32>} : memref<64x768xf32, #tpu.memory_space<vmem>>, vector<1x16xf32>,
      %get3A_966 = vector.shape_cast %get3A_965 : vector<1x16xf32> to vector<16xf32>
      %mul3A_967 = arith.mulf %get3A_962, %gather3A_198 : vector<16xf32>
      %mul3A_968 = arith.mulf %get3A_966, %gather3A_205 : vector<16xf32>
      %add3A_969 = arith.addf %mul3A_967, %mul3A_968 : vector<16xf32>
      %swap3A_970 = arith.index_cast %add3A_207 : i32 to index
      %swap3A_971 = arith.constant 752 : index
      %swap3A_972 = tpu.vector_load %arg10[%swap3A_970, %swap3A_971] {strides = array<i32>} : memref<64x768xf32, #tpu.memory_space<vmem>>, vector<1x16xf32>,
      %swap3A_973 = vector.shape_cast %swap3A_972 : vector<1x16xf32> to vector<16xf32>
      %swap3A_974 = vector.shape_cast %add3A_969 : vector<16xf32> to vector<1x16xf32>
      tpu.vector_store %arg10[%swap3A_970, %swap3A_971], %swap3A_974 {strides = array<i32>} : memref<64x768xf32, #tpu.memory_space<vmem>>, vector<1x16xf32>,
    }
    %scan3A_148 = arith.constant 16 : i32
    %get3A_149 = arith.constant 48 : index
    %get3A_150 = tpu.vector_load %arg8[%get3A_149] {strides = array<i32>} : memref<64xf32, #tpu.memory_space<vmem>>, vector<16xf32>,
    %get3A_151 = vector.shape_cast %get3A_150 : vector<16xf32> to vector<16xf32>
    %get3A_152 = arith.constant 48 : index
    %get3A_153 = tpu.vector_load %arg9[%get3A_152] {strides = array<i32>} : memref<64xf32, #tpu.memory_space<vmem>>, vector<16xf32>,
    %get3A_154 = vector.shape_cast %get3A_153 : vector<16xf32> to vector<16xf32>
    %scan3A_155 = arith.constant 0 : i32
    %scan3A_156 = arith.constant 0 : i32
    %scan3A_157 = arith.constant 16 : i32
    %scan3A_158 = arith.addi %scan3A_156, %scan3A_157 : i32
    %scan3A_159 = arith.constant 1 : i32
    scf.for %scan3A_193 = %scan3A_156 to %scan3A_158 step %scan3A_159  : i32 {
      %broadcast_in_dim3A = arith.constant 0 : i32
      %broadcast_in_dim3A_194 = vector.broadcast %broadcast_in_dim3A : i32 to vector<16xi32>
      %add3A_195 = vector.broadcast %scan3A_193 : i32 to vector<16xi32>
      %add3A_196 = arith.addi %broadcast_in_dim3A_194, %add3A_195 : vector<16xi32>
      %broadcast_in_dim3A_197 = vector.shape_cast %add3A_196 : vector<16xi32> to vector<16x1xi32>
      %gather3A = vector.shape_cast %broadcast_in_dim3A_197 : vector<16x1xi32> to vector<16xi32>
      %gather3A_198 = tpu.dynamic_gather %get3A_151[%gather3A] in [0] : vector<16xf32>, vector<16xi32> -> vector<16xf32>
      %broadcast_in_dim3A_199 = arith.constant 0 : i32
      %broadcast_in_dim3A_200 = vector.broadcast %broadcast_in_dim3A_199 : i32 to vector<16xi32>
      %add3A_201 = vector.broadcast %scan3A_193 : i32 to vector<16xi32>
      %add3A_202 = arith.addi %broadcast_in_dim3A_200, %add3A_201 : vector<16xi32>
      %broadcast_in_dim3A_203 = vector.shape_cast %add3A_202 : vector<16xi32> to vector<16x1xi32>
      %gather3A_204 = vector.shape_cast %broadcast_in_dim3A_203 : vector<16x1xi32> to vector<16xi32>
      %gather3A_205 = tpu.dynamic_gather %get3A_154[%gather3A_204] in [0] : vector<16xf32>, vector<16xi32> -> vector<16xf32>
      %add3A_206 = arith.constant 48 : i32
      %add3A_207 = arith.addi %add3A_206, %scan3A_193 : i32
      %get3A_208 = arith.index_cast %add3A_207 : i32 to index
      %get3A_209 = arith.constant 0 : index
      %get3A_210 = tpu.vector_load %arg10[%get3A_208, %get3A_209] {strides = array<i32>} : memref<64x768xf32, #tpu.memory_space<vmem>>, vector<1x16xf32>,
      %get3A_211 = vector.shape_cast %get3A_210 : vector<1x16xf32> to vector<16xf32>
      %get3A_212 = arith.index_cast %add3A_207 : i32 to index
      %get3A_213 = arith.constant 0 : index
      %get3A_214 = tpu.vector_load %arg11[%get3A_212, %get3A_213] {strides = array<i32>} : memref<64x768xf32, #tpu.memory_space<vmem>>, vector<1x16xf32>,
      %get3A_215 = vector.shape_cast %get3A_214 : vector<1x16xf32> to vector<16xf32>
      %mul3A_216 = arith.mulf %get3A_211, %gather3A_198 : vector<16xf32>
      %mul3A_217 = arith.mulf %get3A_215, %gather3A_205 : vector<16xf32>
      %add3A_218 = arith.addf %mul3A_216, %mul3A_217 : vector<16xf32>
      %swap3A = arith.index_cast %add3A_207 : i32 to index
      %swap3A_219 = arith.constant 0 : index
      %swap3A_220 = tpu.vector_load %arg10[%swap3A, %swap3A_219] {strides = array<i32>} : memref<64x768xf32, #tpu.memory_space<vmem>>, vector<1x16xf32>,
      %swap3A_221 = vector.shape_cast %swap3A_220 : vector<1x16xf32> to vector<16xf32>
      %swap3A_222 = vector.shape_cast %add3A_218 : vector<16xf32> to vector<1x16xf32>
      tpu.vector_store %arg10[%swap3A, %swap3A_219], %swap3A_222 {strides = array<i32>} : memref<64x768xf32, #tpu.memory_space<vmem>>, vector<1x16xf32>,
      %get3A_223 = arith.index_cast %add3A_207 : i32 to index
      %get3A_224 = arith.constant 16 : index
      %get3A_225 = tpu.vector_load %arg10[%get3A_223, %get3A_224] {strides = array<i32>} : memref<64x768xf32, #tpu.memory_space<vmem>>, vector<1x16xf32>,
      %get3A_226 = vector.shape_cast %get3A_225 : vector<1x16xf32> to vector<16xf32>
      %get3A_227 = arith.index_cast %add3A_207 : i32 to index
      %get3A_228 = arith.constant 16 : index
      %get3A_229 = tpu.vector_load %arg11[%get3A_227, %get3A_228] {strides = array<i32>} : memref<64x768xf32, #tpu.memory_space<vmem>>, vector<1x16xf32>,
      %get3A_230 = vector.shape_cast %get3A_229 : vector<1x16xf32> to vector<16xf32>
      %mul3A_231 = arith.mulf %get3A_226, %gather3A_198 : vector<16xf32>
      %mul3A_232 = arith.mulf %get3A_230, %gather3A_205 : vector<16xf32>
      %add3A_233 = arith.addf %mul3A_231, %mul3A_232 : vector<16xf32>
      %swap3A_234 = arith.index_cast %add3A_207 : i32 to index
      %swap3A_235 = arith.constant 16 : index
      %swap3A_236 = tpu.vector_load %arg10[%swap3A_234, %swap3A_235] {strides = array<i32>} : memref<64x768xf32, #tpu.memory_space<vmem>>, vector<1x16xf32>,
      %swap3A_237 = vector.shape_cast %swap3A_236 : vector<1x16xf32> to vector<16xf32>
      %swap3A_238 = vector.shape_cast %add3A_233 : vector<16xf32> to vector<1x16xf32>
      tpu.vector_store %arg10[%swap3A_234, %swap3A_235], %swap3A_238 {strides = array<i32>} : memref<64x768xf32, #tpu.memory_space<vmem>>, vector<1x16xf32>,
      %get3A_239 = arith.index_cast %add3A_207 : i32 to index
      %get3A_240 = arith.constant 32 : index
      %get3A_241 = tpu.vector_load %arg10[%get3A_239, %get3A_240] {strides = array<i32>} : memref<64x768xf32, #tpu.memory_space<vmem>>, vector<1x16xf32>,
      %get3A_242 = vector.shape_cast %get3A_241 : vector<1x16xf32> to vector<16xf32>
      %get3A_243 = arith.index_cast %add3A_207 : i32 to index
      %get3A_244 = arith.constant 32 : index
      %get3A_245 = tpu.vector_load %arg11[%get3A_243, %get3A_244] {strides = array<i32>} : memref<64x768xf32, #tpu.memory_space<vmem>>, vector<1x16xf32>,
      %get3A_246 = vector.shape_cast %get3A_245 : vector<1x16xf32> to vector<16xf32>
      %mul3A_247 = arith.mulf %get3A_242, %gather3A_198 : vector<16xf32>
      %mul3A_248 = arith.mulf %get3A_246, %gather3A_205 : vector<16xf32>
      %add3A_249 = arith.addf %mul3A_247, %mul3A_248 : vector<16xf32>
      %swap3A_250 = arith.index_cast %add3A_207 : i32 to index
      %swap3A_251 = arith.constant 32 : index
      %swap3A_252 = tpu.vector_load %arg10[%swap3A_250, %swap3A_251] {strides = array<i32>} : memref<64x768xf32, #tpu.memory_space<vmem>>, vector<1x16xf32>,
      %swap3A_253 = vector.shape_cast %swap3A_252 : vector<1x16xf32> to vector<16xf32>
      %swap3A_254 = vector.shape_cast %add3A_249 : vector<16xf32> to vector<1x16xf32>
      tpu.vector_store %arg10[%swap3A_250, %swap3A_251], %swap3A_254 {strides = array<i32>} : memref<64x768xf32, #tpu.memory_space<vmem>>, vector<1x16xf32>,
      %get3A_255 = arith.index_cast %add3A_207 : i32 to index
      %get3A_256 = arith.constant 48 : index
      %get3A_257 = tpu.vector_load %arg10[%get3A_255, %get3A_256] {strides = array<i32>} : memref<64x768xf32, #tpu.memory_space<vmem>>, vector<1x16xf32>,
      %get3A_258 = vector.shape_cast %get3A_257 : vector<1x16xf32> to vector<16xf32>
      %get3A_259 = arith.index_cast %add3A_207 : i32 to index
      %get3A_260 = arith.constant 48 : index
      %get3A_261 = tpu.vector_load %arg11[%get3A_259, %get3A_260] {strides = array<i32>} : memref<64x768xf32, #tpu.memory_space<vmem>>, vector<1x16xf32>,
      %get3A_262 = vector.shape_cast %get3A_261 : vector<1x16xf32> to vector<16xf32>
      %mul3A_263 = arith.mulf %get3A_258, %gather3A_198 : vector<16xf32>
      %mul3A_264 = arith.mulf %get3A_262, %gather3A_205 : vector<16xf32>
      %add3A_265 = arith.addf %mul3A_263, %mul3A_264 : vector<16xf32>
      %swap3A_266 = arith.index_cast %add3A_207 : i32 to index
      %swap3A_267 = arith.constant 48 : index
      %swap3A_268 = tpu.vector_load %arg10[%swap3A_266, %swap3A_267] {strides = array<i32>} : memref<64x768xf32, #tpu.memory_space<vmem>>, vector<1x16xf32>,
      %swap3A_269 = vector.shape_cast %swap3A_268 : vector<1x16xf32> to vector<16xf32>
      %swap3A_270 = vector.shape_cast %add3A_265 : vector<16xf32> to vector<1x16xf32>
      tpu.vector_store %arg10[%swap3A_266, %swap3A_267], %swap3A_270 {strides = array<i32>} : memref<64x768xf32, #tpu.memory_space<vmem>>, vector<1x16xf32>,
      %get3A_271 = arith.index_cast %add3A_207 : i32 to index
      %get3A_272 = arith.constant 64 : index
      %get3A_273 = tpu.vector_load %arg10[%get3A_271, %get3A_272] {strides = array<i32>} : memref<64x768xf32, #tpu.memory_space<vmem>>, vector<1x16xf32>,
      %get3A_274 = vector.shape_cast %get3A_273 : vector<1x16xf32> to vector<16xf32>
      %get3A_275 = arith.index_cast %add3A_207 : i32 to index
      %get3A_276 = arith.constant 64 : index
      %get3A_277 = tpu.vector_load %arg11[%get3A_275, %get3A_276] {strides = array<i32>} : memref<64x768xf32, #tpu.memory_space<vmem>>, vector<1x16xf32>,
      %get3A_278 = vector.shape_cast %get3A_277 : vector<1x16xf32> to vector<16xf32>
      %mul3A_279 = arith.mulf %get3A_274, %gather3A_198 : vector<16xf32>
      %mul3A_280 = arith.mulf %get3A_278, %gather3A_205 : vector<16xf32>
      %add3A_281 = arith.addf %mul3A_279, %mul3A_280 : vector<16xf32>
      %swap3A_282 = arith.index_cast %add3A_207 : i32 to index
      %swap3A_283 = arith.constant 64 : index
      %swap3A_284 = tpu.vector_load %arg10[%swap3A_282, %swap3A_283] {strides = array<i32>} : memref<64x768xf32, #tpu.memory_space<vmem>>, vector<1x16xf32>,
      %swap3A_285 = vector.shape_cast %swap3A_284 : vector<1x16xf32> to vector<16xf32>
      %swap3A_286 = vector.shape_cast %add3A_281 : vector<16xf32> to vector<1x16xf32>
      tpu.vector_store %arg10[%swap3A_282, %swap3A_283], %swap3A_286 {strides = array<i32>} : memref<64x768xf32, #tpu.memory_space<vmem>>, vector<1x16xf32>,
      %get3A_287 = arith.index_cast %add3A_207 : i32 to index
      %get3A_288 = arith.constant 80 : index
      %get3A_289 = tpu.vector_load %arg10[%get3A_287, %get3A_288] {strides = array<i32>} : memref<64x768xf32, #tpu.memory_space<vmem>>, vector<1x16xf32>,
      %get3A_290 = vector.shape_cast %get3A_289 : vector<1x16xf32> to vector<16xf32>
      %get3A_291 = arith.index_cast %add3A_207 : i32 to index
      %get3A_292 = arith.constant 80 : index
      %get3A_293 = tpu.vector_load %arg11[%get3A_291, %get3A_292] {strides = array<i32>} : memref<64x768xf32, #tpu.memory_space<vmem>>, vector<1x16xf32>,
      %get3A_294 = vector.shape_cast %get3A_293 : vector<1x16xf32> to vector<16xf32>
      %mul3A_295 = arith.mulf %get3A_290, %gather3A_198 : vector<16xf32>
      %mul3A_296 = arith.mulf %get3A_294, %gather3A_205 : vector<16xf32>
      %add3A_297 = arith.addf %mul3A_295, %mul3A_296 : vector<16xf32>
      %swap3A_298 = arith.index_cast %add3A_207 : i32 to index
      %swap3A_299 = arith.constant 80 : index
      %swap3A_300 = tpu.vector_load %arg10[%swap3A_298, %swap3A_299] {strides = array<i32>} : memref<64x768xf32, #tpu.memory_space<vmem>>, vector<1x16xf32>,
      %swap3A_301 = vector.shape_cast %swap3A_300 : vector<1x16xf32> to vector<16xf32>
      %swap3A_302 = vector.shape_cast %add3A_297 : vector<16xf32> to vector<1x16xf32>
      tpu.vector_store %arg10[%swap3A_298, %swap3A_299], %swap3A_302 {strides = array<i32>} : memref<64x768xf32, #tpu.memory_space<vmem>>, vector<1x16xf32>,
      %get3A_303 = arith.index_cast %add3A_207 : i32 to index
      %get3A_304 = arith.constant 96 : index
      %get3A_305 = tpu.vector_load %arg10[%get3A_303, %get3A_304] {strides = array<i32>} : memref<64x768xf32, #tpu.memory_space<vmem>>, vector<1x16xf32>,
      %get3A_306 = vector.shape_cast %get3A_305 : vector<1x16xf32> to vector<16xf32>
      %get3A_307 = arith.index_cast %add3A_207 : i32 to index
      %get3A_308 = arith.constant 96 : index
      %get3A_309 = tpu.vector_load %arg11[%get3A_307, %get3A_308] {strides = array<i32>} : memref<64x768xf32, #tpu.memory_space<vmem>>, vector<1x16xf32>,
      %get3A_310 = vector.shape_cast %get3A_309 : vector<1x16xf32> to vector<16xf32>
      %mul3A_311 = arith.mulf %get3A_306, %gather3A_198 : vector<16xf32>
      %mul3A_312 = arith.mulf %get3A_310, %gather3A_205 : vector<16xf32>
      %add3A_313 = arith.addf %mul3A_311, %mul3A_312 : vector<16xf32>
      %swap3A_314 = arith.index_cast %add3A_207 : i32 to index
      %swap3A_315 = arith.constant 96 : index
      %swap3A_316 = tpu.vector_load %arg10[%swap3A_314, %swap3A_315] {strides = array<i32>} : memref<64x768xf32, #tpu.memory_space<vmem>>, vector<1x16xf32>,
      %swap3A_317 = vector.shape_cast %swap3A_316 : vector<1x16xf32> to vector<16xf32>
      %swap3A_318 = vector.shape_cast %add3A_313 : vector<16xf32> to vector<1x16xf32>
      tpu.vector_store %arg10[%swap3A_314, %swap3A_315], %swap3A_318 {strides = array<i32>} : memref<64x768xf32, #tpu.memory_space<vmem>>, vector<1x16xf32>,
      %get3A_319 = arith.index_cast %add3A_207 : i32 to index
      %get3A_320 = arith.constant 112 : index
      %get3A_321 = tpu.vector_load %arg10[%get3A_319, %get3A_320] {strides = array<i32>} : memref<64x768xf32, #tpu.memory_space<vmem>>, vector<1x16xf32>,
      %get3A_322 = vector.shape_cast %get3A_321 : vector<1x16xf32> to vector<16xf32>
      %get3A_323 = arith.index_cast %add3A_207 : i32 to index
      %get3A_324 = arith.constant 112 : index
      %get3A_325 = tpu.vector_load %arg11[%get3A_323, %get3A_324] {strides = array<i32>} : memref<64x768xf32, #tpu.memory_space<vmem>>, vector<1x16xf32>,
      %get3A_326 = vector.shape_cast %get3A_325 : vector<1x16xf32> to vector<16xf32>
      %mul3A_327 = arith.mulf %get3A_322, %gather3A_198 : vector<16xf32>
      %mul3A_328 = arith.mulf %get3A_326, %gather3A_205 : vector<16xf32>
      %add3A_329 = arith.addf %mul3A_327, %mul3A_328 : vector<16xf32>
      %swap3A_330 = arith.index_cast %add3A_207 : i32 to index
      %swap3A_331 = arith.constant 112 : index
      %swap3A_332 = tpu.vector_load %arg10[%swap3A_330, %swap3A_331] {strides = array<i32>} : memref<64x768xf32, #tpu.memory_space<vmem>>, vector<1x16xf32>,
      %swap3A_333 = vector.shape_cast %swap3A_332 : vector<1x16xf32> to vector<16xf32>
      %swap3A_334 = vector.shape_cast %add3A_329 : vector<16xf32> to vector<1x16xf32>
      tpu.vector_store %arg10[%swap3A_330, %swap3A_331], %swap3A_334 {strides = array<i32>} : memref<64x768xf32, #tpu.memory_space<vmem>>, vector<1x16xf32>,
      %get3A_335 = arith.index_cast %add3A_207 : i32 to index
      %get3A_336 = arith.constant 128 : index
      %get3A_337 = tpu.vector_load %arg10[%get3A_335, %get3A_336] {strides = array<i32>} : memref<64x768xf32, #tpu.memory_space<vmem>>, vector<1x16xf32>,
      %get3A_338 = vector.shape_cast %get3A_337 : vector<1x16xf32> to vector<16xf32>
      %get3A_339 = arith.index_cast %add3A_207 : i32 to index
      %get3A_340 = arith.constant 128 : index
      %get3A_341 = tpu.vector_load %arg11[%get3A_339, %get3A_340] {strides = array<i32>} : memref<64x768xf32, #tpu.memory_space<vmem>>, vector<1x16xf32>,
      %get3A_342 = vector.shape_cast %get3A_341 : vector<1x16xf32> to vector<16xf32>
      %mul3A_343 = arith.mulf %get3A_338, %gather3A_198 : vector<16xf32>
      %mul3A_344 = arith.mulf %get3A_342, %gather3A_205 : vector<16xf32>
      %add3A_345 = arith.addf %mul3A_343, %mul3A_344 : vector<16xf32>
      %swap3A_346 = arith.index_cast %add3A_207 : i32 to index
      %swap3A_347 = arith.constant 128 : index
      %swap3A_348 = tpu.vector_load %arg10[%swap3A_346, %swap3A_347] {strides = array<i32>} : memref<64x768xf32, #tpu.memory_space<vmem>>, vector<1x16xf32>,
      %swap3A_349 = vector.shape_cast %swap3A_348 : vector<1x16xf32> to vector<16xf32>
      %swap3A_350 = vector.shape_cast %add3A_345 : vector<16xf32> to vector<1x16xf32>
      tpu.vector_store %arg10[%swap3A_346, %swap3A_347], %swap3A_350 {strides = array<i32>} : memref<64x768xf32, #tpu.memory_space<vmem>>, vector<1x16xf32>,
      %get3A_351 = arith.index_cast %add3A_207 : i32 to index
      %get3A_352 = arith.constant 144 : index
      %get3A_353 = tpu.vector_load %arg10[%get3A_351, %get3A_352] {strides = array<i32>} : memref<64x768xf32, #tpu.memory_space<vmem>>, vector<1x16xf32>,
      %get3A_354 = vector.shape_cast %get3A_353 : vector<1x16xf32> to vector<16xf32>
      %get3A_355 = arith.index_cast %add3A_207 : i32 to index
      %get3A_356 = arith.constant 144 : index
      %get3A_357 = tpu.vector_load %arg11[%get3A_355, %get3A_356] {strides = array<i32>} : memref<64x768xf32, #tpu.memory_space<vmem>>, vector<1x16xf32>,
      %get3A_358 = vector.shape_cast %get3A_357 : vector<1x16xf32> to vector<16xf32>
      %mul3A_359 = arith.mulf %get3A_354, %gather3A_198 : vector<16xf32>
      %mul3A_360 = arith.mulf %get3A_358, %gather3A_205 : vector<16xf32>
      %add3A_361 = arith.addf %mul3A_359, %mul3A_360 : vector<16xf32>
      %swap3A_362 = arith.index_cast %add3A_207 : i32 to index
      %swap3A_363 = arith.constant 144 : index
      %swap3A_364 = tpu.vector_load %arg10[%swap3A_362, %swap3A_363] {strides = array<i32>} : memref<64x768xf32, #tpu.memory_space<vmem>>, vector<1x16xf32>,
      %swap3A_365 = vector.shape_cast %swap3A_364 : vector<1x16xf32> to vector<16xf32>
      %swap3A_366 = vector.shape_cast %add3A_361 : vector<16xf32> to vector<1x16xf32>
      tpu.vector_store %arg10[%swap3A_362, %swap3A_363], %swap3A_366 {strides = array<i32>} : memref<64x768xf32, #tpu.memory_space<vmem>>, vector<1x16xf32>,
      %get3A_367 = arith.index_cast %add3A_207 : i32 to index
      %get3A_368 = arith.constant 160 : index
      %get3A_369 = tpu.vector_load %arg10[%get3A_367, %get3A_368] {strides = array<i32>} : memref<64x768xf32, #tpu.memory_space<vmem>>, vector<1x16xf32>,
      %get3A_370 = vector.shape_cast %get3A_369 : vector<1x16xf32> to vector<16xf32>
      %get3A_371 = arith.index_cast %add3A_207 : i32 to index
      %get3A_372 = arith.constant 160 : index
      %get3A_373 = tpu.vector_load %arg11[%get3A_371, %get3A_372] {strides = array<i32>} : memref<64x768xf32, #tpu.memory_space<vmem>>, vector<1x16xf32>,
      %get3A_374 = vector.shape_cast %get3A_373 : vector<1x16xf32> to vector<16xf32>
      %mul3A_375 = arith.mulf %get3A_370, %gather3A_198 : vector<16xf32>
      %mul3A_376 = arith.mulf %get3A_374, %gather3A_205 : vector<16xf32>
      %add3A_377 = arith.addf %mul3A_375, %mul3A_376 : vector<16xf32>
      %swap3A_378 = arith.index_cast %add3A_207 : i32 to index
      %swap3A_379 = arith.constant 160 : index
      %swap3A_380 = tpu.vector_load %arg10[%swap3A_378, %swap3A_379] {strides = array<i32>} : memref<64x768xf32, #tpu.memory_space<vmem>>, vector<1x16xf32>,
      %swap3A_381 = vector.shape_cast %swap3A_380 : vector<1x16xf32> to vector<16xf32>
      %swap3A_382 = vector.shape_cast %add3A_377 : vector<16xf32> to vector<1x16xf32>
      tpu.vector_store %arg10[%swap3A_378, %swap3A_379], %swap3A_382 {strides = array<i32>} : memref<64x768xf32, #tpu.memory_space<vmem>>, vector<1x16xf32>,
      %get3A_383 = arith.index_cast %add3A_207 : i32 to index
      %get3A_384 = arith.constant 176 : index
      %get3A_385 = tpu.vector_load %arg10[%get3A_383, %get3A_384] {strides = array<i32>} : memref<64x768xf32, #tpu.memory_space<vmem>>, vector<1x16xf32>,
      %get3A_386 = vector.shape_cast %get3A_385 : vector<1x16xf32> to vector<16xf32>
      %get3A_387 = arith.index_cast %add3A_207 : i32 to index
      %get3A_388 = arith.constant 176 : index
      %get3A_389 = tpu.vector_load %arg11[%get3A_387, %get3A_388] {strides = array<i32>} : memref<64x768xf32, #tpu.memory_space<vmem>>, vector<1x16xf32>,
      %get3A_390 = vector.shape_cast %get3A_389 : vector<1x16xf32> to vector<16xf32>
      %mul3A_391 = arith.mulf %get3A_386, %gather3A_198 : vector<16xf32>
      %mul3A_392 = arith.mulf %get3A_390, %gather3A_205 : vector<16xf32>
      %add3A_393 = arith.addf %mul3A_391, %mul3A_392 : vector<16xf32>
      %swap3A_394 = arith.index_cast %add3A_207 : i32 to index
      %swap3A_395 = arith.constant 176 : index
      %swap3A_396 = tpu.vector_load %arg10[%swap3A_394, %swap3A_395] {strides = array<i32>} : memref<64x768xf32, #tpu.memory_space<vmem>>, vector<1x16xf32>,
      %swap3A_397 = vector.shape_cast %swap3A_396 : vector<1x16xf32> to vector<16xf32>
      %swap3A_398 = vector.shape_cast %add3A_393 : vector<16xf32> to vector<1x16xf32>
      tpu.vector_store %arg10[%swap3A_394, %swap3A_395], %swap3A_398 {strides = array<i32>} : memref<64x768xf32, #tpu.memory_space<vmem>>, vector<1x16xf32>,
      %get3A_399 = arith.index_cast %add3A_207 : i32 to index
      %get3A_400 = arith.constant 192 : index
      %get3A_401 = tpu.vector_load %arg10[%get3A_399, %get3A_400] {strides = array<i32>} : memref<64x768xf32, #tpu.memory_space<vmem>>, vector<1x16xf32>,
      %get3A_402 = vector.shape_cast %get3A_401 : vector<1x16xf32> to vector<16xf32>
      %get3A_403 = arith.index_cast %add3A_207 : i32 to index
      %get3A_404 = arith.constant 192 : index
      %get3A_405 = tpu.vector_load %arg11[%get3A_403, %get3A_404] {strides = array<i32>} : memref<64x768xf32, #tpu.memory_space<vmem>>, vector<1x16xf32>,
      %get3A_406 = vector.shape_cast %get3A_405 : vector<1x16xf32> to vector<16xf32>
      %mul3A_407 = arith.mulf %get3A_402, %gather3A_198 : vector<16xf32>
      %mul3A_408 = arith.mulf %get3A_406, %gather3A_205 : vector<16xf32>
      %add3A_409 = arith.addf %mul3A_407, %mul3A_408 : vector<16xf32>
      %swap3A_410 = arith.index_cast %add3A_207 : i32 to index
      %swap3A_411 = arith.constant 192 : index
      %swap3A_412 = tpu.vector_load %arg10[%swap3A_410, %swap3A_411] {strides = array<i32>} : memref<64x768xf32, #tpu.memory_space<vmem>>, vector<1x16xf32>,
      %swap3A_413 = vector.shape_cast %swap3A_412 : vector<1x16xf32> to vector<16xf32>
      %swap3A_414 = vector.shape_cast %add3A_409 : vector<16xf32> to vector<1x16xf32>
      tpu.vector_store %arg10[%swap3A_410, %swap3A_411], %swap3A_414 {strides = array<i32>} : memref<64x768xf32, #tpu.memory_space<vmem>>, vector<1x16xf32>,
      %get3A_415 = arith.index_cast %add3A_207 : i32 to index
      %get3A_416 = arith.constant 208 : index
      %get3A_417 = tpu.vector_load %arg10[%get3A_415, %get3A_416] {strides = array<i32>} : memref<64x768xf32, #tpu.memory_space<vmem>>, vector<1x16xf32>,
      %get3A_418 = vector.shape_cast %get3A_417 : vector<1x16xf32> to vector<16xf32>
      %get3A_419 = arith.index_cast %add3A_207 : i32 to index
      %get3A_420 = arith.constant 208 : index
      %get3A_421 = tpu.vector_load %arg11[%get3A_419, %get3A_420] {strides = array<i32>} : memref<64x768xf32, #tpu.memory_space<vmem>>, vector<1x16xf32>,
      %get3A_422 = vector.shape_cast %get3A_421 : vector<1x16xf32> to vector<16xf32>
      %mul3A_423 = arith.mulf %get3A_418, %gather3A_198 : vector<16xf32>
      %mul3A_424 = arith.mulf %get3A_422, %gather3A_205 : vector<16xf32>
      %add3A_425 = arith.addf %mul3A_423, %mul3A_424 : vector<16xf32>
      %swap3A_426 = arith.index_cast %add3A_207 : i32 to index
      %swap3A_427 = arith.constant 208 : index
      %swap3A_428 = tpu.vector_load %arg10[%swap3A_426, %swap3A_427] {strides = array<i32>} : memref<64x768xf32, #tpu.memory_space<vmem>>, vector<1x16xf32>,
      %swap3A_429 = vector.shape_cast %swap3A_428 : vector<1x16xf32> to vector<16xf32>
      %swap3A_430 = vector.shape_cast %add3A_425 : vector<16xf32> to vector<1x16xf32>
      tpu.vector_store %arg10[%swap3A_426, %swap3A_427], %swap3A_430 {strides = array<i32>} : memref<64x768xf32, #tpu.memory_space<vmem>>, vector<1x16xf32>,
      %get3A_431 = arith.index_cast %add3A_207 : i32 to index
      %get3A_432 = arith.constant 224 : index
      %get3A_433 = tpu.vector_load %arg10[%get3A_431, %get3A_432] {strides = array<i32>} : memref<64x768xf32, #tpu.memory_space<vmem>>, vector<1x16xf32>,
      %get3A_434 = vector.shape_cast %get3A_433 : vector<1x16xf32> to vector<16xf32>
      %get3A_435 = arith.index_cast %add3A_207 : i32 to index
      %get3A_436 = arith.constant 224 : index
      %get3A_437 = tpu.vector_load %arg11[%get3A_435, %get3A_436] {strides = array<i32>} : memref<64x768xf32, #tpu.memory_space<vmem>>, vector<1x16xf32>,
      %get3A_438 = vector.shape_cast %get3A_437 : vector<1x16xf32> to vector<16xf32>
      %mul3A_439 = arith.mulf %get3A_434, %gather3A_198 : vector<16xf32>
      %mul3A_440 = arith.mulf %get3A_438, %gather3A_205 : vector<16xf32>
      %add3A_441 = arith.addf %mul3A_439, %mul3A_440 : vector<16xf32>
      %swap3A_442 = arith.index_cast %add3A_207 : i32 to index
      %swap3A_443 = arith.constant 224 : index
      %swap3A_444 = tpu.vector_load %arg10[%swap3A_442, %swap3A_443] {strides = array<i32>} : memref<64x768xf32, #tpu.memory_space<vmem>>, vector<1x16xf32>,
      %swap3A_445 = vector.shape_cast %swap3A_444 : vector<1x16xf32> to vector<16xf32>
      %swap3A_446 = vector.shape_cast %add3A_441 : vector<16xf32> to vector<1x16xf32>
      tpu.vector_store %arg10[%swap3A_442, %swap3A_443], %swap3A_446 {strides = array<i32>} : memref<64x768xf32, #tpu.memory_space<vmem>>, vector<1x16xf32>,
      %get3A_447 = arith.index_cast %add3A_207 : i32 to index
      %get3A_448 = arith.constant 240 : index
      %get3A_449 = tpu.vector_load %arg10[%get3A_447, %get3A_448] {strides = array<i32>} : memref<64x768xf32, #tpu.memory_space<vmem>>, vector<1x16xf32>,
      %get3A_450 = vector.shape_cast %get3A_449 : vector<1x16xf32> to vector<16xf32>
      %get3A_451 = arith.index_cast %add3A_207 : i32 to index
      %get3A_452 = arith.constant 240 : index
      %get3A_453 = tpu.vector_load %arg11[%get3A_451, %get3A_452] {strides = array<i32>} : memref<64x768xf32, #tpu.memory_space<vmem>>, vector<1x16xf32>,
      %get3A_454 = vector.shape_cast %get3A_453 : vector<1x16xf32> to vector<16xf32>
      %mul3A_455 = arith.mulf %get3A_450, %gather3A_198 : vector<16xf32>
      %mul3A_456 = arith.mulf %get3A_454, %gather3A_205 : vector<16xf32>
      %add3A_457 = arith.addf %mul3A_455, %mul3A_456 : vector<16xf32>
      %swap3A_458 = arith.index_cast %add3A_207 : i32 to index
      %swap3A_459 = arith.constant 240 : index
      %swap3A_460 = tpu.vector_load %arg10[%swap3A_458, %swap3A_459] {strides = array<i32>} : memref<64x768xf32, #tpu.memory_space<vmem>>, vector<1x16xf32>,
      %swap3A_461 = vector.shape_cast %swap3A_460 : vector<1x16xf32> to vector<16xf32>
      %swap3A_462 = vector.shape_cast %add3A_457 : vector<16xf32> to vector<1x16xf32>
      tpu.vector_store %arg10[%swap3A_458, %swap3A_459], %swap3A_462 {strides = array<i32>} : memref<64x768xf32, #tpu.memory_space<vmem>>, vector<1x16xf32>,
      %get3A_463 = arith.index_cast %add3A_207 : i32 to index
      %get3A_464 = arith.constant 256 : index
      %get3A_465 = tpu.vector_load %arg10[%get3A_463, %get3A_464] {strides = array<i32>} : memref<64x768xf32, #tpu.memory_space<vmem>>, vector<1x16xf32>,
      %get3A_466 = vector.shape_cast %get3A_465 : vector<1x16xf32> to vector<16xf32>
      %get3A_467 = arith.index_cast %add3A_207 : i32 to index
      %get3A_468 = arith.constant 256 : index
      %get3A_469 = tpu.vector_load %arg11[%get3A_467, %get3A_468] {strides = array<i32>} : memref<64x768xf32, #tpu.memory_space<vmem>>, vector<1x16xf32>,
      %get3A_470 = vector.shape_cast %get3A_469 : vector<1x16xf32> to vector<16xf32>
      %mul3A_471 = arith.mulf %get3A_466, %gather3A_198 : vector<16xf32>
      %mul3A_472 = arith.mulf %get3A_470, %gather3A_205 : vector<16xf32>
      %add3A_473 = arith.addf %mul3A_471, %mul3A_472 : vector<16xf32>
      %swap3A_474 = arith.index_cast %add3A_207 : i32 to index
      %swap3A_475 = arith.constant 256 : index
      %swap3A_476 = tpu.vector_load %arg10[%swap3A_474, %swap3A_475] {strides = array<i32>} : memref<64x768xf32, #tpu.memory_space<vmem>>, vector<1x16xf32>,
      %swap3A_477 = vector.shape_cast %swap3A_476 : vector<1x16xf32> to vector<16xf32>
      %swap3A_478 = vector.shape_cast %add3A_473 : vector<16xf32> to vector<1x16xf32>
      tpu.vector_store %arg10[%swap3A_474, %swap3A_475], %swap3A_478 {strides = array<i32>} : memref<64x768xf32, #tpu.memory_space<vmem>>, vector<1x16xf32>,
      %get3A_479 = arith.index_cast %add3A_207 : i32 to index
      %get3A_480 = arith.constant 272 : index
      %get3A_481 = tpu.vector_load %arg10[%get3A_479, %get3A_480] {strides = array<i32>} : memref<64x768xf32, #tpu.memory_space<vmem>>, vector<1x16xf32>,
      %get3A_482 = vector.shape_cast %get3A_481 : vector<1x16xf32> to vector<16xf32>
      %get3A_483 = arith.index_cast %add3A_207 : i32 to index
      %get3A_484 = arith.constant 272 : index
      %get3A_485 = tpu.vector_load %arg11[%get3A_483, %get3A_484] {strides = array<i32>} : memref<64x768xf32, #tpu.memory_space<vmem>>, vector<1x16xf32>,
      %get3A_486 = vector.shape_cast %get3A_485 : vector<1x16xf32> to vector<16xf32>
      %mul3A_487 = arith.mulf %get3A_482, %gather3A_198 : vector<16xf32>
      %mul3A_488 = arith.mulf %get3A_486, %gather3A_205 : vector<16xf32>
      %add3A_489 = arith.addf %mul3A_487, %mul3A_488 : vector<16xf32>
      %swap3A_490 = arith.index_cast %add3A_207 : i32 to index
      %swap3A_491 = arith.constant 272 : index
      %swap3A_492 = tpu.vector_load %arg10[%swap3A_490, %swap3A_491] {strides = array<i32>} : memref<64x768xf32, #tpu.memory_space<vmem>>, vector<1x16xf32>,
      %swap3A_493 = vector.shape_cast %swap3A_492 : vector<1x16xf32> to vector<16xf32>
      %swap3A_494 = vector.shape_cast %add3A_489 : vector<16xf32> to vector<1x16xf32>
      tpu.vector_store %arg10[%swap3A_490, %swap3A_491], %swap3A_494 {strides = array<i32>} : memref<64x768xf32, #tpu.memory_space<vmem>>, vector<1x16xf32>,
      %get3A_495 = arith.index_cast %add3A_207 : i32 to index
      %get3A_496 = arith.constant 288 : index
      %get3A_497 = tpu.vector_load %arg10[%get3A_495, %get3A_496] {strides = array<i32>} : memref<64x768xf32, #tpu.memory_space<vmem>>, vector<1x16xf32>,
      %get3A_498 = vector.shape_cast %get3A_497 : vector<1x16xf32> to vector<16xf32>
      %get3A_499 = arith.index_cast %add3A_207 : i32 to index
      %get3A_500 = arith.constant 288 : index
      %get3A_501 = tpu.vector_load %arg11[%get3A_499, %get3A_500] {strides = array<i32>} : memref<64x768xf32, #tpu.memory_space<vmem>>, vector<1x16xf32>,
      %get3A_502 = vector.shape_cast %get3A_501 : vector<1x16xf32> to vector<16xf32>
      %mul3A_503 = arith.mulf %get3A_498, %gather3A_198 : vector<16xf32>
      %mul3A_504 = arith.mulf %get3A_502, %gather3A_205 : vector<16xf32>
      %add3A_505 = arith.addf %mul3A_503, %mul3A_504 : vector<16xf32>
      %swap3A_506 = arith.index_cast %add3A_207 : i32 to index
      %swap3A_507 = arith.constant 288 : index
      %swap3A_508 = tpu.vector_load %arg10[%swap3A_506, %swap3A_507] {strides = array<i32>} : memref<64x768xf32, #tpu.memory_space<vmem>>, vector<1x16xf32>,
      %swap3A_509 = vector.shape_cast %swap3A_508 : vector<1x16xf32> to vector<16xf32>
      %swap3A_510 = vector.shape_cast %add3A_505 : vector<16xf32> to vector<1x16xf32>
      tpu.vector_store %arg10[%swap3A_506, %swap3A_507], %swap3A_510 {strides = array<i32>} : memref<64x768xf32, #tpu.memory_space<vmem>>, vector<1x16xf32>,
      %get3A_511 = arith.index_cast %add3A_207 : i32 to index
      %get3A_512 = arith.constant 304 : index
      %get3A_513 = tpu.vector_load %arg10[%get3A_511, %get3A_512] {strides = array<i32>} : memref<64x768xf32, #tpu.memory_space<vmem>>, vector<1x16xf32>,
      %get3A_514 = vector.shape_cast %get3A_513 : vector<1x16xf32> to vector<16xf32>
      %get3A_515 = arith.index_cast %add3A_207 : i32 to index
      %get3A_516 = arith.constant 304 : index
      %get3A_517 = tpu.vector_load %arg11[%get3A_515, %get3A_516] {strides = array<i32>} : memref<64x768xf32, #tpu.memory_space<vmem>>, vector<1x16xf32>,
      %get3A_518 = vector.shape_cast %get3A_517 : vector<1x16xf32> to vector<16xf32>
      %mul3A_519 = arith.mulf %get3A_514, %gather3A_198 : vector<16xf32>
      %mul3A_520 = arith.mulf %get3A_518, %gather3A_205 : vector<16xf32>
      %add3A_521 = arith.addf %mul3A_519, %mul3A_520 : vector<16xf32>
      %swap3A_522 = arith.index_cast %add3A_207 : i32 to index
      %swap3A_523 = arith.constant 304 : index
      %swap3A_524 = tpu.vector_load %arg10[%swap3A_522, %swap3A_523] {strides = array<i32>} : memref<64x768xf32, #tpu.memory_space<vmem>>, vector<1x16xf32>,
      %swap3A_525 = vector.shape_cast %swap3A_524 : vector<1x16xf32> to vector<16xf32>
      %swap3A_526 = vector.shape_cast %add3A_521 : vector<16xf32> to vector<1x16xf32>
      tpu.vector_store %arg10[%swap3A_522, %swap3A_523], %swap3A_526 {strides = array<i32>} : memref<64x768xf32, #tpu.memory_space<vmem>>, vector<1x16xf32>,
      %get3A_527 = arith.index_cast %add3A_207 : i32 to index
      %get3A_528 = arith.constant 320 : index
      %get3A_529 = tpu.vector_load %arg10[%get3A_527, %get3A_528] {strides = array<i32>} : memref<64x768xf32, #tpu.memory_space<vmem>>, vector<1x16xf32>,
      %get3A_530 = vector.shape_cast %get3A_529 : vector<1x16xf32> to vector<16xf32>
      %get3A_531 = arith.index_cast %add3A_207 : i32 to index
      %get3A_532 = arith.constant 320 : index
      %get3A_533 = tpu.vector_load %arg11[%get3A_531, %get3A_532] {strides = array<i32>} : memref<64x768xf32, #tpu.memory_space<vmem>>, vector<1x16xf32>,
      %get3A_534 = vector.shape_cast %get3A_533 : vector<1x16xf32> to vector<16xf32>
      %mul3A_535 = arith.mulf %get3A_530, %gather3A_198 : vector<16xf32>
      %mul3A_536 = arith.mulf %get3A_534, %gather3A_205 : vector<16xf32>
      %add3A_537 = arith.addf %mul3A_535, %mul3A_536 : vector<16xf32>
      %swap3A_538 = arith.index_cast %add3A_207 : i32 to index
      %swap3A_539 = arith.constant 320 : index
      %swap3A_540 = tpu.vector_load %arg10[%swap3A_538, %swap3A_539] {strides = array<i32>} : memref<64x768xf32, #tpu.memory_space<vmem>>, vector<1x16xf32>,
      %swap3A_541 = vector.shape_cast %swap3A_540 : vector<1x16xf32> to vector<16xf32>
      %swap3A_542 = vector.shape_cast %add3A_537 : vector<16xf32> to vector<1x16xf32>
      tpu.vector_store %arg10[%swap3A_538, %swap3A_539], %swap3A_542 {strides = array<i32>} : memref<64x768xf32, #tpu.memory_space<vmem>>, vector<1x16xf32>,
      %get3A_543 = arith.index_cast %add3A_207 : i32 to index
      %get3A_544 = arith.constant 336 : index
      %get3A_545 = tpu.vector_load %arg10[%get3A_543, %get3A_544] {strides = array<i32>} : memref<64x768xf32, #tpu.memory_space<vmem>>, vector<1x16xf32>,
      %get3A_546 = vector.shape_cast %get3A_545 : vector<1x16xf32> to vector<16xf32>
      %get3A_547 = arith.index_cast %add3A_207 : i32 to index
      %get3A_548 = arith.constant 336 : index
      %get3A_549 = tpu.vector_load %arg11[%get3A_547, %get3A_548] {strides = array<i32>} : memref<64x768xf32, #tpu.memory_space<vmem>>, vector<1x16xf32>,
      %get3A_550 = vector.shape_cast %get3A_549 : vector<1x16xf32> to vector<16xf32>
      %mul3A_551 = arith.mulf %get3A_546, %gather3A_198 : vector<16xf32>
      %mul3A_552 = arith.mulf %get3A_550, %gather3A_205 : vector<16xf32>
      %add3A_553 = arith.addf %mul3A_551, %mul3A_552 : vector<16xf32>
      %swap3A_554 = arith.index_cast %add3A_207 : i32 to index
      %swap3A_555 = arith.constant 336 : index
      %swap3A_556 = tpu.vector_load %arg10[%swap3A_554, %swap3A_555] {strides = array<i32>} : memref<64x768xf32, #tpu.memory_space<vmem>>, vector<1x16xf32>,
      %swap3A_557 = vector.shape_cast %swap3A_556 : vector<1x16xf32> to vector<16xf32>
      %swap3A_558 = vector.shape_cast %add3A_553 : vector<16xf32> to vector<1x16xf32>
      tpu.vector_store %arg10[%swap3A_554, %swap3A_555], %swap3A_558 {strides = array<i32>} : memref<64x768xf32, #tpu.memory_space<vmem>>, vector<1x16xf32>,
      %get3A_559 = arith.index_cast %add3A_207 : i32 to index
      %get3A_560 = arith.constant 352 : index
      %get3A_561 = tpu.vector_load %arg10[%get3A_559, %get3A_560] {strides = array<i32>} : memref<64x768xf32, #tpu.memory_space<vmem>>, vector<1x16xf32>,
      %get3A_562 = vector.shape_cast %get3A_561 : vector<1x16xf32> to vector<16xf32>
      %get3A_563 = arith.index_cast %add3A_207 : i32 to index
      %get3A_564 = arith.constant 352 : index
      %get3A_565 = tpu.vector_load %arg11[%get3A_563, %get3A_564] {strides = array<i32>} : memref<64x768xf32, #tpu.memory_space<vmem>>, vector<1x16xf32>,
      %get3A_566 = vector.shape_cast %get3A_565 : vector<1x16xf32> to vector<16xf32>
      %mul3A_567 = arith.mulf %get3A_562, %gather3A_198 : vector<16xf32>
      %mul3A_568 = arith.mulf %get3A_566, %gather3A_205 : vector<16xf32>
      %add3A_569 = arith.addf %mul3A_567, %mul3A_568 : vector<16xf32>
      %swap3A_570 = arith.index_cast %add3A_207 : i32 to index
      %swap3A_571 = arith.constant 352 : index
      %swap3A_572 = tpu.vector_load %arg10[%swap3A_570, %swap3A_571] {strides = array<i32>} : memref<64x768xf32, #tpu.memory_space<vmem>>, vector<1x16xf32>,
      %swap3A_573 = vector.shape_cast %swap3A_572 : vector<1x16xf32> to vector<16xf32>
      %swap3A_574 = vector.shape_cast %add3A_569 : vector<16xf32> to vector<1x16xf32>
      tpu.vector_store %arg10[%swap3A_570, %swap3A_571], %swap3A_574 {strides = array<i32>} : memref<64x768xf32, #tpu.memory_space<vmem>>, vector<1x16xf32>,
      %get3A_575 = arith.index_cast %add3A_207 : i32 to index
      %get3A_576 = arith.constant 368 : index
      %get3A_577 = tpu.vector_load %arg10[%get3A_575, %get3A_576] {strides = array<i32>} : memref<64x768xf32, #tpu.memory_space<vmem>>, vector<1x16xf32>,
      %get3A_578 = vector.shape_cast %get3A_577 : vector<1x16xf32> to vector<16xf32>
      %get3A_579 = arith.index_cast %add3A_207 : i32 to index
      %get3A_580 = arith.constant 368 : index
      %get3A_581 = tpu.vector_load %arg11[%get3A_579, %get3A_580] {strides = array<i32>} : memref<64x768xf32, #tpu.memory_space<vmem>>, vector<1x16xf32>,
      %get3A_582 = vector.shape_cast %get3A_581 : vector<1x16xf32> to vector<16xf32>
      %mul3A_583 = arith.mulf %get3A_578, %gather3A_198 : vector<16xf32>
      %mul3A_584 = arith.mulf %get3A_582, %gather3A_205 : vector<16xf32>
      %add3A_585 = arith.addf %mul3A_583, %mul3A_584 : vector<16xf32>
      %swap3A_586 = arith.index_cast %add3A_207 : i32 to index
      %swap3A_587 = arith.constant 368 : index
      %swap3A_588 = tpu.vector_load %arg10[%swap3A_586, %swap3A_587] {strides = array<i32>} : memref<64x768xf32, #tpu.memory_space<vmem>>, vector<1x16xf32>,
      %swap3A_589 = vector.shape_cast %swap3A_588 : vector<1x16xf32> to vector<16xf32>
      %swap3A_590 = vector.shape_cast %add3A_585 : vector<16xf32> to vector<1x16xf32>
      tpu.vector_store %arg10[%swap3A_586, %swap3A_587], %swap3A_590 {strides = array<i32>} : memref<64x768xf32, #tpu.memory_space<vmem>>, vector<1x16xf32>,
      %get3A_591 = arith.index_cast %add3A_207 : i32 to index
      %get3A_592 = arith.constant 384 : index
      %get3A_593 = tpu.vector_load %arg10[%get3A_591, %get3A_592] {strides = array<i32>} : memref<64x768xf32, #tpu.memory_space<vmem>>, vector<1x16xf32>,
      %get3A_594 = vector.shape_cast %get3A_593 : vector<1x16xf32> to vector<16xf32>
      %get3A_595 = arith.index_cast %add3A_207 : i32 to index
      %get3A_596 = arith.constant 384 : index
      %get3A_597 = tpu.vector_load %arg11[%get3A_595, %get3A_596] {strides = array<i32>} : memref<64x768xf32, #tpu.memory_space<vmem>>, vector<1x16xf32>,
      %get3A_598 = vector.shape_cast %get3A_597 : vector<1x16xf32> to vector<16xf32>
      %mul3A_599 = arith.mulf %get3A_594, %gather3A_198 : vector<16xf32>
      %mul3A_600 = arith.mulf %get3A_598, %gather3A_205 : vector<16xf32>
      %add3A_601 = arith.addf %mul3A_599, %mul3A_600 : vector<16xf32>
      %swap3A_602 = arith.index_cast %add3A_207 : i32 to index
      %swap3A_603 = arith.constant 384 : index
      %swap3A_604 = tpu.vector_load %arg10[%swap3A_602, %swap3A_603] {strides = array<i32>} : memref<64x768xf32, #tpu.memory_space<vmem>>, vector<1x16xf32>,
      %swap3A_605 = vector.shape_cast %swap3A_604 : vector<1x16xf32> to vector<16xf32>
      %swap3A_606 = vector.shape_cast %add3A_601 : vector<16xf32> to vector<1x16xf32>
      tpu.vector_store %arg10[%swap3A_602, %swap3A_603], %swap3A_606 {strides = array<i32>} : memref<64x768xf32, #tpu.memory_space<vmem>>, vector<1x16xf32>,
      %get3A_607 = arith.index_cast %add3A_207 : i32 to index
      %get3A_608 = arith.constant 400 : index
      %get3A_609 = tpu.vector_load %arg10[%get3A_607, %get3A_608] {strides = array<i32>} : memref<64x768xf32, #tpu.memory_space<vmem>>, vector<1x16xf32>,
      %get3A_610 = vector.shape_cast %get3A_609 : vector<1x16xf32> to vector<16xf32>
      %get3A_611 = arith.index_cast %add3A_207 : i32 to index
      %get3A_612 = arith.constant 400 : index
      %get3A_613 = tpu.vector_load %arg11[%get3A_611, %get3A_612] {strides = array<i32>} : memref<64x768xf32, #tpu.memory_space<vmem>>, vector<1x16xf32>,
      %get3A_614 = vector.shape_cast %get3A_613 : vector<1x16xf32> to vector<16xf32>
      %mul3A_615 = arith.mulf %get3A_610, %gather3A_198 : vector<16xf32>
      %mul3A_616 = arith.mulf %get3A_614, %gather3A_205 : vector<16xf32>
      %add3A_617 = arith.addf %mul3A_615, %mul3A_616 : vector<16xf32>
      %swap3A_618 = arith.index_cast %add3A_207 : i32 to index
      %swap3A_619 = arith.constant 400 : index
      %swap3A_620 = tpu.vector_load %arg10[%swap3A_618, %swap3A_619] {strides = array<i32>} : memref<64x768xf32, #tpu.memory_space<vmem>>, vector<1x16xf32>,
      %swap3A_621 = vector.shape_cast %swap3A_620 : vector<1x16xf32> to vector<16xf32>
      %swap3A_622 = vector.shape_cast %add3A_617 : vector<16xf32> to vector<1x16xf32>
      tpu.vector_store %arg10[%swap3A_618, %swap3A_619], %swap3A_622 {strides = array<i32>} : memref<64x768xf32, #tpu.memory_space<vmem>>, vector<1x16xf32>,
      %get3A_623 = arith.index_cast %add3A_207 : i32 to index
      %get3A_624 = arith.constant 416 : index
      %get3A_625 = tpu.vector_load %arg10[%get3A_623, %get3A_624] {strides = array<i32>} : memref<64x768xf32, #tpu.memory_space<vmem>>, vector<1x16xf32>,
      %get3A_626 = vector.shape_cast %get3A_625 : vector<1x16xf32> to vector<16xf32>
      %get3A_627 = arith.index_cast %add3A_207 : i32 to index
      %get3A_628 = arith.constant 416 : index
      %get3A_629 = tpu.vector_load %arg11[%get3A_627, %get3A_628] {strides = array<i32>} : memref<64x768xf32, #tpu.memory_space<vmem>>, vector<1x16xf32>,
      %get3A_630 = vector.shape_cast %get3A_629 : vector<1x16xf32> to vector<16xf32>
      %mul3A_631 = arith.mulf %get3A_626, %gather3A_198 : vector<16xf32>
      %mul3A_632 = arith.mulf %get3A_630, %gather3A_205 : vector<16xf32>
      %add3A_633 = arith.addf %mul3A_631, %mul3A_632 : vector<16xf32>
      %swap3A_634 = arith.index_cast %add3A_207 : i32 to index
      %swap3A_635 = arith.constant 416 : index
      %swap3A_636 = tpu.vector_load %arg10[%swap3A_634, %swap3A_635] {strides = array<i32>} : memref<64x768xf32, #tpu.memory_space<vmem>>, vector<1x16xf32>,
      %swap3A_637 = vector.shape_cast %swap3A_636 : vector<1x16xf32> to vector<16xf32>
      %swap3A_638 = vector.shape_cast %add3A_633 : vector<16xf32> to vector<1x16xf32>
      tpu.vector_store %arg10[%swap3A_634, %swap3A_635], %swap3A_638 {strides = array<i32>} : memref<64x768xf32, #tpu.memory_space<vmem>>, vector<1x16xf32>,
      %get3A_639 = arith.index_cast %add3A_207 : i32 to index
      %get3A_640 = arith.constant 432 : index
      %get3A_641 = tpu.vector_load %arg10[%get3A_639, %get3A_640] {strides = array<i32>} : memref<64x768xf32, #tpu.memory_space<vmem>>, vector<1x16xf32>,
      %get3A_642 = vector.shape_cast %get3A_641 : vector<1x16xf32> to vector<16xf32>
      %get3A_643 = arith.index_cast %add3A_207 : i32 to index
      %get3A_644 = arith.constant 432 : index
      %get3A_645 = tpu.vector_load %arg11[%get3A_643, %get3A_644] {strides = array<i32>} : memref<64x768xf32, #tpu.memory_space<vmem>>, vector<1x16xf32>,
      %get3A_646 = vector.shape_cast %get3A_645 : vector<1x16xf32> to vector<16xf32>
      %mul3A_647 = arith.mulf %get3A_642, %gather3A_198 : vector<16xf32>
      %mul3A_648 = arith.mulf %get3A_646, %gather3A_205 : vector<16xf32>
      %add3A_649 = arith.addf %mul3A_647, %mul3A_648 : vector<16xf32>
      %swap3A_650 = arith.index_cast %add3A_207 : i32 to index
      %swap3A_651 = arith.constant 432 : index
      %swap3A_652 = tpu.vector_load %arg10[%swap3A_650, %swap3A_651] {strides = array<i32>} : memref<64x768xf32, #tpu.memory_space<vmem>>, vector<1x16xf32>,
      %swap3A_653 = vector.shape_cast %swap3A_652 : vector<1x16xf32> to vector<16xf32>
      %swap3A_654 = vector.shape_cast %add3A_649 : vector<16xf32> to vector<1x16xf32>
      tpu.vector_store %arg10[%swap3A_650, %swap3A_651], %swap3A_654 {strides = array<i32>} : memref<64x768xf32, #tpu.memory_space<vmem>>, vector<1x16xf32>,
      %get3A_655 = arith.index_cast %add3A_207 : i32 to index
      %get3A_656 = arith.constant 448 : index
      %get3A_657 = tpu.vector_load %arg10[%get3A_655, %get3A_656] {strides = array<i32>} : memref<64x768xf32, #tpu.memory_space<vmem>>, vector<1x16xf32>,
      %get3A_658 = vector.shape_cast %get3A_657 : vector<1x16xf32> to vector<16xf32>
      %get3A_659 = arith.index_cast %add3A_207 : i32 to index
      %get3A_660 = arith.constant 448 : index
      %get3A_661 = tpu.vector_load %arg11[%get3A_659, %get3A_660] {strides = array<i32>} : memref<64x768xf32, #tpu.memory_space<vmem>>, vector<1x16xf32>,
      %get3A_662 = vector.shape_cast %get3A_661 : vector<1x16xf32> to vector<16xf32>
      %mul3A_663 = arith.mulf %get3A_658, %gather3A_198 : vector<16xf32>
      %mul3A_664 = arith.mulf %get3A_662, %gather3A_205 : vector<16xf32>
      %add3A_665 = arith.addf %mul3A_663, %mul3A_664 : vector<16xf32>
      %swap3A_666 = arith.index_cast %add3A_207 : i32 to index
      %swap3A_667 = arith.constant 448 : index
      %swap3A_668 = tpu.vector_load %arg10[%swap3A_666, %swap3A_667] {strides = array<i32>} : memref<64x768xf32, #tpu.memory_space<vmem>>, vector<1x16xf32>,
      %swap3A_669 = vector.shape_cast %swap3A_668 : vector<1x16xf32> to vector<16xf32>
      %swap3A_670 = vector.shape_cast %add3A_665 : vector<16xf32> to vector<1x16xf32>
      tpu.vector_store %arg10[%swap3A_666, %swap3A_667], %swap3A_670 {strides = array<i32>} : memref<64x768xf32, #tpu.memory_space<vmem>>, vector<1x16xf32>,
      %get3A_671 = arith.index_cast %add3A_207 : i32 to index
      %get3A_672 = arith.constant 464 : index
      %get3A_673 = tpu.vector_load %arg10[%get3A_671, %get3A_672] {strides = array<i32>} : memref<64x768xf32, #tpu.memory_space<vmem>>, vector<1x16xf32>,
      %get3A_674 = vector.shape_cast %get3A_673 : vector<1x16xf32> to vector<16xf32>
      %get3A_675 = arith.index_cast %add3A_207 : i32 to index
      %get3A_676 = arith.constant 464 : index
      %get3A_677 = tpu.vector_load %arg11[%get3A_675, %get3A_676] {strides = array<i32>} : memref<64x768xf32, #tpu.memory_space<vmem>>, vector<1x16xf32>,
      %get3A_678 = vector.shape_cast %get3A_677 : vector<1x16xf32> to vector<16xf32>
      %mul3A_679 = arith.mulf %get3A_674, %gather3A_198 : vector<16xf32>
      %mul3A_680 = arith.mulf %get3A_678, %gather3A_205 : vector<16xf32>
      %add3A_681 = arith.addf %mul3A_679, %mul3A_680 : vector<16xf32>
      %swap3A_682 = arith.index_cast %add3A_207 : i32 to index
      %swap3A_683 = arith.constant 464 : index
      %swap3A_684 = tpu.vector_load %arg10[%swap3A_682, %swap3A_683] {strides = array<i32>} : memref<64x768xf32, #tpu.memory_space<vmem>>, vector<1x16xf32>,
      %swap3A_685 = vector.shape_cast %swap3A_684 : vector<1x16xf32> to vector<16xf32>
      %swap3A_686 = vector.shape_cast %add3A_681 : vector<16xf32> to vector<1x16xf32>
      tpu.vector_store %arg10[%swap3A_682, %swap3A_683], %swap3A_686 {strides = array<i32>} : memref<64x768xf32, #tpu.memory_space<vmem>>, vector<1x16xf32>,
      %get3A_687 = arith.index_cast %add3A_207 : i32 to index
      %get3A_688 = arith.constant 480 : index
      %get3A_689 = tpu.vector_load %arg10[%get3A_687, %get3A_688] {strides = array<i32>} : memref<64x768xf32, #tpu.memory_space<vmem>>, vector<1x16xf32>,
      %get3A_690 = vector.shape_cast %get3A_689 : vector<1x16xf32> to vector<16xf32>
      %get3A_691 = arith.index_cast %add3A_207 : i32 to index
      %get3A_692 = arith.constant 480 : index
      %get3A_693 = tpu.vector_load %arg11[%get3A_691, %get3A_692] {strides = array<i32>} : memref<64x768xf32, #tpu.memory_space<vmem>>, vector<1x16xf32>,
      %get3A_694 = vector.shape_cast %get3A_693 : vector<1x16xf32> to vector<16xf32>
      %mul3A_695 = arith.mulf %get3A_690, %gather3A_198 : vector<16xf32>
      %mul3A_696 = arith.mulf %get3A_694, %gather3A_205 : vector<16xf32>
      %add3A_697 = arith.addf %mul3A_695, %mul3A_696 : vector<16xf32>
      %swap3A_698 = arith.index_cast %add3A_207 : i32 to index
      %swap3A_699 = arith.constant 480 : index
      %swap3A_700 = tpu.vector_load %arg10[%swap3A_698, %swap3A_699] {strides = array<i32>} : memref<64x768xf32, #tpu.memory_space<vmem>>, vector<1x16xf32>,
      %swap3A_701 = vector.shape_cast %swap3A_700 : vector<1x16xf32> to vector<16xf32>
      %swap3A_702 = vector.shape_cast %add3A_697 : vector<16xf32> to vector<1x16xf32>
      tpu.vector_store %arg10[%swap3A_698, %swap3A_699], %swap3A_702 {strides = array<i32>} : memref<64x768xf32, #tpu.memory_space<vmem>>, vector<1x16xf32>,
      %get3A_703 = arith.index_cast %add3A_207 : i32 to index
      %get3A_704 = arith.constant 496 : index
      %get3A_705 = tpu.vector_load %arg10[%get3A_703, %get3A_704] {strides = array<i32>} : memref<64x768xf32, #tpu.memory_space<vmem>>, vector<1x16xf32>,
      %get3A_706 = vector.shape_cast %get3A_705 : vector<1x16xf32> to vector<16xf32>
      %get3A_707 = arith.index_cast %add3A_207 : i32 to index
      %get3A_708 = arith.constant 496 : index
      %get3A_709 = tpu.vector_load %arg11[%get3A_707, %get3A_708] {strides = array<i32>} : memref<64x768xf32, #tpu.memory_space<vmem>>, vector<1x16xf32>,
      %get3A_710 = vector.shape_cast %get3A_709 : vector<1x16xf32> to vector<16xf32>
      %mul3A_711 = arith.mulf %get3A_706, %gather3A_198 : vector<16xf32>
      %mul3A_712 = arith.mulf %get3A_710, %gather3A_205 : vector<16xf32>
      %add3A_713 = arith.addf %mul3A_711, %mul3A_712 : vector<16xf32>
      %swap3A_714 = arith.index_cast %add3A_207 : i32 to index
      %swap3A_715 = arith.constant 496 : index
      %swap3A_716 = tpu.vector_load %arg10[%swap3A_714, %swap3A_715] {strides = array<i32>} : memref<64x768xf32, #tpu.memory_space<vmem>>, vector<1x16xf32>,
      %swap3A_717 = vector.shape_cast %swap3A_716 : vector<1x16xf32> to vector<16xf32>
      %swap3A_718 = vector.shape_cast %add3A_713 : vector<16xf32> to vector<1x16xf32>
      tpu.vector_store %arg10[%swap3A_714, %swap3A_715], %swap3A_718 {strides = array<i32>} : memref<64x768xf32, #tpu.memory_space<vmem>>, vector<1x16xf32>,
      %get3A_719 = arith.index_cast %add3A_207 : i32 to index
      %get3A_720 = arith.constant 512 : index
      %get3A_721 = tpu.vector_load %arg10[%get3A_719, %get3A_720] {strides = array<i32>} : memref<64x768xf32, #tpu.memory_space<vmem>>, vector<1x16xf32>,
      %get3A_722 = vector.shape_cast %get3A_721 : vector<1x16xf32> to vector<16xf32>
      %get3A_723 = arith.index_cast %add3A_207 : i32 to index
      %get3A_724 = arith.constant 512 : index
      %get3A_725 = tpu.vector_load %arg11[%get3A_723, %get3A_724] {strides = array<i32>} : memref<64x768xf32, #tpu.memory_space<vmem>>, vector<1x16xf32>,
      %get3A_726 = vector.shape_cast %get3A_725 : vector<1x16xf32> to vector<16xf32>
      %mul3A_727 = arith.mulf %get3A_722, %gather3A_198 : vector<16xf32>
      %mul3A_728 = arith.mulf %get3A_726, %gather3A_205 : vector<16xf32>
      %add3A_729 = arith.addf %mul3A_727, %mul3A_728 : vector<16xf32>
      %swap3A_730 = arith.index_cast %add3A_207 : i32 to index
      %swap3A_731 = arith.constant 512 : index
      %swap3A_732 = tpu.vector_load %arg10[%swap3A_730, %swap3A_731] {strides = array<i32>} : memref<64x768xf32, #tpu.memory_space<vmem>>, vector<1x16xf32>,
      %swap3A_733 = vector.shape_cast %swap3A_732 : vector<1x16xf32> to vector<16xf32>
      %swap3A_734 = vector.shape_cast %add3A_729 : vector<16xf32> to vector<1x16xf32>
      tpu.vector_store %arg10[%swap3A_730, %swap3A_731], %swap3A_734 {strides = array<i32>} : memref<64x768xf32, #tpu.memory_space<vmem>>, vector<1x16xf32>,
      %get3A_735 = arith.index_cast %add3A_207 : i32 to index
      %get3A_736 = arith.constant 528 : index
      %get3A_737 = tpu.vector_load %arg10[%get3A_735, %get3A_736] {strides = array<i32>} : memref<64x768xf32, #tpu.memory_space<vmem>>, vector<1x16xf32>,
      %get3A_738 = vector.shape_cast %get3A_737 : vector<1x16xf32> to vector<16xf32>
      %get3A_739 = arith.index_cast %add3A_207 : i32 to index
      %get3A_740 = arith.constant 528 : index
      %get3A_741 = tpu.vector_load %arg11[%get3A_739, %get3A_740] {strides = array<i32>} : memref<64x768xf32, #tpu.memory_space<vmem>>, vector<1x16xf32>,
      %get3A_742 = vector.shape_cast %get3A_741 : vector<1x16xf32> to vector<16xf32>
      %mul3A_743 = arith.mulf %get3A_738, %gather3A_198 : vector<16xf32>
      %mul3A_744 = arith.mulf %get3A_742, %gather3A_205 : vector<16xf32>
      %add3A_745 = arith.addf %mul3A_743, %mul3A_744 : vector<16xf32>
      %swap3A_746 = arith.index_cast %add3A_207 : i32 to index
      %swap3A_747 = arith.constant 528 : index
      %swap3A_748 = tpu.vector_load %arg10[%swap3A_746, %swap3A_747] {strides = array<i32>} : memref<64x768xf32, #tpu.memory_space<vmem>>, vector<1x16xf32>,
      %swap3A_749 = vector.shape_cast %swap3A_748 : vector<1x16xf32> to vector<16xf32>
      %swap3A_750 = vector.shape_cast %add3A_745 : vector<16xf32> to vector<1x16xf32>
      tpu.vector_store %arg10[%swap3A_746, %swap3A_747], %swap3A_750 {strides = array<i32>} : memref<64x768xf32, #tpu.memory_space<vmem>>, vector<1x16xf32>,
      %get3A_751 = arith.index_cast %add3A_207 : i32 to index
      %get3A_752 = arith.constant 544 : index
      %get3A_753 = tpu.vector_load %arg10[%get3A_751, %get3A_752] {strides = array<i32>} : memref<64x768xf32, #tpu.memory_space<vmem>>, vector<1x16xf32>,
      %get3A_754 = vector.shape_cast %get3A_753 : vector<1x16xf32> to vector<16xf32>
      %get3A_755 = arith.index_cast %add3A_207 : i32 to index
      %get3A_756 = arith.constant 544 : index
      %get3A_757 = tpu.vector_load %arg11[%get3A_755, %get3A_756] {strides = array<i32>} : memref<64x768xf32, #tpu.memory_space<vmem>>, vector<1x16xf32>,
      %get3A_758 = vector.shape_cast %get3A_757 : vector<1x16xf32> to vector<16xf32>
      %mul3A_759 = arith.mulf %get3A_754, %gather3A_198 : vector<16xf32>
      %mul3A_760 = arith.mulf %get3A_758, %gather3A_205 : vector<16xf32>
      %add3A_761 = arith.addf %mul3A_759, %mul3A_760 : vector<16xf32>
      %swap3A_762 = arith.index_cast %add3A_207 : i32 to index
      %swap3A_763 = arith.constant 544 : index
      %swap3A_764 = tpu.vector_load %arg10[%swap3A_762, %swap3A_763] {strides = array<i32>} : memref<64x768xf32, #tpu.memory_space<vmem>>, vector<1x16xf32>,
      %swap3A_765 = vector.shape_cast %swap3A_764 : vector<1x16xf32> to vector<16xf32>
      %swap3A_766 = vector.shape_cast %add3A_761 : vector<16xf32> to vector<1x16xf32>
      tpu.vector_store %arg10[%swap3A_762, %swap3A_763], %swap3A_766 {strides = array<i32>} : memref<64x768xf32, #tpu.memory_space<vmem>>, vector<1x16xf32>,
      %get3A_767 = arith.index_cast %add3A_207 : i32 to index
      %get3A_768 = arith.constant 560 : index
      %get3A_769 = tpu.vector_load %arg10[%get3A_767, %get3A_768] {strides = array<i32>} : memref<64x768xf32, #tpu.memory_space<vmem>>, vector<1x16xf32>,
      %get3A_770 = vector.shape_cast %get3A_769 : vector<1x16xf32> to vector<16xf32>
      %get3A_771 = arith.index_cast %add3A_207 : i32 to index
      %get3A_772 = arith.constant 560 : index
      %get3A_773 = tpu.vector_load %arg11[%get3A_771, %get3A_772] {strides = array<i32>} : memref<64x768xf32, #tpu.memory_space<vmem>>, vector<1x16xf32>,
      %get3A_774 = vector.shape_cast %get3A_773 : vector<1x16xf32> to vector<16xf32>
      %mul3A_775 = arith.mulf %get3A_770, %gather3A_198 : vector<16xf32>
      %mul3A_776 = arith.mulf %get3A_774, %gather3A_205 : vector<16xf32>
      %add3A_777 = arith.addf %mul3A_775, %mul3A_776 : vector<16xf32>
      %swap3A_778 = arith.index_cast %add3A_207 : i32 to index
      %swap3A_779 = arith.constant 560 : index
      %swap3A_780 = tpu.vector_load %arg10[%swap3A_778, %swap3A_779] {strides = array<i32>} : memref<64x768xf32, #tpu.memory_space<vmem>>, vector<1x16xf32>,
      %swap3A_781 = vector.shape_cast %swap3A_780 : vector<1x16xf32> to vector<16xf32>
      %swap3A_782 = vector.shape_cast %add3A_777 : vector<16xf32> to vector<1x16xf32>
      tpu.vector_store %arg10[%swap3A_778, %swap3A_779], %swap3A_782 {strides = array<i32>} : memref<64x768xf32, #tpu.memory_space<vmem>>, vector<1x16xf32>,
      %get3A_783 = arith.index_cast %add3A_207 : i32 to index
      %get3A_784 = arith.constant 576 : index
      %get3A_785 = tpu.vector_load %arg10[%get3A_783, %get3A_784] {strides = array<i32>} : memref<64x768xf32, #tpu.memory_space<vmem>>, vector<1x16xf32>,
      %get3A_786 = vector.shape_cast %get3A_785 : vector<1x16xf32> to vector<16xf32>
      %get3A_787 = arith.index_cast %add3A_207 : i32 to index
      %get3A_788 = arith.constant 576 : index
      %get3A_789 = tpu.vector_load %arg11[%get3A_787, %get3A_788] {strides = array<i32>} : memref<64x768xf32, #tpu.memory_space<vmem>>, vector<1x16xf32>,
      %get3A_790 = vector.shape_cast %get3A_789 : vector<1x16xf32> to vector<16xf32>
      %mul3A_791 = arith.mulf %get3A_786, %gather3A_198 : vector<16xf32>
      %mul3A_792 = arith.mulf %get3A_790, %gather3A_205 : vector<16xf32>
      %add3A_793 = arith.addf %mul3A_791, %mul3A_792 : vector<16xf32>
      %swap3A_794 = arith.index_cast %add3A_207 : i32 to index
      %swap3A_795 = arith.constant 576 : index
      %swap3A_796 = tpu.vector_load %arg10[%swap3A_794, %swap3A_795] {strides = array<i32>} : memref<64x768xf32, #tpu.memory_space<vmem>>, vector<1x16xf32>,
      %swap3A_797 = vector.shape_cast %swap3A_796 : vector<1x16xf32> to vector<16xf32>
      %swap3A_798 = vector.shape_cast %add3A_793 : vector<16xf32> to vector<1x16xf32>
      tpu.vector_store %arg10[%swap3A_794, %swap3A_795], %swap3A_798 {strides = array<i32>} : memref<64x768xf32, #tpu.memory_space<vmem>>, vector<1x16xf32>,
      %get3A_799 = arith.index_cast %add3A_207 : i32 to index
      %get3A_800 = arith.constant 592 : index
      %get3A_801 = tpu.vector_load %arg10[%get3A_799, %get3A_800] {strides = array<i32>} : memref<64x768xf32, #tpu.memory_space<vmem>>, vector<1x16xf32>,
      %get3A_802 = vector.shape_cast %get3A_801 : vector<1x16xf32> to vector<16xf32>
      %get3A_803 = arith.index_cast %add3A_207 : i32 to index
      %get3A_804 = arith.constant 592 : index
      %get3A_805 = tpu.vector_load %arg11[%get3A_803, %get3A_804] {strides = array<i32>} : memref<64x768xf32, #tpu.memory_space<vmem>>, vector<1x16xf32>,
      %get3A_806 = vector.shape_cast %get3A_805 : vector<1x16xf32> to vector<16xf32>
      %mul3A_807 = arith.mulf %get3A_802, %gather3A_198 : vector<16xf32>
      %mul3A_808 = arith.mulf %get3A_806, %gather3A_205 : vector<16xf32>
      %add3A_809 = arith.addf %mul3A_807, %mul3A_808 : vector<16xf32>
      %swap3A_810 = arith.index_cast %add3A_207 : i32 to index
      %swap3A_811 = arith.constant 592 : index
      %swap3A_812 = tpu.vector_load %arg10[%swap3A_810, %swap3A_811] {strides = array<i32>} : memref<64x768xf32, #tpu.memory_space<vmem>>, vector<1x16xf32>,
      %swap3A_813 = vector.shape_cast %swap3A_812 : vector<1x16xf32> to vector<16xf32>
      %swap3A_814 = vector.shape_cast %add3A_809 : vector<16xf32> to vector<1x16xf32>
      tpu.vector_store %arg10[%swap3A_810, %swap3A_811], %swap3A_814 {strides = array<i32>} : memref<64x768xf32, #tpu.memory_space<vmem>>, vector<1x16xf32>,
      %get3A_815 = arith.index_cast %add3A_207 : i32 to index
      %get3A_816 = arith.constant 608 : index
      %get3A_817 = tpu.vector_load %arg10[%get3A_815, %get3A_816] {strides = array<i32>} : memref<64x768xf32, #tpu.memory_space<vmem>>, vector<1x16xf32>,
      %get3A_818 = vector.shape_cast %get3A_817 : vector<1x16xf32> to vector<16xf32>
      %get3A_819 = arith.index_cast %add3A_207 : i32 to index
      %get3A_820 = arith.constant 608 : index
      %get3A_821 = tpu.vector_load %arg11[%get3A_819, %get3A_820] {strides = array<i32>} : memref<64x768xf32, #tpu.memory_space<vmem>>, vector<1x16xf32>,
      %get3A_822 = vector.shape_cast %get3A_821 : vector<1x16xf32> to vector<16xf32>
      %mul3A_823 = arith.mulf %get3A_818, %gather3A_198 : vector<16xf32>
      %mul3A_824 = arith.mulf %get3A_822, %gather3A_205 : vector<16xf32>
      %add3A_825 = arith.addf %mul3A_823, %mul3A_824 : vector<16xf32>
      %swap3A_826 = arith.index_cast %add3A_207 : i32 to index
      %swap3A_827 = arith.constant 608 : index
      %swap3A_828 = tpu.vector_load %arg10[%swap3A_826, %swap3A_827] {strides = array<i32>} : memref<64x768xf32, #tpu.memory_space<vmem>>, vector<1x16xf32>,
      %swap3A_829 = vector.shape_cast %swap3A_828 : vector<1x16xf32> to vector<16xf32>
      %swap3A_830 = vector.shape_cast %add3A_825 : vector<16xf32> to vector<1x16xf32>
      tpu.vector_store %arg10[%swap3A_826, %swap3A_827], %swap3A_830 {strides = array<i32>} : memref<64x768xf32, #tpu.memory_space<vmem>>, vector<1x16xf32>,
      %get3A_831 = arith.index_cast %add3A_207 : i32 to index
      %get3A_832 = arith.constant 624 : index
      %get3A_833 = tpu.vector_load %arg10[%get3A_831, %get3A_832] {strides = array<i32>} : memref<64x768xf32, #tpu.memory_space<vmem>>, vector<1x16xf32>,
      %get3A_834 = vector.shape_cast %get3A_833 : vector<1x16xf32> to vector<16xf32>
      %get3A_835 = arith.index_cast %add3A_207 : i32 to index
      %get3A_836 = arith.constant 624 : index
      %get3A_837 = tpu.vector_load %arg11[%get3A_835, %get3A_836] {strides = array<i32>} : memref<64x768xf32, #tpu.memory_space<vmem>>, vector<1x16xf32>,
      %get3A_838 = vector.shape_cast %get3A_837 : vector<1x16xf32> to vector<16xf32>
      %mul3A_839 = arith.mulf %get3A_834, %gather3A_198 : vector<16xf32>
      %mul3A_840 = arith.mulf %get3A_838, %gather3A_205 : vector<16xf32>
      %add3A_841 = arith.addf %mul3A_839, %mul3A_840 : vector<16xf32>
      %swap3A_842 = arith.index_cast %add3A_207 : i32 to index
      %swap3A_843 = arith.constant 624 : index
      %swap3A_844 = tpu.vector_load %arg10[%swap3A_842, %swap3A_843] {strides = array<i32>} : memref<64x768xf32, #tpu.memory_space<vmem>>, vector<1x16xf32>,
      %swap3A_845 = vector.shape_cast %swap3A_844 : vector<1x16xf32> to vector<16xf32>
      %swap3A_846 = vector.shape_cast %add3A_841 : vector<16xf32> to vector<1x16xf32>
      tpu.vector_store %arg10[%swap3A_842, %swap3A_843], %swap3A_846 {strides = array<i32>} : memref<64x768xf32, #tpu.memory_space<vmem>>, vector<1x16xf32>,
      %get3A_847 = arith.index_cast %add3A_207 : i32 to index
      %get3A_848 = arith.constant 640 : index
      %get3A_849 = tpu.vector_load %arg10[%get3A_847, %get3A_848] {strides = array<i32>} : memref<64x768xf32, #tpu.memory_space<vmem>>, vector<1x16xf32>,
      %get3A_850 = vector.shape_cast %get3A_849 : vector<1x16xf32> to vector<16xf32>
      %get3A_851 = arith.index_cast %add3A_207 : i32 to index
      %get3A_852 = arith.constant 640 : index
      %get3A_853 = tpu.vector_load %arg11[%get3A_851, %get3A_852] {strides = array<i32>} : memref<64x768xf32, #tpu.memory_space<vmem>>, vector<1x16xf32>,
      %get3A_854 = vector.shape_cast %get3A_853 : vector<1x16xf32> to vector<16xf32>
      %mul3A_855 = arith.mulf %get3A_850, %gather3A_198 : vector<16xf32>
      %mul3A_856 = arith.mulf %get3A_854, %gather3A_205 : vector<16xf32>
      %add3A_857 = arith.addf %mul3A_855, %mul3A_856 : vector<16xf32>
      %swap3A_858 = arith.index_cast %add3A_207 : i32 to index
      %swap3A_859 = arith.constant 640 : index
      %swap3A_860 = tpu.vector_load %arg10[%swap3A_858, %swap3A_859] {strides = array<i32>} : memref<64x768xf32, #tpu.memory_space<vmem>>, vector<1x16xf32>,
      %swap3A_861 = vector.shape_cast %swap3A_860 : vector<1x16xf32> to vector<16xf32>
      %swap3A_862 = vector.shape_cast %add3A_857 : vector<16xf32> to vector<1x16xf32>
      tpu.vector_store %arg10[%swap3A_858, %swap3A_859], %swap3A_862 {strides = array<i32>} : memref<64x768xf32, #tpu.memory_space<vmem>>, vector<1x16xf32>,
      %get3A_863 = arith.index_cast %add3A_207 : i32 to index
      %get3A_864 = arith.constant 656 : index
      %get3A_865 = tpu.vector_load %arg10[%get3A_863, %get3A_864] {strides = array<i32>} : memref<64x768xf32, #tpu.memory_space<vmem>>, vector<1x16xf32>,
      %get3A_866 = vector.shape_cast %get3A_865 : vector<1x16xf32> to vector<16xf32>
      %get3A_867 = arith.index_cast %add3A_207 : i32 to index
      %get3A_868 = arith.constant 656 : index
      %get3A_869 = tpu.vector_load %arg11[%get3A_867, %get3A_868] {strides = array<i32>} : memref<64x768xf32, #tpu.memory_space<vmem>>, vector<1x16xf32>,
      %get3A_870 = vector.shape_cast %get3A_869 : vector<1x16xf32> to vector<16xf32>
      %mul3A_871 = arith.mulf %get3A_866, %gather3A_198 : vector<16xf32>
      %mul3A_872 = arith.mulf %get3A_870, %gather3A_205 : vector<16xf32>
      %add3A_873 = arith.addf %mul3A_871, %mul3A_872 : vector<16xf32>
      %swap3A_874 = arith.index_cast %add3A_207 : i32 to index
      %swap3A_875 = arith.constant 656 : index
      %swap3A_876 = tpu.vector_load %arg10[%swap3A_874, %swap3A_875] {strides = array<i32>} : memref<64x768xf32, #tpu.memory_space<vmem>>, vector<1x16xf32>,
      %swap3A_877 = vector.shape_cast %swap3A_876 : vector<1x16xf32> to vector<16xf32>
      %swap3A_878 = vector.shape_cast %add3A_873 : vector<16xf32> to vector<1x16xf32>
      tpu.vector_store %arg10[%swap3A_874, %swap3A_875], %swap3A_878 {strides = array<i32>} : memref<64x768xf32, #tpu.memory_space<vmem>>, vector<1x16xf32>,
      %get3A_879 = arith.index_cast %add3A_207 : i32 to index
      %get3A_880 = arith.constant 672 : index
      %get3A_881 = tpu.vector_load %arg10[%get3A_879, %get3A_880] {strides = array<i32>} : memref<64x768xf32, #tpu.memory_space<vmem>>, vector<1x16xf32>,
      %get3A_882 = vector.shape_cast %get3A_881 : vector<1x16xf32> to vector<16xf32>
      %get3A_883 = arith.index_cast %add3A_207 : i32 to index
      %get3A_884 = arith.constant 672 : index
      %get3A_885 = tpu.vector_load %arg11[%get3A_883, %get3A_884] {strides = array<i32>} : memref<64x768xf32, #tpu.memory_space<vmem>>, vector<1x16xf32>,
      %get3A_886 = vector.shape_cast %get3A_885 : vector<1x16xf32> to vector<16xf32>
      %mul3A_887 = arith.mulf %get3A_882, %gather3A_198 : vector<16xf32>
      %mul3A_888 = arith.mulf %get3A_886, %gather3A_205 : vector<16xf32>
      %add3A_889 = arith.addf %mul3A_887, %mul3A_888 : vector<16xf32>
      %swap3A_890 = arith.index_cast %add3A_207 : i32 to index
      %swap3A_891 = arith.constant 672 : index
      %swap3A_892 = tpu.vector_load %arg10[%swap3A_890, %swap3A_891] {strides = array<i32>} : memref<64x768xf32, #tpu.memory_space<vmem>>, vector<1x16xf32>,
      %swap3A_893 = vector.shape_cast %swap3A_892 : vector<1x16xf32> to vector<16xf32>
      %swap3A_894 = vector.shape_cast %add3A_889 : vector<16xf32> to vector<1x16xf32>
      tpu.vector_store %arg10[%swap3A_890, %swap3A_891], %swap3A_894 {strides = array<i32>} : memref<64x768xf32, #tpu.memory_space<vmem>>, vector<1x16xf32>,
      %get3A_895 = arith.index_cast %add3A_207 : i32 to index
      %get3A_896 = arith.constant 688 : index
      %get3A_897 = tpu.vector_load %arg10[%get3A_895, %get3A_896] {strides = array<i32>} : memref<64x768xf32, #tpu.memory_space<vmem>>, vector<1x16xf32>,
      %get3A_898 = vector.shape_cast %get3A_897 : vector<1x16xf32> to vector<16xf32>
      %get3A_899 = arith.index_cast %add3A_207 : i32 to index
      %get3A_900 = arith.constant 688 : index
      %get3A_901 = tpu.vector_load %arg11[%get3A_899, %get3A_900] {strides = array<i32>} : memref<64x768xf32, #tpu.memory_space<vmem>>, vector<1x16xf32>,
      %get3A_902 = vector.shape_cast %get3A_901 : vector<1x16xf32> to vector<16xf32>
      %mul3A_903 = arith.mulf %get3A_898, %gather3A_198 : vector<16xf32>
      %mul3A_904 = arith.mulf %get3A_902, %gather3A_205 : vector<16xf32>
      %add3A_905 = arith.addf %mul3A_903, %mul3A_904 : vector<16xf32>
      %swap3A_906 = arith.index_cast %add3A_207 : i32 to index
      %swap3A_907 = arith.constant 688 : index
      %swap3A_908 = tpu.vector_load %arg10[%swap3A_906, %swap3A_907] {strides = array<i32>} : memref<64x768xf32, #tpu.memory_space<vmem>>, vector<1x16xf32>,
      %swap3A_909 = vector.shape_cast %swap3A_908 : vector<1x16xf32> to vector<16xf32>
      %swap3A_910 = vector.shape_cast %add3A_905 : vector<16xf32> to vector<1x16xf32>
      tpu.vector_store %arg10[%swap3A_906, %swap3A_907], %swap3A_910 {strides = array<i32>} : memref<64x768xf32, #tpu.memory_space<vmem>>, vector<1x16xf32>,
      %get3A_911 = arith.index_cast %add3A_207 : i32 to index
      %get3A_912 = arith.constant 704 : index
      %get3A_913 = tpu.vector_load %arg10[%get3A_911, %get3A_912] {strides = array<i32>} : memref<64x768xf32, #tpu.memory_space<vmem>>, vector<1x16xf32>,
      %get3A_914 = vector.shape_cast %get3A_913 : vector<1x16xf32> to vector<16xf32>
      %get3A_915 = arith.index_cast %add3A_207 : i32 to index
      %get3A_916 = arith.constant 704 : index
      %get3A_917 = tpu.vector_load %arg11[%get3A_915, %get3A_916] {strides = array<i32>} : memref<64x768xf32, #tpu.memory_space<vmem>>, vector<1x16xf32>,
      %get3A_918 = vector.shape_cast %get3A_917 : vector<1x16xf32> to vector<16xf32>
      %mul3A_919 = arith.mulf %get3A_914, %gather3A_198 : vector<16xf32>
      %mul3A_920 = arith.mulf %get3A_918, %gather3A_205 : vector<16xf32>
      %add3A_921 = arith.addf %mul3A_919, %mul3A_920 : vector<16xf32>
      %swap3A_922 = arith.index_cast %add3A_207 : i32 to index
      %swap3A_923 = arith.constant 704 : index
      %swap3A_924 = tpu.vector_load %arg10[%swap3A_922, %swap3A_923] {strides = array<i32>} : memref<64x768xf32, #tpu.memory_space<vmem>>, vector<1x16xf32>,
      %swap3A_925 = vector.shape_cast %swap3A_924 : vector<1x16xf32> to vector<16xf32>
      %swap3A_926 = vector.shape_cast %add3A_921 : vector<16xf32> to vector<1x16xf32>
      tpu.vector_store %arg10[%swap3A_922, %swap3A_923], %swap3A_926 {strides = array<i32>} : memref<64x768xf32, #tpu.memory_space<vmem>>, vector<1x16xf32>,
      %get3A_927 = arith.index_cast %add3A_207 : i32 to index
      %get3A_928 = arith.constant 720 : index
      %get3A_929 = tpu.vector_load %arg10[%get3A_927, %get3A_928] {strides = array<i32>} : memref<64x768xf32, #tpu.memory_space<vmem>>, vector<1x16xf32>,
      %get3A_930 = vector.shape_cast %get3A_929 : vector<1x16xf32> to vector<16xf32>
      %get3A_931 = arith.index_cast %add3A_207 : i32 to index
      %get3A_932 = arith.constant 720 : index
      %get3A_933 = tpu.vector_load %arg11[%get3A_931, %get3A_932] {strides = array<i32>} : memref<64x768xf32, #tpu.memory_space<vmem>>, vector<1x16xf32>,
      %get3A_934 = vector.shape_cast %get3A_933 : vector<1x16xf32> to vector<16xf32>
      %mul3A_935 = arith.mulf %get3A_930, %gather3A_198 : vector<16xf32>
      %mul3A_936 = arith.mulf %get3A_934, %gather3A_205 : vector<16xf32>
      %add3A_937 = arith.addf %mul3A_935, %mul3A_936 : vector<16xf32>
      %swap3A_938 = arith.index_cast %add3A_207 : i32 to index
      %swap3A_939 = arith.constant 720 : index
      %swap3A_940 = tpu.vector_load %arg10[%swap3A_938, %swap3A_939] {strides = array<i32>} : memref<64x768xf32, #tpu.memory_space<vmem>>, vector<1x16xf32>,
      %swap3A_941 = vector.shape_cast %swap3A_940 : vector<1x16xf32> to vector<16xf32>
      %swap3A_942 = vector.shape_cast %add3A_937 : vector<16xf32> to vector<1x16xf32>
      tpu.vector_store %arg10[%swap3A_938, %swap3A_939], %swap3A_942 {strides = array<i32>} : memref<64x768xf32, #tpu.memory_space<vmem>>, vector<1x16xf32>,
      %get3A_943 = arith.index_cast %add3A_207 : i32 to index
      %get3A_944 = arith.constant 736 : index
      %get3A_945 = tpu.vector_load %arg10[%get3A_943, %get3A_944] {strides = array<i32>} : memref<64x768xf32, #tpu.memory_space<vmem>>, vector<1x16xf32>,
      %get3A_946 = vector.shape_cast %get3A_945 : vector<1x16xf32> to vector<16xf32>
      %get3A_947 = arith.index_cast %add3A_207 : i32 to index
      %get3A_948 = arith.constant 736 : index
      %get3A_949 = tpu.vector_load %arg11[%get3A_947, %get3A_948] {strides = array<i32>} : memref<64x768xf32, #tpu.memory_space<vmem>>, vector<1x16xf32>,
      %get3A_950 = vector.shape_cast %get3A_949 : vector<1x16xf32> to vector<16xf32>
      %mul3A_951 = arith.mulf %get3A_946, %gather3A_198 : vector<16xf32>
      %mul3A_952 = arith.mulf %get3A_950, %gather3A_205 : vector<16xf32>
      %add3A_953 = arith.addf %mul3A_951, %mul3A_952 : vector<16xf32>
      %swap3A_954 = arith.index_cast %add3A_207 : i32 to index
      %swap3A_955 = arith.constant 736 : index
      %swap3A_956 = tpu.vector_load %arg10[%swap3A_954, %swap3A_955] {strides = array<i32>} : memref<64x768xf32, #tpu.memory_space<vmem>>, vector<1x16xf32>,
      %swap3A_957 = vector.shape_cast %swap3A_956 : vector<1x16xf32> to vector<16xf32>
      %swap3A_958 = vector.shape_cast %add3A_953 : vector<16xf32> to vector<1x16xf32>
      tpu.vector_store %arg10[%swap3A_954, %swap3A_955], %swap3A_958 {strides = array<i32>} : memref<64x768xf32, #tpu.memory_space<vmem>>, vector<1x16xf32>,
      %get3A_959 = arith.index_cast %add3A_207 : i32 to index
      %get3A_960 = arith.constant 752 : index
      %get3A_961 = tpu.vector_load %arg10[%get3A_959, %get3A_960] {strides = array<i32>} : memref<64x768xf32, #tpu.memory_space<vmem>>, vector<1x16xf32>,
      %get3A_962 = vector.shape_cast %get3A_961 : vector<1x16xf32> to vector<16xf32>
      %get3A_963 = arith.index_cast %add3A_207 : i32 to index
      %get3A_964 = arith.constant 752 : index
      %get3A_965 = tpu.vector_load %arg11[%get3A_963, %get3A_964] {strides = array<i32>} : memref<64x768xf32, #tpu.memory_space<vmem>>, vector<1x16xf32>,
      %get3A_966 = vector.shape_cast %get3A_965 : vector<1x16xf32> to vector<16xf32>
      %mul3A_967 = arith.mulf %get3A_962, %gather3A_198 : vector<16xf32>
      %mul3A_968 = arith.mulf %get3A_966, %gather3A_205 : vector<16xf32>
      %add3A_969 = arith.addf %mul3A_967, %mul3A_968 : vector<16xf32>
      %swap3A_970 = arith.index_cast %add3A_207 : i32 to index
      %swap3A_971 = arith.constant 752 : index
      %swap3A_972 = tpu.vector_load %arg10[%swap3A_970, %swap3A_971] {strides = array<i32>} : memref<64x768xf32, #tpu.memory_space<vmem>>, vector<1x16xf32>,
      %swap3A_973 = vector.shape_cast %swap3A_972 : vector<1x16xf32> to vector<16xf32>
      %swap3A_974 = vector.shape_cast %add3A_969 : vector<16xf32> to vector<1x16xf32>
      tpu.vector_store %arg10[%swap3A_970, %swap3A_971], %swap3A_974 {strides = array<i32>} : memref<64x768xf32, #tpu.memory_space<vmem>>, vector<1x16xf32>,
    }
    %scan3A_160 = arith.constant 16 : i32
    %add3A_161 = arith.constant 32 : i32
    %add3A_162 = arith.addi %mul3A_2, %add3A_161 : i32
    %dma_start3A_163 = arith.constant 32 : i32
    %dma_start3A_164 = arith.constant 0 : i32
    %dma_start3A_165 = tpu.memref_slice %arg10[%dma_start3A_163, %dma_start3A_164] : memref<64x768xf32, #tpu.memory_space<vmem>> -> memref<32x768xf32, #tpu.memory_space<vmem>>
    %dma_start3A_166 = arith.constant 0 : i32
    %dma_start3A_167 = tpu.memref_slice %arg5[%add3A_162, %dma_start3A_166] : memref<2048x768xf32, #tpu.memory_space<hbm>> -> memref<32x768xf32, #tpu.memory_space<hbm>>
    %dma_start3A_168 = arith.constant 0 : i32
    %dma_start3A_169 = tpu.memref_slice %arg5[%add3A_162, %dma_start3A_168] : memref<2048x768xf32, #tpu.memory_space<hbm>> -> memref<32x768xf32, #tpu.memory_space<hbm>>
    %dma_start3A_170 = arith.constant 32 : i32
    %dma_start3A_171 = arith.constant 0 : i32
    %dma_start3A_172 = tpu.memref_slice %arg10[%dma_start3A_170, %dma_start3A_171] : memref<64x768xf32, #tpu.memory_space<vmem>> -> memref<32x768xf32, #tpu.memory_space<vmem>>
    tpu.enqueue_dma source(%dma_start3A_172 : memref<32x768xf32, #tpu.memory_space<vmem>>) target(%dma_start3A_169 : memref<32x768xf32, #tpu.memory_space<hbm>>) target_semaphore(%arg15 : memref<!tpu.dma_semaphore, #tpu.memory_space<semaphore_mem>>)
    %dma_wait3A_173 = arith.constant 0 : i32
    %dma_wait3A_174 = arith.constant 0 : i32
    %dma_wait3A_175 = tpu.memref_slice %arg10[%dma_wait3A_173, %dma_wait3A_174] : memref<64x768xf32, #tpu.memory_space<vmem>> -> memref<32x768xf32, #tpu.memory_space<vmem>>
    %dma_wait3A_176 = arith.constant 0 : i32
    %dma_wait3A_177 = tpu.memref_slice %arg5[%mul3A_2, %dma_wait3A_176] : memref<2048x768xf32, #tpu.memory_space<hbm>> -> memref<32x768xf32, #tpu.memory_space<hbm>>
    %dma_wait3A_178 = arith.constant 0 : i32
    %dma_wait3A_179 = tpu.memref_slice %arg5[%mul3A_2, %dma_wait3A_178] : memref<2048x768xf32, #tpu.memory_space<hbm>> -> memref<32x768xf32, #tpu.memory_space<hbm>>
    %dma_wait3A_180 = arith.constant 0 : i32
    %dma_wait3A_181 = arith.constant 0 : i32
    %dma_wait3A_182 = tpu.memref_slice %arg10[%dma_wait3A_180, %dma_wait3A_181] : memref<64x768xf32, #tpu.memory_space<vmem>> -> memref<32x768xf32, #tpu.memory_space<vmem>>
    tpu.wait_dma2 semaphore(%arg15 : memref<!tpu.dma_semaphore, #tpu.memory_space<semaphore_mem>>) src(%dma_wait3A_182 : memref<32x768xf32, #tpu.memory_space<vmem>>) dst(%dma_wait3A_179 : memref<32x768xf32, #tpu.memory_space<hbm>>)
    %dma_wait3A_183 = arith.constant 32 : i32
    %dma_wait3A_184 = arith.constant 0 : i32
    %dma_wait3A_185 = tpu.memref_slice %arg10[%dma_wait3A_183, %dma_wait3A_184] : memref<64x768xf32, #tpu.memory_space<vmem>> -> memref<32x768xf32, #tpu.memory_space<vmem>>
    %dma_wait3A_186 = arith.constant 0 : i32
    %dma_wait3A_187 = tpu.memref_slice %arg5[%add3A_162, %dma_wait3A_186] : memref<2048x768xf32, #tpu.memory_space<hbm>> -> memref<32x768xf32, #tpu.memory_space<hbm>>
    %dma_wait3A_188 = arith.constant 0 : i32
    %dma_wait3A_189 = tpu.memref_slice %arg5[%add3A_162, %dma_wait3A_188] : memref<2048x768xf32, #tpu.memory_space<hbm>> -> memref<32x768xf32, #tpu.memory_space<hbm>>
    %dma_wait3A_190 = arith.constant 32 : i32
    %dma_wait3A_191 = arith.constant 0 : i32
    %dma_wait3A_192 = tpu.memref_slice %arg10[%dma_wait3A_190, %dma_wait3A_191] : memref<64x768xf32, #tpu.memory_space<vmem>> -> memref<32x768xf32, #tpu.memory_space<vmem>>
    tpu.wait_dma2 semaphore(%arg15 : memref<!tpu.dma_semaphore, #tpu.memory_space<semaphore_mem>>) src(%dma_wait3A_192 : memref<32x768xf32, #tpu.memory_space<vmem>>) dst(%dma_wait3A_189 : memref<32x768xf32, #tpu.memory_space<hbm>>)
    return
  }
}

#map = affine_map<(d0, d1) -> (0, 0)>
module attributes {stable_mosaic.version = 14 : i64} {
  func.func @_dispatch_body(%arg0: i32, %arg1: i32, %arg2: memref<2048x768xf32, #tpu.memory_space<hbm>>, %arg3: memref<2x2048xi32, #tpu.memory_space<hbm>>, %arg4: memref<6144x768xf32, #tpu.memory_space<hbm>>, %arg5: memref<64x768xf32, #tpu.memory_space<vmem>>, %arg6: memref<64xi32, #tpu.memory_space<vmem>>, %arg7: memref<64xi32, #tpu.memory_space<vmem>>, %arg8: memref<!tpu.dma_semaphore, #tpu.memory_space<semaphore_mem>>, %arg9: memref<!tpu.dma_semaphore, #tpu.memory_space<semaphore_mem>>, %arg10: memref<!tpu.dma_semaphore, #tpu.memory_space<semaphore_mem>>) attributes {dimension_semantics = [#tpu.dimension_semantics<core_parallel>, #tpu.dimension_semantics<subcore_parallel>], iteration_bounds = array<i64: 2, 16>, scalar_prefetch = 0 : i64, scratch_operands = 6 : i64, tpu.core_type = #tpu.core_type<sc_vector_subcore>, window_params = [{transform_indices = #map}, {transform_indices = #map}, {transform_indices = #map}]} {
    %mul3A = arith.constant 2 : i32
    %mul3A_0 = arith.muli %arg1, %mul3A : i32
    %add3A = arith.addi %mul3A_0, %arg0 : i32
    %mul3A_1 = arith.constant 64 : i32
    %mul3A_2 = arith.muli %add3A, %mul3A_1 : i32
    %dma_start3A = arith.constant 0 : i32
    %dma_start3A_3 = tpu.memref_slice %arg3[%dma_start3A, %mul3A_2] : memref<2x2048xi32, #tpu.memory_space<hbm>> -> memref<1x64xi32, #tpu.memory_space<hbm>>
    %dma_start3A_4 = tpu.memref_squeeze %dma_start3A_3 : memref<1x64xi32, #tpu.memory_space<hbm>> -> memref<64xi32, #tpu.memory_space<hbm>>
    %dma_start3A_5 = tpu.memref_slice %arg3[%dma_start3A, %mul3A_2] : memref<2x2048xi32, #tpu.memory_space<hbm>> -> memref<1x64xi32, #tpu.memory_space<hbm>>
    %dma_start3A_6 = tpu.memref_squeeze %dma_start3A_5 : memref<1x64xi32, #tpu.memory_space<hbm>> -> memref<64xi32, #tpu.memory_space<hbm>>
    tpu.enqueue_dma source(%dma_start3A_6 : memref<64xi32, #tpu.memory_space<hbm>>) target(%arg6 : memref<64xi32, #tpu.memory_space<vmem>>) target_semaphore(%arg8 : memref<!tpu.dma_semaphore, #tpu.memory_space<semaphore_mem>>)
    %dma_start3A_7 = arith.constant 1 : i32
    %dma_start3A_8 = tpu.memref_slice %arg3[%dma_start3A_7, %mul3A_2] : memref<2x2048xi32, #tpu.memory_space<hbm>> -> memref<1x64xi32, #tpu.memory_space<hbm>>
    %dma_start3A_9 = tpu.memref_squeeze %dma_start3A_8 : memref<1x64xi32, #tpu.memory_space<hbm>> -> memref<64xi32, #tpu.memory_space<hbm>>
    %dma_start3A_10 = tpu.memref_slice %arg3[%dma_start3A_7, %mul3A_2] : memref<2x2048xi32, #tpu.memory_space<hbm>> -> memref<1x64xi32, #tpu.memory_space<hbm>>
    %dma_start3A_11 = tpu.memref_squeeze %dma_start3A_10 : memref<1x64xi32, #tpu.memory_space<hbm>> -> memref<64xi32, #tpu.memory_space<hbm>>
    tpu.enqueue_dma source(%dma_start3A_11 : memref<64xi32, #tpu.memory_space<hbm>>) target(%arg7 : memref<64xi32, #tpu.memory_space<vmem>>) target_semaphore(%arg8 : memref<!tpu.dma_semaphore, #tpu.memory_space<semaphore_mem>>)
    %dma_start3A_12 = arith.constant 0 : i32
    %dma_start3A_13 = tpu.memref_slice %arg2[%mul3A_2, %dma_start3A_12] : memref<2048x768xf32, #tpu.memory_space<hbm>> -> memref<64x768xf32, #tpu.memory_space<hbm>>
    %dma_start3A_14 = arith.constant 0 : i32
    %dma_start3A_15 = tpu.memref_slice %arg2[%mul3A_2, %dma_start3A_14] : memref<2048x768xf32, #tpu.memory_space<hbm>> -> memref<64x768xf32, #tpu.memory_space<hbm>>
    tpu.enqueue_dma source(%dma_start3A_15 : memref<64x768xf32, #tpu.memory_space<hbm>>) target(%arg5 : memref<64x768xf32, #tpu.memory_space<vmem>>) target_semaphore(%arg9 : memref<!tpu.dma_semaphore, #tpu.memory_space<semaphore_mem>>)
    %dma_wait3A = arith.constant 0 : i32
    %dma_wait3A_16 = tpu.memref_slice %arg3[%dma_wait3A, %mul3A_2] : memref<2x2048xi32, #tpu.memory_space<hbm>> -> memref<1x64xi32, #tpu.memory_space<hbm>>
    %dma_wait3A_17 = tpu.memref_squeeze %dma_wait3A_16 : memref<1x64xi32, #tpu.memory_space<hbm>> -> memref<64xi32, #tpu.memory_space<hbm>>
    %dma_wait3A_18 = tpu.memref_slice %arg3[%dma_wait3A, %mul3A_2] : memref<2x2048xi32, #tpu.memory_space<hbm>> -> memref<1x64xi32, #tpu.memory_space<hbm>>
    %dma_wait3A_19 = tpu.memref_squeeze %dma_wait3A_18 : memref<1x64xi32, #tpu.memory_space<hbm>> -> memref<64xi32, #tpu.memory_space<hbm>>
    tpu.wait_dma2 semaphore(%arg8 : memref<!tpu.dma_semaphore, #tpu.memory_space<semaphore_mem>>) src(%dma_wait3A_19 : memref<64xi32, #tpu.memory_space<hbm>>) dst(%arg6 : memref<64xi32, #tpu.memory_space<vmem>>)
    %dma_wait3A_20 = arith.constant 1 : i32
    %dma_wait3A_21 = tpu.memref_slice %arg3[%dma_wait3A_20, %mul3A_2] : memref<2x2048xi32, #tpu.memory_space<hbm>> -> memref<1x64xi32, #tpu.memory_space<hbm>>
    %dma_wait3A_22 = tpu.memref_squeeze %dma_wait3A_21 : memref<1x64xi32, #tpu.memory_space<hbm>> -> memref<64xi32, #tpu.memory_space<hbm>>
    %dma_wait3A_23 = tpu.memref_slice %arg3[%dma_wait3A_20, %mul3A_2] : memref<2x2048xi32, #tpu.memory_space<hbm>> -> memref<1x64xi32, #tpu.memory_space<hbm>>
    %dma_wait3A_24 = tpu.memref_squeeze %dma_wait3A_23 : memref<1x64xi32, #tpu.memory_space<hbm>> -> memref<64xi32, #tpu.memory_space<hbm>>
    tpu.wait_dma2 semaphore(%arg8 : memref<!tpu.dma_semaphore, #tpu.memory_space<semaphore_mem>>) src(%dma_wait3A_24 : memref<64xi32, #tpu.memory_space<hbm>>) dst(%arg7 : memref<64xi32, #tpu.memory_space<vmem>>)
    %dma_wait3A_25 = arith.constant 0 : i32
    %dma_wait3A_26 = tpu.memref_slice %arg2[%mul3A_2, %dma_wait3A_25] : memref<2048x768xf32, #tpu.memory_space<hbm>> -> memref<64x768xf32, #tpu.memory_space<hbm>>
    %dma_wait3A_27 = arith.constant 0 : i32
    %dma_wait3A_28 = tpu.memref_slice %arg2[%mul3A_2, %dma_wait3A_27] : memref<2048x768xf32, #tpu.memory_space<hbm>> -> memref<64x768xf32, #tpu.memory_space<hbm>>
    tpu.wait_dma2 semaphore(%arg9 : memref<!tpu.dma_semaphore, #tpu.memory_space<semaphore_mem>>) src(%dma_wait3A_28 : memref<64x768xf32, #tpu.memory_space<hbm>>) dst(%arg5 : memref<64x768xf32, #tpu.memory_space<vmem>>)
    %dma_start3A_29 = arith.constant 0 : i32
    %dma_start3A_30 = arith.constant 0 : i32
    %dma_start3A_31 = tpu.memref_slice %arg4[%dma_start3A_29, %dma_start3A_30] : memref<6144x768xf32, #tpu.memory_space<hbm>> -> memref<6144x768xf32, #tpu.memory_space<hbm>>
    tpu.enqueue_indirect_dma source(%arg5 : memref<64x768xf32, #tpu.memory_space<vmem>>) target(%dma_start3A_31 : memref<6144x768xf32, #tpu.memory_space<hbm>>) offsets(%arg6 : memref<64xi32, #tpu.memory_space<vmem>>) semaphore(%arg10 : memref<!tpu.dma_semaphore, #tpu.memory_space<semaphore_mem>>)
    %dma_start3A_32 = arith.constant 0 : i32
    %dma_start3A_33 = arith.constant 0 : i32
    %dma_start3A_34 = tpu.memref_slice %arg4[%dma_start3A_32, %dma_start3A_33] : memref<6144x768xf32, #tpu.memory_space<hbm>> -> memref<6144x768xf32, #tpu.memory_space<hbm>>
    tpu.enqueue_indirect_dma source(%arg5 : memref<64x768xf32, #tpu.memory_space<vmem>>) target(%dma_start3A_34 : memref<6144x768xf32, #tpu.memory_space<hbm>>) offsets(%arg7 : memref<64xi32, #tpu.memory_space<vmem>>) semaphore(%arg10 : memref<!tpu.dma_semaphore, #tpu.memory_space<semaphore_mem>>)
    %dma_wait3A_35 = arith.constant 0 : i32
    %dma_wait3A_36 = arith.constant 0 : i32
    %dma_wait3A_37 = tpu.memref_slice %arg4[%dma_wait3A_35, %dma_wait3A_36] : memref<6144x768xf32, #tpu.memory_space<hbm>> -> memref<6144x768xf32, #tpu.memory_space<hbm>>
    tpu.wait_indirect_dma semaphore(%arg10 : memref<!tpu.dma_semaphore, #tpu.memory_space<semaphore_mem>>) src(%arg5 : memref<64x768xf32, #tpu.memory_space<vmem>>) dst(%dma_wait3A_37 : memref<6144x768xf32, #tpu.memory_space<hbm>>)
    %dma_wait3A_38 = arith.constant 0 : i32
    %dma_wait3A_39 = arith.constant 0 : i32
    %dma_wait3A_40 = tpu.memref_slice %arg4[%dma_wait3A_38, %dma_wait3A_39] : memref<6144x768xf32, #tpu.memory_space<hbm>> -> memref<6144x768xf32, #tpu.memory_space<hbm>>
    tpu.wait_indirect_dma semaphore(%arg10 : memref<!tpu.dma_semaphore, #tpu.memory_space<semaphore_mem>>) src(%arg5 : memref<64x768xf32, #tpu.memory_space<vmem>>) dst(%dma_wait3A_40 : memref<6144x768xf32, #tpu.memory_space<hbm>>)
    return
  }
}

module attributes {stable_mosaic.version = 14 : i64} {
  func.func @_router_body(%arg0: memref<8x2048xf32, #tpu.memory_space<vmem>>, %arg1: memref<2x2048xi32, #tpu.memory_space<vmem>>, %arg2: memref<2x2048xf32, #tpu.memory_space<vmem>>, %arg3: memref<10x24xi32, #tpu.memory_space<vmem>>, %arg4: memref<1x1xf32, #tpu.memory_space<smem>>) attributes {dimension_semantics = [], scalar_prefetch = 0 : i64, scratch_operands = 0 : i64, tpu.core_type = #tpu.core_type<tc>} {
    %get3A = arith.constant 0 : index
    %get3A_0 = arith.constant 0 : index
    %get3A_1 = vector.load %arg0[%get3A, %get3A_0] : memref<8x2048xf32, #tpu.memory_space<vmem>>, vector<8x2048xf32>
    %iota3A = tpu.iota {dimensions = array<i32: 0>} : vector<8x2048xi32>
    %reduce_max3A = arith.constant dense<0xFF800000> : vector<2048xf32>
    %reduce_max3A_2 = vector.multi_reduction <maximumf>, %get3A_1, %reduce_max3A [0] : vector<8x2048xf32> to vector<2048xf32>
    %broadcast_in_dim3A = vector.shape_cast %reduce_max3A_2 : vector<2048xf32> to vector<1x2048xf32>
    %eq3A = vector.broadcast %broadcast_in_dim3A : vector<1x2048xf32> to vector<8x2048xf32>
    %eq3A_3 = arith.cmpf oeq, %get3A_1, %eq3A : vector<8x2048xf32>
    %jit3A = arith.constant 8 : i32
    %broadcast_in_dim3A_4 = vector.broadcast %jit3A : i32 to vector<8x2048xi32>
    %select_n3A = arith.select %eq3A_3, %iota3A, %broadcast_in_dim3A_4 : vector<8x2048xi1>, vector<8x2048xi32>
    %reduce_min3A = arith.constant dense<2147483647> : vector<2048xi32>
    %reduce_min3A_5 = vector.multi_reduction <minsi>, %select_n3A, %reduce_min3A [0] : vector<8x2048xi32> to vector<2048xi32>
    %broadcast_in_dim3A_6 = vector.shape_cast %reduce_min3A_5 : vector<2048xi32> to vector<1x2048xi32>
    %eq3A_7 = vector.broadcast %broadcast_in_dim3A_6 : vector<1x2048xi32> to vector<8x2048xi32>
    %eq3A_8 = arith.cmpi eq, %iota3A, %eq3A_7 : vector<8x2048xi32>
    %jit3A_9 = arith.constant 0xFF800000 : f32
    %broadcast_in_dim3A_10 = vector.broadcast %jit3A_9 : f32 to vector<8x2048xf32>
    %select_n3A_11 = arith.select %eq3A_8, %broadcast_in_dim3A_10, %get3A_1 : vector<8x2048xi1>, vector<8x2048xf32>
    %reduce_max3A_12 = arith.constant dense<0xFF800000> : vector<2048xf32>
    %reduce_max3A_13 = vector.multi_reduction <maximumf>, %select_n3A_11, %reduce_max3A_12 [0] : vector<8x2048xf32> to vector<2048xf32>
    %broadcast_in_dim3A_14 = vector.shape_cast %reduce_max3A_13 : vector<2048xf32> to vector<1x2048xf32>
    %eq3A_15 = vector.broadcast %broadcast_in_dim3A_14 : vector<1x2048xf32> to vector<8x2048xf32>
    %eq3A_16 = arith.cmpf oeq, %select_n3A_11, %eq3A_15 : vector<8x2048xf32>
    %jit3A_17 = arith.constant 8 : i32
    %broadcast_in_dim3A_18 = vector.broadcast %jit3A_17 : i32 to vector<8x2048xi32>
    %select_n3A_19 = arith.select %eq3A_16, %iota3A, %broadcast_in_dim3A_18 : vector<8x2048xi1>, vector<8x2048xi32>
    %reduce_min3A_20 = arith.constant dense<2147483647> : vector<2048xi32>
    %reduce_min3A_21 = vector.multi_reduction <minsi>, %select_n3A_19, %reduce_min3A_20 [0] : vector<8x2048xi32> to vector<2048xi32>
    %sub3A = arith.subf %broadcast_in_dim3A_14, %broadcast_in_dim3A : vector<1x2048xf32>
    %exp3A = math.exp %sub3A : vector<1x2048xf32>
    %add3A = arith.constant 1.000000e+00 : f32
    %add3A_22 = vector.broadcast %add3A : f32 to vector<1x2048xf32>
    %add3A_23 = arith.addf %add3A_22, %exp3A : vector<1x2048xf32>
    %div3A = arith.constant 1.000000e+00 : f32
    %div3A_24 = vector.broadcast %div3A : f32 to vector<1x2048xf32>
    %div3A_25 = arith.divf %div3A_24, %add3A_23 : vector<1x2048xf32>
    %add3A_26 = arith.constant 1.000000e+00 : f32
    %add3A_27 = vector.broadcast %add3A_26 : f32 to vector<1x2048xf32>
    %add3A_28 = arith.addf %add3A_27, %exp3A : vector<1x2048xf32>
    %div3A_29 = arith.divf %exp3A, %add3A_28 : vector<1x2048xf32>
    %sub3A_30 = vector.broadcast %broadcast_in_dim3A : vector<1x2048xf32> to vector<8x2048xf32>
    %sub3A_31 = arith.subf %get3A_1, %sub3A_30 : vector<8x2048xf32>
    %exp3A_32 = math.exp %sub3A_31 : vector<8x2048xf32>
    %reduce_sum3A = arith.constant dense<0.000000e+00> : vector<2048xf32>
    %reduce_sum3A_33 = vector.multi_reduction <add>, %exp3A_32, %reduce_sum3A [0] : vector<8x2048xf32> to vector<2048xf32>
    %broadcast_in_dim3A_34 = vector.shape_cast %reduce_sum3A_33 : vector<2048xf32> to vector<1x2048xf32>
    %div3A_35 = vector.broadcast %broadcast_in_dim3A_34 : vector<1x2048xf32> to vector<8x2048xf32>
    %div3A_36 = arith.divf %exp3A_32, %div3A_35 : vector<8x2048xf32>
    %reduce_sum3A_37 = arith.constant dense<0.000000e+00> : vector<8xf32>
    %reduce_sum3A_38 = vector.multi_reduction <add>, %div3A_36, %reduce_sum3A_37 [1] : vector<8x2048xf32> to vector<8xf32>
    %broadcast_in_dim3A_39 = vector.shape_cast %reduce_sum3A_38 : vector<8xf32> to vector<8x1xf32>
    %broadcast_in_dim3A_40 = vector.shape_cast %reduce_min3A_5 : vector<2048xi32> to vector<1x2048xi32>
    %eq3A_41 = vector.broadcast %broadcast_in_dim3A_40 : vector<1x2048xi32> to vector<8x2048xi32>
    %eq3A_42 = arith.cmpi eq, %iota3A, %eq3A_41 : vector<8x2048xi32>
    %convert_element_type3A = arith.extui %eq3A_42 : vector<8x2048xi1> to vector<8x2048xi32>
    %broadcast_in_dim3A_43 = vector.shape_cast %reduce_min3A_21 : vector<2048xi32> to vector<1x2048xi32>
    %eq3A_44 = vector.broadcast %broadcast_in_dim3A_43 : vector<1x2048xi32> to vector<8x2048xi32>
    %eq3A_45 = arith.cmpi eq, %iota3A, %eq3A_44 : vector<8x2048xi32>
    %convert_element_type3A_46 = arith.extui %eq3A_45 : vector<8x2048xi1> to vector<8x2048xi32>
    %iota3A_47 = tpu.iota {dimensions = array<i32: 0>} : vector<512x512xi32>
    %iota3A_48 = tpu.iota {dimensions = array<i32: 1>} : vector<512x512xi32>
    %le3A = arith.cmpi sle, %iota3A_47, %iota3A_48 : vector<512x512xi32>
    %convert_element_type3A_49 = arith.extui %le3A : vector<512x512xi1> to vector<512x512xi32>
    %convert_element_type3A_50 = arith.sitofp %convert_element_type3A_49 : vector<512x512xi32> to vector<512x512xf32>
    %broadcast_in_dim3A_51 = arith.constant 0.000000e+00 : f32
    %broadcast_in_dim3A_52 = vector.broadcast %broadcast_in_dim3A_51 : f32 to vector<8x1xf32>
    %slice3A = vector.extract_strided_slice %convert_element_type3A {offsets = [0, 0], sizes = [8, 512], strides = [1, 1]} : vector<8x2048xi32> to vector<8x512xi32>
    %convert_element_type3A_53 = arith.sitofp %slice3A : vector<8x512xi32> to vector<8x512xf32>
    %dot_general3A = arith.constant dense<0.000000e+00> : vector<8x512xf32>
    %dot_general3A_54 = tpu.matmul %convert_element_type3A_53, %convert_element_type3A_50, %dot_general3A {dimension_numbers = #tpu.dot_dimension_numbers<[1], [0], [0], [1], [0, 0, 1, 1], [], []>, transpose_lhs_hint = false} : vector<8x512xf32>, vector<512x512xf32>, vector<8x512xf32> -> vector<8x512xf32>
    %add3A_55 = vector.broadcast %broadcast_in_dim3A_52 : vector<8x1xf32> to vector<8x512xf32>
    %add3A_56 = arith.addf %dot_general3A_54, %add3A_55 : vector<8x512xf32>
    %slice3A_57 = vector.extract_strided_slice %dot_general3A_54 {offsets = [0, 511], sizes = [8, 1], strides = [1, 1]} : vector<8x512xf32> to vector<8x1xf32>
    %add3A_58 = arith.addf %broadcast_in_dim3A_52, %slice3A_57 : vector<8x1xf32>
    %slice3A_59 = vector.extract_strided_slice %convert_element_type3A {offsets = [0, 512], sizes = [8, 512], strides = [1, 1]} : vector<8x2048xi32> to vector<8x512xi32>
    %convert_element_type3A_60 = arith.sitofp %slice3A_59 : vector<8x512xi32> to vector<8x512xf32>
    %dot_general3A_61 = arith.constant dense<0.000000e+00> : vector<8x512xf32>
    %dot_general3A_62 = tpu.matmul %convert_element_type3A_60, %convert_element_type3A_50, %dot_general3A_61 {dimension_numbers = #tpu.dot_dimension_numbers<[1], [0], [0], [1], [0, 0, 1, 1], [], []>, transpose_lhs_hint = false} : vector<8x512xf32>, vector<512x512xf32>, vector<8x512xf32> -> vector<8x512xf32>
    %add3A_63 = vector.broadcast %add3A_58 : vector<8x1xf32> to vector<8x512xf32>
    %add3A_64 = arith.addf %dot_general3A_62, %add3A_63 : vector<8x512xf32>
    %slice3A_65 = vector.extract_strided_slice %dot_general3A_62 {offsets = [0, 511], sizes = [8, 1], strides = [1, 1]} : vector<8x512xf32> to vector<8x1xf32>
    %add3A_66 = arith.addf %add3A_58, %slice3A_65 : vector<8x1xf32>
    %slice3A_67 = vector.extract_strided_slice %convert_element_type3A {offsets = [0, 1024], sizes = [8, 512], strides = [1, 1]} : vector<8x2048xi32> to vector<8x512xi32>
    %convert_element_type3A_68 = arith.sitofp %slice3A_67 : vector<8x512xi32> to vector<8x512xf32>
    %dot_general3A_69 = arith.constant dense<0.000000e+00> : vector<8x512xf32>
    %dot_general3A_70 = tpu.matmul %convert_element_type3A_68, %convert_element_type3A_50, %dot_general3A_69 {dimension_numbers = #tpu.dot_dimension_numbers<[1], [0], [0], [1], [0, 0, 1, 1], [], []>, transpose_lhs_hint = false} : vector<8x512xf32>, vector<512x512xf32>, vector<8x512xf32> -> vector<8x512xf32>
    %add3A_71 = vector.broadcast %add3A_66 : vector<8x1xf32> to vector<8x512xf32>
    %add3A_72 = arith.addf %dot_general3A_70, %add3A_71 : vector<8x512xf32>
    %slice3A_73 = vector.extract_strided_slice %dot_general3A_70 {offsets = [0, 511], sizes = [8, 1], strides = [1, 1]} : vector<8x512xf32> to vector<8x1xf32>
    %add3A_74 = arith.addf %add3A_66, %slice3A_73 : vector<8x1xf32>
    %slice3A_75 = vector.extract_strided_slice %convert_element_type3A {offsets = [0, 1536], sizes = [8, 512], strides = [1, 1]} : vector<8x2048xi32> to vector<8x512xi32>
    %convert_element_type3A_76 = arith.sitofp %slice3A_75 : vector<8x512xi32> to vector<8x512xf32>
    %dot_general3A_77 = arith.constant dense<0.000000e+00> : vector<8x512xf32>
    %dot_general3A_78 = tpu.matmul %convert_element_type3A_76, %convert_element_type3A_50, %dot_general3A_77 {dimension_numbers = #tpu.dot_dimension_numbers<[1], [0], [0], [1], [0, 0, 1, 1], [], []>, transpose_lhs_hint = false} : vector<8x512xf32>, vector<512x512xf32>, vector<8x512xf32> -> vector<8x512xf32>
    %add3A_79 = vector.broadcast %add3A_74 : vector<8x1xf32> to vector<8x512xf32>
    %add3A_80 = arith.addf %dot_general3A_78, %add3A_79 : vector<8x512xf32>
    %concatenate3A = tpu.concatenate %add3A_56, %add3A_64, %add3A_72, %add3A_80 in 1 : vector<8x512xf32>, vector<8x512xf32>, vector<8x512xf32>, vector<8x512xf32> -> vector<8x2048xf32>
    %convert_element_type3A_81 = arith.fptosi %concatenate3A : vector<8x2048xf32> to vector<8x2048xi32>
    %broadcast_in_dim3A_82 = arith.constant 0.000000e+00 : f32
    %broadcast_in_dim3A_83 = vector.broadcast %broadcast_in_dim3A_82 : f32 to vector<8x1xf32>
    %slice3A_84 = vector.extract_strided_slice %convert_element_type3A_46 {offsets = [0, 0], sizes = [8, 512], strides = [1, 1]} : vector<8x2048xi32> to vector<8x512xi32>
    %convert_element_type3A_85 = arith.sitofp %slice3A_84 : vector<8x512xi32> to vector<8x512xf32>
    %dot_general3A_86 = arith.constant dense<0.000000e+00> : vector<8x512xf32>
    %dot_general3A_87 = tpu.matmul %convert_element_type3A_85, %convert_element_type3A_50, %dot_general3A_86 {dimension_numbers = #tpu.dot_dimension_numbers<[1], [0], [0], [1], [0, 0, 1, 1], [], []>, transpose_lhs_hint = false} : vector<8x512xf32>, vector<512x512xf32>, vector<8x512xf32> -> vector<8x512xf32>
    %add3A_88 = vector.broadcast %broadcast_in_dim3A_83 : vector<8x1xf32> to vector<8x512xf32>
    %add3A_89 = arith.addf %dot_general3A_87, %add3A_88 : vector<8x512xf32>
    %slice3A_90 = vector.extract_strided_slice %dot_general3A_87 {offsets = [0, 511], sizes = [8, 1], strides = [1, 1]} : vector<8x512xf32> to vector<8x1xf32>
    %add3A_91 = arith.addf %broadcast_in_dim3A_83, %slice3A_90 : vector<8x1xf32>
    %slice3A_92 = vector.extract_strided_slice %convert_element_type3A_46 {offsets = [0, 512], sizes = [8, 512], strides = [1, 1]} : vector<8x2048xi32> to vector<8x512xi32>
    %convert_element_type3A_93 = arith.sitofp %slice3A_92 : vector<8x512xi32> to vector<8x512xf32>
    %dot_general3A_94 = arith.constant dense<0.000000e+00> : vector<8x512xf32>
    %dot_general3A_95 = tpu.matmul %convert_element_type3A_93, %convert_element_type3A_50, %dot_general3A_94 {dimension_numbers = #tpu.dot_dimension_numbers<[1], [0], [0], [1], [0, 0, 1, 1], [], []>, transpose_lhs_hint = false} : vector<8x512xf32>, vector<512x512xf32>, vector<8x512xf32> -> vector<8x512xf32>
    %add3A_96 = vector.broadcast %add3A_91 : vector<8x1xf32> to vector<8x512xf32>
    %add3A_97 = arith.addf %dot_general3A_95, %add3A_96 : vector<8x512xf32>
    %slice3A_98 = vector.extract_strided_slice %dot_general3A_95 {offsets = [0, 511], sizes = [8, 1], strides = [1, 1]} : vector<8x512xf32> to vector<8x1xf32>
    %add3A_99 = arith.addf %add3A_91, %slice3A_98 : vector<8x1xf32>
    %slice3A_100 = vector.extract_strided_slice %convert_element_type3A_46 {offsets = [0, 1024], sizes = [8, 512], strides = [1, 1]} : vector<8x2048xi32> to vector<8x512xi32>
    %convert_element_type3A_101 = arith.sitofp %slice3A_100 : vector<8x512xi32> to vector<8x512xf32>
    %dot_general3A_102 = arith.constant dense<0.000000e+00> : vector<8x512xf32>
    %dot_general3A_103 = tpu.matmul %convert_element_type3A_101, %convert_element_type3A_50, %dot_general3A_102 {dimension_numbers = #tpu.dot_dimension_numbers<[1], [0], [0], [1], [0, 0, 1, 1], [], []>, transpose_lhs_hint = false} : vector<8x512xf32>, vector<512x512xf32>, vector<8x512xf32> -> vector<8x512xf32>
    %add3A_104 = vector.broadcast %add3A_99 : vector<8x1xf32> to vector<8x512xf32>
    %add3A_105 = arith.addf %dot_general3A_103, %add3A_104 : vector<8x512xf32>
    %slice3A_106 = vector.extract_strided_slice %dot_general3A_103 {offsets = [0, 511], sizes = [8, 1], strides = [1, 1]} : vector<8x512xf32> to vector<8x1xf32>
    %add3A_107 = arith.addf %add3A_99, %slice3A_106 : vector<8x1xf32>
    %slice3A_108 = vector.extract_strided_slice %convert_element_type3A_46 {offsets = [0, 1536], sizes = [8, 512], strides = [1, 1]} : vector<8x2048xi32> to vector<8x512xi32>
    %convert_element_type3A_109 = arith.sitofp %slice3A_108 : vector<8x512xi32> to vector<8x512xf32>
    %dot_general3A_110 = arith.constant dense<0.000000e+00> : vector<8x512xf32>
    %dot_general3A_111 = tpu.matmul %convert_element_type3A_109, %convert_element_type3A_50, %dot_general3A_110 {dimension_numbers = #tpu.dot_dimension_numbers<[1], [0], [0], [1], [0, 0, 1, 1], [], []>, transpose_lhs_hint = false} : vector<8x512xf32>, vector<512x512xf32>, vector<8x512xf32> -> vector<8x512xf32>
    %add3A_112 = vector.broadcast %add3A_107 : vector<8x1xf32> to vector<8x512xf32>
    %add3A_113 = arith.addf %dot_general3A_111, %add3A_112 : vector<8x512xf32>
    %concatenate3A_114 = tpu.concatenate %add3A_89, %add3A_97, %add3A_105, %add3A_113 in 1 : vector<8x512xf32>, vector<8x512xf32>, vector<8x512xf32>, vector<8x512xf32> -> vector<8x2048xf32>
    %convert_element_type3A_115 = arith.fptosi %concatenate3A_114 : vector<8x2048xf32> to vector<8x2048xi32>
    %slice3A_116 = vector.extract_strided_slice %convert_element_type3A_81 {offsets = [0, 2047], sizes = [8, 1], strides = [1, 1]} : vector<8x2048xi32> to vector<8x1xi32>
    %slice3A_117 = vector.extract_strided_slice %convert_element_type3A_115 {offsets = [0, 2047], sizes = [8, 1], strides = [1, 1]} : vector<8x2048xi32> to vector<8x1xi32>
    %add3A_118 = arith.addi %slice3A_116, %slice3A_117 : vector<8x1xi32>
    %convert_element_type3A_119 = arith.sitofp %add3A_118 : vector<8x1xi32> to vector<8x1xf32>
    %mul3A = arith.mulf %convert_element_type3A_119, %broadcast_in_dim3A_39 : vector<8x1xf32>
    %reduce_sum3A_120 = vector.shape_cast %mul3A : vector<8x1xf32> to vector<1x8x1xf32>
    %reduce_sum3A_121 = arith.constant dense<0.000000e+00> : vector<1xf32>
    %reduce_sum3A_122 = vector.multi_reduction <add>, %reduce_sum3A_120, %reduce_sum3A_121 [1, 2] : vector<1x8x1xf32> to vector<1xf32>
    %reduce_sum3A_123 = vector.shape_cast %reduce_sum3A_122 : vector<1xf32> to vector<1x1x1xf32>
    %reduce_sum3A_124 = vector.extract %reduce_sum3A_123[0, 0, 0] : f32 from vector<1x1x1xf32>
    %mul3A_125 = arith.constant 8.000000e+00 : f32
    %mul3A_126 = arith.mulf %mul3A_125, %reduce_sum3A_124 : f32
    %div3A_127 = arith.constant 0x4A800000 : f32
    %div3A_128 = arith.divf %mul3A_126, %div3A_127 : f32
    %swap3A = arith.constant 0 : index
    %swap3A_129 = arith.constant 0 : index
    %swap3A_130 = memref.load %arg4[%swap3A, %swap3A_129] : memref<1x1xf32, #tpu.memory_space<smem>>
    memref.store %div3A_128, %arg4[%swap3A, %swap3A_129] : memref<1x1xf32, #tpu.memory_space<smem>>
    %add3A_131 = arith.constant 256 : i32
    %add3A_132 = vector.broadcast %add3A_131 : i32 to vector<8x1xi32>
    %add3A_133 = arith.addi %add3A_118, %add3A_132 : vector<8x1xi32>
    %sub3A_134 = arith.constant 1 : i32
    %sub3A_135 = vector.broadcast %sub3A_134 : i32 to vector<8x1xi32>
    %sub3A_136 = arith.subi %add3A_133, %sub3A_135 : vector<8x1xi32>
    %jit3A_137 = arith.constant 256 : i32
    %div3A_138 = vector.broadcast %jit3A_137 : i32 to vector<8x1xi32>
    %div3A_139 = arith.divsi %sub3A_136, %div3A_138 : vector<8x1xi32>
    %sign3A = arith.constant 0 : i32
    %sign3A_140 = vector.broadcast %sign3A : i32 to vector<8x1xi32>
    %sign3A_141 = arith.cmpi sgt, %sub3A_136, %sign3A_140 : vector<8x1xi32>
    %sign3A_142 = arith.extui %sign3A_141 : vector<8x1xi1> to vector<8x1xi32>
    %sign3A_143 = arith.constant 0 : i32
    %sign3A_144 = vector.broadcast %sign3A_143 : i32 to vector<8x1xi32>
    %sign3A_145 = arith.cmpi slt, %sub3A_136, %sign3A_144 : vector<8x1xi32>
    %sign3A_146 = arith.extui %sign3A_145 : vector<8x1xi1> to vector<8x1xi32>
    %sign3A_147 = arith.subi %sign3A_142, %sign3A_146 : vector<8x1xi32>
    %sign3A_148 = arith.constant 0 : i32
    %sign3A_149 = arith.cmpi sgt, %jit3A_137, %sign3A_148 : i32
    %sign3A_150 = arith.extui %sign3A_149 : i1 to i32
    %sign3A_151 = arith.constant 0 : i32
    %sign3A_152 = arith.cmpi slt, %jit3A_137, %sign3A_151 : i32
    %sign3A_153 = arith.extui %sign3A_152 : i1 to i32
    %sign3A_154 = arith.subi %sign3A_150, %sign3A_153 : i32
    %ne3A = vector.broadcast %sign3A_154 : i32 to vector<8x1xi32>
    %ne3A_155 = arith.cmpi ne, %sign3A_147, %ne3A : vector<8x1xi32>
    %rem3A = vector.broadcast %jit3A_137 : i32 to vector<8x1xi32>
    %rem3A_156 = arith.remsi %sub3A_136, %rem3A : vector<8x1xi32>
    %ne3A_157 = arith.constant 0 : i32
    %ne3A_158 = vector.broadcast %ne3A_157 : i32 to vector<8x1xi32>
    %ne3A_159 = arith.cmpi ne, %rem3A_156, %ne3A_158 : vector<8x1xi32>
    %and3A = arith.andi %ne3A_155, %ne3A_159 : vector<8x1xi1>
    %sub3A_160 = arith.constant 1 : i32
    %sub3A_161 = vector.broadcast %sub3A_160 : i32 to vector<8x1xi32>
    %sub3A_162 = arith.subi %div3A_139, %sub3A_161 : vector<8x1xi32>
    %select_n3A_163 = arith.select %and3A, %sub3A_162, %div3A_139 : vector<8x1xi1>, vector<8x1xi32>
    %mul3A_164 = arith.constant 256 : i32
    %mul3A_165 = vector.broadcast %mul3A_164 : i32 to vector<8x1xi32>
    %mul3A_166 = arith.muli %select_n3A_163, %mul3A_165 : vector<8x1xi32>
    %iota3A_167 = tpu.iota {dimensions = array<i32: 0>} : vector<8x8xi32>
    %iota3A_168 = tpu.iota {dimensions = array<i32: 1>} : vector<8x8xi32>
    %ge3A = arith.cmpi sge, %iota3A_167, %iota3A_168 : vector<8x8xi32>
    %convert_element_type3A_169 = arith.extui %ge3A : vector<8x8xi1> to vector<8x8xi32>
    %convert_element_type3A_170 = arith.sitofp %convert_element_type3A_169 : vector<8x8xi32> to vector<8x8xf32>
    %convert_element_type3A_171 = arith.sitofp %mul3A_166 : vector<8x1xi32> to vector<8x1xf32>
    %dot_general3A_172 = arith.constant dense<0.000000e+00> : vector<8x1xf32>
    %dot_general3A_173 = tpu.matmul %convert_element_type3A_170, %convert_element_type3A_171, %dot_general3A_172 {dimension_numbers = #tpu.dot_dimension_numbers<[1], [0], [0], [1], [0, 0, 1, 1], [], []>, transpose_lhs_hint = false} : vector<8x8xf32>, vector<8x1xf32>, vector<8x1xf32> -> vector<8x1xf32>
    %convert_element_type3A_174 = arith.fptosi %dot_general3A_173 : vector<8x1xf32> to vector<8x1xi32>
    %sub3A_175 = arith.subi %convert_element_type3A_174, %mul3A_166 : vector<8x1xi32>
    %sub3A_176 = arith.subi %convert_element_type3A_81, %convert_element_type3A : vector<8x2048xi32>
    %sub3A_177 = arith.subi %convert_element_type3A_115, %convert_element_type3A_46 : vector<8x2048xi32>
    %add3A_178 = vector.broadcast %slice3A_116 : vector<8x1xi32> to vector<8x2048xi32>
    %add3A_179 = arith.addi %add3A_178, %sub3A_177 : vector<8x2048xi32>
    %add3A_180 = vector.broadcast %sub3A_175 : vector<8x1xi32> to vector<8x2048xi32>
    %add3A_181 = arith.addi %add3A_180, %sub3A_176 : vector<8x2048xi32>
    %mul3A_182 = arith.muli %convert_element_type3A, %add3A_181 : vector<8x2048xi32>
    %reduce_sum3A_183 = arith.constant dense<0> : vector<2048xi32>
    %reduce_sum3A_184 = vector.multi_reduction <add>, %mul3A_182, %reduce_sum3A_183 [0] : vector<8x2048xi32> to vector<2048xi32>
    %add3A_185 = vector.broadcast %sub3A_175 : vector<8x1xi32> to vector<8x2048xi32>
    %add3A_186 = arith.addi %add3A_185, %add3A_179 : vector<8x2048xi32>
    %mul3A_187 = arith.muli %convert_element_type3A_46, %add3A_186 : vector<8x2048xi32>
    %reduce_sum3A_188 = arith.constant dense<0> : vector<2048xi32>
    %reduce_sum3A_189 = vector.multi_reduction <add>, %mul3A_187, %reduce_sum3A_188 [0] : vector<8x2048xi32> to vector<2048xi32>
    %broadcast_in_dim3A_190 = vector.shape_cast %reduce_sum3A_184 : vector<2048xi32> to vector<1x2048xi32>
    %broadcast_in_dim3A_191 = vector.shape_cast %reduce_sum3A_189 : vector<2048xi32> to vector<1x2048xi32>
    %concatenate3A_192 = tpu.concatenate %broadcast_in_dim3A_190, %broadcast_in_dim3A_191 in 0 : vector<1x2048xi32>, vector<1x2048xi32> -> vector<2x2048xi32>
    %swap3A_193 = arith.constant 0 : index
    %swap3A_194 = arith.constant 0 : index
    %swap3A_195 = vector.load %arg1[%swap3A_193, %swap3A_194] : memref<2x2048xi32, #tpu.memory_space<vmem>>, vector<2x2048xi32>
    tpu.vector_store %arg1[%swap3A_193, %swap3A_194], %concatenate3A_192 {strides = array<i32>} : memref<2x2048xi32, #tpu.memory_space<vmem>>, vector<2x2048xi32>,
    %concatenate3A_196 = tpu.concatenate %div3A_25, %div3A_29 in 0 : vector<1x2048xf32>, vector<1x2048xf32> -> vector<2x2048xf32>
    %swap3A_197 = arith.constant 0 : index
    %swap3A_198 = arith.constant 0 : index
    %swap3A_199 = vector.load %arg2[%swap3A_197, %swap3A_198] : memref<2x2048xf32, #tpu.memory_space<vmem>>, vector<2x2048xf32>
    tpu.vector_store %arg2[%swap3A_197, %swap3A_198], %concatenate3A_196 {strides = array<i32>} : memref<2x2048xf32, #tpu.memory_space<vmem>>, vector<2x2048xf32>,
    %iota3A_200 = tpu.iota {dimensions = array<i32: 1>} : vector<8x24xi32>
    %mul3A_201 = arith.constant 256 : i32
    %mul3A_202 = vector.broadcast %mul3A_201 : i32 to vector<8x24xi32>
    %mul3A_203 = arith.muli %iota3A_200, %mul3A_202 : vector<8x24xi32>
    %broadcast_in_dim3A_204 = vector.shape_cast %convert_element_type3A_174 : vector<8x1xi32> to vector<8x1xi32>
    %broadcast_in_dim3A_205 = vector.broadcast %broadcast_in_dim3A_204 : vector<8x1xi32> to vector<8x24xi32>
    %broadcast_in_dim3A_206 = vector.shape_cast %sub3A_175 : vector<8x1xi32> to vector<8x1xi32>
    %broadcast_in_dim3A_207 = vector.broadcast %broadcast_in_dim3A_206 : vector<8x1xi32> to vector<8x24xi32>
    %broadcast_in_dim3A_208 = vector.shape_cast %add3A_118 : vector<8x1xi32> to vector<8x1xi32>
    %broadcast_in_dim3A_209 = vector.broadcast %broadcast_in_dim3A_208 : vector<8x1xi32> to vector<8x24xi32>
    %ge3A_210 = arith.cmpi sge, %mul3A_203, %broadcast_in_dim3A_207 : vector<8x24xi32>
    %add3A_211 = arith.addi %broadcast_in_dim3A_207, %broadcast_in_dim3A_209 : vector<8x24xi32>
    %lt3A = arith.cmpi slt, %mul3A_203, %add3A_211 : vector<8x24xi32>
    %and3A_212 = arith.andi %ge3A_210, %lt3A : vector<8x24xi1>
    %convert_element_type3A_213 = arith.extui %and3A_212 : vector<8x24xi1> to vector<8x24xi32>
    %reduce_max3A_214 = arith.constant dense<-2147483648> : vector<24xi32>
    %reduce_max3A_215 = vector.multi_reduction <maxsi>, %convert_element_type3A_213, %reduce_max3A_214 [0] : vector<8x24xi32> to vector<24xi32>
    %ge3A_216 = arith.cmpi sge, %mul3A_203, %broadcast_in_dim3A_205 : vector<8x24xi32>
    %convert_element_type3A_217 = arith.extui %ge3A_216 : vector<8x24xi1> to vector<8x24xi32>
    %reduce_sum3A_218 = arith.constant dense<0> : vector<24xi32>
    %reduce_sum3A_219 = vector.multi_reduction <add>, %convert_element_type3A_217, %reduce_sum3A_218 [0] : vector<8x24xi32> to vector<24xi32>
    %jit3A_220 = arith.constant 0 : i32
    %jit3A_221 = arith.constant 7 : i32
    %max3A = vector.broadcast %jit3A_220 : i32 to vector<24xi32>
    %max3A_222 = arith.maxsi %max3A, %reduce_sum3A_219 : vector<24xi32>
    %min3A = vector.broadcast %jit3A_221 : i32 to vector<24xi32>
    %min3A_223 = arith.minsi %min3A, %max3A_222 : vector<24xi32>
    %iota3A_224 = tpu.iota {dimensions = array<i32: 1>} : vector<1x24xi32>
    %iota3A_225 = vector.shape_cast %iota3A_224 : vector<1x24xi32> to vector<24xi32>
    %mul3A_226 = arith.muli %iota3A_225, %reduce_max3A_215 : vector<24xi32>
    %eq3A_227 = arith.constant 1 : i32
    %eq3A_228 = vector.broadcast %eq3A_227 : i32 to vector<24xi32>
    %eq3A_229 = arith.cmpi eq, %reduce_max3A_215, %eq3A_228 : vector<24xi32>
    %jit3A_230 = arith.constant 24 : i32
    %broadcast_in_dim3A_231 = vector.broadcast %jit3A_230 : i32 to vector<24xi32>
    %select_n3A_232 = arith.select %eq3A_229, %iota3A_225, %broadcast_in_dim3A_231 : vector<24xi1>, vector<24xi32>
    %gt3A = arith.constant 0 : i32
    %gt3A_233 = vector.broadcast %gt3A : i32 to vector<8x1xi32>
    %gt3A_234 = arith.cmpi sgt, %add3A_118, %gt3A_233 : vector<8x1xi32>
    %convert_element_type3A_235 = arith.extui %gt3A_234 : vector<8x1xi1> to vector<8x1xi32>
    %convert_element_type3A_236 = arith.sitofp %convert_element_type3A_235 : vector<8x1xi32> to vector<8x1xf32>
    %iota3A_237 = tpu.iota {dimensions = array<i32: 0>} : vector<8x8xi32>
    %iota3A_238 = tpu.iota {dimensions = array<i32: 1>} : vector<8x8xi32>
    %gt3A_239 = arith.cmpi sgt, %iota3A_237, %iota3A_238 : vector<8x8xi32>
    %convert_element_type3A_240 = arith.extui %gt3A_239 : vector<8x8xi1> to vector<8x8xi32>
    %convert_element_type3A_241 = arith.sitofp %convert_element_type3A_240 : vector<8x8xi32> to vector<8x8xf32>
    %dot_general3A_242 = arith.constant dense<0.000000e+00> : vector<8x1xf32>
    %dot_general3A_243 = tpu.matmul %convert_element_type3A_241, %convert_element_type3A_236, %dot_general3A_242 {dimension_numbers = #tpu.dot_dimension_numbers<[1], [0], [0], [1], [0, 0, 1, 1], [], []>, transpose_lhs_hint = false} : vector<8x8xf32>, vector<8x1xf32>, vector<8x1xf32> -> vector<8x1xf32>
    %convert_element_type3A_244 = arith.fptosi %dot_general3A_243 : vector<8x1xf32> to vector<8x1xi32>
    %iota3A_245 = tpu.iota {dimensions = array<i32: 0>} : vector<8x8xi32>
    %iota3A_246 = tpu.iota {dimensions = array<i32: 1>} : vector<8x8xi32>
    %gt3A_247 = arith.constant 0 : i32
    %gt3A_248 = vector.broadcast %gt3A_247 : i32 to vector<8x1xi32>
    %gt3A_249 = arith.cmpi sgt, %add3A_118, %gt3A_248 : vector<8x1xi32>
    %reshape3A = vector.shape_cast %gt3A_249 : vector<8x1xi1> to vector<1x8xi1>
    %broadcast_in_dim3A_250 = vector.shape_cast %reshape3A : vector<1x8xi1> to vector<1x8xi1>
    %broadcast_in_dim3A_251 = vector.broadcast %broadcast_in_dim3A_250 : vector<1x8xi1> to vector<8x8xi1>
    %gt3A_252 = arith.cmpi sgt, %iota3A_246, %iota3A_245 : vector<8x8xi32>
    %and3A_253 = arith.andi %gt3A_252, %broadcast_in_dim3A_251 : vector<8x8xi1>
    %jit3A_254 = arith.constant 8 : i32
    %broadcast_in_dim3A_255 = vector.broadcast %jit3A_254 : i32 to vector<8x8xi32>
    %select_n3A_256 = arith.select %and3A_253, %iota3A_246, %broadcast_in_dim3A_255 : vector<8x8xi1>, vector<8x8xi32>
    %reduce_min3A_257 = arith.constant dense<2147483647> : vector<8xi32>
    %reduce_min3A_258 = vector.multi_reduction <minsi>, %select_n3A_256, %reduce_min3A_257 [1] : vector<8x8xi32> to vector<8xi32>
    %broadcast_in_dim3A_259 = vector.shape_cast %reduce_min3A_258 : vector<8xi32> to vector<8x1xi32>
    %broadcast_in_dim3A_260 = vector.shape_cast %broadcast_in_dim3A_259 : vector<8x1xi32> to vector<8x1xi32>
    %broadcast_in_dim3A_261 = vector.broadcast %broadcast_in_dim3A_260 : vector<8x1xi32> to vector<8x8xi32>
    %eq3A_262 = arith.cmpi eq, %select_n3A_256, %broadcast_in_dim3A_261 : vector<8x8xi32>
    %jit3A_263 = arith.constant 8 : i32
    %broadcast_in_dim3A_264 = vector.broadcast %jit3A_263 : i32 to vector<8x8xi32>
    %select_n3A_265 = arith.select %eq3A_262, %broadcast_in_dim3A_264, %select_n3A_256 : vector<8x8xi1>, vector<8x8xi32>
    %reduce_min3A_266 = arith.constant dense<2147483647> : vector<8xi32>
    %reduce_min3A_267 = vector.multi_reduction <minsi>, %select_n3A_265, %reduce_min3A_266 [1] : vector<8x8xi32> to vector<8xi32>
    %broadcast_in_dim3A_268 = vector.shape_cast %reduce_min3A_267 : vector<8xi32> to vector<8x1xi32>
    %eq3A_269 = arith.cmpi eq, %mul3A_203, %broadcast_in_dim3A_207 : vector<8x24xi32>
    %convert_element_type3A_270 = arith.extui %eq3A_269 : vector<8x24xi1> to vector<8x24xi32>
    %mul3A_271 = arith.muli %convert_element_type3A_213, %convert_element_type3A_270 : vector<8x24xi32>
    %reduce_max3A_272 = arith.constant dense<-2147483648> : vector<24xi32>
    %reduce_max3A_273 = vector.multi_reduction <maxsi>, %mul3A_271, %reduce_max3A_272 [0] : vector<8x24xi32> to vector<24xi32>
    %jit3A_274 = arith.constant 2 : i32
    %eq3A_275 = arith.constant 0 : i32
    %eq3A_276 = arith.cmpi eq, %jit3A_274, %eq3A_275 : i32
    %jit3A_277 = arith.constant 1 : i32
    %select_n3A_278 = arith.select %eq3A_276, %jit3A_277, %jit3A_274 : i32
    %rem3A_279 = vector.broadcast %select_n3A_278 : i32 to vector<8x1xi32>
    %rem3A_280 = arith.remsi %convert_element_type3A_244, %rem3A_279 : vector<8x1xi32>
    %ne3A_281 = arith.constant 0 : i32
    %ne3A_282 = vector.broadcast %ne3A_281 : i32 to vector<8x1xi32>
    %ne3A_283 = arith.cmpi ne, %rem3A_280, %ne3A_282 : vector<8x1xi32>
    %lt3A_284 = arith.constant 0 : i32
    %lt3A_285 = vector.broadcast %lt3A_284 : i32 to vector<8x1xi32>
    %lt3A_286 = arith.cmpi slt, %rem3A_280, %lt3A_285 : vector<8x1xi32>
    %lt3A_287 = arith.constant 0 : i32
    %lt3A_288 = arith.cmpi slt, %select_n3A_278, %lt3A_287 : i32
    %ne3A_289 = vector.broadcast %lt3A_288 : i1 to vector<8x1xi1>
    %ne3A_290 = vector.broadcast %ne3A_289 : vector<8x1xi1> to vector<8x1xi1>
    %ne3A_291 = arith.xori %lt3A_286, %ne3A_290 : vector<8x1xi1>
    %and3A_292 = arith.andi %ne3A_291, %ne3A_283 : vector<8x1xi1>
    %add3A_293 = vector.broadcast %select_n3A_278 : i32 to vector<8x1xi32>
    %add3A_294 = arith.addi %rem3A_280, %add3A_293 : vector<8x1xi32>
    %select_n3A_295 = arith.select %and3A_292, %add3A_294, %rem3A_280 : vector<8x1xi1>, vector<8x1xi32>
    %mul3A_296 = vector.broadcast %select_n3A_295 : vector<8x1xi32> to vector<8x24xi32>
    %mul3A_297 = arith.muli %convert_element_type3A_213, %mul3A_296 : vector<8x24xi32>
    %reduce_sum3A_298 = arith.constant dense<0> : vector<24xi32>
    %reduce_sum3A_299 = vector.multi_reduction <add>, %mul3A_297, %reduce_sum3A_298 [0] : vector<8x24xi32> to vector<24xi32>
    %min3A_300 = arith.constant 7 : i32
    %min3A_301 = vector.broadcast %min3A_300 : i32 to vector<8x1xi32>
    %min3A_302 = arith.minsi %broadcast_in_dim3A_259, %min3A_301 : vector<8x1xi32>
    %mul3A_303 = vector.broadcast %min3A_302 : vector<8x1xi32> to vector<8x24xi32>
    %mul3A_304 = arith.muli %convert_element_type3A_213, %mul3A_303 : vector<8x24xi32>
    %reduce_sum3A_305 = arith.constant dense<0> : vector<24xi32>
    %reduce_sum3A_306 = vector.multi_reduction <add>, %mul3A_304, %reduce_sum3A_305 [0] : vector<8x24xi32> to vector<24xi32>
    %lt3A_307 = arith.constant 8 : i32
    %lt3A_308 = vector.broadcast %lt3A_307 : i32 to vector<8x1xi32>
    %lt3A_309 = arith.cmpi slt, %broadcast_in_dim3A_259, %lt3A_308 : vector<8x1xi32>
    %convert_element_type3A_310 = arith.extui %lt3A_309 : vector<8x1xi1> to vector<8x1xi32>
    %mul3A_311 = vector.broadcast %convert_element_type3A_310 : vector<8x1xi32> to vector<8x24xi32>
    %mul3A_312 = arith.muli %convert_element_type3A_213, %mul3A_311 : vector<8x24xi32>
    %reduce_sum3A_313 = arith.constant dense<0> : vector<24xi32>
    %reduce_sum3A_314 = vector.multi_reduction <add>, %mul3A_312, %reduce_sum3A_313 [0] : vector<8x24xi32> to vector<24xi32>
    %min3A_315 = arith.constant 7 : i32
    %min3A_316 = vector.broadcast %min3A_315 : i32 to vector<8x1xi32>
    %min3A_317 = arith.minsi %broadcast_in_dim3A_268, %min3A_316 : vector<8x1xi32>
    %mul3A_318 = vector.broadcast %min3A_317 : vector<8x1xi32> to vector<8x24xi32>
    %mul3A_319 = arith.muli %convert_element_type3A_213, %mul3A_318 : vector<8x24xi32>
    %reduce_sum3A_320 = arith.constant dense<0> : vector<24xi32>
    %reduce_sum3A_321 = vector.multi_reduction <add>, %mul3A_319, %reduce_sum3A_320 [0] : vector<8x24xi32> to vector<24xi32>
    %lt3A_322 = arith.constant 8 : i32
    %lt3A_323 = vector.broadcast %lt3A_322 : i32 to vector<8x1xi32>
    %lt3A_324 = arith.cmpi slt, %broadcast_in_dim3A_268, %lt3A_323 : vector<8x1xi32>
    %convert_element_type3A_325 = arith.extui %lt3A_324 : vector<8x1xi1> to vector<8x1xi32>
    %mul3A_326 = vector.broadcast %convert_element_type3A_325 : vector<8x1xi32> to vector<8x24xi32>
    %mul3A_327 = arith.muli %convert_element_type3A_213, %mul3A_326 : vector<8x24xi32>
    %reduce_sum3A_328 = arith.constant dense<0> : vector<24xi32>
    %reduce_sum3A_329 = vector.multi_reduction <add>, %mul3A_327, %reduce_sum3A_328 [0] : vector<8x24xi32> to vector<24xi32>
    %broadcast_in_dim3A_330 = vector.shape_cast %min3A_223 : vector<24xi32> to vector<1x24xi32>
    %broadcast_in_dim3A_331 = vector.shape_cast %reduce_max3A_215 : vector<24xi32> to vector<1x24xi32>
    %broadcast_in_dim3A_332 = vector.shape_cast %mul3A_226 : vector<24xi32> to vector<1x24xi32>
    %broadcast_in_dim3A_333 = vector.shape_cast %select_n3A_232 : vector<24xi32> to vector<1x24xi32>
    %broadcast_in_dim3A_334 = vector.shape_cast %reduce_max3A_273 : vector<24xi32> to vector<1x24xi32>
    %broadcast_in_dim3A_335 = vector.shape_cast %reduce_sum3A_299 : vector<24xi32> to vector<1x24xi32>
    %broadcast_in_dim3A_336 = vector.shape_cast %reduce_sum3A_306 : vector<24xi32> to vector<1x24xi32>
    %broadcast_in_dim3A_337 = vector.shape_cast %reduce_sum3A_314 : vector<24xi32> to vector<1x24xi32>
    %broadcast_in_dim3A_338 = vector.shape_cast %reduce_sum3A_321 : vector<24xi32> to vector<1x24xi32>
    %broadcast_in_dim3A_339 = vector.shape_cast %reduce_sum3A_329 : vector<24xi32> to vector<1x24xi32>
    %concatenate3A_340 = tpu.concatenate %broadcast_in_dim3A_330, %broadcast_in_dim3A_331, %broadcast_in_dim3A_332, %broadcast_in_dim3A_333, %broadcast_in_dim3A_334, %broadcast_in_dim3A_335, %broadcast_in_dim3A_336, %broadcast_in_dim3A_337, %broadcast_in_dim3A_338, %broadcast_in_dim3A_339 in 0 : vector<1x24xi32>, vector<1x24xi32>, vector<1x24xi32>, vector<1x24xi32>, vector<1x24xi32>, vector<1x24xi32>, vector<1x24xi32>, vector<1x24xi32>, vector<1x24xi32>, vector<1x24xi32> -> vector<10x24xi32>
    %swap3A_341 = arith.constant 0 : index
    %swap3A_342 = arith.constant 0 : index
    %swap3A_343 = vector.load %arg3[%swap3A_341, %swap3A_342] : memref<10x24xi32, #tpu.memory_space<vmem>>, vector<10x24xi32>
    tpu.vector_store %arg3[%swap3A_341, %swap3A_342], %concatenate3A_340 {strides = array<i32>} : memref<10x24xi32, #tpu.memory_space<vmem>>, vector<10x24xi32>,
    return
  }
}

module attributes {stable_mosaic.version = 14 : i64} {
  func.func @_ffn_body(%arg0: i32, %arg1: memref<10x24xi32, #tpu.memory_space<smem>>, %arg2: memref<256x768xf32, #tpu.memory_space<vmem>>, %arg3: memref<8x768x3072xf32, #tpu.memory_space<any>>, %arg4: memref<1x1x3072xf32, #tpu.memory_space<vmem>>, %arg5: memref<8x1536x768xf32, #tpu.memory_space<any>>, %arg6: memref<1x1x768xf32, #tpu.memory_space<vmem>>, %arg7: memref<256x768xf32, #tpu.memory_space<vmem>>, %arg8: memref<2x768x3072xf32, #tpu.memory_space<vmem>>, %arg9: memref<2x1536x768xf32, #tpu.memory_space<vmem>>, %arg10: memref<2x!tpu.dma_semaphore, #tpu.memory_space<semaphore_mem>>, %arg11: memref<2x!tpu.dma_semaphore, #tpu.memory_space<semaphore_mem>>) attributes {dimension_semantics = [#tpu.dimension_semantics<arbitrary>], iteration_bounds = array<i64: 24>, scalar_prefetch = 1 : i64, scratch_operands = 4 : i64, tpu.core_type = #tpu.core_type<tc>, window_params = [{transform_indices = @transform_0, window_bounds = array<i64: 256, 768>}, {}, {transform_indices = @transform_2, window_bounds = array<i64: 1, 1, 3072>}, {}, {transform_indices = @transform_4, window_bounds = array<i64: 1, 1, 768>}, {transform_indices = @transform_5, window_bounds = array<i64: 256, 768>}]} {
    %get3A = arith.constant 1 : index
    %get3A_0 = arith.index_cast %arg0 : i32 to index
    %get3A_1 = memref.load %arg1[%get3A, %get3A_0] : memref<10x24xi32, #tpu.memory_space<smem>>
    %eq3A = arith.constant 1 : i32
    %eq3A_2 = arith.cmpi eq, %get3A_1, %eq3A : i32
    %get3A_3 = arith.constant 4 : index
    %get3A_4 = arith.index_cast %arg0 : i32 to index
    %get3A_5 = memref.load %arg1[%get3A_3, %get3A_4] : memref<10x24xi32, #tpu.memory_space<smem>>
    %eq3A_6 = arith.constant 1 : i32
    %eq3A_7 = arith.cmpi eq, %get3A_5, %eq3A_6 : i32
    %get3A_8 = arith.constant 5 : index
    %get3A_9 = arith.index_cast %arg0 : i32 to index
    %get3A_10 = memref.load %arg1[%get3A_8, %get3A_9] : memref<10x24xi32, #tpu.memory_space<smem>>
    %get3A_11 = arith.constant 0 : index
    %get3A_12 = arith.index_cast %arg0 : i32 to index
    %get3A_13 = memref.load %arg1[%get3A_11, %get3A_12] : memref<10x24xi32, #tpu.memory_space<smem>>
    %get3A_14 = arith.constant 6 : index
    %get3A_15 = arith.index_cast %arg0 : i32 to index
    %get3A_16 = memref.load %arg1[%get3A_14, %get3A_15] : memref<10x24xi32, #tpu.memory_space<smem>>
    %and3A = arith.andi %eq3A_2, %eq3A_7 : i1
    %convert_element_type3A = arith.extui %and3A : i1 to i32
    %cond3A = arith.constant 0 : i32
    %cond3A_17 = arith.cmpi ne, %convert_element_type3A, %cond3A : i32
    scf.if %cond3A_17 {
      %eq3A_21 = arith.constant 0 : i32
      %eq3A_22 = arith.cmpi eq, %arg0, %eq3A_21 : i32
      %convert_element_type3A_23 = arith.extui %eq3A_22 : i1 to i32
      %cond3A_24 = arith.constant 0 : i32
      %cond3A_25 = arith.cmpi ne, %convert_element_type3A_23, %cond3A_24 : i32
      scf.if %cond3A_25 {
        %dma_start3A = tpu.memref_slice %arg10[%get3A_10] : memref<2x!tpu.dma_semaphore, #tpu.memory_space<semaphore_mem>> -> memref<1x!tpu.dma_semaphore, #tpu.memory_space<semaphore_mem>>
        %dma_start3A_53 = tpu.memref_squeeze %dma_start3A : memref<1x!tpu.dma_semaphore, #tpu.memory_space<semaphore_mem>> -> memref<!tpu.dma_semaphore, #tpu.memory_space<semaphore_mem>>
        %dma_start3A_54 = arith.constant 0 : i32
        %dma_start3A_55 = arith.constant 0 : i32
        %dma_start3A_56 = tpu.memref_slice %arg8[%get3A_10, %dma_start3A_54, %dma_start3A_55] : memref<2x768x3072xf32, #tpu.memory_space<vmem>> -> memref<1x768x3072xf32, #tpu.memory_space<vmem>>
        %dma_start3A_57 = tpu.memref_squeeze %dma_start3A_56 : memref<1x768x3072xf32, #tpu.memory_space<vmem>> -> memref<768x3072xf32, #tpu.memory_space<vmem>>
        %dma_start3A_58 = arith.constant 0 : i32
        %dma_start3A_59 = arith.constant 0 : i32
        %dma_start3A_60 = tpu.memref_slice %arg3[%get3A_13, %dma_start3A_58, %dma_start3A_59] : memref<8x768x3072xf32, #tpu.memory_space<any>> -> memref<1x768x3072xf32, #tpu.memory_space<any>>
        %dma_start3A_61 = tpu.memref_squeeze %dma_start3A_60 : memref<1x768x3072xf32, #tpu.memory_space<any>> -> memref<768x3072xf32, #tpu.memory_space<any>>
        tpu.enqueue_dma source(%dma_start3A_61 : memref<768x3072xf32, #tpu.memory_space<any>>) target(%dma_start3A_57 : memref<768x3072xf32, #tpu.memory_space<vmem>>) target_semaphore(%dma_start3A_53 : memref<!tpu.dma_semaphore, #tpu.memory_space<semaphore_mem>>)
        %dma_start3A_62 = tpu.memref_slice %arg11[%get3A_10] : memref<2x!tpu.dma_semaphore, #tpu.memory_space<semaphore_mem>> -> memref<1x!tpu.dma_semaphore, #tpu.memory_space<semaphore_mem>>
        %dma_start3A_63 = tpu.memref_squeeze %dma_start3A_62 : memref<1x!tpu.dma_semaphore, #tpu.memory_space<semaphore_mem>> -> memref<!tpu.dma_semaphore, #tpu.memory_space<semaphore_mem>>
        %dma_start3A_64 = arith.constant 0 : i32
        %dma_start3A_65 = arith.constant 0 : i32
        %dma_start3A_66 = tpu.memref_slice %arg9[%get3A_10, %dma_start3A_64, %dma_start3A_65] : memref<2x1536x768xf32, #tpu.memory_space<vmem>> -> memref<1x1536x768xf32, #tpu.memory_space<vmem>>
        %dma_start3A_67 = tpu.memref_squeeze %dma_start3A_66 : memref<1x1536x768xf32, #tpu.memory_space<vmem>> -> memref<1536x768xf32, #tpu.memory_space<vmem>>
        %dma_start3A_68 = arith.constant 0 : i32
        %dma_start3A_69 = arith.constant 0 : i32
        %dma_start3A_70 = tpu.memref_slice %arg5[%get3A_13, %dma_start3A_68, %dma_start3A_69] : memref<8x1536x768xf32, #tpu.memory_space<any>> -> memref<1x1536x768xf32, #tpu.memory_space<any>>
        %dma_start3A_71 = tpu.memref_squeeze %dma_start3A_70 : memref<1x1536x768xf32, #tpu.memory_space<any>> -> memref<1536x768xf32, #tpu.memory_space<any>>
        tpu.enqueue_dma source(%dma_start3A_71 : memref<1536x768xf32, #tpu.memory_space<any>>) target(%dma_start3A_67 : memref<1536x768xf32, #tpu.memory_space<vmem>>) target_semaphore(%dma_start3A_63 : memref<!tpu.dma_semaphore, #tpu.memory_space<semaphore_mem>>)
      } else {
      }
      %get3A_26 = arith.constant 7 : index
      %get3A_27 = arith.index_cast %arg0 : i32 to index
      %get3A_28 = memref.load %arg1[%get3A_26, %get3A_27] : memref<10x24xi32, #tpu.memory_space<smem>>
      %eq3A_29 = arith.constant 1 : i32
      %eq3A_30 = arith.cmpi eq, %get3A_28, %eq3A_29 : i32
      %convert_element_type3A_31 = arith.extui %eq3A_30 : i1 to i32
      %cond3A_32 = arith.constant 0 : i32
      %cond3A_33 = arith.cmpi ne, %convert_element_type3A_31, %cond3A_32 : i32
      scf.if %cond3A_33 {
        %sub3A = arith.constant 1 : i32
        %sub3A_53 = arith.subi %sub3A, %get3A_10 : i32
        %sub3A_54 = arith.constant 1 : i32
        %sub3A_55 = arith.subi %sub3A_54, %get3A_10 : i32
        %dma_start3A = tpu.memref_slice %arg10[%sub3A_55] : memref<2x!tpu.dma_semaphore, #tpu.memory_space<semaphore_mem>> -> memref<1x!tpu.dma_semaphore, #tpu.memory_space<semaphore_mem>>
        %dma_start3A_56 = tpu.memref_squeeze %dma_start3A : memref<1x!tpu.dma_semaphore, #tpu.memory_space<semaphore_mem>> -> memref<!tpu.dma_semaphore, #tpu.memory_space<semaphore_mem>>
        %dma_start3A_57 = arith.constant 0 : i32
        %dma_start3A_58 = arith.constant 0 : i32
        %dma_start3A_59 = tpu.memref_slice %arg8[%sub3A_53, %dma_start3A_57, %dma_start3A_58] : memref<2x768x3072xf32, #tpu.memory_space<vmem>> -> memref<1x768x3072xf32, #tpu.memory_space<vmem>>
        %dma_start3A_60 = tpu.memref_squeeze %dma_start3A_59 : memref<1x768x3072xf32, #tpu.memory_space<vmem>> -> memref<768x3072xf32, #tpu.memory_space<vmem>>
        %dma_start3A_61 = arith.constant 0 : i32
        %dma_start3A_62 = arith.constant 0 : i32
        %dma_start3A_63 = tpu.memref_slice %arg3[%get3A_16, %dma_start3A_61, %dma_start3A_62] : memref<8x768x3072xf32, #tpu.memory_space<any>> -> memref<1x768x3072xf32, #tpu.memory_space<any>>
        %dma_start3A_64 = tpu.memref_squeeze %dma_start3A_63 : memref<1x768x3072xf32, #tpu.memory_space<any>> -> memref<768x3072xf32, #tpu.memory_space<any>>
        tpu.enqueue_dma source(%dma_start3A_64 : memref<768x3072xf32, #tpu.memory_space<any>>) target(%dma_start3A_60 : memref<768x3072xf32, #tpu.memory_space<vmem>>) target_semaphore(%dma_start3A_56 : memref<!tpu.dma_semaphore, #tpu.memory_space<semaphore_mem>>)
        %sub3A_65 = arith.constant 1 : i32
        %sub3A_66 = arith.subi %sub3A_65, %get3A_10 : i32
        %sub3A_67 = arith.constant 1 : i32
        %sub3A_68 = arith.subi %sub3A_67, %get3A_10 : i32
        %dma_start3A_69 = tpu.memref_slice %arg11[%sub3A_68] : memref<2x!tpu.dma_semaphore, #tpu.memory_space<semaphore_mem>> -> memref<1x!tpu.dma_semaphore, #tpu.memory_space<semaphore_mem>>
        %dma_start3A_70 = tpu.memref_squeeze %dma_start3A_69 : memref<1x!tpu.dma_semaphore, #tpu.memory_space<semaphore_mem>> -> memref<!tpu.dma_semaphore, #tpu.memory_space<semaphore_mem>>
        %dma_start3A_71 = arith.constant 0 : i32
        %dma_start3A_72 = arith.constant 0 : i32
        %dma_start3A_73 = tpu.memref_slice %arg9[%sub3A_66, %dma_start3A_71, %dma_start3A_72] : memref<2x1536x768xf32, #tpu.memory_space<vmem>> -> memref<1x1536x768xf32, #tpu.memory_space<vmem>>
        %dma_start3A_74 = tpu.memref_squeeze %dma_start3A_73 : memref<1x1536x768xf32, #tpu.memory_space<vmem>> -> memref<1536x768xf32, #tpu.memory_space<vmem>>
        %dma_start3A_75 = arith.constant 0 : i32
        %dma_start3A_76 = arith.constant 0 : i32
        %dma_start3A_77 = tpu.memref_slice %arg5[%get3A_16, %dma_start3A_75, %dma_start3A_76] : memref<8x1536x768xf32, #tpu.memory_space<any>> -> memref<1x1536x768xf32, #tpu.memory_space<any>>
        %dma_start3A_78 = tpu.memref_squeeze %dma_start3A_77 : memref<1x1536x768xf32, #tpu.memory_space<any>> -> memref<1536x768xf32, #tpu.memory_space<any>>
        tpu.enqueue_dma source(%dma_start3A_78 : memref<1536x768xf32, #tpu.memory_space<any>>) target(%dma_start3A_74 : memref<1536x768xf32, #tpu.memory_space<vmem>>) target_semaphore(%dma_start3A_70 : memref<!tpu.dma_semaphore, #tpu.memory_space<semaphore_mem>>)
      } else {
      }
      %dma_wait3A = tpu.memref_slice %arg10[%get3A_10] : memref<2x!tpu.dma_semaphore, #tpu.memory_space<semaphore_mem>> -> memref<1x!tpu.dma_semaphore, #tpu.memory_space<semaphore_mem>>
      %dma_wait3A_34 = tpu.memref_squeeze %dma_wait3A : memref<1x!tpu.dma_semaphore, #tpu.memory_space<semaphore_mem>> -> memref<!tpu.dma_semaphore, #tpu.memory_space<semaphore_mem>>
      %dma_wait3A_35 = arith.constant 0 : i32
      %dma_wait3A_36 = arith.constant 0 : i32
      %dma_wait3A_37 = tpu.memref_slice %arg8[%get3A_10, %dma_wait3A_35, %dma_wait3A_36] : memref<2x768x3072xf32, #tpu.memory_space<vmem>> -> memref<1x768x3072xf32, #tpu.memory_space<vmem>>
      %dma_wait3A_38 = tpu.memref_squeeze %dma_wait3A_37 : memref<1x768x3072xf32, #tpu.memory_space<vmem>> -> memref<768x3072xf32, #tpu.memory_space<vmem>>
      %dma_wait3A_39 = arith.constant 0 : i32
      %dma_wait3A_40 = arith.constant 0 : i32
      %dma_wait3A_41 = tpu.memref_slice %arg3[%get3A_13, %dma_wait3A_39, %dma_wait3A_40] : memref<8x768x3072xf32, #tpu.memory_space<any>> -> memref<1x768x3072xf32, #tpu.memory_space<any>>
      %dma_wait3A_42 = tpu.memref_squeeze %dma_wait3A_41 : memref<1x768x3072xf32, #tpu.memory_space<any>> -> memref<768x3072xf32, #tpu.memory_space<any>>
      tpu.wait_dma2 semaphore(%dma_wait3A_34 : memref<!tpu.dma_semaphore, #tpu.memory_space<semaphore_mem>>) src(%dma_wait3A_42 : memref<768x3072xf32, #tpu.memory_space<any>>) dst(%dma_wait3A_38 : memref<768x3072xf32, #tpu.memory_space<vmem>>)
      %dma_wait3A_43 = tpu.memref_slice %arg11[%get3A_10] : memref<2x!tpu.dma_semaphore, #tpu.memory_space<semaphore_mem>> -> memref<1x!tpu.dma_semaphore, #tpu.memory_space<semaphore_mem>>
      %dma_wait3A_44 = tpu.memref_squeeze %dma_wait3A_43 : memref<1x!tpu.dma_semaphore, #tpu.memory_space<semaphore_mem>> -> memref<!tpu.dma_semaphore, #tpu.memory_space<semaphore_mem>>
      %dma_wait3A_45 = arith.constant 0 : i32
      %dma_wait3A_46 = arith.constant 0 : i32
      %dma_wait3A_47 = tpu.memref_slice %arg9[%get3A_10, %dma_wait3A_45, %dma_wait3A_46] : memref<2x1536x768xf32, #tpu.memory_space<vmem>> -> memref<1x1536x768xf32, #tpu.memory_space<vmem>>
      %dma_wait3A_48 = tpu.memref_squeeze %dma_wait3A_47 : memref<1x1536x768xf32, #tpu.memory_space<vmem>> -> memref<1536x768xf32, #tpu.memory_space<vmem>>
      %dma_wait3A_49 = arith.constant 0 : i32
      %dma_wait3A_50 = arith.constant 0 : i32
      %dma_wait3A_51 = tpu.memref_slice %arg5[%get3A_13, %dma_wait3A_49, %dma_wait3A_50] : memref<8x1536x768xf32, #tpu.memory_space<any>> -> memref<1x1536x768xf32, #tpu.memory_space<any>>
      %dma_wait3A_52 = tpu.memref_squeeze %dma_wait3A_51 : memref<1x1536x768xf32, #tpu.memory_space<any>> -> memref<1536x768xf32, #tpu.memory_space<any>>
      tpu.wait_dma2 semaphore(%dma_wait3A_44 : memref<!tpu.dma_semaphore, #tpu.memory_space<semaphore_mem>>) src(%dma_wait3A_52 : memref<1536x768xf32, #tpu.memory_space<any>>) dst(%dma_wait3A_48 : memref<1536x768xf32, #tpu.memory_space<vmem>>)
    } else {
    }
    %convert_element_type3A_18 = arith.extui %eq3A_2 : i1 to i32
    %cond3A_19 = arith.constant 0 : i32
    %cond3A_20 = arith.cmpi ne, %convert_element_type3A_18, %cond3A_19 : i32
    scf.if %cond3A_20 {
      %get3A_21 = arith.constant 0 : index
      %get3A_22 = arith.constant 0 : index
      %get3A_23 = vector.load %arg2[%get3A_21, %get3A_22] : memref<256x768xf32, #tpu.memory_space<vmem>>, vector<256x768xf32>
      %get3A_24 = arith.index_cast %get3A_10 : i32 to index
      %get3A_25 = arith.constant 0 : index
      %get3A_26 = arith.constant 0 : index
      %get3A_27 = vector.load %arg8[%get3A_24, %get3A_25, %get3A_26] : memref<2x768x3072xf32, #tpu.memory_space<vmem>>, vector<1x768x3072xf32>
      %get3A_28 = vector.shape_cast %get3A_27 : vector<1x768x3072xf32> to vector<768x3072xf32>
      %dot_general3A = arith.constant dense<0.000000e+00> : vector<256x3072xf32>
      %dot_general3A_29 = tpu.matmul %get3A_23, %get3A_28, %dot_general3A {dimension_numbers = #tpu.dot_dimension_numbers<[1], [0], [0], [1], [0, 0, 1, 1], [], []>, transpose_lhs_hint = false} : vector<256x768xf32>, vector<768x3072xf32>, vector<256x3072xf32> -> vector<256x3072xf32>
      %get3A_30 = arith.constant 0 : index
      %get3A_31 = arith.constant 0 : index
      %get3A_32 = arith.constant 0 : index
      %get3A_33 = vector.load %arg4[%get3A_30, %get3A_31, %get3A_32] : memref<1x1x3072xf32, #tpu.memory_space<vmem>>, vector<1x1x3072xf32>
      %get3A_34 = vector.shape_cast %get3A_33 : vector<1x1x3072xf32> to vector<1x3072xf32>
      %add3A = vector.broadcast %get3A_34 : vector<1x3072xf32> to vector<256x3072xf32>
      %add3A_35 = arith.addf %dot_general3A_29, %add3A : vector<256x3072xf32>
      %slice3A = vector.extract_strided_slice %add3A_35 {offsets = [0, 0], sizes = [256, 1536], strides = [1, 1]} : vector<256x3072xf32> to vector<256x1536xf32>
      %slice3A_36 = vector.extract_strided_slice %add3A_35 {offsets = [0, 1536], sizes = [256, 1536], strides = [1, 1]} : vector<256x3072xf32> to vector<256x1536xf32>
      %logistic3A = arith.negf %slice3A : vector<256x1536xf32>
      %logistic3A_37 = math.exp %logistic3A : vector<256x1536xf32>
      %logistic3A_38 = arith.constant 1.000000e+00 : f32
      %logistic3A_39 = vector.broadcast %logistic3A_38 : f32 to vector<256x1536xf32>
      %logistic3A_40 = arith.addf %logistic3A_39, %logistic3A_37 : vector<256x1536xf32>
      %logistic3A_41 = arith.divf %logistic3A_39, %logistic3A_40 : vector<256x1536xf32>
      %mul3A = arith.mulf %slice3A, %logistic3A_41 : vector<256x1536xf32>
      %mul3A_42 = arith.mulf %mul3A, %slice3A_36 : vector<256x1536xf32>
      %get3A_43 = arith.index_cast %get3A_10 : i32 to index
      %get3A_44 = arith.constant 0 : index
      %get3A_45 = arith.constant 0 : index
      %get3A_46 = vector.load %arg9[%get3A_43, %get3A_44, %get3A_45] : memref<2x1536x768xf32, #tpu.memory_space<vmem>>, vector<1x1536x768xf32>
      %get3A_47 = vector.shape_cast %get3A_46 : vector<1x1536x768xf32> to vector<1536x768xf32>
      %dot_general3A_48 = arith.constant dense<0.000000e+00> : vector<256x768xf32>
      %dot_general3A_49 = tpu.matmul %mul3A_42, %get3A_47, %dot_general3A_48 {dimension_numbers = #tpu.dot_dimension_numbers<[1], [0], [0], [1], [0, 0, 1, 1], [], []>, transpose_lhs_hint = false} : vector<256x1536xf32>, vector<1536x768xf32>, vector<256x768xf32> -> vector<256x768xf32>
      %get3A_50 = arith.constant 0 : index
      %get3A_51 = arith.constant 0 : index
      %get3A_52 = arith.constant 0 : index
      %get3A_53 = vector.load %arg6[%get3A_50, %get3A_51, %get3A_52] : memref<1x1x768xf32, #tpu.memory_space<vmem>>, vector<1x1x768xf32>
      %get3A_54 = vector.shape_cast %get3A_53 : vector<1x1x768xf32> to vector<1x768xf32>
      %add3A_55 = vector.broadcast %get3A_54 : vector<1x768xf32> to vector<256x768xf32>
      %add3A_56 = arith.addf %dot_general3A_49, %add3A_55 : vector<256x768xf32>
      %swap3A = arith.constant 0 : index
      %swap3A_57 = arith.constant 0 : index
      %swap3A_58 = vector.load %arg7[%swap3A, %swap3A_57] : memref<256x768xf32, #tpu.memory_space<vmem>>, vector<256x768xf32>
      tpu.vector_store %arg7[%swap3A, %swap3A_57], %add3A_56 {strides = array<i32>} : memref<256x768xf32, #tpu.memory_space<vmem>>, vector<256x768xf32>,
    } else {
    }
    return
  }
  func.func @transform_0(%arg0: i32, %arg1: memref<10x24xi32, #tpu.memory_space<smem>>) -> (i32, i32) {
    %get3A = arith.constant 2 : index
    %get3A_0 = arith.index_cast %arg0 : i32 to index
    %get3A_1 = memref.load %arg1[%get3A, %get3A_0] : memref<10x24xi32, #tpu.memory_space<smem>>
    %c0_i32 = arith.constant 0 : i32
    %c0_i32_2 = arith.constant 0 : i32
    return %get3A_1, %c0_i32 : i32, i32
  }
  func.func @transform_2(%arg0: i32, %arg1: memref<10x24xi32, #tpu.memory_space<smem>>) -> (i32, i32, i32) {
    %get3A = arith.constant 0 : index
    %get3A_0 = arith.index_cast %arg0 : i32 to index
    %get3A_1 = memref.load %arg1[%get3A, %get3A_0] : memref<10x24xi32, #tpu.memory_space<smem>>
    %c0_i32 = arith.constant 0 : i32
    %c0_i32_2 = arith.constant 0 : i32
    %c0_i32_3 = arith.constant 0 : i32
    return %get3A_1, %c0_i32, %c0_i32_2 : i32, i32, i32
  }
  func.func @transform_4(%arg0: i32, %arg1: memref<10x24xi32, #tpu.memory_space<smem>>) -> (i32, i32, i32) {
    %get3A = arith.constant 0 : index
    %get3A_0 = arith.index_cast %arg0 : i32 to index
    %get3A_1 = memref.load %arg1[%get3A, %get3A_0] : memref<10x24xi32, #tpu.memory_space<smem>>
    %c0_i32 = arith.constant 0 : i32
    %c0_i32_2 = arith.constant 0 : i32
    %c0_i32_3 = arith.constant 0 : i32
    return %get3A_1, %c0_i32, %c0_i32_2 : i32, i32, i32
  }
  func.func @transform_5(%arg0: i32, %arg1: memref<10x24xi32, #tpu.memory_space<smem>>) -> (i32, i32) {
    %get3A = arith.constant 3 : index
    %get3A_0 = arith.index_cast %arg0 : i32 to index
    %get3A_1 = memref.load %arg1[%get3A, %get3A_0] : memref<10x24xi32, #tpu.memory_space<smem>>
    %c0_i32 = arith.constant 0 : i32
    %c0_i32_2 = arith.constant 0 : i32
    return %get3A_1, %c0_i32 : i32, i32
  }
}

</mosaic_0001>

<sc_bundles>
// kernel: kernel.6.cloned.1.call-start
scs
__scs_entry_jumppad:
0x0: {  	(pc) =	sbr.rel $0x88, $3  }
0x1: {  	(tag) =	ssettag $0x0;
	lr =	simm.s32 $0x1  }
0x2: {  	[smem:$0x3F9A] =	sst lr;
	_ =	strace $0xD0000000  }
0x3: {  	_ = 	snop  }
0x4: {  	_ = 	snop  }
0x5: {  	_ = 	snop  }
0x6: {  	_ = 	snop  }
0x7: {  	_ = 	snop  }
__scs_overlays_trampoline_lowered:
0x8: {  	[smem:$0x3FA9] =	sst s0  }
0x9: {  	[smem:$0x3FAA] =	sst s1  }
0xa: {  	[smem:$0x3FAB] =	sst s2  }
0xb: {  	[smem:$0x3FAC] =	sst s3  }
0xc: {  	[smem:$0x3FAD] =	sst s4  }
0xd: {  	[smem:$0x3FAE] =	sst s5  }
0xe: {  	[smem:$0x3FAF] =	sst s6  }
0xf: {  	[smem:$0x3FB0] =	sst s7  }
0x10: {  	[smem:$0x3FB1] =	sst s8  }
0x11: {  	[smem:$0x3FB2] =	sst s9;
	s0 =	simm.s32 @!p0 $0x0  }
0x12: {  	s1 =	sld [smem:$0x3F98];
	s0 =	simm.s32 @p0 $0x1  }
0x13: {  	[smem:$0x3FB3] =	sst s0;
	s0 =	simm.s32 @!p1 $0x0  }
0x14: {  	s2 =	sld [smem:$0x3F97];
	s0 =	simm.s32 @p1 $0x1  }
0x15: {  	[smem:$0x3FB4] =	sst s0;
	s0 =	simm.s32 @!p2 $0x0  }
0x16: {  	s3 =	sld [smem:$0x3FDB];
	s0 =	simm.s32 @p2 $0x1  }
0x17: {  	s4 =	simm.s32 $0x1BF5;
	[smem:$0x3FB6] =	sst s0  }
0x18: {  	s0 =	sld [smem:$0x3F99];
	_ =	swait.ge [sflag:s4], $0x0  }
0x19: {  	s7 =	sld [smem:$0x3F9A]  }
0x1a: {  	s8 =	sadd.s32 $0xFFFFE003, lr  }
0x1b: {  	s9 =	sadd.s32 $0xFFFFFEF7, lr;
	s5 =	simm.s32 $0xFFFFFFFF;
	p2 =	slt.u32 s8, $0xFFFFF086  }
0x1c: {  	p1 =	slt.u32 s9, $0xF7A;
	s5 =	simm.s32 @!p2 $0x0  }
0x1d: {  	s5 =	simm.s32 @p1 $0x1;
	p0 =	seq.s32 s7, s2  }
0x1e: {  	s7 =	smul.u32 @!p0 $0xF7A, s2;
	p2 =	seq.s32 @!p0 s5, $0x0  }
0x1f: {  	s9 =	smul.u32 $0xF7A, s1;
	s8 =	simm.s32 @!p0 $0x1BF5;
	p2 =	por !p2, p0  }
0x20: {  	[sflag:s8] =	ssyncset.s32 @!p0 $0xFFFFF086;
	s6 =	sadd.s32 @!p0 s3, s7;
	s7 =	simm.s32 @!p0 $0x108  }
0x21: {  	s3 =	sadd.s32 s3, s9;
	s6 =	sadd.s32 @!p0 $0x88, s6;
	s7 =	simm.s32 @p2 $0x1082  }
0x22: {  	[simem:s7], [sflag:s8] =	dma.local @!p0 [hbm:s6], $0xF7A  }
0x23: {  	s9 =	sor.u32 $0xD0000000, s2;
	s6 =	simm.s32 $0x108;
	_ =	swait.ge @!p0 [sflag:s8], $0x0  }
0x24: {  	s3 =	sadd.s32 $0x88, s3;
	s6 =	simm.s32 @!p1 $0x1082;
	[sflag:s4] =	ssyncset.s32 $0xFFFFF086  }
0x25: {  	[simem:s6], [sflag:s4] =	dma.local [hbm:s3], $0xF7A  }
0x26: {  	[smem:$0x3F9A] =	sst s1;
	(tag) =	ssettag s2;
	_ =	strace s9  }
0x27: {  	s1 =	sld [smem:$0x3FAA]  }
0x28: {  	s2 =	sld [smem:$0x3FAB]  }
0x29: {  	s4 =	sld [smem:$0x3FAD]  }
0x2a: {  	p0 =	seq.s32 s5, $0x0;
	s5 =	sld [smem:$0x3FAE]  }
0x2b: {  	s6 =	sld [smem:$0x3FAF]  }
0x2c: {  	s7 =	sld [smem:$0x3FB0]  }
0x2d: {  	s3 =	simm.s32 $0x108;
	s8 =	sld [smem:$0x3FB1]  }
0x2e: {  	s3 =	simm.s32 @!p0 $0x1082;
	s9 =	sld [smem:$0x3FB2]  }
0x2f: {  	lr =	sadd.s32 s0, s3;
	s0 =	sld [smem:$0x3FA9]  }
0x30: {  	s3 =	sld [smem:$0x3FAC]  }
0x31: {  	[smem:$0x3FB5] =	sst s10  }
0x32: {  	s10 =	sld [smem:$0x3FB3];
	_ =	sdelay $0x3  }
0x33: {  	p0 =	seq.s32 s10, $0x1;
	s10 =	sld [smem:$0x3FB5];
	_ =	sdelay $0x3  }
0x34: {  	[smem:$0x3FB5] =	sst s10  }
0x35: {  	s10 =	sld [smem:$0x3FB4];
	_ =	sdelay $0x3  }
0x36: {  	p1 =	seq.s32 s10, $0x1;
	s10 =	sld [smem:$0x3FB5];
	_ =	sdelay $0x3  }
0x37: {  	[smem:$0x3FB5] =	sst s10  }
0x38: {  	s10 =	sld [smem:$0x3FB6]  }
0x39: {  	_ = 	snop;
	(pc) =	sbr.ind lr, $3  }
0x3a: {  	_ = 	snop  }
0x3b: {  	_ = 	snop  }
0x3c: {  	p2 =	seq.s32 s10, $0x1;
	s10 =	sld [smem:$0x3FB5]  }
0x3d: {  	_ =	shalt  }
0x3e: {  	_ =	shalt  }
0x3f: {  	_ =	shalt  }
0x40: {  	_ =	shalt  }
0x41: {  	_ =	shalt  }
0x42: {  	_ =	shalt  }
0x43: {  	_ =	shalt  }
0x44: {  	_ =	shalt  }
0x45: {  	_ =	shalt  }
0x46: {  	_ =	shalt  }
0x47: {  	_ =	shalt  }
0x48: {  	_ =	shalt  }
0x49: {  	_ =	shalt  }
0x4a: {  	_ =	shalt  }
0x4b: {  	_ =	shalt  }
0x4c: {  	_ =	shalt  }
0x4d: {  	_ =	shalt  }
0x4e: {  	_ =	shalt  }
0x4f: {  	_ =	shalt  }
0x50: {  	_ =	shalt  }
0x51: {  	_ =	shalt  }
0x52: {  	_ =	shalt  }
0x53: {  	_ =	shalt  }
0x54: {  	_ =	shalt  }
0x55: {  	_ =	shalt  }
0x56: {  	_ =	shalt  }
0x57: {  	_ =	shalt  }
0x58: {  	_ =	shalt  }
0x59: {  	_ =	shalt  }
0x5a: {  	_ =	shalt  }
0x5b: {  	_ =	shalt  }
0x5c: {  	_ =	shalt  }
0x5d: {  	_ =	shalt  }
0x5e: {  	_ =	shalt  }
0x5f: {  	_ =	shalt  }
0x60: {  	_ =	shalt  }
0x61: {  	_ =	shalt  }
0x62: {  	_ =	shalt  }
0x63: {  	_ =	shalt  }
0x64: {  	_ =	shalt  }
0x65: {  	_ =	shalt  }
0x66: {  	_ =	shalt  }
0x67: {  	_ =	shalt  }
0x68: {  	_ =	shalt  }
0x69: {  	_ =	shalt  }
0x6a: {  	_ =	shalt  }
0x6b: {  	_ =	shalt  }
0x6c: {  	_ =	shalt  }
0x6d: {  	_ =	shalt  }
0x6e: {  	_ =	shalt  }
0x6f: {  	_ =	shalt  }
0x70: {  	_ =	shalt  }
0x71: {  	_ =	shalt  }
0x72: {  	_ =	shalt  }
0x73: {  	_ =	shalt  }
0x74: {  	_ =	shalt  }
0x75: {  	_ =	shalt  }
0x76: {  	_ =	shalt  }
0x77: {  	_ =	shalt  }
0x78: {  	_ =	shalt  }
0x79: {  	_ =	shalt  }
0x7a: {  	_ =	shalt  }
0x7b: {  	_ =	shalt  }
0x7c: {  	_ =	shalt  }
0x7d: {  	_ =	shalt  }
0x7e: {  	_ =	shalt  }
0x7f: {  	_ =	shalt  }
0x80: {  	_ =	shalt  }
0x81: {  	_ =	shalt  }
0x82: {  	_ =	shalt  }
0x83: {  	_ =	shalt  }
0x84: {  	_ =	shalt  }
0x85: {  	_ =	shalt  }
0x86: {  	_ =	shalt  }
0x87: {  	_ =	shalt  }
.Lfunc_end0:
.L_simem_size_0:
called_computation_lowered:
.L_overlay_start_0:
0x88: {  	s2 =	sld [smem:$0x3FD9]  }
0x89: {  	s3 =	sld [smem:$0x3FFE];
	_ =	sdelay $0x1  }
0x8a: {  	s1 =	srdreg.scid  }
0x8b: {  	s0 =	sand.u32 $0x1, s1  }
0x8c: {  	s17 =	sshll.u32 s0, $0xA;
	s2 =	sadd.s32 s3, s2  }
0x8d: {  	s2 =	sadd.s32 s2, s17  }
0x8e: {  	[smem:$0x3FC1] =	sst s2  }
0x8f: {  	_ = 	snop  }
0x90: {  	s2 =	sld [smem:$0x3FC9];
	(tm) =	ssettm $0x1  }
0x91: {  	s18 =	sld [smem:$0x3FFB];
	_ =	sdelay $0x3  }
0x92: {  	_ =	strace s18  }
0x93: {  	s3 =	sld [smem:$0x3FFC];
	_ =	sdelay $0x3  }
0x94: {  	_ =	strace s3  }
0x95: {  	s3 =	sld [smem:$0x3FFD];
	_ =	sdelay $0x3  }
0x96: {  	_ =	strace s3  }
0x97: {  	_ =	strace $0x8FFFFFFF  }
0x98: {  	s19 =	sld [smem:$0x3FDB];
	_ =	sdelay $0x1  }
0x99: {  	s4 =	simm.s32 $_scs_section_size  }
0x9a: {  	s5 =	simm.s32 $_size__tile_overlayer_lowered;
	s6 =	simm.s32 $_tile_overlayer_lowered  }
0x9b: {  	s22 =	simm.s32 $0x1BFF;
	s21 =	sshll.u32 s6, $0x1;
	s3 =	sadd.s32 s4, s19  }
0x9c: {  	s7 =	simm.s32 $0x0;
	s20 =	sshll.u32 s5, $0x1;
	s5 =	sadd.s32 s21, s3  }
0x9d: {  	[timem:s7], [sflag:s22] =	dma.local [hbm:s5], s20  }
0x9e: {  	_ =	swait.ge [sflag:s22], s20  }
0x9f: {  	s4 =	ssub.s32 $0x0, s20;
	[sflag:s22] =	ssyncset.done $0x0  }
0xa0: {  	[sflag:s22] =	ssyncadd.s32 s4;
	_ =	sdelay $0x1  }
0xa1: {  	s23 =	simm.s32 $0x1B8B  }
0xa2: {  	_ =	swait.ge [sflag:s23], $0x1  }
0xa3: {  	[sflag:s23] =	ssyncset.done $0x0  }
0xa4: {  	s25 =	simm.s32 $0x1B8E;
	s24 =	sld [smem:$0x3FFE];
	[sflag:s23] =	ssyncadd.s32 $0xFFFFFFFF  }
0xa5: {  	s26 =	simm.s32 $execute0_lowered;
	[smem:$0x3FD2] =	sst s25  }
0xa6: {  	s5 =	sshll.u32 s26, $0x1;
	_ =	strace $0x80000046;
	[dreg:$0x1] =	wrdreg $0xFFFFFFFF  }
0xa7: {  	s28 =	simm.s32 $_size_execute0_lowered;
	s3 =	sadd.s32 s3, s5;
	[dreg:$0x0] =	wrdreg $0x0  }
0xa8: {  	s5 =	sshll.u32 s28, $0x1;
	[dreg:$0x2] =	wrdreg s3  }
0xa9: {  	[dreg:$0x3] =	wrdreg s5  }
0xaa: {  	[dreg:$0x4] =	wrdreg $0xC0  }
0xab: {  	_ =	task [dreg:s7], $0x5FFFF  }
0xac: {  	[dreg:$0x1] =	wrdreg $0xFFFFFFFF  }
0xad: {  	[dreg:$0x0] =	wrdreg $0x60  }
0xae: {  	[dreg:$0x2] =	wrdreg s2  }
0xaf: {  	[dreg:$0x3] =	wrdreg s24  }
0xb0: {  	[dreg:$0x4] =	wrdreg $0x9  }
0xb1: {  	_ =	task.clear_ibuf [dreg:s7], $0x5FFFF;
	_ =	strace $0x90000046  }
0xb2: {  	s29 =	simm.s32 $0x9;
	_ =	strace $0x80000048  }
0xb3: {  	_ =	swait.ge [sflag:s29], $0x1  }
0xb4: {  	[sflag:s29] =	ssyncadd.s32 $0xFFFFFFFF  }
0xb5: {  	_ =	strace $0x90000048  }
0xb6: {  	_ =	sfence  }
0xb7: {  	s30 =	sld [smem:$0x0];
	_ =	sdelay $0x2  }
0xb8: {  	s31 =	sshll.u32 s1, $0xD;
	s1 =	sshrl.u32 s1, $0x2  }
0xb9: {  	s3 =	sand.u32 $0x4000, s31;
	s1 =	sadd.s32 s1, s30  }
0xba: {  	s0 =	sor.u32 s3, s0;
	s1 =	sshll.u32 s1, $0x11  }
0xbb: {  	s0 =	sor.u32 s1, s0  }
0xbc: {  	s0 =	sadd.s32 $0x8F2B, s0  }
0xbd: {  	[sflag:s0] =	ssyncadd.remote.s32 $0x1  }
0xbe: {  	_ =	sfence.sel $0xFFFF  }
0xbf: {  	[dreg:$0x0] =	wrdreg $0xFFFFFFFF;
	(pc) =	sbr.abs _section_cstart, $3  }
0xc0: {  	[dreg:$0x1] =	wrdreg $0xFFFFFFFF  }
0xc1: {  	_ =	task.clear_ibuf [dreg:s7], $0x2FFFF;
	_ =	strace $0x9FFFFFFF  }
0xc2: {  	(tm) =	ssettm $0x7FFFFFFF  }
0xc3: {  	_ =	shalt  }
tec
execute0_lowered:
.L_overlay_start_1:
0x0: {  	(tag) =	ssettag $0x1  }
0x1: {  	s0 =	srdreg.scid  }
0x2: {  	s1 =	rddreg [dreg:$0x0];
	s2 =	stileid.u32  }
0x3: {  	s5 =	rddreg [dreg:$0x1];
	s25 =	simm.s32 $0xC000;
	s26 =	simm.s32 $0xC080  }
0x4: {  	s13 =	simm.s32 $0x2800;
	s14 =	simm.s32 $0x3000;
	s15 =	simm.s32 $0x3800  }
0x5: {  	s16 =	simm.s32 $0x4000;
	s17 =	simm.s32 $0x4800;
	s18 =	simm.s32 $0x5000  }
0x6: {  	s19 =	simm.s32 $0x5800;
	s20 =	simm.s32 $0x6000;
	s21 =	simm.s32 $0x6800  }
0x7: {  	s22 =	simm.s32 $0x7000;
	s28 =	simm.s32 $0x9800;
	s29 =	simm.s32 $0xA000  }
0x8: {  	s30 =	simm.s32 $0xA800;
	s31 =	simm.s32 $0xB000;
	s0 =	sand.u32 $0x1, s0  }
0x9: {  	s3 =	sshll.u32 s2, $0x7;
	s2 =	simm.s32 $0x0;
	s8 =	sadd.s32 $0x1800, s5  }
0xa: {  	s4 =	sshll.u32 s0, $0x6;
	[smem:$0x7FF] =	sst s2;
	s0 =	ssub.s32 $0x2, s0  }
0xb: {  	s3 =	sor.u32 s4, s3;
	_ =	strace $0x80000047;
	[dreg:$0x6] =	wrdreg s25  }
0xc: {  	s24 =	sshrl.u32 s0, $0x1;
	[dreg:$0x7] =	wrdreg s26;
	s25 =	simm.s32 $0x8800  }
0xd: {  	s26 =	simm.s32 $0x9000;
	s6 =	sshll.u32 s3, $0x1;
	s3 =	sshrl.u32 s3, $0x3  }
0xe: {  	s0 =	ssub.s32 s0, s24;
	s7 =	sand.u32 $0xF00, s6;
	s3 =	smul.u32 $0x300, s3  }
0xf: {  	s24 =	simm.s32 $0x8000;
	s7 =	sor.u32 s4, s7;
	s4 =	sor.u32 s4, s6  }
0x10: {  	s23 =	sshrl.u32 s7, $0x3;
	s4 =	sshrl.u32 s4, $0x3;
	s1 =	sadd.s32 s1, s3  }
0x11: {  	s3 =	sadd.s32 $0x1C00, s5;
	s7 =	simm.s32 $0x1;
	s6 =	sadd.s32 s8, s23  }
0x12: {  	s4 =	sor.u32 $0x10, s4;
	[dreg:$0x5] =	wrdreg s1;
	s23 =	simm.s32 $0x7800  }
0x13: {  	v2 =	vlaneseq.u32;
	s1 =	simm.s32 $0xB800;
	[dreg:$0x3] =	wrdreg s6;
	s4 =	sadd.s32 s8, s4  }
0x14: {  	vm0 =	vmmov $0xffff;
	v1 =	vshrl.u32 v2, $0x3;
	s6 =	smax.u32 s0, $0x1;
	s8 =	simm.s32 $0x2;
	s0 =	simm.s32 $0x3  }
0x15: {  	v0 =	vand.u32 $0x7, v2;
	v2 =	vor.u32 $0x8, v2;
	v1 =	vmul.u32 $0x8, v1;
	[dreg:$0x4] =	wrdreg s4;
	s4 =	sadd.s32 $0x1D00, s5;
	s5 =	sadd.s32 $0x1E00, s5  }
.LBB2_1:
0x16: {  	s9 =	rddreg [dreg:$0x3]  }
0x17: {  	s10 =	rddreg [dreg:$0x6]  }
0x18: {  	s11 =	rddreg [dreg:$0x4]  }
0x19: {  	[tilespmem:s10], [sflag:$0x1] =	stream.linear.gather [hbm4b:s9+s2], $0x40, $0x38;
	[tilespmem:$0xC100] =	vst v63  }
0x1a: {  	s12 =	rddreg [dreg:$0x7]  }
0x1b: {  	[tilespmem:s12], [sflag:$0x1] =	stream.linear.gather [hbm4b:s11+s2], $0x40, $0x38;
	[tilespmem:$0xC100] =	vst v63  }
0x1c: {  	s10 =	rddreg [dreg:$0x5]  }
0x1d: {  	[tilespmem:s2], [sflag:$0x2] =	stream.linear.gather [hbm4b:s10+s2], $0xC000, $0x38;
	[tilespmem:$0xC100] =	vst v63  }
0x1e: {  	_ =	swait.ge [sflag:s7], $0x40  }
0x1f: {  	[sflag:s7] =	ssyncset.done $0x0  }
0x20: {  	[sflag:s7] =	ssyncadd.s32 $0xFFFFFFC0  }
0x21: {  	_ =	swait.ge [sflag:s7], $0x40  }
0x22: {  	[sflag:s7] =	ssyncset.done $0x0  }
0x23: {  	[sflag:s7] =	ssyncadd.s32 $0xFFFFFFC0  }
0x24: {  	_ =	swait.ge [sflag:s8], $0xC000  }
0x25: {  	[sflag:s8] =	ssyncset.done $0x0  }
0x26: {  	[sflag:s8] =	ssyncadd.s32 $0xFFFF4000  }
0x27: {  	v3 =	vld [tilespmem:$0xC000];
	_ =	sdelay $0x4  }
0x28: {  	v4 =	vshrl.u32 v3, $0x3  }
0x29: {  	v4 =	vmul.u32 $0x30, v4  }
0x2a: {  	v3 =	vand.u32 $0x7, v3  }
0x2b: {  	v3 =	vor.u32 v3, v4  }
0x2c: {  	v4 =	vperm.xlane v3, v0;
	_ =	sdelay $0x1  }
0x2d: {  	v4 =	vadd.s32 v1, v4;
	_ =	sdelay $0x3  }
0x2e: {  	v3 =	vperm.xlane v3, v2  }
0x2f: {  	[hbm4b:s3+s2] =	stream.indirect_vreg.scatter [tilespmem:s2], [sflag:$0x3], $0x80, v4, vm0, $0xb8;
	[tilespmem:$0xC100] =	vst v63  }
0x30: {  	s9 =	simm.s32 $0x800;
	v3 =	vadd.s32 v1, v3  }
0x31: {  	[hbm4b:s4+s2] =	stream.indirect_vreg.scatter [tilespmem:s9], [sflag:$0x3], $0x80, v4, vm0, $0xb8;
	[tilespmem:$0xC100] =	vst v63  }
0x32: {  	s10 =	simm.s32 $0x1000  }
0x33: {  	[hbm4b:s5+s2] =	stream.indirect_vreg.scatter [tilespmem:s10], [sflag:$0x3], $0x80, v4, vm0, $0xb8;
	[tilespmem:$0xC100] =	vst v63  }
0x34: {  	s11 =	simm.s32 $0x1800  }
0x35: {  	[hbm4b:s3+s2] =	stream.indirect_vreg.scatter [tilespmem:s11], [sflag:$0x3], $0x80, v3, vm0, $0xb8;
	[tilespmem:$0xC100] =	vst v63  }
0x36: {  	s12 =	simm.s32 $0x2000  }
0x37: {  	[hbm4b:s4+s2] =	stream.indirect_vreg.scatter [tilespmem:s12], [sflag:$0x3], $0x80, v3, vm0, $0xb8;
	[tilespmem:$0xC100] =	vst v63  }
0x38: {  	_ = 	snop  }
0x39: {  	[hbm4b:s5+s2] =	stream.indirect_vreg.scatter [tilespmem:s13], [sflag:$0x3], $0x80, v3, vm0, $0xb8;
	[tilespmem:$0xC100] =	vst v63  }
0x3a: {  	v3 =	vld [tilespmem:$0xC010];
	_ =	sdelay $0x4  }
0x3b: {  	v57 =	vshrl.u32 v3, $0x3  }
0x3c: {  	v4 =	vmul.u32 $0x30, v57  }
0x3d: {  	v3 =	vand.u32 $0x7, v3  }
0x3e: {  	v3 =	vor.u32 v3, v4  }
0x3f: {  	v4 =	vperm.xlane v3, v0;
	_ =	sdelay $0x1  }
0x40: {  	v4 =	vadd.s32 v1, v4;
	_ =	sdelay $0x3  }
0x41: {  	v3 =	vperm.xlane v3, v2  }
0x42: {  	[hbm4b:s3+s2] =	stream.indirect_vreg.scatter [tilespmem:s14], [sflag:$0x3], $0x80, v4, vm0, $0xb8;
	[tilespmem:$0xC100] =	vst v63  }
0x43: {  	v3 =	vadd.s32 v1, v3  }
0x44: {  	[hbm4b:s4+s2] =	stream.indirect_vreg.scatter [tilespmem:s15], [sflag:$0x3], $0x80, v4, vm0, $0xb8;
	[tilespmem:$0xC100] =	vst v63  }
0x45: {  	_ = 	snop  }
0x46: {  	[hbm4b:s5+s2] =	stream.indirect_vreg.scatter [tilespmem:s16], [sflag:$0x3], $0x80, v4, vm0, $0xb8;
	[tilespmem:$0xC100] =	vst v63  }
0x47: {  	_ = 	snop  }
0x48: {  	[hbm4b:s3+s2] =	stream.indirect_vreg.scatter [tilespmem:s17], [sflag:$0x3], $0x80, v3, vm0, $0xb8;
	[tilespmem:$0xC100] =	vst v63  }
0x49: {  	_ = 	snop  }
0x4a: {  	[hbm4b:s4+s2] =	stream.indirect_vreg.scatter [tilespmem:s18], [sflag:$0x3], $0x80, v3, vm0, $0xb8;
	[tilespmem:$0xC100] =	vst v63  }
0x4b: {  	_ = 	snop  }
0x4c: {  	[hbm4b:s5+s2] =	stream.indirect_vreg.scatter [tilespmem:s19], [sflag:$0x3], $0x80, v3, vm0, $0xb8;
	[tilespmem:$0xC100] =	vst v63  }
0x4d: {  	v3 =	vld [tilespmem:$0xC020];
	_ =	sdelay $0x4  }
0x4e: {  	v58 =	vshrl.u32 v3, $0x3  }
0x4f: {  	v4 =	vmul.u32 $0x30, v58  }
0x50: {  	v3 =	vand.u32 $0x7, v3  }
0x51: {  	v3 =	vor.u32 v3, v4  }
0x52: {  	v4 =	vperm.xlane v3, v0;
	_ =	sdelay $0x1  }
0x53: {  	v4 =	vadd.s32 v1, v4;
	_ =	sdelay $0x3  }
0x54: {  	v3 =	vperm.xlane v3, v2  }
0x55: {  	[hbm4b:s3+s2] =	stream.indirect_vreg.scatter [tilespmem:s20], [sflag:$0x3], $0x80, v4, vm0, $0xb8;
	[tilespmem:$0xC100] =	vst v63  }
0x56: {  	v3 =	vadd.s32 v1, v3  }
0x57: {  	[hbm4b:s4+s2] =	stream.indirect_vreg.scatter [tilespmem:s21], [sflag:$0x3], $0x80, v4, vm0, $0xb8;
	[tilespmem:$0xC100] =	vst v63  }
0x58: {  	_ = 	snop  }
0x59: {  	[hbm4b:s5+s2] =	stream.indirect_vreg.scatter [tilespmem:s22], [sflag:$0x3], $0x80, v4, vm0, $0xb8;
	[tilespmem:$0xC100] =	vst v63  }
0x5a: {  	_ = 	snop  }
0x5b: {  	[hbm4b:s3+s2] =	stream.indirect_vreg.scatter [tilespmem:s23], [sflag:$0x3], $0x80, v3, vm0, $0xb8;
	[tilespmem:$0xC100] =	vst v63  }
0x5c: {  	_ = 	snop  }
0x5d: {  	[hbm4b:s4+s2] =	stream.indirect_vreg.scatter [tilespmem:s24], [sflag:$0x3], $0x80, v3, vm0, $0xb8;
	[tilespmem:$0xC100] =	vst v63  }
0x5e: {  	_ = 	snop  }
0x5f: {  	[hbm4b:s5+s2] =	stream.indirect_vreg.scatter [tilespmem:s25], [sflag:$0x3], $0x80, v3, vm0, $0xb8;
	[tilespmem:$0xC100] =	vst v63  }
0x60: {  	v3 =	vld [tilespmem:$0xC030];
	_ =	sdelay $0x4  }
0x61: {  	v59 =	vshrl.u32 v3, $0x3  }
0x62: {  	v4 =	vmul.u32 $0x30, v59  }
0x63: {  	v3 =	vand.u32 $0x7, v3  }
0x64: {  	v3 =	vor.u32 v3, v4  }
0x65: {  	v4 =	vperm.xlane v3, v0;
	_ =	sdelay $0x1  }
0x66: {  	v4 =	vadd.s32 v1, v4;
	_ =	sdelay $0x3  }
0x67: {  	v3 =	vperm.xlane v3, v2  }
0x68: {  	[hbm4b:s3+s2] =	stream.indirect_vreg.scatter [tilespmem:s26], [sflag:$0x3], $0x80, v4, vm0, $0xb8;
	[tilespmem:$0xC100] =	vst v63  }
0x69: {  	v3 =	vadd.s32 v1, v3  }
0x6a: {  	[hbm4b:s4+s2] =	stream.indirect_vreg.scatter [tilespmem:s28], [sflag:$0x3], $0x80, v4, vm0, $0xb8;
	[tilespmem:$0xC100] =	vst v63  }
0x6b: {  	_ = 	snop  }
0x6c: {  	[hbm4b:s5+s2] =	stream.indirect_vreg.scatter [tilespmem:s29], [sflag:$0x3], $0x80, v4, vm0, $0xb8;
	[tilespmem:$0xC100] =	vst v63  }
0x6d: {  	_ = 	snop  }
0x6e: {  	[hbm4b:s3+s2] =	stream.indirect_vreg.scatter [tilespmem:s30], [sflag:$0x3], $0x80, v3, vm0, $0xb8;
	[tilespmem:$0xC100] =	vst v63  }
0x6f: {  	_ = 	snop  }
0x70: {  	[hbm4b:s4+s2] =	stream.indirect_vreg.scatter [tilespmem:s31], [sflag:$0x3], $0x80, v3, vm0, $0xb8;
	[tilespmem:$0xC100] =	vst v63  }
0x71: {  	_ = 	snop  }
0x72: {  	[hbm4b:s5+s2] =	stream.indirect_vreg.scatter [tilespmem:s1], [sflag:$0x3], $0x80, v3, vm0, $0xb8;
	[tilespmem:$0xC100] =	vst v63  }
0x73: {  	v3 =	vld [tilespmem:$0xC080];
	_ =	sdelay $0x4  }
0x74: {  	v60 =	vshrl.u32 v3, $0x3  }
0x75: {  	v4 =	vmul.u32 $0x30, v60  }
0x76: {  	v3 =	vand.u32 $0x7, v3  }
0x77: {  	v3 =	vor.u32 v3, v4  }
0x78: {  	v4 =	vperm.xlane v3, v0;
	_ =	sdelay $0x1  }
0x79: {  	v4 =	vadd.s32 v1, v4;
	_ =	sdelay $0x3  }
0x7a: {  	v3 =	vperm.xlane v3, v2  }
0x7b: {  	[hbm4b:s3+s2] =	stream.indirect_vreg.scatter [tilespmem:s2], [sflag:$0x3], $0x80, v4, vm0, $0xb8;
	[tilespmem:$0xC100] =	vst v63  }
0x7c: {  	v3 =	vadd.s32 v1, v3  }
0x7d: {  	[hbm4b:s4+s2] =	stream.indirect_vreg.scatter [tilespmem:s9], [sflag:$0x3], $0x80, v4, vm0, $0xb8;
	[tilespmem:$0xC100] =	vst v63  }
0x7e: {  	_ = 	snop  }
0x7f: {  	[hbm4b:s5+s2] =	stream.indirect_vreg.scatter [tilespmem:s10], [sflag:$0x3], $0x80, v4, vm0, $0xb8;
	[tilespmem:$0xC100] =	vst v63  }
0x80: {  	_ = 	snop  }
0x81: {  	[hbm4b:s3+s2] =	stream.indirect_vreg.scatter [tilespmem:s11], [sflag:$0x3], $0x80, v3, vm0, $0xb8;
	[tilespmem:$0xC100] =	vst v63  }
0x82: {  	_ = 	snop  }
0x83: {  	[hbm4b:s4+s2] =	stream.indirect_vreg.scatter [tilespmem:s12], [sflag:$0x3], $0x80, v3, vm0, $0xb8;
	[tilespmem:$0xC100] =	vst v63  }
0x84: {  	_ = 	snop  }
0x85: {  	[hbm4b:s5+s2] =	stream.indirect_vreg.scatter [tilespmem:s13], [sflag:$0x3], $0x80, v3, vm0, $0xb8;
	[tilespmem:$0xC100] =	vst v63  }
0x86: {  	v3 =	vld [tilespmem:$0xC090];
	_ =	sdelay $0x4  }
0x87: {  	v61 =	vshrl.u32 v3, $0x3  }
0x88: {  	v4 =	vmul.u32 $0x30, v61  }
0x89: {  	v3 =	vand.u32 $0x7, v3  }
0x8a: {  	v3 =	vor.u32 v3, v4  }
0x8b: {  	v4 =	vperm.xlane v3, v0;
	_ =	sdelay $0x1  }
0x8c: {  	v4 =	vadd.s32 v1, v4;
	_ =	sdelay $0x3  }
0x8d: {  	v3 =	vperm.xlane v3, v2  }
0x8e: {  	[hbm4b:s3+s2] =	stream.indirect_vreg.scatter [tilespmem:s14], [sflag:$0x3], $0x80, v4, vm0, $0xb8;
	[tilespmem:$0xC100] =	vst v63  }
0x8f: {  	v3 =	vadd.s32 v1, v3  }
0x90: {  	[hbm4b:s4+s2] =	stream.indirect_vreg.scatter [tilespmem:s15], [sflag:$0x3], $0x80, v4, vm0, $0xb8;
	[tilespmem:$0xC100] =	vst v63  }
0x91: {  	_ = 	snop  }
0x92: {  	[hbm4b:s5+s2] =	stream.indirect_vreg.scatter [tilespmem:s16], [sflag:$0x3], $0x80, v4, vm0, $0xb8;
	[tilespmem:$0xC100] =	vst v63  }
0x93: {  	_ = 	snop  }
0x94: {  	[hbm4b:s3+s2] =	stream.indirect_vreg.scatter [tilespmem:s17], [sflag:$0x3], $0x80, v3, vm0, $0xb8;
	[tilespmem:$0xC100] =	vst v63  }
0x95: {  	_ = 	snop  }
0x96: {  	[hbm4b:s4+s2] =	stream.indirect_vreg.scatter [tilespmem:s18], [sflag:$0x3], $0x80, v3, vm0, $0xb8;
	[tilespmem:$0xC100] =	vst v63  }
0x97: {  	_ = 	snop  }
0x98: {  	[hbm4b:s5+s2] =	stream.indirect_vreg.scatter [tilespmem:s19], [sflag:$0x3], $0x80, v3, vm0, $0xb8;
	[tilespmem:$0xC100] =	vst v63  }
0x99: {  	v3 =	vld [tilespmem:$0xC0A0];
	_ =	sdelay $0x4  }
0x9a: {  	v62 =	vshrl.u32 v3, $0x3  }
0x9b: {  	v4 =	vmul.u32 $0x30, v62  }
0x9c: {  	v3 =	vand.u32 $0x7, v3  }
0x9d: {  	v3 =	vor.u32 v3, v4  }
0x9e: {  	v4 =	vperm.xlane v3, v0;
	_ =	sdelay $0x1  }
0x9f: {  	v4 =	vadd.s32 v1, v4;
	_ =	sdelay $0x3  }
0xa0: {  	v3 =	vperm.xlane v3, v2  }
0xa1: {  	[hbm4b:s3+s2] =	stream.indirect_vreg.scatter [tilespmem:s20], [sflag:$0x3], $0x80, v4, vm0, $0xb8;
	[tilespmem:$0xC100] =	vst v63  }
0xa2: {  	v3 =	vadd.s32 v1, v3  }
0xa3: {  	[hbm4b:s4+s2] =	stream.indirect_vreg.scatter [tilespmem:s21], [sflag:$0x3], $0x80, v4, vm0, $0xb8;
	[tilespmem:$0xC100] =	vst v63  }
0xa4: {  	_ = 	snop  }
0xa5: {  	[hbm4b:s5+s2] =	stream.indirect_vreg.scatter [tilespmem:s22], [sflag:$0x3], $0x80, v4, vm0, $0xb8;
	[tilespmem:$0xC100] =	vst v63  }
0xa6: {  	_ = 	snop  }
0xa7: {  	[hbm4b:s3+s2] =	stream.indirect_vreg.scatter [tilespmem:s23], [sflag:$0x3], $0x80, v3, vm0, $0xb8;
	[tilespmem:$0xC100] =	vst v63  }
0xa8: {  	_ = 	snop  }
0xa9: {  	[hbm4b:s4+s2] =	stream.indirect_vreg.scatter [tilespmem:s24], [sflag:$0x3], $0x80, v3, vm0, $0xb8;
	[tilespmem:$0xC100] =	vst v63  }
0xaa: {  	_ = 	snop  }
0xab: {  	[hbm4b:s5+s2] =	stream.indirect_vreg.scatter [tilespmem:s25], [sflag:$0x3], $0x80, v3, vm0, $0xb8;
	[tilespmem:$0xC100] =	vst v63  }
0xac: {  	v3 =	vld [tilespmem:$0xC0B0];
	_ =	sdelay $0x4  }
0xad: {  	v63 =	vshrl.u32 v3, $0x3  }
0xae: {  	v4 =	vmul.u32 $0x30, v63  }
0xaf: {  	v3 =	vand.u32 $0x7, v3  }
0xb0: {  	v3 =	vor.u32 v3, v4  }
0xb1: {  	v4 =	vperm.xlane v3, v0;
	_ =	sdelay $0x1  }
0xb2: {  	v4 =	vadd.s32 v1, v4;
	_ =	sdelay $0x3  }
0xb3: {  	v3 =	vperm.xlane v3, v2  }
0xb4: {  	[hbm4b:s3+s2] =	stream.indirect_vreg.scatter [tilespmem:s26], [sflag:$0x3], $0x80, v4, vm0, $0xb8;
	[tilespmem:$0xC100] =	vst v63  }
0xb5: {  	v3 =	vadd.s32 v1, v3  }
0xb6: {  	[hbm4b:s4+s2] =	stream.indirect_vreg.scatter [tilespmem:s28], [sflag:$0x3], $0x80, v4, vm0, $0xb8;
	[tilespmem:$0xC100] =	vst v63  }
0xb7: {  	_ = 	snop  }
0xb8: {  	[hbm4b:s5+s2] =	stream.indirect_vreg.scatter [tilespmem:s29], [sflag:$0x3], $0x80, v4, vm0, $0xb8;
	[tilespmem:$0xC100] =	vst v63  }
0xb9: {  	_ = 	snop  }
0xba: {  	[hbm4b:s3+s2] =	stream.indirect_vreg.scatter [tilespmem:s30], [sflag:$0x3], $0x80, v3, vm0, $0xb8;
	[tilespmem:$0xC100] =	vst v63  }
0xbb: {  	_ = 	snop  }
0xbc: {  	[hbm4b:s4+s2] =	stream.indirect_vreg.scatter [tilespmem:s31], [sflag:$0x3], $0x80, v3, vm0, $0xb8;
	[tilespmem:$0xC100] =	vst v63  }
0xbd: {  	_ = 	snop  }
0xbe: {  	[hbm4b:s5+s2] =	stream.indirect_vreg.scatter [tilespmem:s1], [sflag:$0x3], $0x80, v3, vm0, $0xb8;
	[tilespmem:$0xC100] =	vst v63  }
0xbf: {  	p0 =	sne.s32 s6, $0x1;
	_ =	swait.ge [sflag:s0], $0xC000  }
.Ltmp0:
0xc0: {  	[sflag:s0] =	ssyncset.done $0x0;
	(pc) =	sbr.rel @p0 .LBB2_1-.Ltmp0, $4  }
0xc1: {  	[sflag:s0] =	ssyncadd.s32 $0xFFFF4000  }
0xc2: {  	_ =	swait.ge [sflag:s0], $0xC000  }
0xc3: {  	[sflag:s0] =	ssyncset.done $0x0  }
0xc4: {  	s6 =	sadd.s32 $0xFFFFFFFF, s6;
	[sflag:s0] =	ssyncadd.s32 $0xFFFF4000  }
0xc5: {  	_ =	sfence.sel $0x180000  }
0xc6: {  	[bflag:$0x0] =	sbarrier.arrive $0xFFFF  }
0xc7: {  	_ =	strace $0x90000047  }
0xc8: {  	s0 =	stileid.u32;
	[bflag:$0x2] =	sbarrier.arrive $0xFFFF  }
0xc9: {  	p0 =	sne.s32 s0, $0x0;
	s0 =	rddreg [dreg:$0x2]  }
0xca: {  	s0 =	sadd.s32 @!p0 $0x100000, s0  }
0xcb: {  	[sflag:s0] =	ssyncadd.tile.s32 @!p0 $0x1;
	_ =	shalt  }
.Lfunc_end2:
_tile_overlayer_lowered:
.L_overlay_start_2:
0xcc: {  	(tag) =	ssettag $0x2  }
0xcd: {  	s0 =	rddreg [dreg:$0x0];
	s2 =	stileid.u32  }
0xce: {  	s1 =	rddreg [dreg:$0x1];
	p0 =	sne.s32 s2, $0x0  }
0xcf: {  	s3 =	rddreg [dreg:$0x2];
	[bflag:$0x3] =	sbarrier.arrive $0xFFFF;
	s2 =	simm.s32 @!p0 $0x1C04  }
0xd0: {  	[timem:s3], [sflag:s2] =	dma.local @!p0 [hbm:s0], s1  }
0xd1: {  	s0 =	simm.s32 @!p0 $0x4  }
0xd2: {  	_ =	swait.ge @!p0 [sflag:s0], s1  }
0xd3: {  	s1 =	ssub.s32 @!p0 $0x0, s1;
	[sflag:s0] =	ssyncset.done @!p0 $0x0  }
0xd4: {  	[sflag:s0] =	ssyncadd.s32 @!p0 s1  }
0xd5: {  	[bflag:$0x3] =	sbarrier.arrive $0xFFFF  }
0xd6: {  	_ =	shalt  }

// kernel: kernel.9.cloned.1.call-start
scs
__scs_entry_jumppad:
0x0: {  	(pc) =	sbr.rel $0x88, $3  }
0x1: {  	(tag) =	ssettag $0x0;
	lr =	simm.s32 $0x1  }
0x2: {  	[smem:$0x3F9A] =	sst lr;
	_ =	strace $0xD0000000  }
0x3: {  	_ = 	snop  }
0x4: {  	_ = 	snop  }
0x5: {  	_ = 	snop  }
0x6: {  	_ = 	snop  }
0x7: {  	_ = 	snop  }
__scs_overlays_trampoline_lowered:
0x8: {  	[smem:$0x3FA9] =	sst s0  }
0x9: {  	[smem:$0x3FAA] =	sst s1  }
0xa: {  	[smem:$0x3FAB] =	sst s2  }
0xb: {  	[smem:$0x3FAC] =	sst s3  }
0xc: {  	[smem:$0x3FAD] =	sst s4  }
0xd: {  	[smem:$0x3FAE] =	sst s5  }
0xe: {  	[smem:$0x3FAF] =	sst s6  }
0xf: {  	[smem:$0x3FB0] =	sst s7  }
0x10: {  	[smem:$0x3FB1] =	sst s8  }
0x11: {  	[smem:$0x3FB2] =	sst s9;
	s0 =	simm.s32 @!p0 $0x0  }
0x12: {  	s1 =	sld [smem:$0x3F98];
	s0 =	simm.s32 @p0 $0x1  }
0x13: {  	[smem:$0x3FB3] =	sst s0;
	s0 =	simm.s32 @!p1 $0x0  }
0x14: {  	s2 =	sld [smem:$0x3F97];
	s0 =	simm.s32 @p1 $0x1  }
0x15: {  	[smem:$0x3FB4] =	sst s0;
	s0 =	simm.s32 @!p2 $0x0  }
0x16: {  	s3 =	sld [smem:$0x3FDB];
	s0 =	simm.s32 @p2 $0x1  }
0x17: {  	s4 =	simm.s32 $0x1BF5;
	[smem:$0x3FB6] =	sst s0  }
0x18: {  	s0 =	sld [smem:$0x3F99];
	_ =	swait.ge [sflag:s4], $0x0  }
0x19: {  	s7 =	sld [smem:$0x3F9A]  }
0x1a: {  	s8 =	sadd.s32 $0xFFFFE003, lr  }
0x1b: {  	s9 =	sadd.s32 $0xFFFFFEF7, lr;
	s5 =	simm.s32 $0xFFFFFFFF;
	p2 =	slt.u32 s8, $0xFFFFF086  }
0x1c: {  	p1 =	slt.u32 s9, $0xF7A;
	s5 =	simm.s32 @!p2 $0x0  }
0x1d: {  	s5 =	simm.s32 @p1 $0x1;
	p0 =	seq.s32 s7, s2  }
0x1e: {  	s7 =	smul.u32 @!p0 $0xF7A, s2;
	p2 =	seq.s32 @!p0 s5, $0x0  }
0x1f: {  	s9 =	smul.u32 $0xF7A, s1;
	s8 =	simm.s32 @!p0 $0x1BF5;
	p2 =	por !p2, p0  }
0x20: {  	[sflag:s8] =	ssyncset.s32 @!p0 $0xFFFFF086;
	s6 =	sadd.s32 @!p0 s3, s7;
	s7 =	simm.s32 @!p0 $0x108  }
0x21: {  	s3 =	sadd.s32 s3, s9;
	s6 =	sadd.s32 @!p0 $0x88, s6;
	s7 =	simm.s32 @p2 $0x1082  }
0x22: {  	[simem:s7], [sflag:s8] =	dma.local @!p0 [hbm:s6], $0xF7A  }
0x23: {  	s9 =	sor.u32 $0xD0000000, s2;
	s6 =	simm.s32 $0x108;
	_ =	swait.ge @!p0 [sflag:s8], $0x0  }
0x24: {  	s3 =	sadd.s32 $0x88, s3;
	s6 =	simm.s32 @!p1 $0x1082;
	[sflag:s4] =	ssyncset.s32 $0xFFFFF086  }
0x25: {  	[simem:s6], [sflag:s4] =	dma.local [hbm:s3], $0xF7A  }
0x26: {  	[smem:$0x3F9A] =	sst s1;
	(tag) =	ssettag s2;
	_ =	strace s9  }
0x27: {  	s1 =	sld [smem:$0x3FAA]  }
0x28: {  	s2 =	sld [smem:$0x3FAB]  }
0x29: {  	s4 =	sld [smem:$0x3FAD]  }
0x2a: {  	p0 =	seq.s32 s5, $0x0;
	s5 =	sld [smem:$0x3FAE]  }
0x2b: {  	s6 =	sld [smem:$0x3FAF]  }
0x2c: {  	s7 =	sld [smem:$0x3FB0]  }
0x2d: {  	s3 =	simm.s32 $0x108;
	s8 =	sld [smem:$0x3FB1]  }
0x2e: {  	s3 =	simm.s32 @!p0 $0x1082;
	s9 =	sld [smem:$0x3FB2]  }
0x2f: {  	lr =	sadd.s32 s0, s3;
	s0 =	sld [smem:$0x3FA9]  }
0x30: {  	s3 =	sld [smem:$0x3FAC]  }
0x31: {  	[smem:$0x3FB5] =	sst s10  }
0x32: {  	s10 =	sld [smem:$0x3FB3];
	_ =	sdelay $0x3  }
0x33: {  	p0 =	seq.s32 s10, $0x1;
	s10 =	sld [smem:$0x3FB5];
	_ =	sdelay $0x3  }
0x34: {  	[smem:$0x3FB5] =	sst s10  }
0x35: {  	s10 =	sld [smem:$0x3FB4];
	_ =	sdelay $0x3  }
0x36: {  	p1 =	seq.s32 s10, $0x1;
	s10 =	sld [smem:$0x3FB5];
	_ =	sdelay $0x3  }
0x37: {  	[smem:$0x3FB5] =	sst s10  }
0x38: {  	s10 =	sld [smem:$0x3FB6]  }
0x39: {  	_ = 	snop;
	(pc) =	sbr.ind lr, $3  }
0x3a: {  	_ = 	snop  }
0x3b: {  	_ = 	snop  }
0x3c: {  	p2 =	seq.s32 s10, $0x1;
	s10 =	sld [smem:$0x3FB5]  }
0x3d: {  	_ =	shalt  }
0x3e: {  	_ =	shalt  }
0x3f: {  	_ =	shalt  }
0x40: {  	_ =	shalt  }
0x41: {  	_ =	shalt  }
0x42: {  	_ =	shalt  }
0x43: {  	_ =	shalt  }
0x44: {  	_ =	shalt  }
0x45: {  	_ =	shalt  }
0x46: {  	_ =	shalt  }
0x47: {  	_ =	shalt  }
0x48: {  	_ =	shalt  }
0x49: {  	_ =	shalt  }
0x4a: {  	_ =	shalt  }
0x4b: {  	_ =	shalt  }
0x4c: {  	_ =	shalt  }
0x4d: {  	_ =	shalt  }
0x4e: {  	_ =	shalt  }
0x4f: {  	_ =	shalt  }
0x50: {  	_ =	shalt  }
0x51: {  	_ =	shalt  }
0x52: {  	_ =	shalt  }
0x53: {  	_ =	shalt  }
0x54: {  	_ =	shalt  }
0x55: {  	_ =	shalt  }
0x56: {  	_ =	shalt  }
0x57: {  	_ =	shalt  }
0x58: {  	_ =	shalt  }
0x59: {  	_ =	shalt  }
0x5a: {  	_ =	shalt  }
0x5b: {  	_ =	shalt  }
0x5c: {  	_ =	shalt  }
0x5d: {  	_ =	shalt  }
0x5e: {  	_ =	shalt  }
0x5f: {  	_ =	shalt  }
0x60: {  	_ =	shalt  }
0x61: {  	_ =	shalt  }
0x62: {  	_ =	shalt  }
0x63: {  	_ =	shalt  }
0x64: {  	_ =	shalt  }
0x65: {  	_ =	shalt  }
0x66: {  	_ =	shalt  }
0x67: {  	_ =	shalt  }
0x68: {  	_ =	shalt  }
0x69: {  	_ =	shalt  }
0x6a: {  	_ =	shalt  }
0x6b: {  	_ =	shalt  }
0x6c: {  	_ =	shalt  }
0x6d: {  	_ =	shalt  }
0x6e: {  	_ =	shalt  }
0x6f: {  	_ =	shalt  }
0x70: {  	_ =	shalt  }
0x71: {  	_ =	shalt  }
0x72: {  	_ =	shalt  }
0x73: {  	_ =	shalt  }
0x74: {  	_ =	shalt  }
0x75: {  	_ =	shalt  }
0x76: {  	_ =	shalt  }
0x77: {  	_ =	shalt  }
0x78: {  	_ =	shalt  }
0x79: {  	_ =	shalt  }
0x7a: {  	_ =	shalt  }
0x7b: {  	_ =	shalt  }
0x7c: {  	_ =	shalt  }
0x7d: {  	_ =	shalt  }
0x7e: {  	_ =	shalt  }
0x7f: {  	_ =	shalt  }
0x80: {  	_ =	shalt  }
0x81: {  	_ =	shalt  }
0x82: {  	_ =	shalt  }
0x83: {  	_ =	shalt  }
0x84: {  	_ =	shalt  }
0x85: {  	_ =	shalt  }
0x86: {  	_ =	shalt  }
0x87: {  	_ =	shalt  }
.Lfunc_end0:
.L_simem_size_0:
called_computation.1_lowered:
.L_overlay_start_0:
0x88: {  	s2 =	sld [smem:$0x3FD9]  }
0x89: {  	s3 =	sld [smem:$0x3FFE];
	_ =	sdelay $0x1  }
0x8a: {  	s1 =	srdreg.scid  }
0x8b: {  	s0 =	sand.u32 $0x1, s1  }
0x8c: {  	s14 =	sshll.u32 s0, $0xA;
	s2 =	sadd.s32 s3, s2  }
0x8d: {  	s2 =	sadd.s32 s2, s14  }
0x8e: {  	[smem:$0x3FC1] =	sst s2  }
0x8f: {  	_ = 	snop  }
0x90: {  	s2 =	sld [smem:$0x3FD0];
	_ =	sdelay $0x2  }
0x91: {  	s15 =	simm.s32 $0xA;
	s4 =	simm.s32 $0x10  }
0x92: {  	[smem:s4], [sflag:s15] =	dma.local [hbm:s2], $0x1  }
0x93: {  	_ =	swait.eq [sflag:s15], $0x1  }
0x94: {  	[sflag:s15] =	ssyncset.done $0x0  }
0x95: {  	[sflag:s15] =	ssyncadd.s32 $0xFFFFFFFF  }
0x96: {  	s16 =	sld [smem:$0x10];
	(tm) =	ssettm $0x1  }
0x97: {  	s17 =	sld [smem:$0x3FFB];
	_ =	sdelay $0x3  }
0x98: {  	_ =	strace s17  }
0x99: {  	s3 =	sld [smem:$0x3FFC];
	_ =	sdelay $0x3  }
0x9a: {  	_ =	strace s3  }
0x9b: {  	s3 =	sld [smem:$0x3FFD];
	_ =	sdelay $0x3  }
0x9c: {  	_ =	strace s3  }
0x9d: {  	_ =	strace $0x8FFFFFFF  }
0x9e: {  	s18 =	sld [smem:$0x3FDB];
	_ =	sdelay $0x1  }
0x9f: {  	s19 =	simm.s32 $_scs_section_size  }
0xa0: {  	s5 =	simm.s32 $_size__tile_overlayer_lowered;
	s6 =	simm.s32 $_tile_overlayer_lowered  }
0xa1: {  	s22 =	simm.s32 $0x1BFF;
	s21 =	sshll.u32 s6, $0x1;
	s3 =	sadd.s32 s19, s18  }
0xa2: {  	s7 =	simm.s32 $0x0;
	s20 =	sshll.u32 s5, $0x1;
	s5 =	sadd.s32 s21, s3  }
0xa3: {  	[timem:s7], [sflag:s22] =	dma.local [hbm:s5], s20  }
0xa4: {  	_ =	swait.ge [sflag:s22], s20  }
0xa5: {  	s4 =	ssub.s32 $0x0, s20;
	[sflag:s22] =	ssyncset.done $0x0  }
0xa6: {  	[sflag:s22] =	ssyncadd.s32 s4;
	_ =	sdelay $0x1  }
0xa7: {  	s23 =	simm.s32 $0x1B8B  }
0xa8: {  	_ =	swait.ge [sflag:s23], $0x1  }
0xa9: {  	[sflag:s23] =	ssyncset.done $0x0  }
0xaa: {  	s25 =	simm.s32 $0x1B8E;
	s24 =	sld [smem:$0x3FFE];
	[sflag:s23] =	ssyncadd.s32 $0xFFFFFFFF  }
0xab: {  	s26 =	simm.s32 $execute0_lowered;
	[smem:$0x3FD2] =	sst s25  }
0xac: {  	s5 =	sshll.u32 s26, $0x1;
	_ =	strace $0x80000049;
	[dreg:$0x1] =	wrdreg $0xFFFFFFFF  }
0xad: {  	s28 =	simm.s32 $_size_execute0_lowered;
	s3 =	sadd.s32 s3, s5;
	[dreg:$0x0] =	wrdreg $0x0  }
0xae: {  	s5 =	sshll.u32 s28, $0x1;
	[dreg:$0x2] =	wrdreg s3  }
0xaf: {  	[dreg:$0x3] =	wrdreg s5  }
0xb0: {  	[dreg:$0x4] =	wrdreg $0xC0  }
0xb1: {  	_ =	task [dreg:s7], $0x5FFFF  }
0xb2: {  	[dreg:$0x1] =	wrdreg $0xFFFFFFFF  }
0xb3: {  	[dreg:$0x0] =	wrdreg $0x60  }
0xb4: {  	[dreg:$0x2] =	wrdreg s24  }
0xb5: {  	[dreg:$0x3] =	wrdreg s16  }
0xb6: {  	[dreg:$0x4] =	wrdreg $0x9  }
0xb7: {  	_ =	task.clear_ibuf [dreg:s7], $0x5FFFF;
	_ =	strace $0x90000049  }
0xb8: {  	s29 =	simm.s32 $0x9;
	_ =	strace $0x8000004B  }
0xb9: {  	_ =	swait.ge [sflag:s29], $0x1  }
0xba: {  	[sflag:s29] =	ssyncadd.s32 $0xFFFFFFFF  }
0xbb: {  	_ =	strace $0x9000004B  }
0xbc: {  	_ =	sfence  }
0xbd: {  	s30 =	sld [smem:$0x0];
	_ =	sdelay $0x2  }
0xbe: {  	s31 =	sshll.u32 s1, $0xD;
	s1 =	sshrl.u32 s1, $0x2  }
0xbf: {  	s3 =	sand.u32 $0x4000, s31;
	s1 =	sadd.s32 s1, s30  }
0xc0: {  	s0 =	sor.u32 s3, s0;
	s1 =	sshll.u32 s1, $0x11  }
0xc1: {  	s0 =	sor.u32 s1, s0  }
0xc2: {  	s0 =	sadd.s32 $0x8F2B, s0  }
0xc3: {  	[sflag:s0] =	ssyncadd.remote.s32 $0x1  }
0xc4: {  	_ =	sfence.sel $0xFFFF  }
0xc5: {  	[dreg:$0x0] =	wrdreg $0xFFFFFFFF;
	(pc) =	sbr.abs _section_cstart, $3  }
0xc6: {  	[dreg:$0x1] =	wrdreg $0xFFFFFFFF  }
0xc7: {  	_ =	task.clear_ibuf [dreg:s7], $0x2FFFF;
	_ =	strace $0x9FFFFFFF  }
0xc8: {  	(tm) =	ssettm $0x7FFFFFFF  }
0xc9: {  	_ =	shalt  }
tec
execute0_lowered:
.L_overlay_start_1:
0x0: {  	(tag) =	ssettag $0x1  }
0x1: {  	s0 =	rddreg [dreg:$0x0]  }
0x2: {  	s1 =	rddreg [dreg:$0x1]  }
0x3: {  	s2 =	simm.s32 $0x0;
	s3 =	srdreg.scid;
	s5 =	stileid.u32  }
0x4: {  	s16 =	simm.s32 $0x1;
	s17 =	simm.s32 $0x200;
	s23 =	simm.s32 $0x6200  }
0x5: {  	s21 =	simm.s32 $0x14200;
	s22 =	simm.s32 $0x14A00;
	s28 =	simm.s32 $0x16A00  }
0x6: {  	s29 =	simm.s32 $0x17200;
	s30 =	simm.s32 $0x17A00;
	s31 =	simm.s32 $0x2  }
0x7: {  	[smem:$0x7FF] =	sst s2;
	s4 =	sand.u32 $0x1, s3;
	s5 =	sshll.u32 s5, $0x7  }
0x8: {  	s3 =	sadd.s32 $0x1C00, s0;
	s7 =	sadd.s32 $0x1800, s0;
	s6 =	sshll.u32 s4, $0x6  }
0x9: {  	s8 =	sadd.s32 $0x1A00, s0;
	s4 =	ssub.s32 $0x2, s4;
	s5 =	sor.u32 s6, s5  }
0xa: {  	_ =	strace $0x8000004A;
	s10 =	sshrl.u32 s4, $0x1;
	s24 =	sshrl.u32 s5, $0x3  }
0xb: {  	s9 =	sshll.u32 s5, $0x1;
	s13 =	ssub.s32 s4, s10;
	s12 =	smul.u32 $0x1800, s24  }
0xc: {  	s11 =	sand.u32 $0xF00, s9;
	s9 =	sor.u32 s6, s9;
	s25 =	smul.u32 $0x300, s24  }
0xd: {  	s24 =	simm.s32 $0x15200;
	s6 =	sor.u32 s6, s11;
	s9 =	sshrl.u32 s9, $0x3  }
0xe: {  	s6 =	sshrl.u32 s6, $0x3;
	s9 =	sor.u32 $0x10, s9;
	s26 =	sshrl.u32 s12, $0x3  }
0xf: {  	s10 =	sadd.s32 s1, s25;
	s12 =	smax.u32 s13, $0x1;
	s25 =	simm.s32 $0x15A00  }
0x10: {  	s13 =	simm.s32 $0x0;
	s4 =	sadd.s32 s7, s6;
	s5 =	sadd.s32 s7, s9  }
0x11: {  	v2 =	vlaneseq.u32;
	s6 =	sadd.s32 s8, s6;
	s7 =	sadd.s32 s8, s9;
	s8 =	sadd.s32 $0x1D00, s0  }
0x12: {  	vm0 =	vmmov $0xffff;
	v1 =	vshrl.u32 v2, $0x3;
	s11 =	sadd.s32 s1, s26;
	s9 =	sadd.s32 $0x1E00, s0;
	s26 =	simm.s32 $0x16200  }
0x13: {  	v0 =	vand.u32 $0x7, v2;
	v2 =	vor.u32 $0x8, v2;
	v1 =	vmul.u32 $0x8, v1;
	s0 =	simm.s32 $0x3;
	s1 =	simm.s32 $0x4;
	s11 =	sadd.s32 $0xC00, s11  }
.LBB2_1:
0x14: {  	[tilespmem:s2], [sflag:$0x1] =	stream.linear.gather [hbm4b:s4+s2], $0x40, $0x38;
	[tilespmem:$0x18200] =	vst v63  }
0x15: {  	s14 =	simm.s32 $0x80  }
0x16: {  	[tilespmem:s14], [sflag:$0x1] =	stream.linear.gather [hbm4b:s5+s2], $0x40, $0x38;
	[tilespmem:$0x18200] =	vst v63  }
0x17: {  	s20 =	simm.s32 $0x100  }
0x18: {  	[tilespmem:s20], [sflag:$0x1] =	stream.linear.gather [hbm4b:s6+s2], $0x40, $0x38;
	[tilespmem:$0x18200] =	vst v63  }
0x19: {  	s15 =	simm.s32 $0x180  }
0x1a: {  	[tilespmem:s15], [sflag:$0x1] =	stream.linear.gather [hbm4b:s7+s2], $0x40, $0x38;
	[tilespmem:$0x18200] =	vst v63  }
0x1b: {  	_ =	swait.ge [sflag:s16], $0x40  }
0x1c: {  	[sflag:s16] =	ssyncset.done $0x0  }
0x1d: {  	[sflag:s16] =	ssyncadd.s32 $0xFFFFFFC0  }
0x1e: {  	_ =	swait.ge [sflag:s16], $0x40  }
0x1f: {  	[sflag:s16] =	ssyncset.done $0x0  }
0x20: {  	[sflag:s16] =	ssyncadd.s32 $0xFFFFFFC0  }
0x21: {  	_ =	swait.ge [sflag:s16], $0x40  }
0x22: {  	[sflag:s16] =	ssyncset.done $0x0  }
0x23: {  	[sflag:s16] =	ssyncadd.s32 $0xFFFFFFC0  }
0x24: {  	_ =	swait.ge [sflag:s16], $0x40  }
0x25: {  	[sflag:s16] =	ssyncset.done $0x0  }
0x26: {  	[sflag:s16] =	ssyncadd.s32 $0xFFFFFFC0  }
0x27: {  	v3 =	vld [tilespmem:$0x0];
	_ =	sdelay $0x4  }
0x28: {  	v4 =	vshrl.u32 v3, $0x3  }
0x29: {  	v4 =	vmul.u32 $0x30, v4  }
0x2a: {  	v3 =	vand.u32 $0x7, v3  }
0x2b: {  	v3 =	vor.u32 v3, v4  }
0x2c: {  	v4 =	vperm.xlane v3, v0;
	_ =	sdelay $0x1  }
0x2d: {  	v4 =	vadd.s32 v1, v4;
	_ =	sdelay $0x3  }
0x2e: {  	v3 =	vperm.xlane v3, v2  }
0x2f: {  	[tilespmem:s17], [sflag:$0x2] =	stream.indirect_vreg.gather [hbm4b:s3+s2], $0x80, v4, vm0, $0xb8;
	[tilespmem:$0x18200] =	vst v63  }
0x30: {  	s18 =	simm.s32 $0xA00;
	v3 =	vadd.s32 v1, v3  }
0x31: {  	[tilespmem:s18], [sflag:$0x2] =	stream.indirect_vreg.gather [hbm4b:s8+s2], $0x80, v4, vm0, $0xb8;
	[tilespmem:$0x18200] =	vst v63  }
0x32: {  	s19 =	simm.s32 $0x1200  }
0x33: {  	[tilespmem:s19], [sflag:$0x2] =	stream.indirect_vreg.gather [hbm4b:s9+s2], $0x80, v4, vm0, $0xb8;
	[tilespmem:$0x18200] =	vst v63  }
0x34: {  	s20 =	simm.s32 $0x1A00  }
0x35: {  	[tilespmem:s20], [sflag:$0x2] =	stream.indirect_vreg.gather [hbm4b:s3+s2], $0x80, v3, vm0, $0xb8;
	[tilespmem:$0x18200] =	vst v63  }
0x36: {  	s15 =	simm.s32 $0x2200  }
0x37: {  	[tilespmem:s15], [sflag:$0x2] =	stream.indirect_vreg.gather [hbm4b:s8+s2], $0x80, v3, vm0, $0xb8;
	[tilespmem:$0x18200] =	vst v63  }
0x38: {  	s18 =	simm.s32 $0x2A00  }
0x39: {  	[tilespmem:s18], [sflag:$0x2] =	stream.indirect_vreg.gather [hbm4b:s9+s2], $0x80, v3, vm0, $0xb8;
	[tilespmem:$0x18200] =	vst v63  }
0x3a: {  	v3 =	vld [tilespmem:$0x10];
	_ =	sdelay $0x4  }
0x3b: {  	v4 =	vshrl.u32 v3, $0x3  }
0x3c: {  	v4 =	vmul.u32 $0x30, v4  }
0x3d: {  	v3 =	vand.u32 $0x7, v3  }
0x3e: {  	v3 =	vor.u32 v3, v4  }
0x3f: {  	v4 =	vperm.xlane v3, v0;
	_ =	sdelay $0x1  }
0x40: {  	v4 =	vadd.s32 v1, v4;
	_ =	sdelay $0x3  }
0x41: {  	s19 =	simm.s32 $0x3200;
	v3 =	vperm.xlane v3, v2  }
0x42: {  	[tilespmem:s19], [sflag:$0x2] =	stream.indirect_vreg.gather [hbm4b:s3+s2], $0x80, v4, vm0, $0xb8;
	[tilespmem:$0x18200] =	vst v63  }
0x43: {  	s20 =	simm.s32 $0x3A00;
	v3 =	vadd.s32 v1, v3  }
0x44: {  	[tilespmem:s20], [sflag:$0x2] =	stream.indirect_vreg.gather [hbm4b:s8+s2], $0x80, v4, vm0, $0xb8;
	[tilespmem:$0x18200] =	vst v63  }
0x45: {  	s15 =	simm.s32 $0x4200  }
0x46: {  	[tilespmem:s15], [sflag:$0x2] =	stream.indirect_vreg.gather [hbm4b:s9+s2], $0x80, v4, vm0, $0xb8;
	[tilespmem:$0x18200] =	vst v63  }
0x47: {  	s18 =	simm.s32 $0x4A00  }
0x48: {  	[tilespmem:s18], [sflag:$0x2] =	stream.indirect_vreg.gather [hbm4b:s3+s2], $0x80, v3, vm0, $0xb8;
	[tilespmem:$0x18200] =	vst v63  }
0x49: {  	s19 =	simm.s32 $0x5200  }
0x4a: {  	[tilespmem:s19], [sflag:$0x2] =	stream.indirect_vreg.gather [hbm4b:s8+s2], $0x80, v3, vm0, $0xb8;
	[tilespmem:$0x18200] =	vst v63  }
0x4b: {  	s20 =	simm.s32 $0x5A00  }
0x4c: {  	[tilespmem:s20], [sflag:$0x2] =	stream.indirect_vreg.gather [hbm4b:s9+s2], $0x80, v3, vm0, $0xb8;
	[tilespmem:$0x18200] =	vst v63  }
0x4d: {  	v3 =	vld [tilespmem:$0x80];
	_ =	sdelay $0x4  }
0x4e: {  	v4 =	vshrl.u32 v3, $0x3  }
0x4f: {  	v4 =	vmul.u32 $0x30, v4  }
0x50: {  	v3 =	vand.u32 $0x7, v3  }
0x51: {  	v3 =	vor.u32 v3, v4  }
0x52: {  	v4 =	vperm.xlane v3, v0;
	_ =	sdelay $0x1  }
0x53: {  	v4 =	vadd.s32 v1, v4;
	_ =	sdelay $0x3  }
0x54: {  	s15 =	simm.s32 $0xC200;
	v3 =	vperm.xlane v3, v2  }
0x55: {  	[tilespmem:s15], [sflag:$0x2] =	stream.indirect_vreg.gather [hbm4b:s3+s2], $0x80, v4, vm0, $0xb8;
	[tilespmem:$0x18200] =	vst v63  }
0x56: {  	s18 =	simm.s32 $0xCA00;
	v3 =	vadd.s32 v1, v3  }
0x57: {  	[tilespmem:s18], [sflag:$0x2] =	stream.indirect_vreg.gather [hbm4b:s8+s2], $0x80, v4, vm0, $0xb8;
	[tilespmem:$0x18200] =	vst v63  }
0x58: {  	s19 =	simm.s32 $0xD200  }
0x59: {  	[tilespmem:s19], [sflag:$0x2] =	stream.indirect_vreg.gather [hbm4b:s9+s2], $0x80, v4, vm0, $0xb8;
	[tilespmem:$0x18200] =	vst v63  }
0x5a: {  	s20 =	simm.s32 $0xDA00  }
0x5b: {  	[tilespmem:s20], [sflag:$0x2] =	stream.indirect_vreg.gather [hbm4b:s3+s2], $0x80, v3, vm0, $0xb8;
	[tilespmem:$0x18200] =	vst v63  }
0x5c: {  	s15 =	simm.s32 $0xE200  }
0x5d: {  	[tilespmem:s15], [sflag:$0x2] =	stream.indirect_vreg.gather [hbm4b:s8+s2], $0x80, v3, vm0, $0xb8;
	[tilespmem:$0x18200] =	vst v63  }
0x5e: {  	s18 =	simm.s32 $0xEA00  }
0x5f: {  	[tilespmem:s18], [sflag:$0x2] =	stream.indirect_vreg.gather [hbm4b:s9+s2], $0x80, v3, vm0, $0xb8;
	[tilespmem:$0x18200] =	vst v63  }
0x60: {  	v3 =	vld [tilespmem:$0x90];
	_ =	sdelay $0x4  }
0x61: {  	v4 =	vshrl.u32 v3, $0x3  }
0x62: {  	v4 =	vmul.u32 $0x30, v4  }
0x63: {  	v3 =	vand.u32 $0x7, v3  }
0x64: {  	v3 =	vor.u32 v3, v4  }
0x65: {  	v4 =	vperm.xlane v3, v0;
	_ =	sdelay $0x1  }
0x66: {  	v4 =	vadd.s32 v1, v4;
	_ =	sdelay $0x3  }
0x67: {  	s19 =	simm.s32 $0xF200;
	v3 =	vperm.xlane v3, v2  }
0x68: {  	[tilespmem:s19], [sflag:$0x2] =	stream.indirect_vreg.gather [hbm4b:s3+s2], $0x80, v4, vm0, $0xb8;
	[tilespmem:$0x18200] =	vst v63  }
0x69: {  	s20 =	simm.s32 $0xFA00;
	v3 =	vadd.s32 v1, v3  }
0x6a: {  	[tilespmem:s20], [sflag:$0x2] =	stream.indirect_vreg.gather [hbm4b:s8+s2], $0x80, v4, vm0, $0xb8;
	[tilespmem:$0x18200] =	vst v63  }
0x6b: {  	s15 =	simm.s32 $0x10200  }
0x6c: {  	[tilespmem:s15], [sflag:$0x2] =	stream.indirect_vreg.gather [hbm4b:s9+s2], $0x80, v4, vm0, $0xb8;
	[tilespmem:$0x18200] =	vst v63  }
0x6d: {  	s18 =	simm.s32 $0x10A00  }
0x6e: {  	[tilespmem:s18], [sflag:$0x2] =	stream.indirect_vreg.gather [hbm4b:s3+s2], $0x80, v3, vm0, $0xb8;
	[tilespmem:$0x18200] =	vst v63  }
0x6f: {  	s19 =	simm.s32 $0x11200  }
0x70: {  	[tilespmem:s19], [sflag:$0x2] =	stream.indirect_vreg.gather [hbm4b:s8+s2], $0x80, v3, vm0, $0xb8;
	[tilespmem:$0x18200] =	vst v63  }
0x71: {  	s20 =	simm.s32 $0x11A00  }
0x72: {  	[tilespmem:s20], [sflag:$0x2] =	stream.indirect_vreg.gather [hbm4b:s9+s2], $0x80, v3, vm0, $0xb8;
	[tilespmem:$0x18200] =	vst v63  }
0x73: {  	v3 =	vld [tilespmem:$0x20];
	_ =	sdelay $0x4  }
0x74: {  	v4 =	vshrl.u32 v3, $0x3  }
0x75: {  	v4 =	vmul.u32 $0x30, v4  }
0x76: {  	v3 =	vand.u32 $0x7, v3  }
0x77: {  	v3 =	vor.u32 v3, v4  }
0x78: {  	v4 =	vperm.xlane v3, v0;
	_ =	sdelay $0x1  }
0x79: {  	v4 =	vadd.s32 v1, v4;
	_ =	sdelay $0x3  }
0x7a: {  	v3 =	vperm.xlane v3, v2  }
0x7b: {  	[tilespmem:s23], [sflag:$0x3] =	stream.indirect_vreg.gather [hbm4b:s3+s2], $0x80, v4, vm0, $0xb8;
	[tilespmem:$0x18200] =	vst v63  }
0x7c: {  	s15 =	simm.s32 $0x6A00;
	v3 =	vadd.s32 v1, v3  }
0x7d: {  	[tilespmem:s15], [sflag:$0x3] =	stream.indirect_vreg.gather [hbm4b:s8+s2], $0x80, v4, vm0, $0xb8;
	[tilespmem:$0x18200] =	vst v63  }
0x7e: {  	s18 =	simm.s32 $0x7200  }
0x7f: {  	[tilespmem:s18], [sflag:$0x3] =	stream.indirect_vreg.gather [hbm4b:s9+s2], $0x80, v4, vm0, $0xb8;
	[tilespmem:$0x18200] =	vst v63  }
0x80: {  	s19 =	simm.s32 $0x7A00  }
0x81: {  	[tilespmem:s19], [sflag:$0x3] =	stream.indirect_vreg.gather [hbm4b:s3+s2], $0x80, v3, vm0, $0xb8;
	[tilespmem:$0x18200] =	vst v63  }
0x82: {  	s20 =	simm.s32 $0x8200  }
0x83: {  	[tilespmem:s20], [sflag:$0x3] =	stream.indirect_vreg.gather [hbm4b:s8+s2], $0x80, v3, vm0, $0xb8;
	[tilespmem:$0x18200] =	vst v63  }
0x84: {  	s15 =	simm.s32 $0x8A00  }
0x85: {  	[tilespmem:s15], [sflag:$0x3] =	stream.indirect_vreg.gather [hbm4b:s9+s2], $0x80, v3, vm0, $0xb8;
	[tilespmem:$0x18200] =	vst v63  }
0x86: {  	v3 =	vld [tilespmem:$0x30];
	_ =	sdelay $0x4  }
0x87: {  	v4 =	vshrl.u32 v3, $0x3  }
0x88: {  	v4 =	vmul.u32 $0x30, v4  }
0x89: {  	v3 =	vand.u32 $0x7, v3  }
0x8a: {  	v3 =	vor.u32 v3, v4  }
0x8b: {  	v4 =	vperm.xlane v3, v0;
	_ =	sdelay $0x1  }
0x8c: {  	v4 =	vadd.s32 v1, v4;
	_ =	sdelay $0x3  }
0x8d: {  	s18 =	simm.s32 $0x9200;
	v3 =	vperm.xlane v3, v2  }
0x8e: {  	[tilespmem:s18], [sflag:$0x3] =	stream.indirect_vreg.gather [hbm4b:s3+s2], $0x80, v4, vm0, $0xb8;
	[tilespmem:$0x18200] =	vst v63  }
0x8f: {  	s19 =	simm.s32 $0x9A00;
	v3 =	vadd.s32 v1, v3  }
0x90: {  	[tilespmem:s19], [sflag:$0x3] =	stream.indirect_vreg.gather [hbm4b:s8+s2], $0x80, v4, vm0, $0xb8;
	[tilespmem:$0x18200] =	vst v63  }
0x91: {  	s20 =	simm.s32 $0xA200  }
0x92: {  	[tilespmem:s20], [sflag:$0x3] =	stream.indirect_vreg.gather [hbm4b:s9+s2], $0x80, v4, vm0, $0xb8;
	[tilespmem:$0x18200] =	vst v63  }
0x93: {  	s15 =	simm.s32 $0xAA00  }
0x94: {  	[tilespmem:s15], [sflag:$0x3] =	stream.indirect_vreg.gather [hbm4b:s3+s2], $0x80, v3, vm0, $0xb8;
	[tilespmem:$0x18200] =	vst v63  }
0x95: {  	s18 =	simm.s32 $0xB200  }
0x96: {  	[tilespmem:s18], [sflag:$0x3] =	stream.indirect_vreg.gather [hbm4b:s8+s2], $0x80, v3, vm0, $0xb8;
	[tilespmem:$0x18200] =	vst v63  }
0x97: {  	s19 =	simm.s32 $0xBA00  }
0x98: {  	[tilespmem:s19], [sflag:$0x3] =	stream.indirect_vreg.gather [hbm4b:s9+s2], $0x80, v3, vm0, $0xb8;
	[tilespmem:$0x18200] =	vst v63  }
0x99: {  	v3 =	vld [tilespmem:$0xA0];
	_ =	sdelay $0x4  }
0x9a: {  	v4 =	vshrl.u32 v3, $0x3  }
0x9b: {  	v4 =	vmul.u32 $0x30, v4  }
0x9c: {  	v3 =	vand.u32 $0x7, v3  }
0x9d: {  	v3 =	vor.u32 v3, v4  }
0x9e: {  	v4 =	vperm.xlane v3, v0;
	_ =	sdelay $0x1  }
0x9f: {  	v4 =	vadd.s32 v1, v4;
	_ =	sdelay $0x3  }
0xa0: {  	s20 =	simm.s32 $0x12200;
	v3 =	vperm.xlane v3, v2  }
0xa1: {  	[tilespmem:s20], [sflag:$0x3] =	stream.indirect_vreg.gather [hbm4b:s3+s2], $0x80, v4, vm0, $0xb8;
	[tilespmem:$0x18200] =	vst v63  }
0xa2: {  	s15 =	simm.s32 $0x12A00;
	v3 =	vadd.s32 v1, v3  }
0xa3: {  	[tilespmem:s15], [sflag:$0x3] =	stream.indirect_vreg.gather [hbm4b:s8+s2], $0x80, v4, vm0, $0xb8;
	[tilespmem:$0x18200] =	vst v63  }
0xa4: {  	s18 =	simm.s32 $0x13200  }
0xa5: {  	[tilespmem:s18], [sflag:$0x3] =	stream.indirect_vreg.gather [hbm4b:s9+s2], $0x80, v4, vm0, $0xb8;
	[tilespmem:$0x18200] =	vst v63  }
0xa6: {  	s19 =	simm.s32 $0x13A00  }
0xa7: {  	[tilespmem:s19], [sflag:$0x3] =	stream.indirect_vreg.gather [hbm4b:s3+s2], $0x80, v3, vm0, $0xb8;
	[tilespmem:$0x18200] =	vst v63  }
0xa8: {  	_ = 	snop  }
0xa9: {  	[tilespmem:s21], [sflag:$0x3] =	stream.indirect_vreg.gather [hbm4b:s8+s2], $0x80, v3, vm0, $0xb8;
	[tilespmem:$0x18200] =	vst v63  }
0xaa: {  	_ = 	snop  }
0xab: {  	[tilespmem:s22], [sflag:$0x3] =	stream.indirect_vreg.gather [hbm4b:s9+s2], $0x80, v3, vm0, $0xb8;
	[tilespmem:$0x18200] =	vst v63  }
0xac: {  	v3 =	vld [tilespmem:$0xB0];
	_ =	sdelay $0x4  }
0xad: {  	v4 =	vshrl.u32 v3, $0x3  }
0xae: {  	v4 =	vmul.u32 $0x30, v4  }
0xaf: {  	v3 =	vand.u32 $0x7, v3  }
0xb0: {  	v3 =	vor.u32 v3, v4  }
0xb1: {  	v4 =	vperm.xlane v3, v0;
	_ =	sdelay $0x1  }
0xb2: {  	v4 =	vadd.s32 v1, v4;
	_ =	sdelay $0x3  }
0xb3: {  	v3 =	vperm.xlane v3, v2  }
0xb4: {  	[tilespmem:s24], [sflag:$0x3] =	stream.indirect_vreg.gather [hbm4b:s3+s2], $0x80, v4, vm0, $0xb8;
	[tilespmem:$0x18200] =	vst v63  }
0xb5: {  	v3 =	vadd.s32 v1, v3  }
0xb6: {  	[tilespmem:s25], [sflag:$0x3] =	stream.indirect_vreg.gather [hbm4b:s8+s2], $0x80, v4, vm0, $0xb8;
	[tilespmem:$0x18200] =	vst v63  }
0xb7: {  	_ = 	snop  }
0xb8: {  	[tilespmem:s26], [sflag:$0x3] =	stream.indirect_vreg.gather [hbm4b:s9+s2], $0x80, v4, vm0, $0xb8;
	[tilespmem:$0x18200] =	vst v63  }
0xb9: {  	_ = 	snop  }
0xba: {  	[tilespmem:s28], [sflag:$0x3] =	stream.indirect_vreg.gather [hbm4b:s3+s2], $0x80, v3, vm0, $0xb8;
	[tilespmem:$0x18200] =	vst v63  }
0xbb: {  	_ = 	snop  }
0xbc: {  	[tilespmem:s29], [sflag:$0x3] =	stream.indirect_vreg.gather [hbm4b:s8+s2], $0x80, v3, vm0, $0xb8;
	[tilespmem:$0x18200] =	vst v63  }
0xbd: {  	_ = 	snop  }
0xbe: {  	[tilespmem:s30], [sflag:$0x3] =	stream.indirect_vreg.gather [hbm4b:s9+s2], $0x80, v3, vm0, $0xb8;
	[tilespmem:$0x18200] =	vst v63  }
0xbf: {  	_ =	swait.ge [sflag:s31], $0x6000  }
0xc0: {  	[sflag:s31] =	ssyncset.done $0x0  }
0xc1: {  	[sflag:s31] =	ssyncadd.s32 $0xFFFFA000  }
0xc2: {  	_ =	swait.ge [sflag:s31], $0x6000  }
0xc3: {  	s20 =	simm.s32 $0x0;
	[sflag:s31] =	ssyncset.done $0x0  }
0xc4: {  	s14 =	smul.u32 $0x1800, s20;
	[sflag:s31] =	ssyncadd.s32 $0xFFFFA000  }
0xc5: {  	s15 =	sand.u32 $0x380, s2;
	v3 =	vld [tilespmem:$0x100]  }
0xc6: {  	s14 =	sor.u32 s15, s14;
	v4 =	vld [tilespmem:$0x180]  }
0xc7: {  	v10 =	vld [tilespmem:s14+$0xC200]  }
0xc8: {  	v37 =	vld [tilespmem:s14+$0xC210]  }
0xc9: {  	v38 =	vld [tilespmem:s14+$0xC220]  }
0xca: {  	v39 =	vld [tilespmem:s14+$0xC230]  }
0xcb: {  	v40 =	vld [tilespmem:s14+$0xC240]  }
0xcc: {  	v41 =	vld [tilespmem:s14+$0xC250]  }
0xcd: {  	v42 =	vld [tilespmem:s14+$0xC260]  }
0xce: {  	v43 =	vld [tilespmem:s14+$0xC270]  }
0xcf: {  	v44 =	vld [tilespmem:s14+$0xC600]  }
0xd0: {  	v45 =	vld [tilespmem:s14+$0xC610]  }
0xd1: {  	v46 =	vld [tilespmem:s14+$0xC620]  }
0xd2: {  	v47 =	vld [tilespmem:s14+$0xC630]  }
0xd3: {  	v48 =	vld [tilespmem:s14+$0xC640]  }
0xd4: {  	v49 =	vld [tilespmem:s14+$0xC650]  }
0xd5: {  	v50 =	vld [tilespmem:s14+$0xC660]  }
0xd6: {  	v51 =	vld [tilespmem:s14+$0xC670]  }
0xd7: {  	v52 =	vld [tilespmem:s14+$0xCA00]  }
0xd8: {  	v53 =	vld [tilespmem:s14+$0xCA10]  }
0xd9: {  	v36 =	vld [tilespmem:s14+$0xCA20]  }
0xda: {  	v35 =	vld [tilespmem:s14+$0xCA30]  }
0xdb: {  	v34 =	vld [tilespmem:s14+$0xCA40]  }
0xdc: {  	v33 =	vld [tilespmem:s14+$0xCA50]  }
0xdd: {  	v32 =	vld [tilespmem:s14+$0xCA60]  }
0xde: {  	v31 =	vld [tilespmem:s14+$0xCA70]  }
0xdf: {  	v30 =	vld [tilespmem:s14+$0xCE00]  }
0xe0: {  	v29 =	vld [tilespmem:s14+$0xCE10]  }
0xe1: {  	v28 =	vld [tilespmem:s14+$0xCE20]  }
0xe2: {  	v27 =	vld [tilespmem:s14+$0xCE30]  }
0xe3: {  	v26 =	vld [tilespmem:s14+$0xCE40]  }
0xe4: {  	v25 =	vld [tilespmem:s14+$0xCE50]  }
0xe5: {  	v24 =	vld [tilespmem:s14+$0xCE60]  }
0xe6: {  	v23 =	vld [tilespmem:s14+$0xCE70]  }
0xe7: {  	v22 =	vld [tilespmem:s14+$0xD200]  }
0xe8: {  	v21 =	vld [tilespmem:s14+$0xD210]  }
0xe9: {  	v20 =	vld [tilespmem:s14+$0xD220]  }
0xea: {  	v19 =	vld [tilespmem:s14+$0xD230]  }
0xeb: {  	v18 =	vld [tilespmem:s14+$0xD240]  }
0xec: {  	v17 =	vld [tilespmem:s14+$0xD250]  }
0xed: {  	v16 =	vld [tilespmem:s14+$0xD260]  }
0xee: {  	v15 =	vld [tilespmem:s14+$0xD270]  }
0xef: {  	v14 =	vld [tilespmem:s14+$0xD600]  }
0xf0: {  	v13 =	vld [tilespmem:s14+$0xD610]  }
0xf1: {  	v12 =	vld [tilespmem:s14+$0xD620]  }
0xf2: {  	v11 =	vld [tilespmem:s14+$0xD630]  }
0xf3: {  	v7 =	vmov s2;
	v9 =	vld [tilespmem:s14+$0xD640]  }
0xf4: {  	v7 =	vand.u32 $0xF, v7;
	v54 =	vld [tilespmem:s14+$0x200]  }
0xf5: {  	v8 =	vbroadcast v7, $0x0;
	v55 =	vld [tilespmem:s14+$0x210]  }
0xf6: {  	v56 =	vld [tilespmem:s14+$0x220]  }
0xf7: {  	v57 =	vld [tilespmem:s14+$0x230];
	v7 =	vperm.xlane v3, v8;
	v8 =	vperm.xlane v4, v8  }
0xf8: {  	v58 =	vld [tilespmem:s14+$0x240]  }
0xf9: {  	v59 =	vld [tilespmem:s14+$0x250];
	v54 =	vmul.f32 v54, v7;
	v10 =	vmul.f32 v10, v8  }
0xfa: {  	v6 =	vld [tilespmem:s14+$0xD650];
	v55 =	vmul.f32 v55, v7;
	v37 =	vmul.f32 v37, v8  }
0xfb: {  	v60 =	vld [tilespmem:s14+$0x260];
	v56 =	vmul.f32 v56, v7;
	v38 =	vmul.f32 v38, v8  }
0xfc: {  	v61 =	vld [tilespmem:s14+$0x270];
	v63 =	vmul.f32 v57, v7;
	v39 =	vmul.f32 v39, v8  }
0xfd: {  	v57 =	vld [tilespmem:s14+$0x600];
	v62 =	vmul.f32 v58, v7;
	v40 =	vmul.f32 v40, v8  }
0xfe: {  	v5 =	vld [tilespmem:s14+$0xD660];
	v58 =	vmul.f32 v59, v7;
	v41 =	vmul.f32 v41, v8;
	v54 =	vadd.f32 v10, v54  }
0xff: {  	v42 =	vmul.f32 v42, v8;
	v10 =	vld [tilespmem:s14+$0xD670];
	v37 =	vadd.f32 v37, v55;
	v63 =	vadd.f32 v39, v63  }
0x100: {  	v38 =	vadd.f32 v38, v56;
	v55 =	vld [tilespmem:s14+$0x610];
	v59 =	vadd.f32 v40, v62;
	v62 =	vmul.f32 v60, v7;
	[tilespmem:s14+$0x200] =	vst v54  }
0x101: {  	v56 =	vmul.f32 v43, v8;
	[tilespmem:s14+$0x230] =	vst v63;
	v63 =	vadd.f32 v41, v58;
	v54 =	vmul.f32 v61, v7;
	v58 =	vld [tilespmem:s14+$0x620]  }
0x102: {  	[tilespmem:s14+$0x240] =	vst v59;
	v59 =	vadd.f32 v42, v62;
	v60 =	vmul.f32 v57, v7;
	v57 =	vld [tilespmem:s14+$0x650]  }
0x103: {  	[tilespmem:s14+$0x250] =	vst v63;
	v62 =	vadd.f32 v56, v54;
	v63 =	vld [tilespmem:s14+$0x630]  }
0x104: {  	v61 =	vmul.f32 v44, v8;
	[tilespmem:s14+$0x260] =	vst v59;
	v54 =	vld [tilespmem:s14+$0x640];
	v56 =	vmul.f32 v45, v8  }
0x105: {  	v59 =	vld [tilespmem:s14+$0x660];
	v55 =	vmul.f32 v55, v7;
	[tilespmem:s14+$0x270] =	vst v62;
	v62 =	vmul.f32 v48, v8  }
0x106: {  	[tilespmem:s14+$0x210] =	vst v37;
	v37 =	vld [tilespmem:s14+$0xA00];
	v40 =	vadd.f32 v61, v60;
	v43 =	vmul.f32 v58, v7;
	v58 =	vmul.f32 v46, v8  }
0x107: {  	[tilespmem:s14+$0x220] =	vst v38;
	v61 =	vld [tilespmem:s14+$0x670];
	v48 =	vmul.f32 v49, v8;
	v41 =	vadd.f32 v56, v55;
	v42 =	vmul.f32 v57, v7  }
0x108: {  	v60 =	vmul.f32 v47, v8;
	[tilespmem:s14+$0x600] =	vst v40;
	v40 =	vld [tilespmem:s14+$0xA10];
	v39 =	vmul.f32 v63, v7;
	v43 =	vadd.f32 v58, v43  }
0x109: {  	v49 =	vld [tilespmem:s14+$0xA40];
	[tilespmem:s14+$0x610] =	vst v41;
	v38 =	vmul.f32 v54, v7;
	v42 =	vadd.f32 v48, v42  }
0x10a: {  	v55 =	vld [tilespmem:s14+$0xA50];
	v44 =	vmul.f32 v59, v7;
	v54 =	vmul.f32 v50, v8;
	v39 =	vadd.f32 v60, v39;
	[tilespmem:s14+$0x620] =	vst v43  }
0x10b: {  	v37 =	vmul.f32 v37, v7;
	v57 =	vld [tilespmem:s14+$0xA60];
	v58 =	vmul.f32 v52, v8;
	v38 =	vadd.f32 v62, v38;
	[tilespmem:s14+$0x650] =	vst v42  }
0x10c: {  	v56 =	vmul.f32 v51, v8;
	v41 =	vld [tilespmem:s14+$0xA20];
	v45 =	vmul.f32 v61, v7;
	v44 =	vadd.f32 v54, v44;
	[tilespmem:s14+$0x630] =	vst v39  }
0x10d: {  	v63 =	vld [tilespmem:s14+$0xA30];
	v60 =	vmul.f32 v53, v8;
	v37 =	vadd.f32 v58, v37;
	v40 =	vmul.f32 v40, v7;
	[tilespmem:s14+$0x640] =	vst v38  }
0x10e: {  	v34 =	vmul.f32 v34, v8;
	v59 =	vld [tilespmem:s14+$0xA70];
	v45 =	vadd.f32 v56, v45;
	[tilespmem:s14+$0x660] =	vst v44;
	v39 =	vmul.f32 v49, v7  }
0x10f: {  	v33 =	vmul.f32 v33, v8;
	v61 =	vld [tilespmem:s14+$0xE00];
	[tilespmem:s14+$0xA00] =	vst v37;
	v38 =	vmul.f32 v55, v7;
	v40 =	vadd.f32 v60, v40  }
0x110: {  	v32 =	vmul.f32 v32, v8;
	v62 =	vld [tilespmem:s14+$0xE10];
	v48 =	vmul.f32 v57, v7;
	[tilespmem:s14+$0x670] =	vst v45;
	v34 =	vadd.f32 v34, v39  }
0x111: {  	v36 =	vmul.f32 v36, v8;
	v46 =	vld [tilespmem:s14+$0xE30];
	v41 =	vmul.f32 v41, v7;
	v33 =	vadd.f32 v33, v38;
	[tilespmem:s14+$0xA10] =	vst v40  }
0x112: {  	v35 =	vmul.f32 v35, v8;
	v49 =	vld [tilespmem:s14+$0xE50];
	v43 =	vmul.f32 v63, v7;
	v32 =	vadd.f32 v32, v48;
	[tilespmem:s14+$0xA40] =	vst v34  }
0x113: {  	v31 =	vmul.f32 v31, v8;
	v47 =	vld [tilespmem:s14+$0xE40];
	v50 =	vmul.f32 v59, v7;
	v36 =	vadd.f32 v36, v41;
	[tilespmem:s14+$0xA50] =	vst v33  }
0x114: {  	v30 =	vmul.f32 v30, v8;
	v51 =	vld [tilespmem:s14+$0xE60];
	v52 =	vmul.f32 v61, v7;
	v35 =	vadd.f32 v35, v43;
	[tilespmem:s14+$0xA60] =	vst v32  }
0x115: {  	v29 =	vmul.f32 v29, v8;
	v53 =	vld [tilespmem:s14+$0xE70];
	v31 =	vadd.f32 v31, v50;
	v37 =	vmul.f32 v62, v7;
	[tilespmem:s14+$0xA20] =	vst v36  }
0x116: {  	v27 =	vmul.f32 v27, v8;
	v54 =	vld [tilespmem:s14+$0x1200];
	v30 =	vadd.f32 v30, v52;
	[tilespmem:s14+$0xA30] =	vst v35;
	v36 =	vmul.f32 v46, v7  }
0x117: {  	v25 =	vmul.f32 v25, v8;
	v63 =	vld [tilespmem:s14+$0xE20];
	[tilespmem:s14+$0xA70] =	vst v31;
	v29 =	vadd.f32 v29, v37;
	v34 =	vmul.f32 v49, v7  }
0x118: {  	v26 =	vmul.f32 v26, v8;
	v56 =	vld [tilespmem:s14+$0x1210];
	v35 =	vmul.f32 v47, v7;
	[tilespmem:s14+$0xE00] =	vst v30;
	v27 =	vadd.f32 v27, v36  }
0x119: {  	v24 =	vmul.f32 v24, v8;
	v57 =	vld [tilespmem:s14+$0x1220];
	v33 =	vmul.f32 v51, v7;
	[tilespmem:s14+$0xE10] =	vst v29;
	v25 =	vadd.f32 v25, v34  }
0x11a: {  	v23 =	vmul.f32 v23, v8;
	v58 =	vld [tilespmem:s14+$0x1230];
	v32 =	vmul.f32 v53, v7;
	v26 =	vadd.f32 v26, v35;
	[tilespmem:s14+$0xE30] =	vst v27  }
0x11b: {  	v60 =	vmul.f32 v22, v8;
	v24 =	vadd.f32 v24, v33;
	v27 =	vld [tilespmem:s14+$0x1240];
	[tilespmem:s14+$0xE50] =	vst v25;
	v25 =	vmul.f32 v54, v7  }
0x11c: {  	v28 =	vmul.f32 v28, v8;
	v55 =	vmul.f32 v63, v7;
	v23 =	vadd.f32 v23, v32;
	[tilespmem:s14+$0xE40] =	vst v26;
	v26 =	vld [tilespmem:s14+$0x1250]  }
0x11d: {  	v59 =	vld [tilespmem:s14+$0x1260];
	v61 =	vmul.f32 v21, v8;
	[tilespmem:s14+$0xE60] =	vst v24;
	v24 =	vmul.f32 v56, v7;
	v25 =	vadd.f32 v60, v25  }
0x11e: {  	v22 =	vld [tilespmem:s14+$0x1270];
	v62 =	vmul.f32 v20, v8;
	v28 =	vadd.f32 v28, v55;
	[tilespmem:s14+$0xE70] =	vst v23;
	v23 =	vmul.f32 v57, v7  }
0x11f: {  	v19 =	vmul.f32 v19, v8;
	v21 =	vld [tilespmem:s14+$0x1600];
	v24 =	vadd.f32 v61, v24;
	[tilespmem:s14+$0x1200] =	vst v25;
	v25 =	vmul.f32 v58, v7  }
0x120: {  	v20 =	vld [tilespmem:s14+$0x1610];
	v63 =	vmul.f32 v18, v8;
	[tilespmem:s14+$0xE20] =	vst v28;
	v23 =	vadd.f32 v62, v23;
	v27 =	vmul.f32 v27, v7  }
0x121: {  	v18 =	vld [tilespmem:s14+$0x1620];
	[tilespmem:s14+$0x1210] =	vst v24;
	v24 =	vadd.f32 v19, v25;
	v19 =	vmul.f32 v26, v7;
	v26 =	vmul.f32 v17, v8  }
0x122: {  	s15 =	simm.s32 $0x1;
	s18 =	simm.s32 $0x0;
	[tilespmem:s14+$0x1220] =	vst v23;
	v23 =	vmul.f32 v16, v8;
	v16 =	vld [tilespmem:s14+$0x1630];
	v17 =	vmul.f32 v59, v7;
	v25 =	vadd.f32 v63, v27  }
.LBB2_2:
0x123: {  	s19 =	sshrl.u32 s15, $0x3;
	p0 =	sne.s32 s15, $0xF;
	[tilespmem:s14+$0x1230] =	vst v24;
	v19 =	vadd.f32 v26, v19;
	v22 =	vmul.f32 v22, v7;
	v15 =	vmul.f32 v15, v8;
	v24 =	vld [tilespmem:s14+$0x1640]  }
0x124: {  	v14 =	vmul.f32 v14, v8;
	s18 =	sadd.s32 $0x80, s18;
	s19 =	smul.u32 $0x1800, s19;
	[tilespmem:s14+$0x1240] =	vst v25;
	v17 =	vadd.f32 v23, v17;
	v21 =	vmul.f32 v21, v7;
	v23 =	vld [tilespmem:s14+$0x1650]  }
0x125: {  	v13 =	vmul.f32 v13, v8;
	s20 =	sand.u32 $0x380, s18;
	[tilespmem:s14+$0x1250] =	vst v19;
	v15 =	vadd.f32 v15, v22;
	v19 =	vmul.f32 v20, v7;
	v20 =	vld [tilespmem:s14+$0x1660]  }
0x126: {  	v12 =	vmul.f32 v12, v8;
	s19 =	sor.u32 s20, s19;
	[tilespmem:s14+$0x1260] =	vst v17;
	v14 =	vadd.f32 v14, v21;
	v17 =	vmul.f32 v18, v7;
	v18 =	vld [tilespmem:s14+$0x1670]  }
0x127: {  	v11 =	vmul.f32 v11, v8;
	v47 =	vld [tilespmem:s19+$0xC200];
	[tilespmem:s14+$0x1270] =	vst v15;
	v13 =	vadd.f32 v13, v19;
	v15 =	vmul.f32 v16, v7  }
0x128: {  	v9 =	vmul.f32 v9, v8;
	v49 =	vld [tilespmem:s19+$0xC210];
	[tilespmem:s14+$0x1600] =	vst v14;
	v12 =	vadd.f32 v12, v17;
	v14 =	vmul.f32 v24, v7  }
0x129: {  	v6 =	vmul.f32 v6, v8;
	v51 =	vld [tilespmem:s19+$0xC220];
	[tilespmem:s14+$0x1610] =	vst v13;
	v11 =	vadd.f32 v11, v15;
	v13 =	vmul.f32 v23, v7  }
0x12a: {  	v5 =	vmul.f32 v5, v8;
	v52 =	vld [tilespmem:s19+$0xC230];
	[tilespmem:s14+$0x1620] =	vst v12;
	v9 =	vadd.f32 v9, v14;
	v12 =	vmul.f32 v20, v7  }
0x12b: {  	v8 =	vmul.f32 v10, v8;
	v53 =	vld [tilespmem:s19+$0xC240];
	[tilespmem:s14+$0x1630] =	vst v11;
	v6 =	vadd.f32 v6, v13;
	v7 =	vmul.f32 v18, v7  }
0x12c: {  	v54 =	vld [tilespmem:s19+$0xC250];
	[tilespmem:s14+$0x1640] =	vst v9;
	v5 =	vadd.f32 v5, v12  }
0x12d: {  	v50 =	vld [tilespmem:s19+$0xC260];
	[tilespmem:s14+$0x1650] =	vst v6;
	v6 =	vadd.f32 v8, v7  }
0x12e: {  	v48 =	vld [tilespmem:s19+$0xC270];
	[tilespmem:s14+$0x1660] =	vst v5  }
0x12f: {  	v46 =	vld [tilespmem:s19+$0xC600];
	[tilespmem:s14+$0x1670] =	vst v6;
	s14 =	smov.u32 s19  }
0x130: {  	v45 =	vld [tilespmem:s14+$0xC610]  }
0x131: {  	v44 =	vld [tilespmem:s14+$0xC620]  }
0x132: {  	v43 =	vld [tilespmem:s14+$0xC630]  }
0x133: {  	v42 =	vld [tilespmem:s14+$0xC640]  }
0x134: {  	v41 =	vld [tilespmem:s14+$0xC650]  }
0x135: {  	v40 =	vld [tilespmem:s14+$0xC660]  }
0x136: {  	v39 =	vld [tilespmem:s14+$0xC670]  }
0x137: {  	v38 =	vld [tilespmem:s14+$0xCA00]  }
0x138: {  	v37 =	vld [tilespmem:s14+$0xCA10]  }
0x139: {  	v36 =	vld [tilespmem:s14+$0xCA20]  }
0x13a: {  	v35 =	vld [tilespmem:s14+$0xCA30]  }
0x13b: {  	v34 =	vld [tilespmem:s14+$0xCA40]  }
0x13c: {  	v33 =	vld [tilespmem:s14+$0xCA50]  }
0x13d: {  	v32 =	vld [tilespmem:s14+$0xCA60]  }
0x13e: {  	v31 =	vld [tilespmem:s14+$0xCA70]  }
0x13f: {  	v30 =	vld [tilespmem:s14+$0xCE00]  }
0x140: {  	v29 =	vld [tilespmem:s14+$0xCE10]  }
0x141: {  	v28 =	vld [tilespmem:s14+$0xCE20]  }
0x142: {  	v27 =	vld [tilespmem:s14+$0xCE30]  }
0x143: {  	v26 =	vld [tilespmem:s14+$0xCE40]  }
0x144: {  	v25 =	vld [tilespmem:s14+$0xCE50]  }
0x145: {  	v24 =	vld [tilespmem:s14+$0xCE60]  }
0x146: {  	v23 =	vld [tilespmem:s14+$0xCE70]  }
0x147: {  	v22 =	vld [tilespmem:s14+$0xD200]  }
0x148: {  	v21 =	vld [tilespmem:s14+$0xD210]  }
0x149: {  	v20 =	vld [tilespmem:s14+$0xD220]  }
0x14a: {  	v19 =	vld [tilespmem:s14+$0xD230]  }
0x14b: {  	v18 =	vld [tilespmem:s14+$0xD240]  }
0x14c: {  	v17 =	vld [tilespmem:s14+$0xD250]  }
0x14d: {  	v16 =	vld [tilespmem:s14+$0xD260]  }
0x14e: {  	v15 =	vld [tilespmem:s14+$0xD270]  }
0x14f: {  	v14 =	vld [tilespmem:s14+$0xD600]  }
0x150: {  	v13 =	vld [tilespmem:s14+$0xD610]  }
0x151: {  	v12 =	vld [tilespmem:s14+$0xD620]  }
0x152: {  	v11 =	vld [tilespmem:s14+$0xD630]  }
0x153: {  	v9 =	vld [tilespmem:s14+$0xD640]  }
0x154: {  	v6 =	vld [tilespmem:s14+$0xD650]  }
0x155: {  	v5 =	vld [tilespmem:s14+$0xD660]  }
0x156: {  	v7 =	vmov s15;
	v10 =	vld [tilespmem:s14+$0xD670]  }
0x157: {  	v7 =	vand.u32 $0xF, v7;
	v55 =	vld [tilespmem:s14+$0x200]  }
0x158: {  	v8 =	vbroadcast v7, $0x0;
	v56 =	vld [tilespmem:s14+$0x210]  }
0x159: {  	v57 =	vld [tilespmem:s14+$0x220]  }
0x15a: {  	v7 =	vperm.xlane v3, v8;
	v8 =	vperm.xlane v4, v8;
	v58 =	vld [tilespmem:s14+$0x230]  }
0x15b: {  	v59 =	vld [tilespmem:s14+$0x240]  }
0x15c: {  	v47 =	vmul.f32 v47, v8;
	v55 =	vmul.f32 v55, v7;
	v60 =	vld [tilespmem:s14+$0x250]  }
0x15d: {  	v49 =	vmul.f32 v49, v8;
	v56 =	vmul.f32 v56, v7;
	v61 =	vld [tilespmem:s14+$0x260]  }
0x15e: {  	v51 =	vmul.f32 v51, v8;
	v47 =	vadd.f32 v47, v55;
	v55 =	vmul.f32 v57, v7;
	v57 =	vld [tilespmem:s14+$0x270]  }
0x15f: {  	v52 =	vmul.f32 v52, v8;
	v49 =	vadd.f32 v49, v56;
	v56 =	vmul.f32 v58, v7;
	v58 =	vld [tilespmem:s14+$0x600]  }
0x160: {  	v53 =	vmul.f32 v53, v8;
	[tilespmem:s14+$0x200] =	vst v47;
	v47 =	vadd.f32 v51, v55;
	v51 =	vmul.f32 v59, v7;
	v55 =	vld [tilespmem:s14+$0x610]  }
0x161: {  	v54 =	vmul.f32 v54, v8;
	[tilespmem:s14+$0x210] =	vst v49;
	v49 =	vadd.f32 v52, v56;
	v52 =	vmul.f32 v60, v7;
	v56 =	vld [tilespmem:s14+$0x620]  }
0x162: {  	v50 =	vmul.f32 v50, v8;
	[tilespmem:s14+$0x220] =	vst v47;
	v47 =	vadd.f32 v53, v51;
	v51 =	vmul.f32 v61, v7;
	v53 =	vld [tilespmem:s14+$0x630]  }
0x163: {  	v48 =	vmul.f32 v48, v8;
	[tilespmem:s14+$0x230] =	vst v49;
	v49 =	vadd.f32 v54, v52;
	v52 =	vmul.f32 v57, v7;
	v54 =	vld [tilespmem:s14+$0x640]  }
0x164: {  	v46 =	vmul.f32 v46, v8;
	[tilespmem:s14+$0x240] =	vst v47;
	v47 =	vadd.f32 v50, v51;
	v50 =	vmul.f32 v58, v7;
	v51 =	vld [tilespmem:s14+$0x650]  }
0x165: {  	v45 =	vmul.f32 v45, v8;
	[tilespmem:s14+$0x250] =	vst v49;
	v48 =	vadd.f32 v48, v52;
	v49 =	vmul.f32 v55, v7;
	v52 =	vld [tilespmem:s14+$0x660]  }
0x166: {  	v44 =	vmul.f32 v44, v8;
	[tilespmem:s14+$0x260] =	vst v47;
	v46 =	vadd.f32 v46, v50;
	v47 =	vmul.f32 v56, v7;
	v50 =	vld [tilespmem:s14+$0x670]  }
0x167: {  	v43 =	vmul.f32 v43, v8;
	[tilespmem:s14+$0x270] =	vst v48;
	v45 =	vadd.f32 v45, v49;
	v48 =	vmul.f32 v53, v7;
	v49 =	vld [tilespmem:s14+$0xA00]  }
0x168: {  	v42 =	vmul.f32 v42, v8;
	[tilespmem:s14+$0x600] =	vst v46;
	v44 =	vadd.f32 v44, v47;
	v46 =	vmul.f32 v54, v7;
	v47 =	vld [tilespmem:s14+$0xA10]  }
0x169: {  	v41 =	vmul.f32 v41, v8;
	[tilespmem:s14+$0x610] =	vst v45;
	v43 =	vadd.f32 v43, v48;
	v45 =	vmul.f32 v51, v7;
	v48 =	vld [tilespmem:s14+$0xA20]  }
0x16a: {  	v40 =	vmul.f32 v40, v8;
	[tilespmem:s14+$0x620] =	vst v44;
	v42 =	vadd.f32 v42, v46;
	v44 =	vmul.f32 v52, v7;
	v46 =	vld [tilespmem:s14+$0xA30]  }
0x16b: {  	v39 =	vmul.f32 v39, v8;
	[tilespmem:s14+$0x630] =	vst v43;
	v41 =	vadd.f32 v41, v45;
	v43 =	vmul.f32 v50, v7;
	v45 =	vld [tilespmem:s14+$0xA40]  }
0x16c: {  	v38 =	vmul.f32 v38, v8;
	[tilespmem:s14+$0x640] =	vst v42;
	v40 =	vadd.f32 v40, v44;
	v42 =	vmul.f32 v49, v7;
	v44 =	vld [tilespmem:s14+$0xA50]  }
0x16d: {  	v37 =	vmul.f32 v37, v8;
	[tilespmem:s14+$0x650] =	vst v41;
	v39 =	vadd.f32 v39, v43;
	v41 =	vmul.f32 v47, v7;
	v43 =	vld [tilespmem:s14+$0xA60]  }
0x16e: {  	v36 =	vmul.f32 v36, v8;
	[tilespmem:s14+$0x660] =	vst v40;
	v38 =	vadd.f32 v38, v42;
	v40 =	vmul.f32 v48, v7;
	v42 =	vld [tilespmem:s14+$0xA70]  }
0x16f: {  	v35 =	vmul.f32 v35, v8;
	[tilespmem:s14+$0x670] =	vst v39;
	v37 =	vadd.f32 v37, v41;
	v39 =	vmul.f32 v46, v7;
	v41 =	vld [tilespmem:s14+$0xE00]  }
0x170: {  	v34 =	vmul.f32 v34, v8;
	[tilespmem:s14+$0xA00] =	vst v38;
	v36 =	vadd.f32 v36, v40;
	v38 =	vmul.f32 v45, v7;
	v40 =	vld [tilespmem:s14+$0xE10]  }
0x171: {  	v33 =	vmul.f32 v33, v8;
	[tilespmem:s14+$0xA10] =	vst v37;
	v35 =	vadd.f32 v35, v39;
	v37 =	vmul.f32 v44, v7;
	v39 =	vld [tilespmem:s14+$0xE20]  }
0x172: {  	v32 =	vmul.f32 v32, v8;
	[tilespmem:s14+$0xA20] =	vst v36;
	v34 =	vadd.f32 v34, v38;
	v36 =	vmul.f32 v43, v7;
	v38 =	vld [tilespmem:s14+$0xE30]  }
0x173: {  	v31 =	vmul.f32 v31, v8;
	[tilespmem:s14+$0xA30] =	vst v35;
	v33 =	vadd.f32 v33, v37;
	v35 =	vmul.f32 v42, v7;
	v37 =	vld [tilespmem:s14+$0xE40]  }
0x174: {  	v30 =	vmul.f32 v30, v8;
	[tilespmem:s14+$0xA40] =	vst v34;
	v32 =	vadd.f32 v32, v36;
	v34 =	vmul.f32 v41, v7;
	v36 =	vld [tilespmem:s14+$0xE50]  }
0x175: {  	v29 =	vmul.f32 v29, v8;
	[tilespmem:s14+$0xA50] =	vst v33;
	v31 =	vadd.f32 v31, v35;
	v33 =	vmul.f32 v40, v7;
	v35 =	vld [tilespmem:s14+$0xE60]  }
0x176: {  	v28 =	vmul.f32 v28, v8;
	[tilespmem:s14+$0xA60] =	vst v32;
	v30 =	vadd.f32 v30, v34;
	v32 =	vmul.f32 v39, v7;
	v34 =	vld [tilespmem:s14+$0xE70]  }
0x177: {  	v27 =	vmul.f32 v27, v8;
	[tilespmem:s14+$0xA70] =	vst v31;
	v29 =	vadd.f32 v29, v33;
	v31 =	vmul.f32 v38, v7;
	v33 =	vld [tilespmem:s14+$0x1200]  }
0x178: {  	v26 =	vmul.f32 v26, v8;
	[tilespmem:s14+$0xE00] =	vst v30;
	v28 =	vadd.f32 v28, v32;
	v30 =	vmul.f32 v37, v7;
	v32 =	vld [tilespmem:s14+$0x1210]  }
0x179: {  	v25 =	vmul.f32 v25, v8;
	[tilespmem:s14+$0xE10] =	vst v29;
	v27 =	vadd.f32 v27, v31;
	v29 =	vmul.f32 v36, v7;
	v31 =	vld [tilespmem:s14+$0x1220]  }
0x17a: {  	v24 =	vmul.f32 v24, v8;
	[tilespmem:s14+$0xE20] =	vst v28;
	v26 =	vadd.f32 v26, v30;
	v28 =	vmul.f32 v35, v7;
	v30 =	vld [tilespmem:s14+$0x1230]  }
0x17b: {  	v23 =	vmul.f32 v23, v8;
	[tilespmem:s14+$0xE30] =	vst v27;
	v25 =	vadd.f32 v25, v29;
	v27 =	vmul.f32 v34, v7;
	v29 =	vld [tilespmem:s14+$0x1240]  }
0x17c: {  	v22 =	vmul.f32 v22, v8;
	[tilespmem:s14+$0xE40] =	vst v26;
	v24 =	vadd.f32 v24, v28;
	v26 =	vmul.f32 v33, v7;
	v28 =	vld [tilespmem:s14+$0x1250]  }
0x17d: {  	v21 =	vmul.f32 v21, v8;
	[tilespmem:s14+$0xE50] =	vst v25;
	v23 =	vadd.f32 v23, v27;
	v25 =	vmul.f32 v32, v7;
	v27 =	vld [tilespmem:s14+$0x1260]  }
.Ltmp0:
0x17e: {  	v20 =	vmul.f32 v20, v8;
	[tilespmem:s14+$0xE60] =	vst v24;
	v24 =	vadd.f32 v22, v26;
	v26 =	vmul.f32 v31, v7;
	v22 =	vld [tilespmem:s14+$0x1270];
	(pc) =	sbr.rel @p0 .LBB2_2-.Ltmp0, $4  }
0x17f: {  	v19 =	vmul.f32 v19, v8;
	[tilespmem:s14+$0xE70] =	vst v23;
	v23 =	vadd.f32 v21, v25;
	v25 =	vmul.f32 v30, v7;
	v21 =	vld [tilespmem:s14+$0x1600]  }
0x180: {  	v31 =	vmul.f32 v18, v8;
	[tilespmem:s14+$0x1200] =	vst v24;
	v30 =	vadd.f32 v20, v26;
	v29 =	vmul.f32 v29, v7;
	v20 =	vld [tilespmem:s14+$0x1610]  }
0x181: {  	v26 =	vmul.f32 v17, v8;
	[tilespmem:s14+$0x1210] =	vst v23;
	v24 =	vadd.f32 v19, v25;
	v19 =	vmul.f32 v28, v7;
	v18 =	vld [tilespmem:s14+$0x1620]  }
0x182: {  	s15 =	sadd.s32 $0x1, s15;
	v23 =	vmul.f32 v16, v8;
	[tilespmem:s14+$0x1220] =	vst v30;
	v25 =	vadd.f32 v31, v29;
	v17 =	vmul.f32 v27, v7;
	v16 =	vld [tilespmem:s14+$0x1630]  }
0x183: {  	v4 =	vadd.f32 v26, v19  }
0x184: {  	[tilespmem:s14+$0x1230] =	vst v24;
	v3 =	vld [tilespmem:s14+$0x1640];
	v22 =	vmul.f32 v22, v7;
	v15 =	vmul.f32 v15, v8  }
0x185: {  	v57 =	vld [tilespmem:s14+$0x1650];
	v14 =	vmul.f32 v14, v8;
	v17 =	vadd.f32 v23, v17;
	[tilespmem:s14+$0x1250] =	vst v4;
	v4 =	vmul.f32 v21, v7  }
0x186: {  	v58 =	vld [tilespmem:s14+$0x1660];
	v13 =	vmul.f32 v13, v8;
	[tilespmem:s14+$0x1240] =	vst v25;
	v15 =	vadd.f32 v15, v22;
	v20 =	vmul.f32 v20, v7  }
0x187: {  	v12 =	vmul.f32 v12, v8;
	v60 =	vld [tilespmem:s14+$0x1670];
	[tilespmem:s14+$0x1260] =	vst v17;
	v59 =	vmul.f32 v18, v7;
	v4 =	vadd.f32 v14, v4  }
0x188: {  	v11 =	vmul.f32 v11, v8;
	[tilespmem:s14+$0x1270] =	vst v15;
	v13 =	vadd.f32 v13, v20;
	v61 =	vmul.f32 v16, v7  }
0x189: {  	v9 =	vmul.f32 v9, v8;
	v3 =	vmul.f32 v3, v7;
	[tilespmem:s14+$0x1600] =	vst v4;
	v4 =	vadd.f32 v12, v59  }
0x18a: {  	v6 =	vmul.f32 v6, v8;
	v62 =	vmul.f32 v57, v7;
	[tilespmem:s14+$0x1610] =	vst v13;
	v11 =	vadd.f32 v11, v61  }
0x18b: {  	v5 =	vmul.f32 v5, v8;
	v3 =	vadd.f32 v9, v3;
	[tilespmem:s14+$0x1620] =	vst v4;
	v4 =	vmul.f32 v58, v7  }
0x18c: {  	v63 =	vmul.f32 v10, v8;
	v6 =	vadd.f32 v6, v62;
	[tilespmem:s14+$0x1630] =	vst v11;
	v7 =	vmul.f32 v60, v7  }
0x18d: {  	[tilespmem:s14+$0x1640] =	vst v3;
	v3 =	vadd.f32 v5, v4  }
0x18e: {  	[tilespmem:s14+$0x1650] =	vst v6;
	v4 =	vadd.f32 v63, v7  }
0x18f: {  	[tilespmem:s14+$0x1660] =	vst v3  }
0x190: {  	[tilespmem:s14+$0x1670] =	vst v4  }
0x191: {  	v3 =	vld [tilespmem:$0x110]  }
0x192: {  	s15 =	simm.s32 $0x0;
	s14 =	simm.s32 $0x0;
	v4 =	vld [tilespmem:$0x190]  }
.LBB2_4:
0x193: {  	s18 =	sshrl.u32 s15, $0x3  }
0x194: {  	s19 =	smul.u32 $0x1800, s18  }
0x195: {  	s20 =	sand.u32 $0x380, s14  }
0x196: {  	s18 =	sor.u32 s20, s19  }
0x197: {  	v7 =	vld [tilespmem:s18+$0x3200]  }
0x198: {  	v8 =	vld [tilespmem:s18+$0xF200]  }
0x199: {  	v9 =	vld [tilespmem:s18+$0x3210]  }
0x19a: {  	v10 =	vld [tilespmem:s18+$0xF210]  }
0x19b: {  	v11 =	vld [tilespmem:s18+$0x3220]  }
0x19c: {  	v12 =	vld [tilespmem:s18+$0xF220]  }
0x19d: {  	v13 =	vld [tilespmem:s18+$0x3230]  }
0x19e: {  	v14 =	vld [tilespmem:s18+$0xF230]  }
0x19f: {  	v15 =	vld [tilespmem:s18+$0x3240]  }
0x1a0: {  	v16 =	vld [tilespmem:s18+$0xF240]  }
0x1a1: {  	v17 =	vld [tilespmem:s18+$0x3250]  }
0x1a2: {  	v18 =	vld [tilespmem:s18+$0xF250]  }
0x1a3: {  	v19 =	vld [tilespmem:s18+$0x3260]  }
0x1a4: {  	v20 =	vld [tilespmem:s18+$0xF260]  }
0x1a5: {  	v21 =	vld [tilespmem:s18+$0x3270]  }
0x1a6: {  	v22 =	vld [tilespmem:s18+$0xF270]  }
0x1a7: {  	v23 =	vld [tilespmem:s18+$0x3600]  }
0x1a8: {  	v24 =	vld [tilespmem:s18+$0xF600]  }
0x1a9: {  	v25 =	vld [tilespmem:s18+$0x3610]  }
0x1aa: {  	v26 =	vld [tilespmem:s18+$0xF610]  }
0x1ab: {  	v27 =	vld [tilespmem:s18+$0x3620]  }
0x1ac: {  	v28 =	vld [tilespmem:s18+$0xF620]  }
0x1ad: {  	v29 =	vld [tilespmem:s18+$0x3630]  }
0x1ae: {  	v30 =	vld [tilespmem:s18+$0xF630]  }
0x1af: {  	v31 =	vld [tilespmem:s18+$0x3640]  }
0x1b0: {  	v32 =	vld [tilespmem:s18+$0xF640]  }
0x1b1: {  	v33 =	vld [tilespmem:s18+$0x3650]  }
0x1b2: {  	v34 =	vld [tilespmem:s18+$0xF650]  }
0x1b3: {  	v35 =	vld [tilespmem:s18+$0x3660]  }
0x1b4: {  	v36 =	vld [tilespmem:s18+$0xF660]  }
0x1b5: {  	v37 =	vld [tilespmem:s18+$0x3670]  }
0x1b6: {  	v38 =	vld [tilespmem:s18+$0xF670]  }
0x1b7: {  	v39 =	vld [tilespmem:s18+$0x3A00]  }
0x1b8: {  	v40 =	vld [tilespmem:s18+$0xFA00]  }
0x1b9: {  	v41 =	vld [tilespmem:s18+$0x3A10]  }
0x1ba: {  	v5 =	vmov s15;
	v42 =	vld [tilespmem:s18+$0xFA10]  }
0x1bb: {  	v5 =	vand.u32 $0xF, v5;
	v43 =	vld [tilespmem:s18+$0x3A20]  }
0x1bc: {  	v6 =	vbroadcast v5, $0x0;
	v44 =	vld [tilespmem:s18+$0xFA20]  }
0x1bd: {  	v45 =	vld [tilespmem:s18+$0x3A30]  }
0x1be: {  	v46 =	vld [tilespmem:s18+$0xFA30];
	v5 =	vperm.xlane v3, v6  }
0x1bf: {  	v47 =	vld [tilespmem:s18+$0x3A40];
	v6 =	vperm.xlane v4, v6  }
0x1c0: {  	v48 =	vld [tilespmem:s18+$0xFA40];
	v7 =	vmul.f32 v7, v5  }
0x1c1: {  	v49 =	vld [tilespmem:s18+$0x3A50];
	v8 =	vmul.f32 v8, v6;
	v9 =	vmul.f32 v9, v5  }
0x1c2: {  	v50 =	vld [tilespmem:s18+$0xFA50];
	v10 =	vmul.f32 v10, v6;
	v54 =	vmul.f32 v11, v5  }
0x1c3: {  	v51 =	vld [tilespmem:s18+$0x3A60];
	v55 =	vmul.f32 v12, v6;
	v56 =	vmul.f32 v13, v5  }
0x1c4: {  	v52 =	vld [tilespmem:s18+$0xFA60];
	v57 =	vmul.f32 v14, v6;
	v58 =	vmul.f32 v15, v5  }
0x1c5: {  	v53 =	vld [tilespmem:s18+$0x3A70];
	v59 =	vmul.f32 v16, v6;
	v61 =	vmul.f32 v17, v5  }
0x1c6: {  	v12 =	vld [tilespmem:s18+$0xFA70];
	v62 =	vmul.f32 v18, v6;
	v63 =	vmul.f32 v19, v5;
	v7 =	vadd.f32 v8, v7  }
0x1c7: {  	v14 =	vld [tilespmem:s18+$0x3E00];
	v41 =	vmul.f32 v41, v5;
	v42 =	vmul.f32 v42, v6;
	v9 =	vadd.f32 v10, v9  }
0x1c8: {  	v15 =	vld [tilespmem:s18+$0xFE00];
	v60 =	vadd.f32 v57, v56;
	v56 =	vmul.f32 v21, v5;
	[tilespmem:s18+$0x3200] =	vst v7;
	v7 =	vadd.f32 v55, v54  }
0x1c9: {  	v16 =	vld [tilespmem:s18+$0x3E10];
	v57 =	vmul.f32 v22, v6;
	[tilespmem:s18+$0x3210] =	vst v9;
	v54 =	vmul.f32 v20, v6  }
0x1ca: {  	v17 =	vld [tilespmem:s18+$0xFE10];
	v55 =	vadd.f32 v62, v61;
	v61 =	vmul.f32 v25, v5;
	[tilespmem:s18+$0x3220] =	vst v7;
	v7 =	vadd.f32 v59, v58  }
0x1cb: {  	v18 =	vld [tilespmem:s18+$0x3E20];
	[tilespmem:s18+$0x3230] =	vst v60;
	v62 =	vmul.f32 v26, v6;
	v26 =	vmul.f32 v29, v5  }
0x1cc: {  	v19 =	vld [tilespmem:s18+$0xFE20];
	v58 =	vmul.f32 v23, v5;
	v59 =	vmul.f32 v24, v6;
	[tilespmem:s18+$0x3240] =	vst v7;
	v7 =	vadd.f32 v54, v63  }
0x1cd: {  	v21 =	vld [tilespmem:s18+$0xFE30];
	v60 =	vadd.f32 v57, v56;
	v29 =	vmul.f32 v32, v6;
	v32 =	vmul.f32 v34, v6;
	[tilespmem:s18+$0x3250] =	vst v55  }
0x1ce: {  	v22 =	vld [tilespmem:s18+$0x3E40];
	v24 =	vmul.f32 v28, v6;
	v63 =	vmul.f32 v27, v5;
	[tilespmem:s18+$0x3260] =	vst v7;
	v7 =	vadd.f32 v59, v58  }
0x1cf: {  	v20 =	vld [tilespmem:s18+$0x3E30];
	v34 =	vmul.f32 v36, v6;
	v36 =	vmul.f32 v37, v5;
	v56 =	vadd.f32 v42, v41;
	[tilespmem:s18+$0x3270] =	vst v60  }
0x1d0: {  	v37 =	vmul.f32 v38, v6;
	v41 =	vld [tilespmem:s18+$0x4220];
	v28 =	vmul.f32 v31, v5;
	[tilespmem:s18+$0x3600] =	vst v7;
	v7 =	vadd.f32 v24, v63  }
0x1d1: {  	v38 =	vmul.f32 v39, v5;
	v25 =	vadd.f32 v62, v61;
	v23 =	vld [tilespmem:s18+$0xFE40];
	v31 =	vmul.f32 v33, v5;
	[tilespmem:s18+$0x3A10] =	vst v56  }
0x1d2: {  	v33 =	vmul.f32 v35, v5;
	v55 =	vmul.f32 v44, v6;
	v44 =	vld [tilespmem:s18+$0x10220];
	[tilespmem:s18+$0x3620] =	vst v7;
	v7 =	vadd.f32 v29, v28  }
0x1d3: {  	v39 =	vmul.f32 v40, v6;
	v40 =	vadd.f32 v37, v36;
	v60 =	vmul.f32 v48, v6;
	v48 =	vld [tilespmem:s18+$0x4230];
	[tilespmem:s18+$0x3610] =	vst v25  }
0x1d4: {  	v36 =	vmul.f32 v51, v5;
	v51 =	vld [tilespmem:s18+$0x10230];
	[tilespmem:s18+$0x3640] =	vst v7;
	v7 =	vadd.f32 v34, v33  }
0x1d5: {  	v57 =	vmul.f32 v45, v5;
	v27 =	vmul.f32 v30, v6;
	v25 =	vld [tilespmem:s18+$0xFE50];
	v35 =	vadd.f32 v32, v31;
	[tilespmem:s18+$0x3670] =	vst v40  }
0x1d6: {  	v12 =	vmul.f32 v12, v6;
	v54 =	vmul.f32 v43, v5;
	v31 =	vld [tilespmem:s18+$0x10200];
	[tilespmem:s18+$0x3660] =	vst v7;
	v7 =	vadd.f32 v39, v38  }
0x1d7: {  	v42 =	vmul.f32 v14, v5;
	v32 =	vld [tilespmem:s18+$0x4210];
	v40 =	vmul.f32 v53, v5;
	v30 =	vadd.f32 v27, v26;
	[tilespmem:s18+$0x3650] =	vst v35  }
0x1d8: {  	v62 =	vmul.f32 v49, v5;
	v26 =	vld [tilespmem:s18+$0x3E60];
	v59 =	vmul.f32 v47, v5;
	[tilespmem:s18+$0x3A00] =	vst v7;
	v7 =	vadd.f32 v55, v54  }
0x1d9: {  	v37 =	vmul.f32 v52, v6;
	v27 =	vld [tilespmem:s18+$0xFE60];
	v58 =	vmul.f32 v46, v6;
	v45 =	vadd.f32 v12, v40;
	[tilespmem:s18+$0x3630] =	vst v30  }
0x1da: {  	v49 =	vmul.f32 v18, v5;
	v43 =	vmul.f32 v15, v6;
	v35 =	vld [tilespmem:s18+$0x4270];
	[tilespmem:s18+$0x3A20] =	vst v7;
	v7 =	vadd.f32 v60, v59  }
0x1db: {  	v46 =	vmul.f32 v16, v5;
	v47 =	vmul.f32 v17, v6;
	v24 =	vld [tilespmem:s18+$0x3E50];
	v61 =	vadd.f32 v58, v57;
	[tilespmem:s18+$0x3A70] =	vst v45  }
0x1dc: {  	v40 =	vmul.f32 v41, v5;
	v41 =	vmul.f32 v44, v6;
	v30 =	vld [tilespmem:s18+$0x4200];
	[tilespmem:s18+$0x3A40] =	vst v7;
	v7 =	vadd.f32 v37, v36  }
0x1dd: {  	v44 =	vmul.f32 v48, v5;
	v52 =	vadd.f32 v47, v46;
	v58 =	vld [tilespmem:s18+$0x4250];
	v45 =	vmul.f32 v51, v6;
	[tilespmem:s18+$0x3A30] =	vst v61  }
0x1de: {  	v63 =	vmul.f32 v50, v6;
	v50 =	vmul.f32 v19, v6;
	v28 =	vld [tilespmem:s18+$0x3E70];
	[tilespmem:s18+$0x3A60] =	vst v7;
	v7 =	vadd.f32 v43, v42  }
0x1df: {  	v56 =	vmul.f32 v22, v5;
	v53 =	vmul.f32 v20, v5;
	v29 =	vld [tilespmem:s18+$0xFE70];
	[tilespmem:s18+$0x3E10] =	vst v52;
	v48 =	vadd.f32 v45, v44  }
0x1e0: {  	v57 =	vmul.f32 v23, v6;
	v61 =	vmul.f32 v25, v6;
	v25 =	vld [tilespmem:s18+$0x4260];
	[tilespmem:s18+$0x3E00] =	vst v7;
	v7 =	vadd.f32 v50, v49  }
0x1e1: {  	[tilespmem:s18+$0x4230] =	vst v48;
	v38 =	vld [tilespmem:s18+$0x10210];
	v39 =	vadd.f32 v63, v62;
	v63 =	vmul.f32 v26, v5;
	v54 =	vmul.f32 v21, v6  }
0x1e2: {  	v62 =	vld [tilespmem:s18+$0x10250];
	v60 =	vmul.f32 v24, v5;
	v24 =	vmul.f32 v27, v6;
	[tilespmem:s18+$0x3E20] =	vst v7;
	v7 =	vadd.f32 v57, v56  }
0x1e3: {  	v34 =	vmul.f32 v31, v6;
	v30 =	vmul.f32 v30, v5;
	[tilespmem:s18+$0x3A50] =	vst v39;
	v55 =	vld [tilespmem:s18+$0x4240];
	v59 =	vadd.f32 v54, v53  }
0x1e4: {  	v27 =	vmul.f32 v28, v5;
	v28 =	vmul.f32 v29, v6;
	v29 =	vld [tilespmem:s18+$0x10260];
	[tilespmem:s18+$0x3E40] =	vst v7;
	v7 =	vadd.f32 v24, v63  }
0x1e5: {  	v39 =	vld [tilespmem:s18+$0x10270];
	[tilespmem:s18+$0x3E30] =	vst v59;
	v26 =	vadd.f32 v61, v60  }
0x1e6: {  	v42 =	vld [tilespmem:s18+$0x10240];
	[tilespmem:s18+$0x3E60] =	vst v7;
	v7 =	vadd.f32 v34, v30  }
0x1e7: {  	v38 =	vmul.f32 v38, v6;
	v36 =	vadd.f32 v28, v27;
	v37 =	vmul.f32 v32, v5;
	[tilespmem:s18+$0x3E50] =	vst v26  }
0x1e8: {  	v46 =	vmul.f32 v58, v5;
	v47 =	vmul.f32 v62, v6;
	[tilespmem:s18+$0x4200] =	vst v7;
	v7 =	vadd.f32 v41, v40  }
0x1e9: {  	[tilespmem:s18+$0x3E70] =	vst v36;
	v43 =	vadd.f32 v38, v37;
	v49 =	vmul.f32 v25, v5;
	v50 =	vmul.f32 v29, v6  }
0x1ea: {  	v51 =	vmul.f32 v35, v5;
	v52 =	vmul.f32 v39, v6;
	[tilespmem:s18+$0x4220] =	vst v7;
	v7 =	vadd.f32 v47, v46  }
0x1eb: {  	v54 =	vmul.f32 v55, v5;
	[tilespmem:s18+$0x4210] =	vst v43;
	v53 =	vadd.f32 v50, v49;
	v55 =	vmul.f32 v42, v6  }
0x1ec: {  	[tilespmem:s18+$0x4250] =	vst v7;
	v7 =	vadd.f32 v52, v51  }
0x1ed: {  	s19 =	sadd.s32 s19, s14;
	[tilespmem:s18+$0x4260] =	vst v53;
	v56 =	vadd.f32 v55, v54  }
0x1ee: {  	s20 =	sor.u32 $0x4400, s19;
	[tilespmem:s18+$0x4270] =	vst v7  }
0x1ef: {  	[tilespmem:s18+$0x4240] =	vst v56;
	v7 =	vld [tilespmem:s20+$0x200]  }
0x1f0: {  	v8 =	vld [tilespmem:s20+$0xC200];
	_ =	sdelay $0x4  }
0x1f1: {  	v7 =	vmul.f32 v7, v5;
	v8 =	vmul.f32 v8, v6;
	_ =	sdelay $0x1  }
0x1f2: {  	v7 =	vadd.f32 v8, v7;
	_ =	sdelay $0x1  }
0x1f3: {  	[tilespmem:s20+$0x200] =	vst v7;
	s20 =	sor.u32 $0x4410, s19  }
0x1f4: {  	v7 =	vld [tilespmem:s20+$0x200]  }
0x1f5: {  	v57 =	vld [tilespmem:s20+$0xC200];
	_ =	sdelay $0x4  }
0x1f6: {  	v7 =	vmul.f32 v7, v5;
	v8 =	vmul.f32 v57, v6;
	_ =	sdelay $0x1  }
0x1f7: {  	v7 =	vadd.f32 v8, v7;
	_ =	sdelay $0x1  }
0x1f8: {  	[tilespmem:s20+$0x200] =	vst v7;
	s20 =	sor.u32 $0x4420, s19  }
0x1f9: {  	v7 =	vld [tilespmem:s20+$0x200]  }
0x1fa: {  	v58 =	vld [tilespmem:s20+$0xC200];
	_ =	sdelay $0x4  }
0x1fb: {  	v7 =	vmul.f32 v7, v5;
	v8 =	vmul.f32 v58, v6;
	_ =	sdelay $0x1  }
0x1fc: {  	v7 =	vadd.f32 v8, v7;
	_ =	sdelay $0x1  }
0x1fd: {  	[tilespmem:s20+$0x200] =	vst v7;
	s20 =	sor.u32 $0x4430, s19  }
0x1fe: {  	v7 =	vld [tilespmem:s20+$0x200]  }
0x1ff: {  	v59 =	vld [tilespmem:s20+$0xC200];
	_ =	sdelay $0x4  }
0x200: {  	v7 =	vmul.f32 v7, v5;
	v8 =	vmul.f32 v59, v6;
	_ =	sdelay $0x1  }
0x201: {  	v7 =	vadd.f32 v8, v7;
	_ =	sdelay $0x1  }
0x202: {  	[tilespmem:s20+$0x200] =	vst v7;
	s20 =	sor.u32 $0x4440, s19  }
0x203: {  	v7 =	vld [tilespmem:s20+$0x200]  }
0x204: {  	v60 =	vld [tilespmem:s20+$0xC200];
	_ =	sdelay $0x4  }
0x205: {  	v7 =	vmul.f32 v7, v5;
	v8 =	vmul.f32 v60, v6;
	_ =	sdelay $0x1  }
0x206: {  	v7 =	vadd.f32 v8, v7;
	_ =	sdelay $0x1  }
0x207: {  	[tilespmem:s20+$0x200] =	vst v7;
	s20 =	sor.u32 $0x4450, s19  }
0x208: {  	v7 =	vld [tilespmem:s20+$0x200]  }
0x209: {  	v61 =	vld [tilespmem:s20+$0xC200];
	_ =	sdelay $0x4  }
0x20a: {  	v7 =	vmul.f32 v7, v5;
	v8 =	vmul.f32 v61, v6;
	_ =	sdelay $0x1  }
0x20b: {  	v7 =	vadd.f32 v8, v7;
	_ =	sdelay $0x1  }
0x20c: {  	[tilespmem:s20+$0x200] =	vst v7;
	s20 =	sor.u32 $0x4460, s19  }
0x20d: {  	v7 =	vld [tilespmem:s20+$0x200]  }
0x20e: {  	v62 =	vld [tilespmem:s20+$0xC200];
	_ =	sdelay $0x4  }
0x20f: {  	v7 =	vmul.f32 v7, v5;
	v8 =	vmul.f32 v62, v6;
	_ =	sdelay $0x1  }
0x210: {  	v7 =	vadd.f32 v8, v7;
	_ =	sdelay $0x1  }
0x211: {  	[tilespmem:s20+$0x200] =	vst v7;
	s20 =	sor.u32 $0x4470, s19  }
0x212: {  	v7 =	vld [tilespmem:s20+$0x200]  }
0x213: {  	v63 =	vld [tilespmem:s20+$0xC200];
	_ =	sdelay $0x3  }
0x214: {  	p0 =	sne.s32 s15, $0xF  }
.Ltmp1:
0x215: {  	v5 =	vmul.f32 v7, v5;
	v6 =	vmul.f32 v63, v6;
	(pc) =	sbr.rel @p0 .LBB2_4-.Ltmp1, $3  }
0x216: {  	_ = 	snop  }
0x217: {  	v5 =	vadd.f32 v6, v5;
	_ =	sdelay $0x1  }
0x218: {  	s15 =	sadd.s32 $0x1, s15;
	s14 =	sadd.s32 $0x80, s14;
	[tilespmem:s20+$0x200] =	vst v5  }
0x219: {  	s14 =	simm.s32 $0x0  }
0x21a: {  	[hbm4b:s10+s14] =	stream.linear.scatter [tilespmem:s17], [sflag:$0x4], $0x6000, $0x38;
	[tilespmem:$0x18200] =	vst v63  }
0x21b: {  	_ =	swait.ge [sflag:s0], $0x6000  }
0x21c: {  	[sflag:s0] =	ssyncset.done $0x0  }
0x21d: {  	[sflag:s0] =	ssyncadd.s32 $0xFFFFA000  }
0x21e: {  	_ =	swait.ge [sflag:s0], $0x6000  }
0x21f: {  	[sflag:s0] =	ssyncset.done $0x0  }
0x220: {  	[sflag:s0] =	ssyncadd.s32 $0xFFFFA000  }
0x221: {  	v3 =	vld [tilespmem:$0x120]  }
0x222: {  	s15 =	simm.s32 $0x0;
	v4 =	vld [tilespmem:$0x1A0]  }
.LBB2_6:
0x223: {  	s18 =	sshrl.u32 s15, $0x3  }
0x224: {  	s18 =	smul.u32 $0x1800, s18  }
0x225: {  	s19 =	sand.u32 $0x380, s14  }
0x226: {  	s18 =	sor.u32 s19, s18  }
0x227: {  	v7 =	vld [tilespmem:s18+$0x6200]  }
0x228: {  	v8 =	vld [tilespmem:s18+$0x12200]  }
0x229: {  	v9 =	vld [tilespmem:s18+$0x6210]  }
0x22a: {  	v10 =	vld [tilespmem:s18+$0x12210]  }
0x22b: {  	v11 =	vld [tilespmem:s18+$0x6220]  }
0x22c: {  	v12 =	vld [tilespmem:s18+$0x12220]  }
0x22d: {  	v13 =	vld [tilespmem:s18+$0x6230]  }
0x22e: {  	v14 =	vld [tilespmem:s18+$0x12230]  }
0x22f: {  	v15 =	vld [tilespmem:s18+$0x6240]  }
0x230: {  	v16 =	vld [tilespmem:s18+$0x12240]  }
0x231: {  	v17 =	vld [tilespmem:s18+$0x6250]  }
0x232: {  	v18 =	vld [tilespmem:s18+$0x12250]  }
0x233: {  	v19 =	vld [tilespmem:s18+$0x6260]  }
0x234: {  	v20 =	vld [tilespmem:s18+$0x12260]  }
0x235: {  	v21 =	vld [tilespmem:s18+$0x6270]  }
0x236: {  	v5 =	vmov s15;
	v22 =	vld [tilespmem:s18+$0x12270]  }
0x237: {  	v5 =	vand.u32 $0xF, v5;
	v23 =	vld [tilespmem:s18+$0x6600]  }
0x238: {  	v6 =	vbroadcast v5, $0x0;
	v24 =	vld [tilespmem:s18+$0x12600]  }
0x239: {  	v25 =	vld [tilespmem:s18+$0x6610]  }
0x23a: {  	v5 =	vperm.xlane v3, v6;
	v6 =	vperm.xlane v4, v6;
	v26 =	vld [tilespmem:s18+$0x12610]  }
0x23b: {  	v27 =	vld [tilespmem:s18+$0x6620]  }
0x23c: {  	v28 =	vld [tilespmem:s18+$0x12620];
	v7 =	vmul.f32 v7, v5;
	v8 =	vmul.f32 v8, v6  }
0x23d: {  	v29 =	vld [tilespmem:s18+$0x6630];
	v9 =	vmul.f32 v9, v5;
	v10 =	vmul.f32 v10, v6  }
0x23e: {  	v34 =	vld [tilespmem:s18+$0x12630];
	v35 =	vmul.f32 v13, v5;
	v36 =	vmul.f32 v14, v6;
	v7 =	vadd.f32 v8, v7  }
0x23f: {  	v37 =	vld [tilespmem:s18+$0x6640];
	v32 =	vmul.f32 v11, v5;
	v33 =	vmul.f32 v12, v6;
	v9 =	vadd.f32 v10, v9  }
0x240: {  	v40 =	vld [tilespmem:s18+$0x12640];
	v42 =	vmul.f32 v17, v5;
	v43 =	vmul.f32 v18, v6;
	v41 =	vadd.f32 v36, v35;
	[tilespmem:s18+$0x6200] =	vst v7  }
0x241: {  	v44 =	vld [tilespmem:s18+$0x6650];
	v38 =	vmul.f32 v15, v5;
	v39 =	vmul.f32 v16, v6;
	v7 =	vadd.f32 v33, v32;
	[tilespmem:s18+$0x6210] =	vst v9  }
0x242: {  	v47 =	vld [tilespmem:s18+$0x12650];
	v49 =	vmul.f32 v21, v5;
	v50 =	vmul.f32 v22, v6;
	v48 =	vadd.f32 v43, v42;
	[tilespmem:s18+$0x6230] =	vst v41  }
0x243: {  	v51 =	vld [tilespmem:s18+$0x6660];
	v45 =	vmul.f32 v19, v5;
	v46 =	vmul.f32 v20, v6;
	[tilespmem:s18+$0x6220] =	vst v7;
	v7 =	vadd.f32 v39, v38  }
0x244: {  	v58 =	vld [tilespmem:s18+$0x6670];
	v56 =	vmul.f32 v25, v5;
	v57 =	vmul.f32 v26, v6;
	v55 =	vadd.f32 v50, v49;
	[tilespmem:s18+$0x6250] =	vst v48  }
0x245: {  	v61 =	vld [tilespmem:s18+$0x12670];
	v52 =	vmul.f32 v23, v5;
	v53 =	vmul.f32 v24, v6;
	[tilespmem:s18+$0x6240] =	vst v7;
	v7 =	vadd.f32 v46, v45  }
0x246: {  	v54 =	vld [tilespmem:s18+$0x12660];
	v63 =	vmul.f32 v29, v5;
	v12 =	vmul.f32 v34, v6;
	v62 =	vadd.f32 v57, v56;
	[tilespmem:s18+$0x6270] =	vst v55  }
0x247: {  	v59 =	vmul.f32 v27, v5;
	v60 =	vmul.f32 v28, v6;
	[tilespmem:s18+$0x6260] =	vst v7;
	v7 =	vadd.f32 v53, v52  }
0x248: {  	v25 =	vmul.f32 v44, v5;
	v26 =	vmul.f32 v47, v6;
	v24 =	vadd.f32 v12, v63;
	[tilespmem:s18+$0x6610] =	vst v62  }
0x249: {  	v22 =	vmul.f32 v37, v5;
	v23 =	vmul.f32 v40, v6;
	[tilespmem:s18+$0x6600] =	vst v7;
	v7 =	vadd.f32 v60, v59  }
0x24a: {  	v30 =	vmul.f32 v58, v5;
	v31 =	vmul.f32 v61, v6;
	v29 =	vadd.f32 v26, v25;
	[tilespmem:s18+$0x6630] =	vst v24  }
0x24b: {  	v27 =	vmul.f32 v51, v5;
	v28 =	vmul.f32 v54, v6;
	[tilespmem:s18+$0x6620] =	vst v7;
	v7 =	vadd.f32 v23, v22  }
0x24c: {  	[tilespmem:s18+$0x6650] =	vst v29;
	v32 =	vadd.f32 v31, v30  }
0x24d: {  	[tilespmem:s18+$0x6640] =	vst v7;
	v7 =	vadd.f32 v28, v27  }
0x24e: {  	[tilespmem:s18+$0x6670] =	vst v32  }
0x24f: {  	s19 =	sadd.s32 $0x6800, s18;
	[tilespmem:s18+$0x6660] =	vst v7;
	v7 =	vld [tilespmem:s18+$0x6A00]  }
0x250: {  	v8 =	vld [tilespmem:s19+$0xC200];
	_ =	sdelay $0x4  }
0x251: {  	v7 =	vmul.f32 v7, v5;
	v8 =	vmul.f32 v8, v6;
	_ =	sdelay $0x1  }
0x252: {  	v7 =	vadd.f32 v8, v7;
	_ =	sdelay $0x1  }
0x253: {  	[tilespmem:s18+$0x6A00] =	vst v7;
	v7 =	vld [tilespmem:s18+$0x6A10]  }
0x254: {  	v33 =	vld [tilespmem:s19+$0xC210];
	_ =	sdelay $0x4  }
0x255: {  	v7 =	vmul.f32 v7, v5;
	v8 =	vmul.f32 v33, v6;
	_ =	sdelay $0x1  }
0x256: {  	v7 =	vadd.f32 v8, v7;
	_ =	sdelay $0x1  }
0x257: {  	[tilespmem:s18+$0x6A10] =	vst v7;
	v7 =	vld [tilespmem:s18+$0x6A20]  }
0x258: {  	v34 =	vld [tilespmem:s19+$0xC220];
	_ =	sdelay $0x4  }
0x259: {  	v7 =	vmul.f32 v7, v5;
	v8 =	vmul.f32 v34, v6;
	_ =	sdelay $0x1  }
0x25a: {  	v7 =	vadd.f32 v8, v7;
	_ =	sdelay $0x1  }
0x25b: {  	[tilespmem:s18+$0x6A20] =	vst v7;
	v7 =	vld [tilespmem:s18+$0x6A30]  }
0x25c: {  	v35 =	vld [tilespmem:s19+$0xC230];
	_ =	sdelay $0x4  }
0x25d: {  	v7 =	vmul.f32 v7, v5;
	v8 =	vmul.f32 v35, v6;
	_ =	sdelay $0x1  }
0x25e: {  	v7 =	vadd.f32 v8, v7;
	_ =	sdelay $0x1  }
0x25f: {  	[tilespmem:s18+$0x6A30] =	vst v7;
	v7 =	vld [tilespmem:s18+$0x6A40]  }
0x260: {  	v36 =	vld [tilespmem:s19+$0xC240];
	_ =	sdelay $0x4  }
0x261: {  	v7 =	vmul.f32 v7, v5;
	v8 =	vmul.f32 v36, v6;
	_ =	sdelay $0x1  }
0x262: {  	v7 =	vadd.f32 v8, v7;
	_ =	sdelay $0x1  }
0x263: {  	[tilespmem:s18+$0x6A40] =	vst v7;
	v7 =	vld [tilespmem:s18+$0x6A50]  }
0x264: {  	v37 =	vld [tilespmem:s19+$0xC250];
	_ =	sdelay $0x4  }
0x265: {  	v7 =	vmul.f32 v7, v5;
	v8 =	vmul.f32 v37, v6;
	_ =	sdelay $0x1  }
0x266: {  	v7 =	vadd.f32 v8, v7;
	_ =	sdelay $0x1  }
0x267: {  	[tilespmem:s18+$0x6A50] =	vst v7;
	v7 =	vld [tilespmem:s18+$0x6A60]  }
0x268: {  	v38 =	vld [tilespmem:s19+$0xC260];
	_ =	sdelay $0x4  }
0x269: {  	v7 =	vmul.f32 v7, v5;
	v8 =	vmul.f32 v38, v6;
	_ =	sdelay $0x1  }
0x26a: {  	v7 =	vadd.f32 v8, v7;
	_ =	sdelay $0x1  }
0x26b: {  	[tilespmem:s18+$0x6A60] =	vst v7;
	v7 =	vld [tilespmem:s18+$0x6A70]  }
0x26c: {  	v39 =	vld [tilespmem:s19+$0xC270];
	_ =	sdelay $0x4  }
0x26d: {  	v7 =	vmul.f32 v7, v5;
	v8 =	vmul.f32 v39, v6;
	_ =	sdelay $0x1  }
0x26e: {  	v7 =	vadd.f32 v8, v7;
	_ =	sdelay $0x1  }
0x26f: {  	s20 =	sadd.s32 $0x6C00, s18;
	[tilespmem:s18+$0x6A70] =	vst v7;
	v7 =	vld [tilespmem:s18+$0x6E00]  }
0x270: {  	v40 =	vld [tilespmem:s20+$0xC200];
	_ =	sdelay $0x4  }
0x271: {  	v7 =	vmul.f32 v7, v5;
	v8 =	vmul.f32 v40, v6;
	_ =	sdelay $0x1  }
0x272: {  	v7 =	vadd.f32 v8, v7;
	_ =	sdelay $0x1  }
0x273: {  	[tilespmem:s18+$0x6E00] =	vst v7;
	v7 =	vld [tilespmem:s18+$0x6E10]  }
0x274: {  	v41 =	vld [tilespmem:s20+$0xC210];
	_ =	sdelay $0x4  }
0x275: {  	v7 =	vmul.f32 v7, v5;
	v8 =	vmul.f32 v41, v6;
	_ =	sdelay $0x1  }
0x276: {  	v7 =	vadd.f32 v8, v7;
	_ =	sdelay $0x1  }
0x277: {  	[tilespmem:s18+$0x6E10] =	vst v7;
	v7 =	vld [tilespmem:s18+$0x6E20]  }
0x278: {  	v42 =	vld [tilespmem:s20+$0xC220];
	_ =	sdelay $0x4  }
0x279: {  	v7 =	vmul.f32 v7, v5;
	v8 =	vmul.f32 v42, v6;
	_ =	sdelay $0x1  }
0x27a: {  	v7 =	vadd.f32 v8, v7;
	_ =	sdelay $0x1  }
0x27b: {  	[tilespmem:s18+$0x6E20] =	vst v7;
	v7 =	vld [tilespmem:s18+$0x6E30]  }
0x27c: {  	v43 =	vld [tilespmem:s20+$0xC230];
	_ =	sdelay $0x4  }
0x27d: {  	v7 =	vmul.f32 v7, v5;
	v8 =	vmul.f32 v43, v6;
	_ =	sdelay $0x1  }
0x27e: {  	v7 =	vadd.f32 v8, v7;
	_ =	sdelay $0x1  }
0x27f: {  	[tilespmem:s18+$0x6E30] =	vst v7;
	v7 =	vld [tilespmem:s18+$0x6E40]  }
0x280: {  	v44 =	vld [tilespmem:s20+$0xC240];
	_ =	sdelay $0x4  }
0x281: {  	v7 =	vmul.f32 v7, v5;
	v8 =	vmul.f32 v44, v6;
	_ =	sdelay $0x1  }
0x282: {  	v7 =	vadd.f32 v8, v7;
	_ =	sdelay $0x1  }
0x283: {  	[tilespmem:s18+$0x6E40] =	vst v7;
	v7 =	vld [tilespmem:s18+$0x6E50]  }
0x284: {  	v45 =	vld [tilespmem:s20+$0xC250];
	_ =	sdelay $0x4  }
0x285: {  	v7 =	vmul.f32 v7, v5;
	v8 =	vmul.f32 v45, v6;
	_ =	sdelay $0x1  }
0x286: {  	v7 =	vadd.f32 v8, v7;
	_ =	sdelay $0x1  }
0x287: {  	[tilespmem:s18+$0x6E50] =	vst v7;
	v7 =	vld [tilespmem:s18+$0x6E60]  }
0x288: {  	v46 =	vld [tilespmem:s20+$0xC260];
	_ =	sdelay $0x4  }
0x289: {  	v7 =	vmul.f32 v7, v5;
	v8 =	vmul.f32 v46, v6;
	_ =	sdelay $0x1  }
0x28a: {  	v7 =	vadd.f32 v8, v7;
	_ =	sdelay $0x1  }
0x28b: {  	[tilespmem:s18+$0x6E60] =	vst v7;
	v7 =	vld [tilespmem:s18+$0x6E70]  }
0x28c: {  	v47 =	vld [tilespmem:s20+$0xC270];
	_ =	sdelay $0x4  }
0x28d: {  	v7 =	vmul.f32 v7, v5;
	v8 =	vmul.f32 v47, v6;
	_ =	sdelay $0x1  }
0x28e: {  	v7 =	vadd.f32 v8, v7;
	_ =	sdelay $0x1  }
0x28f: {  	s20 =	sadd.s32 $0x7000, s18;
	[tilespmem:s18+$0x6E70] =	vst v7;
	v7 =	vld [tilespmem:s18+$0x7200]  }
0x290: {  	v48 =	vld [tilespmem:s20+$0xC200];
	_ =	sdelay $0x4  }
0x291: {  	v7 =	vmul.f32 v7, v5;
	v8 =	vmul.f32 v48, v6;
	_ =	sdelay $0x1  }
0x292: {  	v7 =	vadd.f32 v8, v7;
	_ =	sdelay $0x1  }
0x293: {  	[tilespmem:s18+$0x7200] =	vst v7;
	v7 =	vld [tilespmem:s18+$0x7210]  }
0x294: {  	v49 =	vld [tilespmem:s20+$0xC210];
	_ =	sdelay $0x4  }
0x295: {  	v7 =	vmul.f32 v7, v5;
	v8 =	vmul.f32 v49, v6;
	_ =	sdelay $0x1  }
0x296: {  	v7 =	vadd.f32 v8, v7;
	_ =	sdelay $0x1  }
0x297: {  	[tilespmem:s18+$0x7210] =	vst v7;
	v7 =	vld [tilespmem:s18+$0x7220]  }
0x298: {  	v50 =	vld [tilespmem:s20+$0xC220];
	_ =	sdelay $0x4  }
0x299: {  	v7 =	vmul.f32 v7, v5;
	v8 =	vmul.f32 v50, v6;
	_ =	sdelay $0x1  }
0x29a: {  	v7 =	vadd.f32 v8, v7;
	_ =	sdelay $0x1  }
0x29b: {  	[tilespmem:s18+$0x7220] =	vst v7;
	v7 =	vld [tilespmem:s18+$0x7230]  }
0x29c: {  	v51 =	vld [tilespmem:s20+$0xC230];
	_ =	sdelay $0x4  }
0x29d: {  	v7 =	vmul.f32 v7, v5;
	v8 =	vmul.f32 v51, v6;
	_ =	sdelay $0x1  }
0x29e: {  	v7 =	vadd.f32 v8, v7;
	_ =	sdelay $0x1  }
0x29f: {  	[tilespmem:s18+$0x7230] =	vst v7;
	v7 =	vld [tilespmem:s18+$0x7240]  }
0x2a0: {  	v52 =	vld [tilespmem:s20+$0xC240];
	_ =	sdelay $0x4  }
0x2a1: {  	v7 =	vmul.f32 v7, v5;
	v8 =	vmul.f32 v52, v6;
	_ =	sdelay $0x1  }
0x2a2: {  	v7 =	vadd.f32 v8, v7;
	_ =	sdelay $0x1  }
0x2a3: {  	[tilespmem:s18+$0x7240] =	vst v7;
	v7 =	vld [tilespmem:s18+$0x7250]  }
0x2a4: {  	v53 =	vld [tilespmem:s20+$0xC250];
	_ =	sdelay $0x4  }
0x2a5: {  	v7 =	vmul.f32 v7, v5;
	v8 =	vmul.f32 v53, v6;
	_ =	sdelay $0x1  }
0x2a6: {  	v7 =	vadd.f32 v8, v7;
	_ =	sdelay $0x1  }
0x2a7: {  	[tilespmem:s18+$0x7250] =	vst v7;
	v7 =	vld [tilespmem:s18+$0x7260]  }
0x2a8: {  	v54 =	vld [tilespmem:s20+$0xC260];
	_ =	sdelay $0x4  }
0x2a9: {  	v7 =	vmul.f32 v7, v5;
	v8 =	vmul.f32 v54, v6;
	_ =	sdelay $0x1  }
0x2aa: {  	v7 =	vadd.f32 v8, v7;
	_ =	sdelay $0x1  }
0x2ab: {  	[tilespmem:s18+$0x7260] =	vst v7;
	v7 =	vld [tilespmem:s18+$0x7270]  }
0x2ac: {  	v55 =	vld [tilespmem:s20+$0xC270];
	_ =	sdelay $0x4  }
0x2ad: {  	v7 =	vmul.f32 v7, v5;
	v8 =	vmul.f32 v55, v6;
	_ =	sdelay $0x1  }
0x2ae: {  	v7 =	vadd.f32 v8, v7;
	_ =	sdelay $0x1  }
0x2af: {  	s20 =	sadd.s32 $0x7400, s18;
	[tilespmem:s18+$0x7270] =	vst v7;
	v7 =	vld [tilespmem:s18+$0x7600]  }
0x2b0: {  	v56 =	vld [tilespmem:s20+$0xC200];
	_ =	sdelay $0x4  }
0x2b1: {  	v7 =	vmul.f32 v7, v5;
	v8 =	vmul.f32 v56, v6;
	_ =	sdelay $0x1  }
0x2b2: {  	v7 =	vadd.f32 v8, v7;
	_ =	sdelay $0x1  }
0x2b3: {  	[tilespmem:s18+$0x7600] =	vst v7;
	v7 =	vld [tilespmem:s18+$0x7610]  }
0x2b4: {  	v57 =	vld [tilespmem:s20+$0xC210];
	_ =	sdelay $0x4  }
0x2b5: {  	v7 =	vmul.f32 v7, v5;
	v8 =	vmul.f32 v57, v6;
	_ =	sdelay $0x1  }
0x2b6: {  	v7 =	vadd.f32 v8, v7;
	_ =	sdelay $0x1  }
0x2b7: {  	[tilespmem:s18+$0x7610] =	vst v7;
	v7 =	vld [tilespmem:s18+$0x7620]  }
0x2b8: {  	v58 =	vld [tilespmem:s20+$0xC220];
	_ =	sdelay $0x4  }
0x2b9: {  	v7 =	vmul.f32 v7, v5;
	v8 =	vmul.f32 v58, v6;
	_ =	sdelay $0x1  }
0x2ba: {  	v7 =	vadd.f32 v8, v7;
	_ =	sdelay $0x1  }
0x2bb: {  	[tilespmem:s18+$0x7620] =	vst v7;
	v7 =	vld [tilespmem:s18+$0x7630]  }
0x2bc: {  	v59 =	vld [tilespmem:s20+$0xC230];
	_ =	sdelay $0x4  }
0x2bd: {  	v7 =	vmul.f32 v7, v5;
	v8 =	vmul.f32 v59, v6;
	_ =	sdelay $0x1  }
0x2be: {  	v7 =	vadd.f32 v8, v7;
	_ =	sdelay $0x1  }
0x2bf: {  	[tilespmem:s18+$0x7630] =	vst v7;
	v7 =	vld [tilespmem:s18+$0x7640]  }
0x2c0: {  	v60 =	vld [tilespmem:s20+$0xC240];
	_ =	sdelay $0x4  }
0x2c1: {  	v7 =	vmul.f32 v7, v5;
	v8 =	vmul.f32 v60, v6;
	_ =	sdelay $0x1  }
0x2c2: {  	v7 =	vadd.f32 v8, v7;
	_ =	sdelay $0x1  }
0x2c3: {  	[tilespmem:s18+$0x7640] =	vst v7;
	v7 =	vld [tilespmem:s18+$0x7650]  }
0x2c4: {  	v61 =	vld [tilespmem:s20+$0xC250];
	_ =	sdelay $0x4  }
0x2c5: {  	v7 =	vmul.f32 v7, v5;
	v8 =	vmul.f32 v61, v6;
	_ =	sdelay $0x1  }
0x2c6: {  	v7 =	vadd.f32 v8, v7;
	_ =	sdelay $0x1  }
0x2c7: {  	[tilespmem:s18+$0x7650] =	vst v7;
	v7 =	vld [tilespmem:s18+$0x7660]  }
0x2c8: {  	v62 =	vld [tilespmem:s20+$0xC260];
	_ =	sdelay $0x4  }
0x2c9: {  	v7 =	vmul.f32 v7, v5;
	v8 =	vmul.f32 v62, v6;
	_ =	sdelay $0x1  }
0x2ca: {  	v7 =	vadd.f32 v8, v7;
	_ =	sdelay $0x1  }
0x2cb: {  	[tilespmem:s18+$0x7660] =	vst v7;
	v7 =	vld [tilespmem:s18+$0x7670]  }
0x2cc: {  	v63 =	vld [tilespmem:s20+$0xC270];
	_ =	sdelay $0x3  }
0x2cd: {  	p0 =	sne.s32 s15, $0xF  }
.Ltmp2:
0x2ce: {  	v5 =	vmul.f32 v7, v5;
	v6 =	vmul.f32 v63, v6;
	(pc) =	sbr.rel @p0 .LBB2_6-.Ltmp2, $3  }
0x2cf: {  	_ = 	snop  }
0x2d0: {  	v5 =	vadd.f32 v6, v5;
	_ =	sdelay $0x1  }
0x2d1: {  	s14 =	sadd.s32 $0x80, s14;
	s15 =	sadd.s32 $0x1, s15;
	[tilespmem:s18+$0x7670] =	vst v5  }
0x2d2: {  	v3 =	vld [tilespmem:$0x130]  }
0x2d3: {  	s14 =	simm.s32 $0x0;
	v4 =	vld [tilespmem:$0x1B0];
	s15 =	simm.s32 $0x0  }
.LBB2_8:
0x2d4: {  	s18 =	sshrl.u32 s15, $0x3  }
0x2d5: {  	s19 =	smul.u32 $0x1800, s18  }
0x2d6: {  	s20 =	sand.u32 $0x380, s14  }
0x2d7: {  	s18 =	sor.u32 s20, s19  }
0x2d8: {  	v5 =	vmov s15;
	s20 =	sadd.s32 $0x9000, s18;
	v7 =	vld [tilespmem:s18+$0x9200]  }
0x2d9: {  	v5 =	vand.u32 $0xF, v5;
	v8 =	vld [tilespmem:s20+$0xC200]  }
0x2da: {  	v6 =	vbroadcast v5, $0x0;
	_ =	sdelay $0x1  }
0x2db: {  	v5 =	vperm.xlane v3, v6;
	v6 =	vperm.xlane v4, v6;
	_ =	sdelay $0x1  }
0x2dc: {  	v7 =	vmul.f32 v7, v5;
	v8 =	vmul.f32 v8, v6;
	_ =	sdelay $0x1  }
0x2dd: {  	v7 =	vadd.f32 v8, v7;
	_ =	sdelay $0x1  }
0x2de: {  	[tilespmem:s18+$0x9200] =	vst v7;
	v7 =	vld [tilespmem:s18+$0x9210]  }
0x2df: {  	v60 =	vld [tilespmem:s20+$0xC210];
	_ =	sdelay $0x4  }
0x2e0: {  	v7 =	vmul.f32 v7, v5;
	v8 =	vmul.f32 v60, v6;
	_ =	sdelay $0x1  }
0x2e1: {  	v7 =	vadd.f32 v8, v7;
	_ =	sdelay $0x1  }
0x2e2: {  	[tilespmem:s18+$0x9210] =	vst v7;
	v7 =	vld [tilespmem:s18+$0x9220]  }
0x2e3: {  	v61 =	vld [tilespmem:s20+$0xC220];
	_ =	sdelay $0x4  }
0x2e4: {  	v7 =	vmul.f32 v7, v5;
	v8 =	vmul.f32 v61, v6;
	_ =	sdelay $0x1  }
0x2e5: {  	v7 =	vadd.f32 v8, v7;
	_ =	sdelay $0x1  }
0x2e6: {  	[tilespmem:s18+$0x9220] =	vst v7;
	v7 =	vld [tilespmem:s18+$0x9230]  }
0x2e7: {  	v62 =	vld [tilespmem:s20+$0xC230];
	_ =	sdelay $0x4  }
0x2e8: {  	v7 =	vmul.f32 v7, v5;
	v8 =	vmul.f32 v62, v6;
	_ =	sdelay $0x1  }
0x2e9: {  	v7 =	vadd.f32 v8, v7;
	_ =	sdelay $0x1  }
0x2ea: {  	[tilespmem:s18+$0x9230] =	vst v7;
	v7 =	vld [tilespmem:s18+$0x9240]  }
0x2eb: {  	v63 =	vld [tilespmem:s20+$0xC240];
	_ =	sdelay $0x4  }
0x2ec: {  	v7 =	vmul.f32 v7, v5;
	v8 =	vmul.f32 v63, v6;
	_ =	sdelay $0x1  }
0x2ed: {  	v7 =	vadd.f32 v8, v7;
	_ =	sdelay $0x1  }
0x2ee: {  	[tilespmem:s18+$0x9240] =	vst v7;
	v7 =	vld [tilespmem:s18+$0x9250]  }
0x2ef: {  	v12 =	vld [tilespmem:s20+$0xC250];
	_ =	sdelay $0x4  }
0x2f0: {  	v7 =	vmul.f32 v7, v5;
	v8 =	vmul.f32 v12, v6;
	_ =	sdelay $0x1  }
0x2f1: {  	v7 =	vadd.f32 v8, v7;
	_ =	sdelay $0x1  }
0x2f2: {  	[tilespmem:s18+$0x9250] =	vst v7;
	v7 =	vld [tilespmem:s18+$0x9260]  }
0x2f3: {  	v13 =	vld [tilespmem:s20+$0xC260];
	_ =	sdelay $0x4  }
0x2f4: {  	v7 =	vmul.f32 v7, v5;
	v8 =	vmul.f32 v13, v6;
	_ =	sdelay $0x1  }
0x2f5: {  	v7 =	vadd.f32 v8, v7;
	_ =	sdelay $0x1  }
0x2f6: {  	[tilespmem:s18+$0x9260] =	vst v7;
	v7 =	vld [tilespmem:s18+$0x9270]  }
0x2f7: {  	v14 =	vld [tilespmem:s20+$0xC270];
	_ =	sdelay $0x4  }
0x2f8: {  	v7 =	vmul.f32 v7, v5;
	v8 =	vmul.f32 v14, v6;
	_ =	sdelay $0x1  }
0x2f9: {  	v7 =	vadd.f32 v8, v7;
	_ =	sdelay $0x1  }
0x2fa: {  	[tilespmem:s18+$0x9270] =	vst v7;
	v7 =	vld [tilespmem:s18+$0x9600]  }
0x2fb: {  	v15 =	vld [tilespmem:s20+$0xC600];
	_ =	sdelay $0x4  }
0x2fc: {  	v7 =	vmul.f32 v7, v5;
	v8 =	vmul.f32 v15, v6;
	_ =	sdelay $0x1  }
0x2fd: {  	v7 =	vadd.f32 v8, v7;
	_ =	sdelay $0x1  }
0x2fe: {  	[tilespmem:s18+$0x9600] =	vst v7;
	v7 =	vld [tilespmem:s18+$0x9610]  }
0x2ff: {  	v16 =	vld [tilespmem:s20+$0xC610];
	_ =	sdelay $0x4  }
0x300: {  	v7 =	vmul.f32 v7, v5;
	v8 =	vmul.f32 v16, v6;
	_ =	sdelay $0x1  }
0x301: {  	v7 =	vadd.f32 v8, v7;
	_ =	sdelay $0x1  }
0x302: {  	[tilespmem:s18+$0x9610] =	vst v7;
	v7 =	vld [tilespmem:s18+$0x9620]  }
0x303: {  	v17 =	vld [tilespmem:s20+$0xC620];
	_ =	sdelay $0x4  }
0x304: {  	v7 =	vmul.f32 v7, v5;
	v8 =	vmul.f32 v17, v6;
	_ =	sdelay $0x1  }
0x305: {  	v7 =	vadd.f32 v8, v7;
	_ =	sdelay $0x1  }
0x306: {  	[tilespmem:s18+$0x9620] =	vst v7;
	v7 =	vld [tilespmem:s18+$0x9630]  }
0x307: {  	v18 =	vld [tilespmem:s20+$0xC630];
	_ =	sdelay $0x4  }
0x308: {  	v7 =	vmul.f32 v7, v5;
	v8 =	vmul.f32 v18, v6;
	_ =	sdelay $0x1  }
0x309: {  	v7 =	vadd.f32 v8, v7;
	_ =	sdelay $0x1  }
0x30a: {  	[tilespmem:s18+$0x9630] =	vst v7;
	v7 =	vld [tilespmem:s18+$0x9640]  }
0x30b: {  	v19 =	vld [tilespmem:s20+$0xC640];
	_ =	sdelay $0x4  }
0x30c: {  	v7 =	vmul.f32 v7, v5;
	v8 =	vmul.f32 v19, v6;
	_ =	sdelay $0x1  }
0x30d: {  	v7 =	vadd.f32 v8, v7;
	_ =	sdelay $0x1  }
0x30e: {  	[tilespmem:s18+$0x9640] =	vst v7;
	v7 =	vld [tilespmem:s18+$0x9650]  }
0x30f: {  	v20 =	vld [tilespmem:s20+$0xC650];
	_ =	sdelay $0x4  }
0x310: {  	v7 =	vmul.f32 v7, v5;
	v8 =	vmul.f32 v20, v6;
	_ =	sdelay $0x1  }
0x311: {  	v7 =	vadd.f32 v8, v7;
	_ =	sdelay $0x1  }
0x312: {  	[tilespmem:s18+$0x9650] =	vst v7;
	v7 =	vld [tilespmem:s18+$0x9660]  }
0x313: {  	v21 =	vld [tilespmem:s20+$0xC660];
	_ =	sdelay $0x4  }
0x314: {  	v7 =	vmul.f32 v7, v5;
	v8 =	vmul.f32 v21, v6;
	_ =	sdelay $0x1  }
0x315: {  	v7 =	vadd.f32 v8, v7;
	_ =	sdelay $0x1  }
0x316: {  	[tilespmem:s18+$0x9660] =	vst v7;
	v7 =	vld [tilespmem:s18+$0x9670]  }
0x317: {  	v22 =	vld [tilespmem:s20+$0xC670];
	_ =	sdelay $0x4  }
0x318: {  	v7 =	vmul.f32 v7, v5;
	v8 =	vmul.f32 v22, v6;
	_ =	sdelay $0x1  }
0x319: {  	v7 =	vadd.f32 v8, v7;
	_ =	sdelay $0x1  }
0x31a: {  	s20 =	sadd.s32 $0x9800, s18;
	[tilespmem:s18+$0x9670] =	vst v7;
	v7 =	vld [tilespmem:s18+$0x9A00]  }
0x31b: {  	v23 =	vld [tilespmem:s20+$0xC200];
	_ =	sdelay $0x4  }
0x31c: {  	v7 =	vmul.f32 v7, v5;
	v8 =	vmul.f32 v23, v6;
	_ =	sdelay $0x1  }
0x31d: {  	v7 =	vadd.f32 v8, v7;
	_ =	sdelay $0x1  }
0x31e: {  	[tilespmem:s18+$0x9A00] =	vst v7;
	v7 =	vld [tilespmem:s18+$0x9A10]  }
0x31f: {  	v24 =	vld [tilespmem:s20+$0xC210];
	_ =	sdelay $0x4  }
0x320: {  	v7 =	vmul.f32 v7, v5;
	v8 =	vmul.f32 v24, v6;
	_ =	sdelay $0x1  }
0x321: {  	v7 =	vadd.f32 v8, v7;
	_ =	sdelay $0x1  }
0x322: {  	[tilespmem:s18+$0x9A10] =	vst v7;
	v7 =	vld [tilespmem:s18+$0x9A20]  }
0x323: {  	v25 =	vld [tilespmem:s20+$0xC220];
	_ =	sdelay $0x4  }
0x324: {  	v7 =	vmul.f32 v7, v5;
	v8 =	vmul.f32 v25, v6;
	_ =	sdelay $0x1  }
0x325: {  	v7 =	vadd.f32 v8, v7;
	_ =	sdelay $0x1  }
0x326: {  	[tilespmem:s18+$0x9A20] =	vst v7;
	v7 =	vld [tilespmem:s18+$0x9A30]  }
0x327: {  	v26 =	vld [tilespmem:s20+$0xC230];
	_ =	sdelay $0x4  }
0x328: {  	v7 =	vmul.f32 v7, v5;
	v8 =	vmul.f32 v26, v6;
	_ =	sdelay $0x1  }
0x329: {  	v7 =	vadd.f32 v8, v7;
	_ =	sdelay $0x1  }
0x32a: {  	[tilespmem:s18+$0x9A30] =	vst v7;
	v7 =	vld [tilespmem:s18+$0x9A40]  }
0x32b: {  	v27 =	vld [tilespmem:s20+$0xC240];
	_ =	sdelay $0x4  }
0x32c: {  	v7 =	vmul.f32 v7, v5;
	v8 =	vmul.f32 v27, v6;
	_ =	sdelay $0x1  }
0x32d: {  	v7 =	vadd.f32 v8, v7;
	_ =	sdelay $0x1  }
0x32e: {  	[tilespmem:s18+$0x9A40] =	vst v7;
	v7 =	vld [tilespmem:s18+$0x9A50]  }
0x32f: {  	v28 =	vld [tilespmem:s20+$0xC250];
	_ =	sdelay $0x4  }
0x330: {  	v7 =	vmul.f32 v7, v5;
	v8 =	vmul.f32 v28, v6;
	_ =	sdelay $0x1  }
0x331: {  	v7 =	vadd.f32 v8, v7;
	_ =	sdelay $0x1  }
0x332: {  	[tilespmem:s18+$0x9A50] =	vst v7;
	v7 =	vld [tilespmem:s18+$0x9A60]  }
0x333: {  	v29 =	vld [tilespmem:s20+$0xC260];
	_ =	sdelay $0x4  }
0x334: {  	v7 =	vmul.f32 v7, v5;
	v8 =	vmul.f32 v29, v6;
	_ =	sdelay $0x1  }
0x335: {  	v7 =	vadd.f32 v8, v7;
	_ =	sdelay $0x1  }
0x336: {  	[tilespmem:s18+$0x9A60] =	vst v7;
	v7 =	vld [tilespmem:s18+$0x9A70]  }
0x337: {  	v30 =	vld [tilespmem:s20+$0xC270];
	_ =	sdelay $0x4  }
0x338: {  	v7 =	vmul.f32 v7, v5;
	v8 =	vmul.f32 v30, v6;
	_ =	sdelay $0x1  }
0x339: {  	v7 =	vadd.f32 v8, v7;
	_ =	sdelay $0x1  }
0x33a: {  	s20 =	sadd.s32 $0x9C00, s18;
	[tilespmem:s18+$0x9A70] =	vst v7;
	v7 =	vld [tilespmem:s18+$0x9E00]  }
0x33b: {  	v31 =	vld [tilespmem:s20+$0xC200];
	_ =	sdelay $0x4  }
0x33c: {  	v7 =	vmul.f32 v7, v5;
	v8 =	vmul.f32 v31, v6;
	_ =	sdelay $0x1  }
0x33d: {  	v7 =	vadd.f32 v8, v7;
	_ =	sdelay $0x1  }
0x33e: {  	[tilespmem:s18+$0x9E00] =	vst v7;
	v7 =	vld [tilespmem:s18+$0x9E10]  }
0x33f: {  	v32 =	vld [tilespmem:s20+$0xC210];
	_ =	sdelay $0x4  }
0x340: {  	v7 =	vmul.f32 v7, v5;
	v8 =	vmul.f32 v32, v6;
	_ =	sdelay $0x1  }
0x341: {  	v7 =	vadd.f32 v8, v7;
	_ =	sdelay $0x1  }
0x342: {  	[tilespmem:s18+$0x9E10] =	vst v7;
	v7 =	vld [tilespmem:s18+$0x9E20]  }
0x343: {  	v33 =	vld [tilespmem:s20+$0xC220];
	_ =	sdelay $0x4  }
0x344: {  	v7 =	vmul.f32 v7, v5;
	v8 =	vmul.f32 v33, v6;
	_ =	sdelay $0x1  }
0x345: {  	v7 =	vadd.f32 v8, v7;
	_ =	sdelay $0x1  }
0x346: {  	[tilespmem:s18+$0x9E20] =	vst v7;
	v7 =	vld [tilespmem:s18+$0x9E30]  }
0x347: {  	v34 =	vld [tilespmem:s20+$0xC230];
	_ =	sdelay $0x4  }
0x348: {  	v7 =	vmul.f32 v7, v5;
	v8 =	vmul.f32 v34, v6;
	_ =	sdelay $0x1  }
0x349: {  	v7 =	vadd.f32 v8, v7;
	_ =	sdelay $0x1  }
0x34a: {  	[tilespmem:s18+$0x9E30] =	vst v7;
	v7 =	vld [tilespmem:s18+$0x9E40]  }
0x34b: {  	v35 =	vld [tilespmem:s20+$0xC240];
	_ =	sdelay $0x4  }
0x34c: {  	v7 =	vmul.f32 v7, v5;
	v8 =	vmul.f32 v35, v6;
	_ =	sdelay $0x1  }
0x34d: {  	v7 =	vadd.f32 v8, v7;
	_ =	sdelay $0x1  }
0x34e: {  	[tilespmem:s18+$0x9E40] =	vst v7;
	v7 =	vld [tilespmem:s18+$0x9E50]  }
0x34f: {  	v36 =	vld [tilespmem:s20+$0xC250];
	_ =	sdelay $0x4  }
0x350: {  	v7 =	vmul.f32 v7, v5;
	v8 =	vmul.f32 v36, v6;
	_ =	sdelay $0x1  }
0x351: {  	v7 =	vadd.f32 v8, v7  }
0x352: {  	v9 =	vld [tilespmem:s18+$0xA200]  }
0x353: {  	[tilespmem:s18+$0x9E50] =	vst v7;
	v7 =	vld [tilespmem:s18+$0x9E60]  }
0x354: {  	v37 =	vld [tilespmem:s20+$0xC260]  }
0x355: {  	v10 =	vld [tilespmem:s18+$0x16200]  }
0x356: {  	v11 =	vld [tilespmem:s18+$0xA210]  }
0x357: {  	v41 =	vld [tilespmem:s18+$0x16270]  }
0x358: {  	v44 =	vld [tilespmem:s18+$0x16240]  }
0x359: {  	v12 =	vld [tilespmem:s18+$0x16210];
	v7 =	vmul.f32 v7, v5;
	v8 =	vmul.f32 v37, v6  }
0x35a: {  	v13 =	vld [tilespmem:s18+$0xA220]  }
0x35b: {  	v14 =	vld [tilespmem:s18+$0x16220];
	v7 =	vadd.f32 v8, v7  }
0x35c: {  	v15 =	vld [tilespmem:s18+$0xA230]  }
0x35d: {  	[tilespmem:s18+$0x9E60] =	vst v7;
	v7 =	vld [tilespmem:s18+$0x9E70]  }
0x35e: {  	v38 =	vld [tilespmem:s20+$0xC270]  }
0x35f: {  	v16 =	vld [tilespmem:s18+$0x16230]  }
0x360: {  	v18 =	vld [tilespmem:s18+$0xA250]  }
0x361: {  	v19 =	vld [tilespmem:s18+$0x16250]  }
0x362: {  	v9 =	vmul.f32 v9, v5;
	v10 =	vmul.f32 v10, v6;
	v20 =	vld [tilespmem:s18+$0xA260]  }
0x363: {  	v22 =	vld [tilespmem:s18+$0xA270];
	v7 =	vmul.f32 v7, v5;
	v8 =	vmul.f32 v38, v6  }
0x364: {  	v9 =	vadd.f32 v10, v9;
	v42 =	vmul.f32 v13, v5;
	v43 =	vmul.f32 v14, v6;
	v21 =	vld [tilespmem:s18+$0x16260]  }
0x365: {  	v39 =	vmul.f32 v11, v5;
	v40 =	vmul.f32 v12, v6;
	v17 =	vld [tilespmem:s18+$0xA240];
	v7 =	vadd.f32 v8, v7  }
0x366: {  	v47 =	vadd.f32 v43, v42;
	v48 =	vmul.f32 v18, v5;
	v49 =	vmul.f32 v19, v6;
	[tilespmem:s18+$0xA200] =	vst v9  }
0x367: {  	v45 =	vmul.f32 v15, v5;
	v46 =	vmul.f32 v16, v6;
	[tilespmem:s18+$0x9E70] =	vst v7;
	v7 =	vadd.f32 v40, v39  }
0x368: {  	v12 =	vmul.f32 v41, v6;
	v52 =	vadd.f32 v49, v48;
	v53 =	vmul.f32 v22, v5;
	[tilespmem:s18+$0xA220] =	vst v47  }
0x369: {  	v50 =	vmul.f32 v20, v5;
	v51 =	vmul.f32 v21, v6;
	[tilespmem:s18+$0xA210] =	vst v7;
	v7 =	vadd.f32 v46, v45  }
0x36a: {  	v55 =	vmul.f32 v44, v6;
	v54 =	vmul.f32 v17, v5;
	v56 =	vadd.f32 v12, v53;
	[tilespmem:s18+$0xA250] =	vst v52  }
0x36b: {  	[tilespmem:s18+$0xA230] =	vst v7;
	v7 =	vadd.f32 v51, v50  }
0x36c: {  	s19 =	sadd.s32 s19, s14;
	[tilespmem:s18+$0xA270] =	vst v56;
	v8 =	vadd.f32 v55, v54  }
0x36d: {  	s20 =	sor.u32 $0xA400, s19;
	[tilespmem:s18+$0xA260] =	vst v7  }
0x36e: {  	[tilespmem:s18+$0xA240] =	vst v8;
	v7 =	vld [tilespmem:s20+$0x200]  }
0x36f: {  	v8 =	vld [tilespmem:s20+$0xC200];
	_ =	sdelay $0x4  }
0x370: {  	v7 =	vmul.f32 v7, v5;
	v8 =	vmul.f32 v8, v6;
	_ =	sdelay $0x1  }
0x371: {  	v7 =	vadd.f32 v8, v7;
	_ =	sdelay $0x1  }
0x372: {  	[tilespmem:s20+$0x200] =	vst v7;
	s20 =	sor.u32 $0xA410, s19  }
0x373: {  	v7 =	vld [tilespmem:s20+$0x200]  }
0x374: {  	v57 =	vld [tilespmem:s20+$0xC200];
	_ =	sdelay $0x4  }
0x375: {  	v7 =	vmul.f32 v7, v5;
	v8 =	vmul.f32 v57, v6;
	_ =	sdelay $0x1  }
0x376: {  	v7 =	vadd.f32 v8, v7;
	_ =	sdelay $0x1  }
0x377: {  	[tilespmem:s20+$0x200] =	vst v7;
	s20 =	sor.u32 $0xA420, s19  }
0x378: {  	v7 =	vld [tilespmem:s20+$0x200]  }
0x379: {  	v58 =	vld [tilespmem:s20+$0xC200];
	_ =	sdelay $0x4  }
0x37a: {  	v7 =	vmul.f32 v7, v5;
	v8 =	vmul.f32 v58, v6;
	_ =	sdelay $0x1  }
0x37b: {  	v7 =	vadd.f32 v8, v7;
	_ =	sdelay $0x1  }
0x37c: {  	[tilespmem:s20+$0x200] =	vst v7;
	s20 =	sor.u32 $0xA430, s19  }
0x37d: {  	v7 =	vld [tilespmem:s20+$0x200]  }
0x37e: {  	v59 =	vld [tilespmem:s20+$0xC200];
	_ =	sdelay $0x4  }
0x37f: {  	v7 =	vmul.f32 v7, v5;
	v8 =	vmul.f32 v59, v6;
	_ =	sdelay $0x1  }
0x380: {  	v7 =	vadd.f32 v8, v7;
	_ =	sdelay $0x1  }
0x381: {  	[tilespmem:s20+$0x200] =	vst v7;
	s20 =	sor.u32 $0xA440, s19  }
0x382: {  	v7 =	vld [tilespmem:s20+$0x200]  }
0x383: {  	v60 =	vld [tilespmem:s20+$0xC200];
	_ =	sdelay $0x4  }
0x384: {  	v7 =	vmul.f32 v7, v5;
	v8 =	vmul.f32 v60, v6;
	_ =	sdelay $0x1  }
0x385: {  	v7 =	vadd.f32 v8, v7;
	_ =	sdelay $0x1  }
0x386: {  	[tilespmem:s20+$0x200] =	vst v7;
	s20 =	sor.u32 $0xA450, s19  }
0x387: {  	v7 =	vld [tilespmem:s20+$0x200]  }
0x388: {  	v61 =	vld [tilespmem:s20+$0xC200];
	_ =	sdelay $0x4  }
0x389: {  	v7 =	vmul.f32 v7, v5;
	v8 =	vmul.f32 v61, v6;
	_ =	sdelay $0x1  }
0x38a: {  	v7 =	vadd.f32 v8, v7;
	_ =	sdelay $0x1  }
0x38b: {  	[tilespmem:s20+$0x200] =	vst v7;
	s20 =	sor.u32 $0xA460, s19  }
0x38c: {  	v7 =	vld [tilespmem:s20+$0x200]  }
0x38d: {  	v62 =	vld [tilespmem:s20+$0xC200];
	_ =	sdelay $0x4  }
0x38e: {  	v7 =	vmul.f32 v7, v5;
	v8 =	vmul.f32 v62, v6;
	_ =	sdelay $0x1  }
0x38f: {  	v7 =	vadd.f32 v8, v7;
	_ =	sdelay $0x1  }
0x390: {  	[tilespmem:s20+$0x200] =	vst v7;
	s20 =	sor.u32 $0xA470, s19  }
0x391: {  	v7 =	vld [tilespmem:s20+$0x200]  }
0x392: {  	v63 =	vld [tilespmem:s20+$0xC200];
	_ =	sdelay $0x3  }
0x393: {  	p0 =	sne.s32 s15, $0xF  }
.Ltmp3:
0x394: {  	v5 =	vmul.f32 v7, v5;
	v6 =	vmul.f32 v63, v6;
	(pc) =	sbr.rel @p0 .LBB2_8-.Ltmp3, $3  }
0x395: {  	_ = 	snop  }
0x396: {  	v5 =	vadd.f32 v6, v5;
	_ =	sdelay $0x1  }
0x397: {  	s15 =	sadd.s32 $0x1, s15;
	s14 =	sadd.s32 $0x80, s14;
	[tilespmem:s20+$0x200] =	vst v5  }
0x398: {  	[hbm4b:s11+s2] =	stream.linear.scatter [tilespmem:s23], [sflag:$0x4], $0x6000, $0x38;
	[tilespmem:$0x18200] =	vst v63  }
0x399: {  	s13 =	sadd.s32 $0x1, s13  }
0x39a: {  	_ =	swait.ge [sflag:s1], $0x6000;
	p0 =	sne.s32 s13, s12  }
.Ltmp4:
0x39b: {  	[sflag:s1] =	ssyncset.done $0x0;
	(pc) =	sbr.rel @p0 .LBB2_1-.Ltmp4, $4  }
0x39c: {  	[sflag:s1] =	ssyncadd.s32 $0xFFFFA000  }
0x39d: {  	_ =	swait.ge [sflag:s1], $0x6000  }
0x39e: {  	[sflag:s1] =	ssyncset.done $0x0  }
0x39f: {  	[sflag:s1] =	ssyncadd.s32 $0xFFFFA000  }
0x3a0: {  	_ =	sfence.sel $0x180000  }
0x3a1: {  	[bflag:$0x0] =	sbarrier.arrive $0xFFFF  }
0x3a2: {  	_ =	strace $0x9000004A  }
0x3a3: {  	s0 =	stileid.u32;
	[bflag:$0x2] =	sbarrier.arrive $0xFFFF  }
0x3a4: {  	p0 =	sne.s32 s0, $0x0;
	s0 =	rddreg [dreg:$0x2]  }
0x3a5: {  	s0 =	sadd.s32 @!p0 $0x100000, s0  }
0x3a6: {  	[sflag:s0] =	ssyncadd.tile.s32 @!p0 $0x1;
	_ =	shalt  }
.Lfunc_end2:
_tile_overlayer_lowered:
.L_overlay_start_2:
0x3a7: {  	(tag) =	ssettag $0x2  }
0x3a8: {  	s0 =	rddreg [dreg:$0x0];
	s2 =	stileid.u32  }
0x3a9: {  	s1 =	rddreg [dreg:$0x1];
	p0 =	sne.s32 s2, $0x0  }
0x3aa: {  	s3 =	rddreg [dreg:$0x2];
	[bflag:$0x3] =	sbarrier.arrive $0xFFFF;
	s2 =	simm.s32 @!p0 $0x1C05  }
0x3ab: {  	[timem:s3], [sflag:s2] =	dma.local @!p0 [hbm:s0], s1  }
0x3ac: {  	s0 =	simm.s32 @!p0 $0x5  }
0x3ad: {  	_ =	swait.ge @!p0 [sflag:s0], s1  }
0x3ae: {  	s1 =	ssub.s32 @!p0 $0x0, s1;
	[sflag:s0] =	ssyncset.done @!p0 $0x0  }
0x3af: {  	[sflag:s0] =	ssyncadd.s32 @!p0 s1  }
0x3b0: {  	[bflag:$0x3] =	sbarrier.arrive $0xFFFF  }
0x3b1: {  	_ =	shalt  }

</sc_bundles>
